<compile_context>
chip_gen: v7x
topology: tpu7x:2x2x1
jax: 0.10.2.dev20260603
libtpu: 0.0.44.dev20260713+nightly
codegen_flags: <defaults>
</compile_context>

<pallas_src>
import functools

import jax
import jax.numpy as jnp
from jax import lax
from jax.experimental import pallas as pl
from jax.experimental.pallas import tpu as pltpu
from jax.experimental.pallas import tpu_sc as plsc

def _split(a):
    ah = a.astype(jnp.bfloat16)
    al = (a - ah.astype(jnp.float32)).astype(jnp.bfloat16)
    return ah, al


def _mm(a2, b2):
    ah, al = a2
    bh, bl = b2
    d = jnp.dot(al, bh, preferred_element_type=jnp.float32)
    d = d + jnp.dot(ah, bl, preferred_element_type=jnp.float32)
    d = d + jnp.dot(ah, bh, preferred_element_type=jnp.float32)
    return d


def _dot3(a, b):
    return _mm(_split(a), _split(b))


_VMEM_BIG = pltpu.CompilerParams(vmem_limit_bytes=100 * 1024 * 1024)

F = 1262
FP = 1280
N_NODES = 5120
N_EDGES = 15360
N_GRAPHS = 64

NC = 2
NS = 16
NW = NC * NS
L = 16



def _pad2(w, r, c):
    return jnp.pad(w, ((0, r - w.shape[0]), (0, c - w.shape[1])))


def _pad1(b, n):
    return jnp.pad(b, (0, n - b.shape[0]))


def _wsplit(w):
    hi = w.astype(jnp.bfloat16)
    lo = (w - hi.astype(jnp.float32)).astype(jnp.bfloat16)
    return jnp.stack([hi, lo])




def _tc_node_kernel(x_ref, w1_ref, b1_ref, wd_ref, ws_ref, wh_ref,
                    a_ref, b_ref, c_ref):
    h0 = jnp.maximum(
        _mm(_split(x_ref[...]), (w1_ref[0], w1_ref[1]))
        + b1_ref[...], 0.0)
    h2 = _split(h0)
    a_ref[...] = _mm(h2, (wd_ref[0], wd_ref[1]))
    b_ref[...] = _mm(h2, (ws_ref[0], ws_ref[1]))
    c_ref[...] = _mm(h2, (wh_ref[0], wh_ref[1]))


def _tc_node(x, w1, b1, wd, ws, wh, bn=512):
    nb = N_NODES // bn
    full = pl.BlockSpec((2, FP, FP), lambda i: (0, 0, 0))
    row = pl.BlockSpec((1, FP), lambda i: (0, 0))
    blk = pl.BlockSpec((bn, FP), lambda i: (i, 0))
    return pl.pallas_call(
        _tc_node_kernel,
        grid=(nb,),
        in_specs=[blk, full, row, full, full, full],
        out_specs=[blk, blk, blk],
        out_shape=[jax.ShapeDtypeStruct((N_NODES, FP), jnp.float32)] * 3,
        compiler_params=_VMEM_BIG,
    )(x, w1, b1, wd, ws, wh)




def _tc_table_kernel(emb_ref, encw_ref, encb_ref, we_ref, b0_ref, t_ref):
    e = _dot3(emb_ref[...], encw_ref[...]) + encb_ref[...]
    t_ref[...] = _dot3(e, we_ref[...]) + b0_ref[...]


def _tc_table(emb, encw, encb, we, b0):
    return pl.pallas_call(
        _tc_table_kernel,
        out_shape=jax.ShapeDtypeStruct((32, FP), jnp.float32),
    )(emb, encw, encb, we, b0)



_G_CH = 32


def _sc_gather_body(a_hbm, b_hbm, dst_hbm, src_hbm, out_hbm,
                    dbuf, sbuf, bufa, bufb, sem1, sem2):
    wid = lax.axis_index("s") * NC + lax.axis_index("c")
    epw = N_EDGES // NW
    base = wid * epw
    nch = epw // _G_CH

    def chunk(i, _):
        off = base + i * _G_CH
        pltpu.sync_copy(dst_hbm.at[pl.ds(off, _G_CH)], dbuf)
        pltpu.sync_copy(src_hbm.at[pl.ds(off, _G_CH)], sbuf)
        cpa = pltpu.async_copy(a_hbm.at[dbuf], bufa, sem1)
        cpb = pltpu.async_copy(b_hbm.at[sbuf], bufb, sem2)
        cpa.wait()
        cpb.wait()

        def row(j, _):
            for k in range(FP // L):
                sl = pl.ds(k * L, L)
                bufa[j, sl] = bufa[j, sl] + bufb[j, sl]
            return 0

        lax.fori_loop(0, _G_CH, row, 0)
        pltpu.sync_copy(bufa, out_hbm.at[pl.ds(off, _G_CH)])
        return 0

    lax.fori_loop(0, nch, chunk, 0)


def _sc_gather(a, b, dst, src):
    mesh = plsc.VectorSubcoreMesh(core_axis_name="c", subcore_axis_name="s",
                                  num_cores=NC, num_subcores=NS)
    fn = functools.partial(
        pl.kernel,
        out_type=jax.ShapeDtypeStruct((N_EDGES, FP), jnp.float32),
        mesh=mesh,
        compiler_params=pltpu.CompilerParams(needs_layout_passes=False),
        scratch_types=[
            pltpu.VMEM((_G_CH,), jnp.int32),
            pltpu.VMEM((_G_CH,), jnp.int32),
            pltpu.VMEM((_G_CH, FP), jnp.float32),
            pltpu.VMEM((_G_CH, FP), jnp.float32),
            pltpu.SemaphoreType.DMA,
            pltpu.SemaphoreType.DMA,
        ],
    )(_sc_gather_body)
    return fn(a, b, dst, src)




def _tc_edge_kernel(m0_ref, attr_ref, t_ref, w1_ref, b1_ref, w2_ref, b2_ref,
                    w3_ref, b3_ref, w4_ref, b4_ref, out_ref):
    attr = attr_ref[...]
    onehot = (attr == lax.broadcasted_iota(jnp.int32, (1, 32), 1)
              ).astype(jnp.float32)
    h = attr.shape[0] // 2
    zs = [m0_ref[0:h, :] + _dot3(onehot[0:h], t_ref[...]),
          m0_ref[h:, :] + _dot3(onehot[h:], t_ref[...])]
    for w_ref, b_ref in ((w1_ref, b1_ref), (w2_ref, b2_ref),
                         (w3_ref, b3_ref), (w4_ref, b4_ref)):
        zs = [_mm(_split(jnp.maximum(z, 0.0)),
                  (w_ref[0], w_ref[1])) + b_ref[...] for z in zs]
    out_ref[0:h, :] = zs[0]
    out_ref[h:, :] = zs[1]


def _tc_edge(m0, attr, t, ws, bs, bn=512):
    nb = N_EDGES // bn
    full = pl.BlockSpec((2, FP, FP), lambda i: (0, 0, 0))
    row = pl.BlockSpec((1, FP), lambda i: (0, 0))
    blk = pl.BlockSpec((bn, FP), lambda i: (i, 0))
    ins = [blk,
           pl.BlockSpec((bn, 1), lambda i: (i, 0)),
           pl.BlockSpec((32, FP), lambda i: (0, 0))]
    args = [m0, attr, t]
    for w, b in zip(ws, bs):
        ins += [full, row]
        args += [w, b]
    return pl.pallas_call(
        _tc_edge_kernel,
        grid=(nb,),
        in_specs=ins,
        out_specs=blk,
        out_shape=jax.ShapeDtypeStruct((N_EDGES, FP), jnp.float32),
        compiler_params=_VMEM_BIG,
    )(*args)



_R_NPW = N_NODES // NW
_R_FB = 128
_R_NFC = FP // _R_FB
_R_ELMAX = 2048
_R_CE = 128
_R_DCH = 1024

_NEG = -3.0e38
_POS = 3.0e38


def _sc_agg_body(m_hbm, dst_hbm, s_hbm, q_hbm, mn_hbm, mx_hbm, cnt_hbm,
                 dall, elist, dloc, rowid, rowbuf,
                 accs, accq, accmn, accmx, acccnt, sem):
    wid = lax.axis_index("s") * NC + lax.axis_index("c")
    lo = wid * _R_NPW

    def zinit(k, _):
        z = jnp.zeros((L,), jnp.int32)
        elist[pl.ds(k * L, L)] = z
        dloc[pl.ds(k * L, L)] = z
        return 0
    lax.fori_loop(0, _R_ELMAX // L, zinit, 0)

    def dchunk(h, cur0):
        pltpu.sync_copy(dst_hbm.at[pl.ds(h * _R_DCH, _R_DCH)], dall)

        def scan(k, cur):
            v = dall[pl.ds(k * L, L)]
            msk = (v >= lo) & (v < lo + _R_NPW)
            lane = lax.iota(jnp.int32, L)
            eid = h * _R_DCH + k * L + lane
            mi = msk.astype(jnp.int32)
            pos = cur + plsc.cumsum(mi) - mi
            idx = jnp.where(msk, pos, _R_ELMAX + lane)
            plsc.store_scatter(elist, [idx], eid)
            plsc.store_scatter(dloc, [idx], v - lo)
            return cur + jnp.sum(mi)
        return lax.fori_loop(0, _R_DCH // L, scan, cur0)
    nloc = lax.fori_loop(0, N_EDGES // _R_DCH, dchunk, 0)

    def cinit(j, _):
        acccnt[j, :] = jnp.zeros((L,), jnp.float32)
        return 0
    lax.fori_loop(0, _R_NPW, cinit, 0)

    def ccount(e, _):
        d = dloc[pl.ds(e, L)][0]
        acccnt[d, :] = acccnt[d, :] + 1.0
        return 0
    lax.fori_loop(0, nloc, ccount, 0)
    pltpu.sync_copy(acccnt, cnt_hbm.at[pl.ds(lo, _R_NPW)])

    nchunks = (nloc + _R_CE - 1) // _R_CE

    def fchunk(c, _):
        def ainit(j, _):
            for k in range(_R_FB // L):
                sl = pl.ds(k * L, L)
                accs[j, sl] = jnp.zeros((L,), jnp.float32)
                accq[j, sl] = jnp.zeros((L,), jnp.float32)
                accmn[j, sl] = jnp.full((L,), _POS, jnp.float32)
                accmx[j, sl] = jnp.full((L,), _NEG, jnp.float32)
            return 0
        lax.fori_loop(0, _R_NPW, ainit, 0)

        def echunk(ec, _):
            ebase = ec * _R_CE

            def ridx(k, _):
                e = elist[pl.ds(ebase + k * L, L)]
                rowid[pl.ds(k * L, L)] = e * _R_NFC + c
                return 0
            lax.fori_loop(0, _R_CE // L, ridx, 0)
            pltpu.async_copy(m_hbm.at[rowid], rowbuf, sem).wait()

            nhere = jnp.minimum(nloc - ebase, _R_CE)

            def edge(e, _):
                d = dloc[pl.ds(ebase + e, L)][0]
                nk = _R_FB // L
                sls = [pl.ds(k * L, L) for k in range(nk)]
                vs = [rowbuf[e, sl] for sl in sls]
                olds = [accs[d, sl] for sl in sls]
                oldq = [accq[d, sl] for sl in sls]
                oldmn = [accmn[d, sl] for sl in sls]
                oldmx = [accmx[d, sl] for sl in sls]
                news = [o + v for o, v in zip(olds, vs)]
                newq = [o + v * v for o, v in zip(oldq, vs)]
                newmn = [jnp.minimum(o, v) for o, v in zip(oldmn, vs)]
                newmx = [jnp.maximum(o, v) for o, v in zip(oldmx, vs)]
                for k, sl in enumerate(sls):
                    accs[d, sl] = news[k]
                    accq[d, sl] = newq[k]
                    accmn[d, sl] = newmn[k]
                    accmx[d, sl] = newmx[k]
                return 0
            lax.fori_loop(0, nhere, edge, 0)
            return 0
        lax.fori_loop(0, nchunks, echunk, 0)

        fsl = pl.ds(c * _R_FB, _R_FB)
        nsl = pl.ds(lo, _R_NPW)
        pltpu.sync_copy(accs, s_hbm.at[nsl, fsl])
        pltpu.sync_copy(accq, q_hbm.at[nsl, fsl])
        pltpu.sync_copy(accmn, mn_hbm.at[nsl, fsl])
        pltpu.sync_copy(accmx, mx_hbm.at[nsl, fsl])
        return 0

    lax.fori_loop(0, _R_NFC, fchunk, 0)


def _sc_agg(m, dst):
    mesh = plsc.VectorSubcoreMesh(core_axis_name="c", subcore_axis_name="s",
                                  num_cores=NC, num_subcores=NS)
    mview = m.reshape(N_EDGES * _R_NFC, _R_FB)
    nf = jax.ShapeDtypeStruct((N_NODES, FP), jnp.float32)
    fn = functools.partial(
        pl.kernel,
        out_type=[nf, nf, nf, nf,
                  jax.ShapeDtypeStruct((N_NODES, L), jnp.float32)],
        mesh=mesh,
        compiler_params=pltpu.CompilerParams(needs_layout_passes=False),
        scratch_types=[
            pltpu.VMEM((_R_DCH,), jnp.int32),
            pltpu.VMEM((_R_ELMAX + L,), jnp.int32),
            pltpu.VMEM((_R_ELMAX + L,), jnp.int32),
            pltpu.VMEM((_R_CE,), jnp.int32),
            pltpu.VMEM((_R_CE, _R_FB), jnp.float32),
            pltpu.VMEM((_R_NPW, _R_FB), jnp.float32),
            pltpu.VMEM((_R_NPW, _R_FB), jnp.float32),
            pltpu.VMEM((_R_NPW, _R_FB), jnp.float32),
            pltpu.VMEM((_R_NPW, _R_FB), jnp.float32),
            pltpu.VMEM((_R_NPW, L), jnp.float32),
            pltpu.SemaphoreType.DMA,
        ],
    )(_sc_agg_body)
    return fn(mview, dst)




def _tc_post0_kernel(c_ref, s_ref, q_ref, mn_ref, mx_ref, cnt_ref,
                     p1_ref, p2_ref, p3_ref, p4_ref, p5_ref, b0_ref, out_ref):
    cnt = cnt_ref[...][:, 0:1]
    inv = 1.0 / jnp.maximum(cnt, 1.0)
    has = (cnt > 0.0).astype(jnp.float32)
    s = s_ref[...]
    mean = s * inv
    msq = q_ref[...] * inv
    std = jnp.sqrt(jnp.maximum(msq - mean * mean, 0.0) + 1e-5)
    mn = mn_ref[...] * has
    mx = mx_ref[...] * has
    acc = c_ref[...] + b0_ref[...]
    acc += _mm(_split(s), (p1_ref[0], p1_ref[1]))
    acc += _mm(_split(mean), (p2_ref[0], p2_ref[1]))
    acc += _mm(_split(mn), (p3_ref[0], p3_ref[1]))
    acc += _mm(_split(mx), (p4_ref[0], p4_ref[1]))
    acc += _mm(_split(std), (p5_ref[0], p5_ref[1]))
    out_ref[...] = acc


def _tc_post0(c, s, q, mn, mx, cnt, p1, p2, p3, p4, p5, b0, bn=256):
    nb = N_NODES // bn
    full = pl.BlockSpec((2, FP, FP), lambda i: (0, 0, 0))
    row = pl.BlockSpec((1, FP), lambda i: (0, 0))
    blk = pl.BlockSpec((bn, FP), lambda i: (i, 0))
    cblk = pl.BlockSpec((bn, L), lambda i: (i, 0))
    return pl.pallas_call(
        _tc_post0_kernel,
        grid=(nb,),
        in_specs=[blk, blk, blk, blk, blk, cblk,
                  full, full, full, full, full, row],
        out_specs=blk,
        out_shape=jax.ShapeDtypeStruct((N_NODES, FP), jnp.float32),
        compiler_params=_VMEM_BIG,
    )(c, s, q, mn, mx, cnt, p1, p2, p3, p4, p5, b0)




def _tc_post_chain_kernel(z_ref, w1_ref, b1_ref, w2_ref, b2_ref, w3_ref,
                          b3_ref, w4_ref, b4_ref, wl_ref, bl_ref,
                          out_ref, stat_ref):
    bn2 = z_ref.shape[0] // 2
    zs = [z_ref[0:bn2, :], z_ref[bn2:, :]]
    for w_ref, b_ref in ((w1_ref, b1_ref), (w2_ref, b2_ref),
                         (w3_ref, b3_ref), (w4_ref, b4_ref)):
        zs = [_mm(_split(jnp.maximum(z, 0.0)),
                  (w_ref[0], w_ref[1])) + b_ref[...] for z in zs]
    zs = [_mm(_split(z), (wl_ref[0], wl_ref[1])) + bl_ref[...] for z in zs]
    out_ref[0:bn2, :] = zs[0]
    out_ref[bn2:, :] = zs[1]
    z = jnp.concatenate(zs, axis=0)

    @pl.when(pl.program_id(0) == 0)
    def _():
        stat_ref[...] = jnp.zeros_like(stat_ref)
    stat_ref[0:1, :] += jnp.sum(z, axis=0, keepdims=True)
    stat_ref[1:2, :] += jnp.sum(z * z, axis=0, keepdims=True)


def _tc_post_chain(z, ws, bs, bn=256):
    nb = N_NODES // bn
    full = pl.BlockSpec((2, FP, FP), lambda i: (0, 0, 0))
    row = pl.BlockSpec((1, FP), lambda i: (0, 0))
    blk = pl.BlockSpec((bn, FP), lambda i: (i, 0))
    ins = [blk]
    args = [z]
    for w, b in zip(ws, bs):
        ins += [full, row]
        args += [w, b]
    return pl.pallas_call(
        _tc_post_chain_kernel,
        grid=(nb,),
        in_specs=ins,
        out_specs=[blk, pl.BlockSpec((8, FP), lambda i: (0, 0))],
        out_shape=[jax.ShapeDtypeStruct((N_NODES, FP), jnp.float32),
                   jax.ShapeDtypeStruct((8, FP), jnp.float32)],
        compiler_params=_VMEM_BIG,
    )(*args)




def _tc_head_kernel(z_ref, stat_ref, g_ref, be_ref, batch_ref,
                    w1_ref, b1_ref, w2_ref, b2_ref, w3_ref, b3_ref,
                    xf_ref, pool_ref):
    stat = stat_ref[...]
    mu = stat[0:1, :] * (1.0 / N_NODES)
    ex2 = stat[1:2, :] * (1.0 / N_NODES)
    var = ex2 - mu * mu
    rstd = jax.lax.rsqrt(var + 1e-5)
    z = (z_ref[...] - mu) * rstd * g_ref[...] + be_ref[...]
    h = jnp.maximum(z, 0.0)

    f = jnp.maximum(_mm(_split(h), (w1_ref[0], w1_ref[1])) + b1_ref[...],
                    0.0)
    f = jnp.maximum(_mm(_split(f), (w2_ref[0], w2_ref[1])) + b2_ref[...],
                    0.0)
    xf_ref[...] = _mm(_split(f), (w3_ref[0], w3_ref[1])) + b3_ref[...]

    onehot = (batch_ref[...] == lax.broadcasted_iota(
        jnp.int32, (1, N_GRAPHS), 1)).astype(jnp.float32)

    @pl.when(pl.program_id(0) == 0)
    def _():
        pool_ref[...] = jnp.zeros_like(pool_ref)
    pool_ref[...] += _dot3(onehot.T, h)


def _tc_head(z, stat, g, be, batch, w1, b1, w2, b2, w3, b3, bn=256):
    nb = N_NODES // bn
    blk = pl.BlockSpec((bn, FP), lambda i: (i, 0))
    return pl.pallas_call(
        _tc_head_kernel,
        grid=(nb,),
        in_specs=[blk,
                  pl.BlockSpec((8, FP), lambda i: (0, 0)),
                  pl.BlockSpec((1, FP), lambda i: (0, 0)),
                  pl.BlockSpec((1, FP), lambda i: (0, 0)),
                  pl.BlockSpec((bn, 1), lambda i: (i, 0)),
                  pl.BlockSpec((2, FP, 640), lambda i: (0, 0, 0)),
                  pl.BlockSpec((1, 640), lambda i: (0, 0)),
                  pl.BlockSpec((2, 640, 128), lambda i: (0, 0, 0)),
                  pl.BlockSpec((1, 128), lambda i: (0, 0)),
                  pl.BlockSpec((2, 128, 128), lambda i: (0, 0, 0)),
                  pl.BlockSpec((1, 128), lambda i: (0, 0))],
        out_specs=[pl.BlockSpec((bn, 128), lambda i: (i, 0)),
                   pl.BlockSpec((N_GRAPHS, FP), lambda i: (0, 0))],
        out_shape=[jax.ShapeDtypeStruct((N_NODES, 128), jnp.float32),
                   jax.ShapeDtypeStruct((N_GRAPHS, FP), jnp.float32)],
        compiler_params=_VMEM_BIG,
    )(z, stat, g, be, batch, w1, b1, w2, b2, w3, b3)




def _tc_energy_kernel(p_ref, w1_ref, b1_ref, w2_ref, b2_ref, w3_ref, b3_ref,
                      out_ref):
    f = jnp.maximum(_dot3(p_ref[...], w1_ref[...]) + b1_ref[...],
                    0.0)
    f = jnp.maximum(_dot3(f, w2_ref[...]) + b2_ref[...],
                    0.0)
    out_ref[...] = _dot3(f, w3_ref[...]) + b3_ref[...]


def _tc_energy(p, w1, b1, w2, b2, w3, b3):
    return pl.pallas_call(
        _tc_energy_kernel,
        out_shape=jax.ShapeDtypeStruct((N_GRAPHS, 128), jnp.float32),
    )(p, w1, b1, w2, b2, w3, b3)




def kernel(x, edge_index, edge_attr, batch, params):
    xp = jnp.pad(x, ((0, 0), (0, FP - F)))
    src = edge_index[0]
    dst = edge_index[1]

    w1 = _pad2(params["mlp1"]["w"], FP, FP)
    b1 = _pad1(params["mlp1"]["b"], FP).reshape(1, FP)

    pre0w = params["pre"][0]["w"]
    wd = _pad2(pre0w[:F], FP, FP)
    ws = _pad2(pre0w[F:2 * F], FP, FP)
    we = _pad2(pre0w[2 * F:], FP, FP)
    b0pre = _pad1(params["pre"][0]["b"], FP).reshape(1, FP)

    emb = _pad2(params["edge_emb"], 32, 16)
    encw = _pad2(params["edge_enc"]["w"], 16, FP)
    encb = _pad1(params["edge_enc"]["b"], FP).reshape(1, FP)

    prew = [_pad2(p["w"], FP, FP) for p in params["pre"][1:]]
    preb = [_pad1(p["b"], FP).reshape(1, FP) for p in params["pre"][1:]]

    aw = jax.nn.softmax(params["agg_w"])
    post0w = params["post"][0]["w"]
    wh = _pad2(post0w[:F], FP, FP)
    p1 = _pad2(post0w[F:2 * F], FP, FP) * aw[0]
    p2 = _pad2(post0w[2 * F:3 * F], FP, FP) * aw[1]
    p3 = _pad2(post0w[3 * F:4 * F], FP, FP) * aw[2]
    p4 = _pad2(post0w[4 * F:5 * F], FP, FP) * aw[3]
    p5 = _pad2(post0w[5 * F:], FP, FP) * aw[4]
    b0post = _pad1(params["post"][0]["b"], FP).reshape(1, FP)

    postw = [_pad2(p["w"], FP, FP) for p in params["post"][1:]]
    postb = [_pad1(p["b"], FP).reshape(1, FP) for p in params["post"][1:]]
    postw.append(_pad2(params["lin"]["w"], FP, FP))
    postb.append(_pad1(params["lin"]["b"], FP).reshape(1, FP))

    g = _pad1(params["bn_gamma"], FP).reshape(1, FP)
    be = _pad1(params["bn_beta"], FP).reshape(1, FP)

    m3 = params["mlp3"]
    m3w1 = _pad2(m3[0]["w"], FP, 640)
    m3b1 = _pad1(m3[0]["b"], 640).reshape(1, 640)
    m3w2 = _pad2(m3[1]["w"], 640, 128)
    m3b2 = _pad1(m3[1]["b"], 128).reshape(1, 128)
    m3w3 = _pad2(m3[2]["w"], 128, 128)
    m3b3 = _pad1(m3[2]["b"], 128).reshape(1, 128)

    m2 = params["mlp2"]
    m2w1 = _pad2(m2[0]["w"], FP, 640)
    m2b1 = _pad1(m2[0]["b"], 640).reshape(1, 640)
    m2w2 = _pad2(m2[1]["w"], 640, 128)
    m2b2 = _pad1(m2[1]["b"], 128).reshape(1, 128)
    m2w3 = _pad2(m2[2]["w"], 128, 128)
    m2b3 = _pad1(m2[2]["b"], 128).reshape(1, 128)

    w1s = _wsplit(w1)
    wds = _wsplit(wd)
    wss = _wsplit(ws)
    whs = _wsplit(wh)
    prews = [_wsplit(w) for w in prew]
    p1s, p2s, p3s, p4s, p5s = (_wsplit(p) for p in (p1, p2, p3, p4, p5))
    postws = [_wsplit(w) for w in postw]
    m3w1s, m3w2s, m3w3s = _wsplit(m3w1), _wsplit(m3w2), _wsplit(m3w3)

    a, b, c = _tc_node(xp, w1s, b1, wds, wss, whs)
    t = _tc_table(emb, encw, encb, we, b0pre)
    m0 = _sc_gather(a, b, dst, src)
    m = _tc_edge(m0, edge_attr.astype(jnp.int32).reshape(N_EDGES, 1), t,
                 prews, preb)
    s, q, mn, mx, cnt = _sc_agg(m, dst)
    z0 = _tc_post0(c, s, q, mn, mx, cnt, p1s, p2s, p3s, p4s, p5s, b0post)
    z, stat = _tc_post_chain(z0, postws, postb)
    xf, pool = _tc_head(z, stat, g, be, batch.astype(jnp.int32).reshape(
        N_NODES, 1), m3w1s, m3b1, m3w2s, m3b2, m3w3s, m3b3)
    xe = _tc_energy(pool, m2w1, m2b1, m2w2, m2b2, m2w3, m2b3)

    force = xf[:, :3]
    energy = xe[:, :1]
    return force, energy

# --- scband reference (transcript-rebuilt; emitter-appended) ---
"""Pipeline reference for scband-my-network-1778116460783 (READ-ONLY COPY).

The authoritative reference and input builder live on the scoring server;
editing this copy changes nothing except your own understanding.
"""

import jax, jax.numpy as jnp
import numpy as np

F_IN = 1262
N_NODES = 5120
N_EDGES = 15360
N_GRAPHS = 64


def _lin_init(key, din, dout):
    return {"w": jax.random.normal(key, (din, dout), jnp.float32) * 0.02,
            "b": jnp.zeros((dout,), jnp.float32)}


def _lin(p, x):
    return x @ p["w"] + p["b"]


def setup_inputs(seed: int = 0):
    key = jax.random.key(seed)
    ks = jax.random.split(key, 32)
    x = jax.random.normal(ks[0], (N_NODES, F_IN), jnp.float32)
    edge_index = jax.random.randint(ks[1], (2, N_EDGES), 0, N_NODES)
    edge_attr = jax.random.randint(ks[23], (N_EDGES,), 0, 20)
    batch = jnp.sort(jax.random.randint(ks[24], (N_NODES,), 0, N_GRAPHS))
    params = {}
    params["mlp1"] = _lin_init(ks[2], F_IN, F_IN)
    params["edge_emb"] = jax.random.normal(ks[3], (20, 10), jnp.float32) * 0.02
    params["agg_w"] = jax.random.uniform(ks[4], (5,), jnp.float32)
    params["edge_enc"] = _lin_init(ks[5], 10, F_IN)
    params["pre"] = [_lin_init(ks[6], 3 * F_IN, F_IN)] + [_lin_init(ks[7 + i], F_IN, F_IN) for i in range(4)]
    params["post"] = [_lin_init(ks[11], 6 * F_IN, F_IN)] + [_lin_init(ks[12 + i], F_IN, F_IN) for i in range(4)]
    params["lin"] = _lin_init(ks[16], F_IN, F_IN)
    params["bn_gamma"] = jnp.ones((F_IN,), jnp.float32)
    params["bn_beta"] = jnp.zeros((F_IN,), jnp.float32)
    params["mlp2"] = [_lin_init(ks[17], F_IN, 600), _lin_init(ks[18], 600, 100), _lin_init(ks[19], 100, 1)]
    params["mlp3"] = [_lin_init(ks[20], F_IN, 600), _lin_init(ks[21], 600, 100), _lin_init(ks[22], 100, 3)]
    return {"x": x, "edge_index": edge_index, "edge_attr": edge_attr, "batch": batch, "params": params}


def _forward(x, params, edge_index, edge_attr, batch):
    # mlp1 + ReLU
    h0 = jax.nn.relu(_lin(params["mlp1"], x))
    # softmax over learned aggregator weights
    aw = jax.nn.softmax(params["agg_w"])
    # edge embedding lookup + edge encoder (PNA-style)
    e = _lin(params["edge_enc"], params["edge_emb"][edge_attr])
    src = edge_index[0]
    dst = edge_index[1]
    # CEALConv (PNA-style, towers=1, divide_input=False): pre_nn over [x_i, x_j, e]
    m = jnp.concatenate([h0[dst], h0[src], e], axis=-1)
    for i, p in enumerate(params["pre"]):
        if i > 0:
            m = jax.nn.relu(m)
        m = _lin(p, m)
    # weighted aggregators: sum, mean, min, max, std (scaler = identity)
    s = jax.ops.segment_sum(m, dst, num_segments=N_NODES)
    cnt = jax.ops.segment_sum(jnp.ones((m.shape[0], 1), m.dtype), dst, num_segments=N_NODES)
    cnt_safe = jnp.maximum(cnt, 1.0)
    mean = s / cnt_safe
    mn = jax.ops.segment_min(m, dst, num_segments=N_NODES)
    mx = jax.ops.segment_max(m, dst, num_segments=N_NODES)
    has = cnt > 0
    mn = jnp.where(has, mn, 0.0)
    mx = jnp.where(has, mx, 0.0)
    msq = jax.ops.segment_sum(m * m, dst, num_segments=N_NODES) / cnt_safe
    var = jax.nn.relu(msq - mean * mean)
    std = jnp.sqrt(var + 1e-5)
    agg = jnp.concatenate([aw[0] * s, aw[1] * mean, aw[2] * mn, aw[3] * mx, aw[4] * std], axis=-1)
    out = jnp.concatenate([h0, agg], axis=-1)
    for i, p in enumerate(params["post"]):
        if i > 0:
            out = jax.nn.relu(out)
        out = _lin(p, out)
    out = _lin(params["lin"], out)
    # BatchNorm over nodes (training-mode batch stats)
    mu = jnp.mean(out, axis=0, keepdims=True)
    v = jnp.var(out, axis=0, keepdims=True)
    out = (out - mu) / jnp.sqrt(v + 1e-5) * params["bn_gamma"] + params["bn_beta"]
    h = jax.nn.relu(out)
    # energy head: global_add_pool + mlp2
    xe = jax.ops.segment_sum(h, batch, num_segments=N_GRAPHS)
    for i, p in enumerate(params["mlp2"]):
        xe = _lin(p, xe)
        if i < 2:
            xe = jax.nn.relu(xe)
    # force head: per-node mlp3
    xf = h
    for i, p in enumerate(params["mlp3"]):
        xf = _lin(p, xf)
        if i < 2:
            xf = jax.nn.relu(xf)
    return xf, xe


def reference(x, edge_index, edge_attr, batch, params):
    force, energy = _forward(x, params, edge_index, edge_attr, batch)
    return force, energy

if __name__ == "__main__":
    import jax
    _d = setup_inputs()
    print(jax.jit(kernel)(*tuple(_d.values())))

</pallas_src>

<mosaic_0001>
#map = affine_map<(d0, d1) -> (0, 0)>
#map1 = affine_map<(d0, d1) -> (0)>
module attributes {stable_mosaic.version = 14 : i64} {
  func.func @_sc_gather_body(%arg0: i32, %arg1: i32, %arg2: memref<5120x1280xf32, #tpu.memory_space<hbm>>, %arg3: memref<5120x1280xf32, #tpu.memory_space<hbm>>, %arg4: memref<15360xi32, #tpu.memory_space<hbm>>, %arg5: memref<15360xi32, #tpu.memory_space<hbm>>, %arg6: memref<15360x1280xf32, #tpu.memory_space<hbm>>, %arg7: memref<32xi32, #tpu.memory_space<vmem>>, %arg8: memref<32xi32, #tpu.memory_space<vmem>>, %arg9: memref<32x1280xf32, #tpu.memory_space<vmem>>, %arg10: memref<32x1280xf32, #tpu.memory_space<vmem>>, %arg11: memref<!tpu.dma_semaphore, #tpu.memory_space<semaphore_mem>>, %arg12: memref<!tpu.dma_semaphore, #tpu.memory_space<semaphore_mem>>) attributes {dimension_semantics = [#tpu.dimension_semantics<core_parallel>, #tpu.dimension_semantics<subcore_parallel>], iteration_bounds = array<i64: 2, 16>, scalar_prefetch = 0 : i64, scratch_operands = 6 : i64, tpu.core_type = #tpu.core_type<sc_vector_subcore>, window_params = [{transform_indices = #map}, {transform_indices = #map}, {transform_indices = #map1}, {transform_indices = #map1}, {transform_indices = #map}]} {
    %mul3A = arith.constant 2 : i32
    %mul3A_0 = arith.muli %arg1, %mul3A : i32
    %add3A = arith.addi %mul3A_0, %arg0 : i32
    %mul3A_1 = arith.constant 480 : i32
    %mul3A_2 = arith.muli %add3A, %mul3A_1 : i32
    %scan3A = arith.constant 0 : i32
    %scan3A_3 = arith.constant 0 : i32
    %scan3A_4 = arith.constant 15 : i32
    %scan3A_5 = arith.addi %scan3A_3, %scan3A_4 : i32
    %scan3A_6 = arith.constant 1 : i32
    %scan3A_7 = scf.for %scan3A_9 = %scan3A_3 to %scan3A_5 step %scan3A_6 iter_args(%scan3A_10 = %scan3A) -> (i32)  : i32 {
      %mul3A_11 = arith.constant 32 : i32
      %mul3A_12 = arith.muli %scan3A_9, %mul3A_11 : i32
      %add3A_13 = arith.addi %mul3A_2, %mul3A_12 : i32
      "tpu.region"() ({
        %run_scoped3A = tpu.sem_alloc : memref<!tpu.dma_semaphore, #tpu.memory_space<semaphore_mem>>
        %dma_start3A_32 = tpu.memref_slice %arg4[%add3A_13] : memref<15360xi32, #tpu.memory_space<hbm>> -> memref<32xi32, #tpu.memory_space<hbm>>
        %dma_start3A_33 = tpu.memref_slice %arg4[%add3A_13] : memref<15360xi32, #tpu.memory_space<hbm>> -> memref<32xi32, #tpu.memory_space<hbm>>
        tpu.enqueue_dma source(%dma_start3A_33 : memref<32xi32, #tpu.memory_space<hbm>>) target(%arg7 : memref<32xi32, #tpu.memory_space<vmem>>) target_semaphore(%run_scoped3A : memref<!tpu.dma_semaphore, #tpu.memory_space<semaphore_mem>>)
        %dma_wait3A_34 = tpu.memref_slice %arg4[%add3A_13] : memref<15360xi32, #tpu.memory_space<hbm>> -> memref<32xi32, #tpu.memory_space<hbm>>
        %dma_wait3A_35 = tpu.memref_slice %arg4[%add3A_13] : memref<15360xi32, #tpu.memory_space<hbm>> -> memref<32xi32, #tpu.memory_space<hbm>>
        tpu.wait_dma2 semaphore(%run_scoped3A : memref<!tpu.dma_semaphore, #tpu.memory_space<semaphore_mem>>) src(%dma_wait3A_35 : memref<32xi32, #tpu.memory_space<hbm>>) dst(%arg7 : memref<32xi32, #tpu.memory_space<vmem>>)
        tpu.yield
      }) : () -> ()
      "tpu.region"() ({
        %run_scoped3A = tpu.sem_alloc : memref<!tpu.dma_semaphore, #tpu.memory_space<semaphore_mem>>
        %dma_start3A_32 = tpu.memref_slice %arg5[%add3A_13] : memref<15360xi32, #tpu.memory_space<hbm>> -> memref<32xi32, #tpu.memory_space<hbm>>
        %dma_start3A_33 = tpu.memref_slice %arg5[%add3A_13] : memref<15360xi32, #tpu.memory_space<hbm>> -> memref<32xi32, #tpu.memory_space<hbm>>
        tpu.enqueue_dma source(%dma_start3A_33 : memref<32xi32, #tpu.memory_space<hbm>>) target(%arg8 : memref<32xi32, #tpu.memory_space<vmem>>) target_semaphore(%run_scoped3A : memref<!tpu.dma_semaphore, #tpu.memory_space<semaphore_mem>>)
        %dma_wait3A_34 = tpu.memref_slice %arg5[%add3A_13] : memref<15360xi32, #tpu.memory_space<hbm>> -> memref<32xi32, #tpu.memory_space<hbm>>
        %dma_wait3A_35 = tpu.memref_slice %arg5[%add3A_13] : memref<15360xi32, #tpu.memory_space<hbm>> -> memref<32xi32, #tpu.memory_space<hbm>>
        tpu.wait_dma2 semaphore(%run_scoped3A : memref<!tpu.dma_semaphore, #tpu.memory_space<semaphore_mem>>) src(%dma_wait3A_35 : memref<32xi32, #tpu.memory_space<hbm>>) dst(%arg8 : memref<32xi32, #tpu.memory_space<vmem>>)
        tpu.yield
      }) : () -> ()
      %dma_start3A = arith.constant 0 : i32
      %dma_start3A_14 = arith.constant 0 : i32
      %dma_start3A_15 = tpu.memref_slice %arg2[%dma_start3A, %dma_start3A_14] : memref<5120x1280xf32, #tpu.memory_space<hbm>> -> memref<5120x1280xf32, #tpu.memory_space<hbm>>
      tpu.enqueue_indirect_dma source(%dma_start3A_15 : memref<5120x1280xf32, #tpu.memory_space<hbm>>) target(%arg9 : memref<32x1280xf32, #tpu.memory_space<vmem>>) offsets(%arg7 : memref<32xi32, #tpu.memory_space<vmem>>) semaphore(%arg11 : memref<!tpu.dma_semaphore, #tpu.memory_space<semaphore_mem>>)
      %dma_start3A_16 = arith.constant 0 : i32
      %dma_start3A_17 = arith.constant 0 : i32
      %dma_start3A_18 = tpu.memref_slice %arg3[%dma_start3A_16, %dma_start3A_17] : memref<5120x1280xf32, #tpu.memory_space<hbm>> -> memref<5120x1280xf32, #tpu.memory_space<hbm>>
      tpu.enqueue_indirect_dma source(%dma_start3A_18 : memref<5120x1280xf32, #tpu.memory_space<hbm>>) target(%arg10 : memref<32x1280xf32, #tpu.memory_space<vmem>>) offsets(%arg8 : memref<32xi32, #tpu.memory_space<vmem>>) semaphore(%arg12 : memref<!tpu.dma_semaphore, #tpu.memory_space<semaphore_mem>>)
      %dma_wait3A = arith.constant 0 : i32
      %dma_wait3A_19 = arith.constant 0 : i32
      %dma_wait3A_20 = tpu.memref_slice %arg2[%dma_wait3A, %dma_wait3A_19] : memref<5120x1280xf32, #tpu.memory_space<hbm>> -> memref<5120x1280xf32, #tpu.memory_space<hbm>>
      tpu.wait_indirect_dma semaphore(%arg11 : memref<!tpu.dma_semaphore, #tpu.memory_space<semaphore_mem>>) src(%dma_wait3A_20 : memref<5120x1280xf32, #tpu.memory_space<hbm>>) dst(%arg9 : memref<32x1280xf32, #tpu.memory_space<vmem>>)
      %dma_wait3A_21 = arith.constant 0 : i32
      %dma_wait3A_22 = arith.constant 0 : i32
      %dma_wait3A_23 = tpu.memref_slice %arg3[%dma_wait3A_21, %dma_wait3A_22] : memref<5120x1280xf32, #tpu.memory_space<hbm>> -> memref<5120x1280xf32, #tpu.memory_space<hbm>>
      tpu.wait_indirect_dma semaphore(%arg12 : memref<!tpu.dma_semaphore, #tpu.memory_space<semaphore_mem>>) src(%dma_wait3A_23 : memref<5120x1280xf32, #tpu.memory_space<hbm>>) dst(%arg10 : memref<32x1280xf32, #tpu.memory_space<vmem>>)
      %scan3A_24 = arith.constant 0 : i32
      %scan3A_25 = arith.constant 0 : i32
      %scan3A_26 = arith.constant 32 : i32
      %scan3A_27 = arith.addi %scan3A_25, %scan3A_26 : i32
      %scan3A_28 = arith.constant 1 : i32
      %scan3A_29 = scf.for %scan3A_32 = %scan3A_25 to %scan3A_27 step %scan3A_28 iter_args(%scan3A_33 = %scan3A_24) -> (i32)  : i32 {
        %get3A = arith.index_cast %scan3A_32 : i32 to index
        %get3A_34 = arith.constant 0 : index
        %get3A_35 = tpu.vector_load %arg9[%get3A, %get3A_34] {strides = array<i32>} : memref<32x1280xf32, #tpu.memory_space<vmem>>, vector<16xf32>,
        %get3A_36 = arith.index_cast %scan3A_32 : i32 to index
        %get3A_37 = arith.constant 0 : index
        %get3A_38 = tpu.vector_load %arg10[%get3A_36, %get3A_37] {strides = array<i32>} : memref<32x1280xf32, #tpu.memory_space<vmem>>, vector<16xf32>,
        %add3A_39 = arith.addf %get3A_35, %get3A_38 : vector<16xf32>
        %swap3A = arith.index_cast %scan3A_32 : i32 to index
        %swap3A_40 = arith.constant 0 : index
        %swap3A_41 = tpu.vector_load %arg9[%swap3A, %swap3A_40] {strides = array<i32>} : memref<32x1280xf32, #tpu.memory_space<vmem>>, vector<16xf32>,
        tpu.vector_store %arg9[%swap3A, %swap3A_40], %add3A_39 {strides = array<i32>} : memref<32x1280xf32, #tpu.memory_space<vmem>>, vector<16xf32>,
        %get3A_42 = arith.index_cast %scan3A_32 : i32 to index
        %get3A_43 = arith.constant 16 : index
        %get3A_44 = tpu.vector_load %arg9[%get3A_42, %get3A_43] {strides = array<i32>} : memref<32x1280xf32, #tpu.memory_space<vmem>>, vector<16xf32>,
        %get3A_45 = arith.index_cast %scan3A_32 : i32 to index
        %get3A_46 = arith.constant 16 : index
        %get3A_47 = tpu.vector_load %arg10[%get3A_45, %get3A_46] {strides = array<i32>} : memref<32x1280xf32, #tpu.memory_space<vmem>>, vector<16xf32>,
        %add3A_48 = arith.addf %get3A_44, %get3A_47 : vector<16xf32>
        %swap3A_49 = arith.index_cast %scan3A_32 : i32 to index
        %swap3A_50 = arith.constant 16 : index
        %swap3A_51 = tpu.vector_load %arg9[%swap3A_49, %swap3A_50] {strides = array<i32>} : memref<32x1280xf32, #tpu.memory_space<vmem>>, vector<16xf32>,
        tpu.vector_store %arg9[%swap3A_49, %swap3A_50], %add3A_48 {strides = array<i32>} : memref<32x1280xf32, #tpu.memory_space<vmem>>, vector<16xf32>,
        %get3A_52 = arith.index_cast %scan3A_32 : i32 to index
        %get3A_53 = arith.constant 32 : index
        %get3A_54 = tpu.vector_load %arg9[%get3A_52, %get3A_53] {strides = array<i32>} : memref<32x1280xf32, #tpu.memory_space<vmem>>, vector<16xf32>,
        %get3A_55 = arith.index_cast %scan3A_32 : i32 to index
        %get3A_56 = arith.constant 32 : index
        %get3A_57 = tpu.vector_load %arg10[%get3A_55, %get3A_56] {strides = array<i32>} : memref<32x1280xf32, #tpu.memory_space<vmem>>, vector<16xf32>,
        %add3A_58 = arith.addf %get3A_54, %get3A_57 : vector<16xf32>
        %swap3A_59 = arith.index_cast %scan3A_32 : i32 to index
        %swap3A_60 = arith.constant 32 : index
        %swap3A_61 = tpu.vector_load %arg9[%swap3A_59, %swap3A_60] {strides = array<i32>} : memref<32x1280xf32, #tpu.memory_space<vmem>>, vector<16xf32>,
        tpu.vector_store %arg9[%swap3A_59, %swap3A_60], %add3A_58 {strides = array<i32>} : memref<32x1280xf32, #tpu.memory_space<vmem>>, vector<16xf32>,
        %get3A_62 = arith.index_cast %scan3A_32 : i32 to index
        %get3A_63 = arith.constant 48 : index
        %get3A_64 = tpu.vector_load %arg9[%get3A_62, %get3A_63] {strides = array<i32>} : memref<32x1280xf32, #tpu.memory_space<vmem>>, vector<16xf32>,
        %get3A_65 = arith.index_cast %scan3A_32 : i32 to index
        %get3A_66 = arith.constant 48 : index
        %get3A_67 = tpu.vector_load %arg10[%get3A_65, %get3A_66] {strides = array<i32>} : memref<32x1280xf32, #tpu.memory_space<vmem>>, vector<16xf32>,
        %add3A_68 = arith.addf %get3A_64, %get3A_67 : vector<16xf32>
        %swap3A_69 = arith.index_cast %scan3A_32 : i32 to index
        %swap3A_70 = arith.constant 48 : index
        %swap3A_71 = tpu.vector_load %arg9[%swap3A_69, %swap3A_70] {strides = array<i32>} : memref<32x1280xf32, #tpu.memory_space<vmem>>, vector<16xf32>,
        tpu.vector_store %arg9[%swap3A_69, %swap3A_70], %add3A_68 {strides = array<i32>} : memref<32x1280xf32, #tpu.memory_space<vmem>>, vector<16xf32>,
        %get3A_72 = arith.index_cast %scan3A_32 : i32 to index
        %get3A_73 = arith.constant 64 : index
        %get3A_74 = tpu.vector_load %arg9[%get3A_72, %get3A_73] {strides = array<i32>} : memref<32x1280xf32, #tpu.memory_space<vmem>>, vector<16xf32>,
        %get3A_75 = arith.index_cast %scan3A_32 : i32 to index
        %get3A_76 = arith.constant 64 : index
        %get3A_77 = tpu.vector_load %arg10[%get3A_75, %get3A_76] {strides = array<i32>} : memref<32x1280xf32, #tpu.memory_space<vmem>>, vector<16xf32>,
        %add3A_78 = arith.addf %get3A_74, %get3A_77 : vector<16xf32>
        %swap3A_79 = arith.index_cast %scan3A_32 : i32 to index
        %swap3A_80 = arith.constant 64 : index
        %swap3A_81 = tpu.vector_load %arg9[%swap3A_79, %swap3A_80] {strides = array<i32>} : memref<32x1280xf32, #tpu.memory_space<vmem>>, vector<16xf32>,
        tpu.vector_store %arg9[%swap3A_79, %swap3A_80], %add3A_78 {strides = array<i32>} : memref<32x1280xf32, #tpu.memory_space<vmem>>, vector<16xf32>,
        %get3A_82 = arith.index_cast %scan3A_32 : i32 to index
        %get3A_83 = arith.constant 80 : index
        %get3A_84 = tpu.vector_load %arg9[%get3A_82, %get3A_83] {strides = array<i32>} : memref<32x1280xf32, #tpu.memory_space<vmem>>, vector<16xf32>,
        %get3A_85 = arith.index_cast %scan3A_32 : i32 to index
        %get3A_86 = arith.constant 80 : index
        %get3A_87 = tpu.vector_load %arg10[%get3A_85, %get3A_86] {strides = array<i32>} : memref<32x1280xf32, #tpu.memory_space<vmem>>, vector<16xf32>,
        %add3A_88 = arith.addf %get3A_84, %get3A_87 : vector<16xf32>
        %swap3A_89 = arith.index_cast %scan3A_32 : i32 to index
        %swap3A_90 = arith.constant 80 : index
        %swap3A_91 = tpu.vector_load %arg9[%swap3A_89, %swap3A_90] {strides = array<i32>} : memref<32x1280xf32, #tpu.memory_space<vmem>>, vector<16xf32>,
        tpu.vector_store %arg9[%swap3A_89, %swap3A_90], %add3A_88 {strides = array<i32>} : memref<32x1280xf32, #tpu.memory_space<vmem>>, vector<16xf32>,
        %get3A_92 = arith.index_cast %scan3A_32 : i32 to index
        %get3A_93 = arith.constant 96 : index
        %get3A_94 = tpu.vector_load %arg9[%get3A_92, %get3A_93] {strides = array<i32>} : memref<32x1280xf32, #tpu.memory_space<vmem>>, vector<16xf32>,
        %get3A_95 = arith.index_cast %scan3A_32 : i32 to index
        %get3A_96 = arith.constant 96 : index
        %get3A_97 = tpu.vector_load %arg10[%get3A_95, %get3A_96] {strides = array<i32>} : memref<32x1280xf32, #tpu.memory_space<vmem>>, vector<16xf32>,
        %add3A_98 = arith.addf %get3A_94, %get3A_97 : vector<16xf32>
        %swap3A_99 = arith.index_cast %scan3A_32 : i32 to index
        %swap3A_100 = arith.constant 96 : index
        %swap3A_101 = tpu.vector_load %arg9[%swap3A_99, %swap3A_100] {strides = array<i32>} : memref<32x1280xf32, #tpu.memory_space<vmem>>, vector<16xf32>,
        tpu.vector_store %arg9[%swap3A_99, %swap3A_100], %add3A_98 {strides = array<i32>} : memref<32x1280xf32, #tpu.memory_space<vmem>>, vector<16xf32>,
        %get3A_102 = arith.index_cast %scan3A_32 : i32 to index
        %get3A_103 = arith.constant 112 : index
        %get3A_104 = tpu.vector_load %arg9[%get3A_102, %get3A_103] {strides = array<i32>} : memref<32x1280xf32, #tpu.memory_space<vmem>>, vector<16xf32>,
        %get3A_105 = arith.index_cast %scan3A_32 : i32 to index
        %get3A_106 = arith.constant 112 : index
        %get3A_107 = tpu.vector_load %arg10[%get3A_105, %get3A_106] {strides = array<i32>} : memref<32x1280xf32, #tpu.memory_space<vmem>>, vector<16xf32>,
        %add3A_108 = arith.addf %get3A_104, %get3A_107 : vector<16xf32>
        %swap3A_109 = arith.index_cast %scan3A_32 : i32 to index
        %swap3A_110 = arith.constant 112 : index
        %swap3A_111 = tpu.vector_load %arg9[%swap3A_109, %swap3A_110] {strides = array<i32>} : memref<32x1280xf32, #tpu.memory_space<vmem>>, vector<16xf32>,
        tpu.vector_store %arg9[%swap3A_109, %swap3A_110], %add3A_108 {strides = array<i32>} : memref<32x1280xf32, #tpu.memory_space<vmem>>, vector<16xf32>,
        %get3A_112 = arith.index_cast %scan3A_32 : i32 to index
        %get3A_113 = arith.constant 128 : index
        %get3A_114 = tpu.vector_load %arg9[%get3A_112, %get3A_113] {strides = array<i32>} : memref<32x1280xf32, #tpu.memory_space<vmem>>, vector<16xf32>,
        %get3A_115 = arith.index_cast %scan3A_32 : i32 to index
        %get3A_116 = arith.constant 128 : index
        %get3A_117 = tpu.vector_load %arg10[%get3A_115, %get3A_116] {strides = array<i32>} : memref<32x1280xf32, #tpu.memory_space<vmem>>, vector<16xf32>,
        %add3A_118 = arith.addf %get3A_114, %get3A_117 : vector<16xf32>
        %swap3A_119 = arith.index_cast %scan3A_32 : i32 to index
        %swap3A_120 = arith.constant 128 : index
        %swap3A_121 = tpu.vector_load %arg9[%swap3A_119, %swap3A_120] {strides = array<i32>} : memref<32x1280xf32, #tpu.memory_space<vmem>>, vector<16xf32>,
        tpu.vector_store %arg9[%swap3A_119, %swap3A_120], %add3A_118 {strides = array<i32>} : memref<32x1280xf32, #tpu.memory_space<vmem>>, vector<16xf32>,
        %get3A_122 = arith.index_cast %scan3A_32 : i32 to index
        %get3A_123 = arith.constant 144 : index
        %get3A_124 = tpu.vector_load %arg9[%get3A_122, %get3A_123] {strides = array<i32>} : memref<32x1280xf32, #tpu.memory_space<vmem>>, vector<16xf32>,
        %get3A_125 = arith.index_cast %scan3A_32 : i32 to index
        %get3A_126 = arith.constant 144 : index
        %get3A_127 = tpu.vector_load %arg10[%get3A_125, %get3A_126] {strides = array<i32>} : memref<32x1280xf32, #tpu.memory_space<vmem>>, vector<16xf32>,
        %add3A_128 = arith.addf %get3A_124, %get3A_127 : vector<16xf32>
        %swap3A_129 = arith.index_cast %scan3A_32 : i32 to index
        %swap3A_130 = arith.constant 144 : index
        %swap3A_131 = tpu.vector_load %arg9[%swap3A_129, %swap3A_130] {strides = array<i32>} : memref<32x1280xf32, #tpu.memory_space<vmem>>, vector<16xf32>,
        tpu.vector_store %arg9[%swap3A_129, %swap3A_130], %add3A_128 {strides = array<i32>} : memref<32x1280xf32, #tpu.memory_space<vmem>>, vector<16xf32>,
        %get3A_132 = arith.index_cast %scan3A_32 : i32 to index
        %get3A_133 = arith.constant 160 : index
        %get3A_134 = tpu.vector_load %arg9[%get3A_132, %get3A_133] {strides = array<i32>} : memref<32x1280xf32, #tpu.memory_space<vmem>>, vector<16xf32>,
        %get3A_135 = arith.index_cast %scan3A_32 : i32 to index
        %get3A_136 = arith.constant 160 : index
        %get3A_137 = tpu.vector_load %arg10[%get3A_135, %get3A_136] {strides = array<i32>} : memref<32x1280xf32, #tpu.memory_space<vmem>>, vector<16xf32>,
        %add3A_138 = arith.addf %get3A_134, %get3A_137 : vector<16xf32>
        %swap3A_139 = arith.index_cast %scan3A_32 : i32 to index
        %swap3A_140 = arith.constant 160 : index
        %swap3A_141 = tpu.vector_load %arg9[%swap3A_139, %swap3A_140] {strides = array<i32>} : memref<32x1280xf32, #tpu.memory_space<vmem>>, vector<16xf32>,
        tpu.vector_store %arg9[%swap3A_139, %swap3A_140], %add3A_138 {strides = array<i32>} : memref<32x1280xf32, #tpu.memory_space<vmem>>, vector<16xf32>,
        %get3A_142 = arith.index_cast %scan3A_32 : i32 to index
        %get3A_143 = arith.constant 176 : index
        %get3A_144 = tpu.vector_load %arg9[%get3A_142, %get3A_143] {strides = array<i32>} : memref<32x1280xf32, #tpu.memory_space<vmem>>, vector<16xf32>,
        %get3A_145 = arith.index_cast %scan3A_32 : i32 to index
        %get3A_146 = arith.constant 176 : index
        %get3A_147 = tpu.vector_load %arg10[%get3A_145, %get3A_146] {strides = array<i32>} : memref<32x1280xf32, #tpu.memory_space<vmem>>, vector<16xf32>,
        %add3A_148 = arith.addf %get3A_144, %get3A_147 : vector<16xf32>
        %swap3A_149 = arith.index_cast %scan3A_32 : i32 to index
        %swap3A_150 = arith.constant 176 : index
        %swap3A_151 = tpu.vector_load %arg9[%swap3A_149, %swap3A_150] {strides = array<i32>} : memref<32x1280xf32, #tpu.memory_space<vmem>>, vector<16xf32>,
        tpu.vector_store %arg9[%swap3A_149, %swap3A_150], %add3A_148 {strides = array<i32>} : memref<32x1280xf32, #tpu.memory_space<vmem>>, vector<16xf32>,
        %get3A_152 = arith.index_cast %scan3A_32 : i32 to index
        %get3A_153 = arith.constant 192 : index
        %get3A_154 = tpu.vector_load %arg9[%get3A_152, %get3A_153] {strides = array<i32>} : memref<32x1280xf32, #tpu.memory_space<vmem>>, vector<16xf32>,
        %get3A_155 = arith.index_cast %scan3A_32 : i32 to index
        %get3A_156 = arith.constant 192 : index
        %get3A_157 = tpu.vector_load %arg10[%get3A_155, %get3A_156] {strides = array<i32>} : memref<32x1280xf32, #tpu.memory_space<vmem>>, vector<16xf32>,
        %add3A_158 = arith.addf %get3A_154, %get3A_157 : vector<16xf32>
        %swap3A_159 = arith.index_cast %scan3A_32 : i32 to index
        %swap3A_160 = arith.constant 192 : index
        %swap3A_161 = tpu.vector_load %arg9[%swap3A_159, %swap3A_160] {strides = array<i32>} : memref<32x1280xf32, #tpu.memory_space<vmem>>, vector<16xf32>,
        tpu.vector_store %arg9[%swap3A_159, %swap3A_160], %add3A_158 {strides = array<i32>} : memref<32x1280xf32, #tpu.memory_space<vmem>>, vector<16xf32>,
        %get3A_162 = arith.index_cast %scan3A_32 : i32 to index
        %get3A_163 = arith.constant 208 : index
        %get3A_164 = tpu.vector_load %arg9[%get3A_162, %get3A_163] {strides = array<i32>} : memref<32x1280xf32, #tpu.memory_space<vmem>>, vector<16xf32>,
        %get3A_165 = arith.index_cast %scan3A_32 : i32 to index
        %get3A_166 = arith.constant 208 : index
        %get3A_167 = tpu.vector_load %arg10[%get3A_165, %get3A_166] {strides = array<i32>} : memref<32x1280xf32, #tpu.memory_space<vmem>>, vector<16xf32>,
        %add3A_168 = arith.addf %get3A_164, %get3A_167 : vector<16xf32>
        %swap3A_169 = arith.index_cast %scan3A_32 : i32 to index
        %swap3A_170 = arith.constant 208 : index
        %swap3A_171 = tpu.vector_load %arg9[%swap3A_169, %swap3A_170] {strides = array<i32>} : memref<32x1280xf32, #tpu.memory_space<vmem>>, vector<16xf32>,
        tpu.vector_store %arg9[%swap3A_169, %swap3A_170], %add3A_168 {strides = array<i32>} : memref<32x1280xf32, #tpu.memory_space<vmem>>, vector<16xf32>,
        %get3A_172 = arith.index_cast %scan3A_32 : i32 to index
        %get3A_173 = arith.constant 224 : index
        %get3A_174 = tpu.vector_load %arg9[%get3A_172, %get3A_173] {strides = array<i32>} : memref<32x1280xf32, #tpu.memory_space<vmem>>, vector<16xf32>,
        %get3A_175 = arith.index_cast %scan3A_32 : i32 to index
        %get3A_176 = arith.constant 224 : index
        %get3A_177 = tpu.vector_load %arg10[%get3A_175, %get3A_176] {strides = array<i32>} : memref<32x1280xf32, #tpu.memory_space<vmem>>, vector<16xf32>,
        %add3A_178 = arith.addf %get3A_174, %get3A_177 : vector<16xf32>
        %swap3A_179 = arith.index_cast %scan3A_32 : i32 to index
        %swap3A_180 = arith.constant 224 : index
        %swap3A_181 = tpu.vector_load %arg9[%swap3A_179, %swap3A_180] {strides = array<i32>} : memref<32x1280xf32, #tpu.memory_space<vmem>>, vector<16xf32>,
        tpu.vector_store %arg9[%swap3A_179, %swap3A_180], %add3A_178 {strides = array<i32>} : memref<32x1280xf32, #tpu.memory_space<vmem>>, vector<16xf32>,
        %get3A_182 = arith.index_cast %scan3A_32 : i32 to index
        %get3A_183 = arith.constant 240 : index
        %get3A_184 = tpu.vector_load %arg9[%get3A_182, %get3A_183] {strides = array<i32>} : memref<32x1280xf32, #tpu.memory_space<vmem>>, vector<16xf32>,
        %get3A_185 = arith.index_cast %scan3A_32 : i32 to index
        %get3A_186 = arith.constant 240 : index
        %get3A_187 = tpu.vector_load %arg10[%get3A_185, %get3A_186] {strides = array<i32>} : memref<32x1280xf32, #tpu.memory_space<vmem>>, vector<16xf32>,
        %add3A_188 = arith.addf %get3A_184, %get3A_187 : vector<16xf32>
        %swap3A_189 = arith.index_cast %scan3A_32 : i32 to index
        %swap3A_190 = arith.constant 240 : index
        %swap3A_191 = tpu.vector_load %arg9[%swap3A_189, %swap3A_190] {strides = array<i32>} : memref<32x1280xf32, #tpu.memory_space<vmem>>, vector<16xf32>,
        tpu.vector_store %arg9[%swap3A_189, %swap3A_190], %add3A_188 {strides = array<i32>} : memref<32x1280xf32, #tpu.memory_space<vmem>>, vector<16xf32>,
        %get3A_192 = arith.index_cast %scan3A_32 : i32 to index
        %get3A_193 = arith.constant 256 : index
        %get3A_194 = tpu.vector_load %arg9[%get3A_192, %get3A_193] {strides = array<i32>} : memref<32x1280xf32, #tpu.memory_space<vmem>>, vector<16xf32>,
        %get3A_195 = arith.index_cast %scan3A_32 : i32 to index
        %get3A_196 = arith.constant 256 : index
        %get3A_197 = tpu.vector_load %arg10[%get3A_195, %get3A_196] {strides = array<i32>} : memref<32x1280xf32, #tpu.memory_space<vmem>>, vector<16xf32>,
        %add3A_198 = arith.addf %get3A_194, %get3A_197 : vector<16xf32>
        %swap3A_199 = arith.index_cast %scan3A_32 : i32 to index
        %swap3A_200 = arith.constant 256 : index
        %swap3A_201 = tpu.vector_load %arg9[%swap3A_199, %swap3A_200] {strides = array<i32>} : memref<32x1280xf32, #tpu.memory_space<vmem>>, vector<16xf32>,
        tpu.vector_store %arg9[%swap3A_199, %swap3A_200], %add3A_198 {strides = array<i32>} : memref<32x1280xf32, #tpu.memory_space<vmem>>, vector<16xf32>,
        %get3A_202 = arith.index_cast %scan3A_32 : i32 to index
        %get3A_203 = arith.constant 272 : index
        %get3A_204 = tpu.vector_load %arg9[%get3A_202, %get3A_203] {strides = array<i32>} : memref<32x1280xf32, #tpu.memory_space<vmem>>, vector<16xf32>,
        %get3A_205 = arith.index_cast %scan3A_32 : i32 to index
        %get3A_206 = arith.constant 272 : index
        %get3A_207 = tpu.vector_load %arg10[%get3A_205, %get3A_206] {strides = array<i32>} : memref<32x1280xf32, #tpu.memory_space<vmem>>, vector<16xf32>,
        %add3A_208 = arith.addf %get3A_204, %get3A_207 : vector<16xf32>
        %swap3A_209 = arith.index_cast %scan3A_32 : i32 to index
        %swap3A_210 = arith.constant 272 : index
        %swap3A_211 = tpu.vector_load %arg9[%swap3A_209, %swap3A_210] {strides = array<i32>} : memref<32x1280xf32, #tpu.memory_space<vmem>>, vector<16xf32>,
        tpu.vector_store %arg9[%swap3A_209, %swap3A_210], %add3A_208 {strides = array<i32>} : memref<32x1280xf32, #tpu.memory_space<vmem>>, vector<16xf32>,
        %get3A_212 = arith.index_cast %scan3A_32 : i32 to index
        %get3A_213 = arith.constant 288 : index
        %get3A_214 = tpu.vector_load %arg9[%get3A_212, %get3A_213] {strides = array<i32>} : memref<32x1280xf32, #tpu.memory_space<vmem>>, vector<16xf32>,
        %get3A_215 = arith.index_cast %scan3A_32 : i32 to index
        %get3A_216 = arith.constant 288 : index
        %get3A_217 = tpu.vector_load %arg10[%get3A_215, %get3A_216] {strides = array<i32>} : memref<32x1280xf32, #tpu.memory_space<vmem>>, vector<16xf32>,
        %add3A_218 = arith.addf %get3A_214, %get3A_217 : vector<16xf32>
        %swap3A_219 = arith.index_cast %scan3A_32 : i32 to index
        %swap3A_220 = arith.constant 288 : index
        %swap3A_221 = tpu.vector_load %arg9[%swap3A_219, %swap3A_220] {strides = array<i32>} : memref<32x1280xf32, #tpu.memory_space<vmem>>, vector<16xf32>,
        tpu.vector_store %arg9[%swap3A_219, %swap3A_220], %add3A_218 {strides = array<i32>} : memref<32x1280xf32, #tpu.memory_space<vmem>>, vector<16xf32>,
        %get3A_222 = arith.index_cast %scan3A_32 : i32 to index
        %get3A_223 = arith.constant 304 : index
        %get3A_224 = tpu.vector_load %arg9[%get3A_222, %get3A_223] {strides = array<i32>} : memref<32x1280xf32, #tpu.memory_space<vmem>>, vector<16xf32>,
        %get3A_225 = arith.index_cast %scan3A_32 : i32 to index
        %get3A_226 = arith.constant 304 : index
        %get3A_227 = tpu.vector_load %arg10[%get3A_225, %get3A_226] {strides = array<i32>} : memref<32x1280xf32, #tpu.memory_space<vmem>>, vector<16xf32>,
        %add3A_228 = arith.addf %get3A_224, %get3A_227 : vector<16xf32>
        %swap3A_229 = arith.index_cast %scan3A_32 : i32 to index
        %swap3A_230 = arith.constant 304 : index
        %swap3A_231 = tpu.vector_load %arg9[%swap3A_229, %swap3A_230] {strides = array<i32>} : memref<32x1280xf32, #tpu.memory_space<vmem>>, vector<16xf32>,
        tpu.vector_store %arg9[%swap3A_229, %swap3A_230], %add3A_228 {strides = array<i32>} : memref<32x1280xf32, #tpu.memory_space<vmem>>, vector<16xf32>,
        %get3A_232 = arith.index_cast %scan3A_32 : i32 to index
        %get3A_233 = arith.constant 320 : index
        %get3A_234 = tpu.vector_load %arg9[%get3A_232, %get3A_233] {strides = array<i32>} : memref<32x1280xf32, #tpu.memory_space<vmem>>, vector<16xf32>,
        %get3A_235 = arith.index_cast %scan3A_32 : i32 to index
        %get3A_236 = arith.constant 320 : index
        %get3A_237 = tpu.vector_load %arg10[%get3A_235, %get3A_236] {strides = array<i32>} : memref<32x1280xf32, #tpu.memory_space<vmem>>, vector<16xf32>,
        %add3A_238 = arith.addf %get3A_234, %get3A_237 : vector<16xf32>
        %swap3A_239 = arith.index_cast %scan3A_32 : i32 to index
        %swap3A_240 = arith.constant 320 : index
        %swap3A_241 = tpu.vector_load %arg9[%swap3A_239, %swap3A_240] {strides = array<i32>} : memref<32x1280xf32, #tpu.memory_space<vmem>>, vector<16xf32>,
        tpu.vector_store %arg9[%swap3A_239, %swap3A_240], %add3A_238 {strides = array<i32>} : memref<32x1280xf32, #tpu.memory_space<vmem>>, vector<16xf32>,
        %get3A_242 = arith.index_cast %scan3A_32 : i32 to index
        %get3A_243 = arith.constant 336 : index
        %get3A_244 = tpu.vector_load %arg9[%get3A_242, %get3A_243] {strides = array<i32>} : memref<32x1280xf32, #tpu.memory_space<vmem>>, vector<16xf32>,
        %get3A_245 = arith.index_cast %scan3A_32 : i32 to index
        %get3A_246 = arith.constant 336 : index
        %get3A_247 = tpu.vector_load %arg10[%get3A_245, %get3A_246] {strides = array<i32>} : memref<32x1280xf32, #tpu.memory_space<vmem>>, vector<16xf32>,
        %add3A_248 = arith.addf %get3A_244, %get3A_247 : vector<16xf32>
        %swap3A_249 = arith.index_cast %scan3A_32 : i32 to index
        %swap3A_250 = arith.constant 336 : index
        %swap3A_251 = tpu.vector_load %arg9[%swap3A_249, %swap3A_250] {strides = array<i32>} : memref<32x1280xf32, #tpu.memory_space<vmem>>, vector<16xf32>,
        tpu.vector_store %arg9[%swap3A_249, %swap3A_250], %add3A_248 {strides = array<i32>} : memref<32x1280xf32, #tpu.memory_space<vmem>>, vector<16xf32>,
        %get3A_252 = arith.index_cast %scan3A_32 : i32 to index
        %get3A_253 = arith.constant 352 : index
        %get3A_254 = tpu.vector_load %arg9[%get3A_252, %get3A_253] {strides = array<i32>} : memref<32x1280xf32, #tpu.memory_space<vmem>>, vector<16xf32>,
        %get3A_255 = arith.index_cast %scan3A_32 : i32 to index
        %get3A_256 = arith.constant 352 : index
        %get3A_257 = tpu.vector_load %arg10[%get3A_255, %get3A_256] {strides = array<i32>} : memref<32x1280xf32, #tpu.memory_space<vmem>>, vector<16xf32>,
        %add3A_258 = arith.addf %get3A_254, %get3A_257 : vector<16xf32>
        %swap3A_259 = arith.index_cast %scan3A_32 : i32 to index
        %swap3A_260 = arith.constant 352 : index
        %swap3A_261 = tpu.vector_load %arg9[%swap3A_259, %swap3A_260] {strides = array<i32>} : memref<32x1280xf32, #tpu.memory_space<vmem>>, vector<16xf32>,
        tpu.vector_store %arg9[%swap3A_259, %swap3A_260], %add3A_258 {strides = array<i32>} : memref<32x1280xf32, #tpu.memory_space<vmem>>, vector<16xf32>,
        %get3A_262 = arith.index_cast %scan3A_32 : i32 to index
        %get3A_263 = arith.constant 368 : index
        %get3A_264 = tpu.vector_load %arg9[%get3A_262, %get3A_263] {strides = array<i32>} : memref<32x1280xf32, #tpu.memory_space<vmem>>, vector<16xf32>,
        %get3A_265 = arith.index_cast %scan3A_32 : i32 to index
        %get3A_266 = arith.constant 368 : index
        %get3A_267 = tpu.vector_load %arg10[%get3A_265, %get3A_266] {strides = array<i32>} : memref<32x1280xf32, #tpu.memory_space<vmem>>, vector<16xf32>,
        %add3A_268 = arith.addf %get3A_264, %get3A_267 : vector<16xf32>
        %swap3A_269 = arith.index_cast %scan3A_32 : i32 to index
        %swap3A_270 = arith.constant 368 : index
        %swap3A_271 = tpu.vector_load %arg9[%swap3A_269, %swap3A_270] {strides = array<i32>} : memref<32x1280xf32, #tpu.memory_space<vmem>>, vector<16xf32>,
        tpu.vector_store %arg9[%swap3A_269, %swap3A_270], %add3A_268 {strides = array<i32>} : memref<32x1280xf32, #tpu.memory_space<vmem>>, vector<16xf32>,
        %get3A_272 = arith.index_cast %scan3A_32 : i32 to index
        %get3A_273 = arith.constant 384 : index
        %get3A_274 = tpu.vector_load %arg9[%get3A_272, %get3A_273] {strides = array<i32>} : memref<32x1280xf32, #tpu.memory_space<vmem>>, vector<16xf32>,
        %get3A_275 = arith.index_cast %scan3A_32 : i32 to index
        %get3A_276 = arith.constant 384 : index
        %get3A_277 = tpu.vector_load %arg10[%get3A_275, %get3A_276] {strides = array<i32>} : memref<32x1280xf32, #tpu.memory_space<vmem>>, vector<16xf32>,
        %add3A_278 = arith.addf %get3A_274, %get3A_277 : vector<16xf32>
        %swap3A_279 = arith.index_cast %scan3A_32 : i32 to index
        %swap3A_280 = arith.constant 384 : index
        %swap3A_281 = tpu.vector_load %arg9[%swap3A_279, %swap3A_280] {strides = array<i32>} : memref<32x1280xf32, #tpu.memory_space<vmem>>, vector<16xf32>,
        tpu.vector_store %arg9[%swap3A_279, %swap3A_280], %add3A_278 {strides = array<i32>} : memref<32x1280xf32, #tpu.memory_space<vmem>>, vector<16xf32>,
        %get3A_282 = arith.index_cast %scan3A_32 : i32 to index
        %get3A_283 = arith.constant 400 : index
        %get3A_284 = tpu.vector_load %arg9[%get3A_282, %get3A_283] {strides = array<i32>} : memref<32x1280xf32, #tpu.memory_space<vmem>>, vector<16xf32>,
        %get3A_285 = arith.index_cast %scan3A_32 : i32 to index
        %get3A_286 = arith.constant 400 : index
        %get3A_287 = tpu.vector_load %arg10[%get3A_285, %get3A_286] {strides = array<i32>} : memref<32x1280xf32, #tpu.memory_space<vmem>>, vector<16xf32>,
        %add3A_288 = arith.addf %get3A_284, %get3A_287 : vector<16xf32>
        %swap3A_289 = arith.index_cast %scan3A_32 : i32 to index
        %swap3A_290 = arith.constant 400 : index
        %swap3A_291 = tpu.vector_load %arg9[%swap3A_289, %swap3A_290] {strides = array<i32>} : memref<32x1280xf32, #tpu.memory_space<vmem>>, vector<16xf32>,
        tpu.vector_store %arg9[%swap3A_289, %swap3A_290], %add3A_288 {strides = array<i32>} : memref<32x1280xf32, #tpu.memory_space<vmem>>, vector<16xf32>,
        %get3A_292 = arith.index_cast %scan3A_32 : i32 to index
        %get3A_293 = arith.constant 416 : index
        %get3A_294 = tpu.vector_load %arg9[%get3A_292, %get3A_293] {strides = array<i32>} : memref<32x1280xf32, #tpu.memory_space<vmem>>, vector<16xf32>,
        %get3A_295 = arith.index_cast %scan3A_32 : i32 to index
        %get3A_296 = arith.constant 416 : index
        %get3A_297 = tpu.vector_load %arg10[%get3A_295, %get3A_296] {strides = array<i32>} : memref<32x1280xf32, #tpu.memory_space<vmem>>, vector<16xf32>,
        %add3A_298 = arith.addf %get3A_294, %get3A_297 : vector<16xf32>
        %swap3A_299 = arith.index_cast %scan3A_32 : i32 to index
        %swap3A_300 = arith.constant 416 : index
        %swap3A_301 = tpu.vector_load %arg9[%swap3A_299, %swap3A_300] {strides = array<i32>} : memref<32x1280xf32, #tpu.memory_space<vmem>>, vector<16xf32>,
        tpu.vector_store %arg9[%swap3A_299, %swap3A_300], %add3A_298 {strides = array<i32>} : memref<32x1280xf32, #tpu.memory_space<vmem>>, vector<16xf32>,
        %get3A_302 = arith.index_cast %scan3A_32 : i32 to index
        %get3A_303 = arith.constant 432 : index
        %get3A_304 = tpu.vector_load %arg9[%get3A_302, %get3A_303] {strides = array<i32>} : memref<32x1280xf32, #tpu.memory_space<vmem>>, vector<16xf32>,
        %get3A_305 = arith.index_cast %scan3A_32 : i32 to index
        %get3A_306 = arith.constant 432 : index
        %get3A_307 = tpu.vector_load %arg10[%get3A_305, %get3A_306] {strides = array<i32>} : memref<32x1280xf32, #tpu.memory_space<vmem>>, vector<16xf32>,
        %add3A_308 = arith.addf %get3A_304, %get3A_307 : vector<16xf32>
        %swap3A_309 = arith.index_cast %scan3A_32 : i32 to index
        %swap3A_310 = arith.constant 432 : index
        %swap3A_311 = tpu.vector_load %arg9[%swap3A_309, %swap3A_310] {strides = array<i32>} : memref<32x1280xf32, #tpu.memory_space<vmem>>, vector<16xf32>,
        tpu.vector_store %arg9[%swap3A_309, %swap3A_310], %add3A_308 {strides = array<i32>} : memref<32x1280xf32, #tpu.memory_space<vmem>>, vector<16xf32>,
        %get3A_312 = arith.index_cast %scan3A_32 : i32 to index
        %get3A_313 = arith.constant 448 : index
        %get3A_314 = tpu.vector_load %arg9[%get3A_312, %get3A_313] {strides = array<i32>} : memref<32x1280xf32, #tpu.memory_space<vmem>>, vector<16xf32>,
        %get3A_315 = arith.index_cast %scan3A_32 : i32 to index
        %get3A_316 = arith.constant 448 : index
        %get3A_317 = tpu.vector_load %arg10[%get3A_315, %get3A_316] {strides = array<i32>} : memref<32x1280xf32, #tpu.memory_space<vmem>>, vector<16xf32>,
        %add3A_318 = arith.addf %get3A_314, %get3A_317 : vector<16xf32>
        %swap3A_319 = arith.index_cast %scan3A_32 : i32 to index
        %swap3A_320 = arith.constant 448 : index
        %swap3A_321 = tpu.vector_load %arg9[%swap3A_319, %swap3A_320] {strides = array<i32>} : memref<32x1280xf32, #tpu.memory_space<vmem>>, vector<16xf32>,
        tpu.vector_store %arg9[%swap3A_319, %swap3A_320], %add3A_318 {strides = array<i32>} : memref<32x1280xf32, #tpu.memory_space<vmem>>, vector<16xf32>,
        %get3A_322 = arith.index_cast %scan3A_32 : i32 to index
        %get3A_323 = arith.constant 464 : index
        %get3A_324 = tpu.vector_load %arg9[%get3A_322, %get3A_323] {strides = array<i32>} : memref<32x1280xf32, #tpu.memory_space<vmem>>, vector<16xf32>,
        %get3A_325 = arith.index_cast %scan3A_32 : i32 to index
        %get3A_326 = arith.constant 464 : index
        %get3A_327 = tpu.vector_load %arg10[%get3A_325, %get3A_326] {strides = array<i32>} : memref<32x1280xf32, #tpu.memory_space<vmem>>, vector<16xf32>,
        %add3A_328 = arith.addf %get3A_324, %get3A_327 : vector<16xf32>
        %swap3A_329 = arith.index_cast %scan3A_32 : i32 to index
        %swap3A_330 = arith.constant 464 : index
        %swap3A_331 = tpu.vector_load %arg9[%swap3A_329, %swap3A_330] {strides = array<i32>} : memref<32x1280xf32, #tpu.memory_space<vmem>>, vector<16xf32>,
        tpu.vector_store %arg9[%swap3A_329, %swap3A_330], %add3A_328 {strides = array<i32>} : memref<32x1280xf32, #tpu.memory_space<vmem>>, vector<16xf32>,
        %get3A_332 = arith.index_cast %scan3A_32 : i32 to index
        %get3A_333 = arith.constant 480 : index
        %get3A_334 = tpu.vector_load %arg9[%get3A_332, %get3A_333] {strides = array<i32>} : memref<32x1280xf32, #tpu.memory_space<vmem>>, vector<16xf32>,
        %get3A_335 = arith.index_cast %scan3A_32 : i32 to index
        %get3A_336 = arith.constant 480 : index
        %get3A_337 = tpu.vector_load %arg10[%get3A_335, %get3A_336] {strides = array<i32>} : memref<32x1280xf32, #tpu.memory_space<vmem>>, vector<16xf32>,
        %add3A_338 = arith.addf %get3A_334, %get3A_337 : vector<16xf32>
        %swap3A_339 = arith.index_cast %scan3A_32 : i32 to index
        %swap3A_340 = arith.constant 480 : index
        %swap3A_341 = tpu.vector_load %arg9[%swap3A_339, %swap3A_340] {strides = array<i32>} : memref<32x1280xf32, #tpu.memory_space<vmem>>, vector<16xf32>,
        tpu.vector_store %arg9[%swap3A_339, %swap3A_340], %add3A_338 {strides = array<i32>} : memref<32x1280xf32, #tpu.memory_space<vmem>>, vector<16xf32>,
        %get3A_342 = arith.index_cast %scan3A_32 : i32 to index
        %get3A_343 = arith.constant 496 : index
        %get3A_344 = tpu.vector_load %arg9[%get3A_342, %get3A_343] {strides = array<i32>} : memref<32x1280xf32, #tpu.memory_space<vmem>>, vector<16xf32>,
        %get3A_345 = arith.index_cast %scan3A_32 : i32 to index
        %get3A_346 = arith.constant 496 : index
        %get3A_347 = tpu.vector_load %arg10[%get3A_345, %get3A_346] {strides = array<i32>} : memref<32x1280xf32, #tpu.memory_space<vmem>>, vector<16xf32>,
        %add3A_348 = arith.addf %get3A_344, %get3A_347 : vector<16xf32>
        %swap3A_349 = arith.index_cast %scan3A_32 : i32 to index
        %swap3A_350 = arith.constant 496 : index
        %swap3A_351 = tpu.vector_load %arg9[%swap3A_349, %swap3A_350] {strides = array<i32>} : memref<32x1280xf32, #tpu.memory_space<vmem>>, vector<16xf32>,
        tpu.vector_store %arg9[%swap3A_349, %swap3A_350], %add3A_348 {strides = array<i32>} : memref<32x1280xf32, #tpu.memory_space<vmem>>, vector<16xf32>,
        %get3A_352 = arith.index_cast %scan3A_32 : i32 to index
        %get3A_353 = arith.constant 512 : index
        %get3A_354 = tpu.vector_load %arg9[%get3A_352, %get3A_353] {strides = array<i32>} : memref<32x1280xf32, #tpu.memory_space<vmem>>, vector<16xf32>,
        %get3A_355 = arith.index_cast %scan3A_32 : i32 to index
        %get3A_356 = arith.constant 512 : index
        %get3A_357 = tpu.vector_load %arg10[%get3A_355, %get3A_356] {strides = array<i32>} : memref<32x1280xf32, #tpu.memory_space<vmem>>, vector<16xf32>,
        %add3A_358 = arith.addf %get3A_354, %get3A_357 : vector<16xf32>
        %swap3A_359 = arith.index_cast %scan3A_32 : i32 to index
        %swap3A_360 = arith.constant 512 : index
        %swap3A_361 = tpu.vector_load %arg9[%swap3A_359, %swap3A_360] {strides = array<i32>} : memref<32x1280xf32, #tpu.memory_space<vmem>>, vector<16xf32>,
        tpu.vector_store %arg9[%swap3A_359, %swap3A_360], %add3A_358 {strides = array<i32>} : memref<32x1280xf32, #tpu.memory_space<vmem>>, vector<16xf32>,
        %get3A_362 = arith.index_cast %scan3A_32 : i32 to index
        %get3A_363 = arith.constant 528 : index
        %get3A_364 = tpu.vector_load %arg9[%get3A_362, %get3A_363] {strides = array<i32>} : memref<32x1280xf32, #tpu.memory_space<vmem>>, vector<16xf32>,
        %get3A_365 = arith.index_cast %scan3A_32 : i32 to index
        %get3A_366 = arith.constant 528 : index
        %get3A_367 = tpu.vector_load %arg10[%get3A_365, %get3A_366] {strides = array<i32>} : memref<32x1280xf32, #tpu.memory_space<vmem>>, vector<16xf32>,
        %add3A_368 = arith.addf %get3A_364, %get3A_367 : vector<16xf32>
        %swap3A_369 = arith.index_cast %scan3A_32 : i32 to index
        %swap3A_370 = arith.constant 528 : index
        %swap3A_371 = tpu.vector_load %arg9[%swap3A_369, %swap3A_370] {strides = array<i32>} : memref<32x1280xf32, #tpu.memory_space<vmem>>, vector<16xf32>,
        tpu.vector_store %arg9[%swap3A_369, %swap3A_370], %add3A_368 {strides = array<i32>} : memref<32x1280xf32, #tpu.memory_space<vmem>>, vector<16xf32>,
        %get3A_372 = arith.index_cast %scan3A_32 : i32 to index
        %get3A_373 = arith.constant 544 : index
        %get3A_374 = tpu.vector_load %arg9[%get3A_372, %get3A_373] {strides = array<i32>} : memref<32x1280xf32, #tpu.memory_space<vmem>>, vector<16xf32>,
        %get3A_375 = arith.index_cast %scan3A_32 : i32 to index
        %get3A_376 = arith.constant 544 : index
        %get3A_377 = tpu.vector_load %arg10[%get3A_375, %get3A_376] {strides = array<i32>} : memref<32x1280xf32, #tpu.memory_space<vmem>>, vector<16xf32>,
        %add3A_378 = arith.addf %get3A_374, %get3A_377 : vector<16xf32>
        %swap3A_379 = arith.index_cast %scan3A_32 : i32 to index
        %swap3A_380 = arith.constant 544 : index
        %swap3A_381 = tpu.vector_load %arg9[%swap3A_379, %swap3A_380] {strides = array<i32>} : memref<32x1280xf32, #tpu.memory_space<vmem>>, vector<16xf32>,
        tpu.vector_store %arg9[%swap3A_379, %swap3A_380], %add3A_378 {strides = array<i32>} : memref<32x1280xf32, #tpu.memory_space<vmem>>, vector<16xf32>,
        %get3A_382 = arith.index_cast %scan3A_32 : i32 to index
        %get3A_383 = arith.constant 560 : index
        %get3A_384 = tpu.vector_load %arg9[%get3A_382, %get3A_383] {strides = array<i32>} : memref<32x1280xf32, #tpu.memory_space<vmem>>, vector<16xf32>,
        %get3A_385 = arith.index_cast %scan3A_32 : i32 to index
        %get3A_386 = arith.constant 560 : index
        %get3A_387 = tpu.vector_load %arg10[%get3A_385, %get3A_386] {strides = array<i32>} : memref<32x1280xf32, #tpu.memory_space<vmem>>, vector<16xf32>,
        %add3A_388 = arith.addf %get3A_384, %get3A_387 : vector<16xf32>
        %swap3A_389 = arith.index_cast %scan3A_32 : i32 to index
        %swap3A_390 = arith.constant 560 : index
        %swap3A_391 = tpu.vector_load %arg9[%swap3A_389, %swap3A_390] {strides = array<i32>} : memref<32x1280xf32, #tpu.memory_space<vmem>>, vector<16xf32>,
        tpu.vector_store %arg9[%swap3A_389, %swap3A_390], %add3A_388 {strides = array<i32>} : memref<32x1280xf32, #tpu.memory_space<vmem>>, vector<16xf32>,
        %get3A_392 = arith.index_cast %scan3A_32 : i32 to index
        %get3A_393 = arith.constant 576 : index
        %get3A_394 = tpu.vector_load %arg9[%get3A_392, %get3A_393] {strides = array<i32>} : memref<32x1280xf32, #tpu.memory_space<vmem>>, vector<16xf32>,
        %get3A_395 = arith.index_cast %scan3A_32 : i32 to index
        %get3A_396 = arith.constant 576 : index
        %get3A_397 = tpu.vector_load %arg10[%get3A_395, %get3A_396] {strides = array<i32>} : memref<32x1280xf32, #tpu.memory_space<vmem>>, vector<16xf32>,
        %add3A_398 = arith.addf %get3A_394, %get3A_397 : vector<16xf32>
        %swap3A_399 = arith.index_cast %scan3A_32 : i32 to index
        %swap3A_400 = arith.constant 576 : index
        %swap3A_401 = tpu.vector_load %arg9[%swap3A_399, %swap3A_400] {strides = array<i32>} : memref<32x1280xf32, #tpu.memory_space<vmem>>, vector<16xf32>,
        tpu.vector_store %arg9[%swap3A_399, %swap3A_400], %add3A_398 {strides = array<i32>} : memref<32x1280xf32, #tpu.memory_space<vmem>>, vector<16xf32>,
        %get3A_402 = arith.index_cast %scan3A_32 : i32 to index
        %get3A_403 = arith.constant 592 : index
        %get3A_404 = tpu.vector_load %arg9[%get3A_402, %get3A_403] {strides = array<i32>} : memref<32x1280xf32, #tpu.memory_space<vmem>>, vector<16xf32>,
        %get3A_405 = arith.index_cast %scan3A_32 : i32 to index
        %get3A_406 = arith.constant 592 : index
        %get3A_407 = tpu.vector_load %arg10[%get3A_405, %get3A_406] {strides = array<i32>} : memref<32x1280xf32, #tpu.memory_space<vmem>>, vector<16xf32>,
        %add3A_408 = arith.addf %get3A_404, %get3A_407 : vector<16xf32>
        %swap3A_409 = arith.index_cast %scan3A_32 : i32 to index
        %swap3A_410 = arith.constant 592 : index
        %swap3A_411 = tpu.vector_load %arg9[%swap3A_409, %swap3A_410] {strides = array<i32>} : memref<32x1280xf32, #tpu.memory_space<vmem>>, vector<16xf32>,
        tpu.vector_store %arg9[%swap3A_409, %swap3A_410], %add3A_408 {strides = array<i32>} : memref<32x1280xf32, #tpu.memory_space<vmem>>, vector<16xf32>,
        %get3A_412 = arith.index_cast %scan3A_32 : i32 to index
        %get3A_413 = arith.constant 608 : index
        %get3A_414 = tpu.vector_load %arg9[%get3A_412, %get3A_413] {strides = array<i32>} : memref<32x1280xf32, #tpu.memory_space<vmem>>, vector<16xf32>,
        %get3A_415 = arith.index_cast %scan3A_32 : i32 to index
        %get3A_416 = arith.constant 608 : index
        %get3A_417 = tpu.vector_load %arg10[%get3A_415, %get3A_416] {strides = array<i32>} : memref<32x1280xf32, #tpu.memory_space<vmem>>, vector<16xf32>,
        %add3A_418 = arith.addf %get3A_414, %get3A_417 : vector<16xf32>
        %swap3A_419 = arith.index_cast %scan3A_32 : i32 to index
        %swap3A_420 = arith.constant 608 : index
        %swap3A_421 = tpu.vector_load %arg9[%swap3A_419, %swap3A_420] {strides = array<i32>} : memref<32x1280xf32, #tpu.memory_space<vmem>>, vector<16xf32>,
        tpu.vector_store %arg9[%swap3A_419, %swap3A_420], %add3A_418 {strides = array<i32>} : memref<32x1280xf32, #tpu.memory_space<vmem>>, vector<16xf32>,
        %get3A_422 = arith.index_cast %scan3A_32 : i32 to index
        %get3A_423 = arith.constant 624 : index
        %get3A_424 = tpu.vector_load %arg9[%get3A_422, %get3A_423] {strides = array<i32>} : memref<32x1280xf32, #tpu.memory_space<vmem>>, vector<16xf32>,
        %get3A_425 = arith.index_cast %scan3A_32 : i32 to index
        %get3A_426 = arith.constant 624 : index
        %get3A_427 = tpu.vector_load %arg10[%get3A_425, %get3A_426] {strides = array<i32>} : memref<32x1280xf32, #tpu.memory_space<vmem>>, vector<16xf32>,
        %add3A_428 = arith.addf %get3A_424, %get3A_427 : vector<16xf32>
        %swap3A_429 = arith.index_cast %scan3A_32 : i32 to index
        %swap3A_430 = arith.constant 624 : index
        %swap3A_431 = tpu.vector_load %arg9[%swap3A_429, %swap3A_430] {strides = array<i32>} : memref<32x1280xf32, #tpu.memory_space<vmem>>, vector<16xf32>,
        tpu.vector_store %arg9[%swap3A_429, %swap3A_430], %add3A_428 {strides = array<i32>} : memref<32x1280xf32, #tpu.memory_space<vmem>>, vector<16xf32>,
        %get3A_432 = arith.index_cast %scan3A_32 : i32 to index
        %get3A_433 = arith.constant 640 : index
        %get3A_434 = tpu.vector_load %arg9[%get3A_432, %get3A_433] {strides = array<i32>} : memref<32x1280xf32, #tpu.memory_space<vmem>>, vector<16xf32>,
        %get3A_435 = arith.index_cast %scan3A_32 : i32 to index
        %get3A_436 = arith.constant 640 : index
        %get3A_437 = tpu.vector_load %arg10[%get3A_435, %get3A_436] {strides = array<i32>} : memref<32x1280xf32, #tpu.memory_space<vmem>>, vector<16xf32>,
        %add3A_438 = arith.addf %get3A_434, %get3A_437 : vector<16xf32>
        %swap3A_439 = arith.index_cast %scan3A_32 : i32 to index
        %swap3A_440 = arith.constant 640 : index
        %swap3A_441 = tpu.vector_load %arg9[%swap3A_439, %swap3A_440] {strides = array<i32>} : memref<32x1280xf32, #tpu.memory_space<vmem>>, vector<16xf32>,
        tpu.vector_store %arg9[%swap3A_439, %swap3A_440], %add3A_438 {strides = array<i32>} : memref<32x1280xf32, #tpu.memory_space<vmem>>, vector<16xf32>,
        %get3A_442 = arith.index_cast %scan3A_32 : i32 to index
        %get3A_443 = arith.constant 656 : index
        %get3A_444 = tpu.vector_load %arg9[%get3A_442, %get3A_443] {strides = array<i32>} : memref<32x1280xf32, #tpu.memory_space<vmem>>, vector<16xf32>,
        %get3A_445 = arith.index_cast %scan3A_32 : i32 to index
        %get3A_446 = arith.constant 656 : index
        %get3A_447 = tpu.vector_load %arg10[%get3A_445, %get3A_446] {strides = array<i32>} : memref<32x1280xf32, #tpu.memory_space<vmem>>, vector<16xf32>,
        %add3A_448 = arith.addf %get3A_444, %get3A_447 : vector<16xf32>
        %swap3A_449 = arith.index_cast %scan3A_32 : i32 to index
        %swap3A_450 = arith.constant 656 : index
        %swap3A_451 = tpu.vector_load %arg9[%swap3A_449, %swap3A_450] {strides = array<i32>} : memref<32x1280xf32, #tpu.memory_space<vmem>>, vector<16xf32>,
        tpu.vector_store %arg9[%swap3A_449, %swap3A_450], %add3A_448 {strides = array<i32>} : memref<32x1280xf32, #tpu.memory_space<vmem>>, vector<16xf32>,
        %get3A_452 = arith.index_cast %scan3A_32 : i32 to index
        %get3A_453 = arith.constant 672 : index
        %get3A_454 = tpu.vector_load %arg9[%get3A_452, %get3A_453] {strides = array<i32>} : memref<32x1280xf32, #tpu.memory_space<vmem>>, vector<16xf32>,
        %get3A_455 = arith.index_cast %scan3A_32 : i32 to index
        %get3A_456 = arith.constant 672 : index
        %get3A_457 = tpu.vector_load %arg10[%get3A_455, %get3A_456] {strides = array<i32>} : memref<32x1280xf32, #tpu.memory_space<vmem>>, vector<16xf32>,
        %add3A_458 = arith.addf %get3A_454, %get3A_457 : vector<16xf32>
        %swap3A_459 = arith.index_cast %scan3A_32 : i32 to index
        %swap3A_460 = arith.constant 672 : index
        %swap3A_461 = tpu.vector_load %arg9[%swap3A_459, %swap3A_460] {strides = array<i32>} : memref<32x1280xf32, #tpu.memory_space<vmem>>, vector<16xf32>,
        tpu.vector_store %arg9[%swap3A_459, %swap3A_460], %add3A_458 {strides = array<i32>} : memref<32x1280xf32, #tpu.memory_space<vmem>>, vector<16xf32>,
        %get3A_462 = arith.index_cast %scan3A_32 : i32 to index
        %get3A_463 = arith.constant 688 : index
        %get3A_464 = tpu.vector_load %arg9[%get3A_462, %get3A_463] {strides = array<i32>} : memref<32x1280xf32, #tpu.memory_space<vmem>>, vector<16xf32>,
        %get3A_465 = arith.index_cast %scan3A_32 : i32 to index
        %get3A_466 = arith.constant 688 : index
        %get3A_467 = tpu.vector_load %arg10[%get3A_465, %get3A_466] {strides = array<i32>} : memref<32x1280xf32, #tpu.memory_space<vmem>>, vector<16xf32>,
        %add3A_468 = arith.addf %get3A_464, %get3A_467 : vector<16xf32>
        %swap3A_469 = arith.index_cast %scan3A_32 : i32 to index
        %swap3A_470 = arith.constant 688 : index
        %swap3A_471 = tpu.vector_load %arg9[%swap3A_469, %swap3A_470] {strides = array<i32>} : memref<32x1280xf32, #tpu.memory_space<vmem>>, vector<16xf32>,
        tpu.vector_store %arg9[%swap3A_469, %swap3A_470], %add3A_468 {strides = array<i32>} : memref<32x1280xf32, #tpu.memory_space<vmem>>, vector<16xf32>,
        %get3A_472 = arith.index_cast %scan3A_32 : i32 to index
        %get3A_473 = arith.constant 704 : index
        %get3A_474 = tpu.vector_load %arg9[%get3A_472, %get3A_473] {strides = array<i32>} : memref<32x1280xf32, #tpu.memory_space<vmem>>, vector<16xf32>,
        %get3A_475 = arith.index_cast %scan3A_32 : i32 to index
        %get3A_476 = arith.constant 704 : index
        %get3A_477 = tpu.vector_load %arg10[%get3A_475, %get3A_476] {strides = array<i32>} : memref<32x1280xf32, #tpu.memory_space<vmem>>, vector<16xf32>,
        %add3A_478 = arith.addf %get3A_474, %get3A_477 : vector<16xf32>
        %swap3A_479 = arith.index_cast %scan3A_32 : i32 to index
        %swap3A_480 = arith.constant 704 : index
        %swap3A_481 = tpu.vector_load %arg9[%swap3A_479, %swap3A_480] {strides = array<i32>} : memref<32x1280xf32, #tpu.memory_space<vmem>>, vector<16xf32>,
        tpu.vector_store %arg9[%swap3A_479, %swap3A_480], %add3A_478 {strides = array<i32>} : memref<32x1280xf32, #tpu.memory_space<vmem>>, vector<16xf32>,
        %get3A_482 = arith.index_cast %scan3A_32 : i32 to index
        %get3A_483 = arith.constant 720 : index
        %get3A_484 = tpu.vector_load %arg9[%get3A_482, %get3A_483] {strides = array<i32>} : memref<32x1280xf32, #tpu.memory_space<vmem>>, vector<16xf32>,
        %get3A_485 = arith.index_cast %scan3A_32 : i32 to index
        %get3A_486 = arith.constant 720 : index
        %get3A_487 = tpu.vector_load %arg10[%get3A_485, %get3A_486] {strides = array<i32>} : memref<32x1280xf32, #tpu.memory_space<vmem>>, vector<16xf32>,
        %add3A_488 = arith.addf %get3A_484, %get3A_487 : vector<16xf32>
        %swap3A_489 = arith.index_cast %scan3A_32 : i32 to index
        %swap3A_490 = arith.constant 720 : index
        %swap3A_491 = tpu.vector_load %arg9[%swap3A_489, %swap3A_490] {strides = array<i32>} : memref<32x1280xf32, #tpu.memory_space<vmem>>, vector<16xf32>,
        tpu.vector_store %arg9[%swap3A_489, %swap3A_490], %add3A_488 {strides = array<i32>} : memref<32x1280xf32, #tpu.memory_space<vmem>>, vector<16xf32>,
        %get3A_492 = arith.index_cast %scan3A_32 : i32 to index
        %get3A_493 = arith.constant 736 : index
        %get3A_494 = tpu.vector_load %arg9[%get3A_492, %get3A_493] {strides = array<i32>} : memref<32x1280xf32, #tpu.memory_space<vmem>>, vector<16xf32>,
        %get3A_495 = arith.index_cast %scan3A_32 : i32 to index
        %get3A_496 = arith.constant 736 : index
        %get3A_497 = tpu.vector_load %arg10[%get3A_495, %get3A_496] {strides = array<i32>} : memref<32x1280xf32, #tpu.memory_space<vmem>>, vector<16xf32>,
        %add3A_498 = arith.addf %get3A_494, %get3A_497 : vector<16xf32>
        %swap3A_499 = arith.index_cast %scan3A_32 : i32 to index
        %swap3A_500 = arith.constant 736 : index
        %swap3A_501 = tpu.vector_load %arg9[%swap3A_499, %swap3A_500] {strides = array<i32>} : memref<32x1280xf32, #tpu.memory_space<vmem>>, vector<16xf32>,
        tpu.vector_store %arg9[%swap3A_499, %swap3A_500], %add3A_498 {strides = array<i32>} : memref<32x1280xf32, #tpu.memory_space<vmem>>, vector<16xf32>,
        %get3A_502 = arith.index_cast %scan3A_32 : i32 to index
        %get3A_503 = arith.constant 752 : index
        %get3A_504 = tpu.vector_load %arg9[%get3A_502, %get3A_503] {strides = array<i32>} : memref<32x1280xf32, #tpu.memory_space<vmem>>, vector<16xf32>,
        %get3A_505 = arith.index_cast %scan3A_32 : i32 to index
        %get3A_506 = arith.constant 752 : index
        %get3A_507 = tpu.vector_load %arg10[%get3A_505, %get3A_506] {strides = array<i32>} : memref<32x1280xf32, #tpu.memory_space<vmem>>, vector<16xf32>,
        %add3A_508 = arith.addf %get3A_504, %get3A_507 : vector<16xf32>
        %swap3A_509 = arith.index_cast %scan3A_32 : i32 to index
        %swap3A_510 = arith.constant 752 : index
        %swap3A_511 = tpu.vector_load %arg9[%swap3A_509, %swap3A_510] {strides = array<i32>} : memref<32x1280xf32, #tpu.memory_space<vmem>>, vector<16xf32>,
        tpu.vector_store %arg9[%swap3A_509, %swap3A_510], %add3A_508 {strides = array<i32>} : memref<32x1280xf32, #tpu.memory_space<vmem>>, vector<16xf32>,
        %get3A_512 = arith.index_cast %scan3A_32 : i32 to index
        %get3A_513 = arith.constant 768 : index
        %get3A_514 = tpu.vector_load %arg9[%get3A_512, %get3A_513] {strides = array<i32>} : memref<32x1280xf32, #tpu.memory_space<vmem>>, vector<16xf32>,
        %get3A_515 = arith.index_cast %scan3A_32 : i32 to index
        %get3A_516 = arith.constant 768 : index
        %get3A_517 = tpu.vector_load %arg10[%get3A_515, %get3A_516] {strides = array<i32>} : memref<32x1280xf32, #tpu.memory_space<vmem>>, vector<16xf32>,
        %add3A_518 = arith.addf %get3A_514, %get3A_517 : vector<16xf32>
        %swap3A_519 = arith.index_cast %scan3A_32 : i32 to index
        %swap3A_520 = arith.constant 768 : index
        %swap3A_521 = tpu.vector_load %arg9[%swap3A_519, %swap3A_520] {strides = array<i32>} : memref<32x1280xf32, #tpu.memory_space<vmem>>, vector<16xf32>,
        tpu.vector_store %arg9[%swap3A_519, %swap3A_520], %add3A_518 {strides = array<i32>} : memref<32x1280xf32, #tpu.memory_space<vmem>>, vector<16xf32>,
        %get3A_522 = arith.index_cast %scan3A_32 : i32 to index
        %get3A_523 = arith.constant 784 : index
        %get3A_524 = tpu.vector_load %arg9[%get3A_522, %get3A_523] {strides = array<i32>} : memref<32x1280xf32, #tpu.memory_space<vmem>>, vector<16xf32>,
        %get3A_525 = arith.index_cast %scan3A_32 : i32 to index
        %get3A_526 = arith.constant 784 : index
        %get3A_527 = tpu.vector_load %arg10[%get3A_525, %get3A_526] {strides = array<i32>} : memref<32x1280xf32, #tpu.memory_space<vmem>>, vector<16xf32>,
        %add3A_528 = arith.addf %get3A_524, %get3A_527 : vector<16xf32>
        %swap3A_529 = arith.index_cast %scan3A_32 : i32 to index
        %swap3A_530 = arith.constant 784 : index
        %swap3A_531 = tpu.vector_load %arg9[%swap3A_529, %swap3A_530] {strides = array<i32>} : memref<32x1280xf32, #tpu.memory_space<vmem>>, vector<16xf32>,
        tpu.vector_store %arg9[%swap3A_529, %swap3A_530], %add3A_528 {strides = array<i32>} : memref<32x1280xf32, #tpu.memory_space<vmem>>, vector<16xf32>,
        %get3A_532 = arith.index_cast %scan3A_32 : i32 to index
        %get3A_533 = arith.constant 800 : index
        %get3A_534 = tpu.vector_load %arg9[%get3A_532, %get3A_533] {strides = array<i32>} : memref<32x1280xf32, #tpu.memory_space<vmem>>, vector<16xf32>,
        %get3A_535 = arith.index_cast %scan3A_32 : i32 to index
        %get3A_536 = arith.constant 800 : index
        %get3A_537 = tpu.vector_load %arg10[%get3A_535, %get3A_536] {strides = array<i32>} : memref<32x1280xf32, #tpu.memory_space<vmem>>, vector<16xf32>,
        %add3A_538 = arith.addf %get3A_534, %get3A_537 : vector<16xf32>
        %swap3A_539 = arith.index_cast %scan3A_32 : i32 to index
        %swap3A_540 = arith.constant 800 : index
        %swap3A_541 = tpu.vector_load %arg9[%swap3A_539, %swap3A_540] {strides = array<i32>} : memref<32x1280xf32, #tpu.memory_space<vmem>>, vector<16xf32>,
        tpu.vector_store %arg9[%swap3A_539, %swap3A_540], %add3A_538 {strides = array<i32>} : memref<32x1280xf32, #tpu.memory_space<vmem>>, vector<16xf32>,
        %get3A_542 = arith.index_cast %scan3A_32 : i32 to index
        %get3A_543 = arith.constant 816 : index
        %get3A_544 = tpu.vector_load %arg9[%get3A_542, %get3A_543] {strides = array<i32>} : memref<32x1280xf32, #tpu.memory_space<vmem>>, vector<16xf32>,
        %get3A_545 = arith.index_cast %scan3A_32 : i32 to index
        %get3A_546 = arith.constant 816 : index
        %get3A_547 = tpu.vector_load %arg10[%get3A_545, %get3A_546] {strides = array<i32>} : memref<32x1280xf32, #tpu.memory_space<vmem>>, vector<16xf32>,
        %add3A_548 = arith.addf %get3A_544, %get3A_547 : vector<16xf32>
        %swap3A_549 = arith.index_cast %scan3A_32 : i32 to index
        %swap3A_550 = arith.constant 816 : index
        %swap3A_551 = tpu.vector_load %arg9[%swap3A_549, %swap3A_550] {strides = array<i32>} : memref<32x1280xf32, #tpu.memory_space<vmem>>, vector<16xf32>,
        tpu.vector_store %arg9[%swap3A_549, %swap3A_550], %add3A_548 {strides = array<i32>} : memref<32x1280xf32, #tpu.memory_space<vmem>>, vector<16xf32>,
        %get3A_552 = arith.index_cast %scan3A_32 : i32 to index
        %get3A_553 = arith.constant 832 : index
        %get3A_554 = tpu.vector_load %arg9[%get3A_552, %get3A_553] {strides = array<i32>} : memref<32x1280xf32, #tpu.memory_space<vmem>>, vector<16xf32>,
        %get3A_555 = arith.index_cast %scan3A_32 : i32 to index
        %get3A_556 = arith.constant 832 : index
        %get3A_557 = tpu.vector_load %arg10[%get3A_555, %get3A_556] {strides = array<i32>} : memref<32x1280xf32, #tpu.memory_space<vmem>>, vector<16xf32>,
        %add3A_558 = arith.addf %get3A_554, %get3A_557 : vector<16xf32>
        %swap3A_559 = arith.index_cast %scan3A_32 : i32 to index
        %swap3A_560 = arith.constant 832 : index
        %swap3A_561 = tpu.vector_load %arg9[%swap3A_559, %swap3A_560] {strides = array<i32>} : memref<32x1280xf32, #tpu.memory_space<vmem>>, vector<16xf32>,
        tpu.vector_store %arg9[%swap3A_559, %swap3A_560], %add3A_558 {strides = array<i32>} : memref<32x1280xf32, #tpu.memory_space<vmem>>, vector<16xf32>,
        %get3A_562 = arith.index_cast %scan3A_32 : i32 to index
        %get3A_563 = arith.constant 848 : index
        %get3A_564 = tpu.vector_load %arg9[%get3A_562, %get3A_563] {strides = array<i32>} : memref<32x1280xf32, #tpu.memory_space<vmem>>, vector<16xf32>,
        %get3A_565 = arith.index_cast %scan3A_32 : i32 to index
        %get3A_566 = arith.constant 848 : index
        %get3A_567 = tpu.vector_load %arg10[%get3A_565, %get3A_566] {strides = array<i32>} : memref<32x1280xf32, #tpu.memory_space<vmem>>, vector<16xf32>,
        %add3A_568 = arith.addf %get3A_564, %get3A_567 : vector<16xf32>
        %swap3A_569 = arith.index_cast %scan3A_32 : i32 to index
        %swap3A_570 = arith.constant 848 : index
        %swap3A_571 = tpu.vector_load %arg9[%swap3A_569, %swap3A_570] {strides = array<i32>} : memref<32x1280xf32, #tpu.memory_space<vmem>>, vector<16xf32>,
        tpu.vector_store %arg9[%swap3A_569, %swap3A_570], %add3A_568 {strides = array<i32>} : memref<32x1280xf32, #tpu.memory_space<vmem>>, vector<16xf32>,
        %get3A_572 = arith.index_cast %scan3A_32 : i32 to index
        %get3A_573 = arith.constant 864 : index
        %get3A_574 = tpu.vector_load %arg9[%get3A_572, %get3A_573] {strides = array<i32>} : memref<32x1280xf32, #tpu.memory_space<vmem>>, vector<16xf32>,
        %get3A_575 = arith.index_cast %scan3A_32 : i32 to index
        %get3A_576 = arith.constant 864 : index
        %get3A_577 = tpu.vector_load %arg10[%get3A_575, %get3A_576] {strides = array<i32>} : memref<32x1280xf32, #tpu.memory_space<vmem>>, vector<16xf32>,
        %add3A_578 = arith.addf %get3A_574, %get3A_577 : vector<16xf32>
        %swap3A_579 = arith.index_cast %scan3A_32 : i32 to index
        %swap3A_580 = arith.constant 864 : index
        %swap3A_581 = tpu.vector_load %arg9[%swap3A_579, %swap3A_580] {strides = array<i32>} : memref<32x1280xf32, #tpu.memory_space<vmem>>, vector<16xf32>,
        tpu.vector_store %arg9[%swap3A_579, %swap3A_580], %add3A_578 {strides = array<i32>} : memref<32x1280xf32, #tpu.memory_space<vmem>>, vector<16xf32>,
        %get3A_582 = arith.index_cast %scan3A_32 : i32 to index
        %get3A_583 = arith.constant 880 : index
        %get3A_584 = tpu.vector_load %arg9[%get3A_582, %get3A_583] {strides = array<i32>} : memref<32x1280xf32, #tpu.memory_space<vmem>>, vector<16xf32>,
        %get3A_585 = arith.index_cast %scan3A_32 : i32 to index
        %get3A_586 = arith.constant 880 : index
        %get3A_587 = tpu.vector_load %arg10[%get3A_585, %get3A_586] {strides = array<i32>} : memref<32x1280xf32, #tpu.memory_space<vmem>>, vector<16xf32>,
        %add3A_588 = arith.addf %get3A_584, %get3A_587 : vector<16xf32>
        %swap3A_589 = arith.index_cast %scan3A_32 : i32 to index
        %swap3A_590 = arith.constant 880 : index
        %swap3A_591 = tpu.vector_load %arg9[%swap3A_589, %swap3A_590] {strides = array<i32>} : memref<32x1280xf32, #tpu.memory_space<vmem>>, vector<16xf32>,
        tpu.vector_store %arg9[%swap3A_589, %swap3A_590], %add3A_588 {strides = array<i32>} : memref<32x1280xf32, #tpu.memory_space<vmem>>, vector<16xf32>,
        %get3A_592 = arith.index_cast %scan3A_32 : i32 to index
        %get3A_593 = arith.constant 896 : index
        %get3A_594 = tpu.vector_load %arg9[%get3A_592, %get3A_593] {strides = array<i32>} : memref<32x1280xf32, #tpu.memory_space<vmem>>, vector<16xf32>,
        %get3A_595 = arith.index_cast %scan3A_32 : i32 to index
        %get3A_596 = arith.constant 896 : index
        %get3A_597 = tpu.vector_load %arg10[%get3A_595, %get3A_596] {strides = array<i32>} : memref<32x1280xf32, #tpu.memory_space<vmem>>, vector<16xf32>,
        %add3A_598 = arith.addf %get3A_594, %get3A_597 : vector<16xf32>
        %swap3A_599 = arith.index_cast %scan3A_32 : i32 to index
        %swap3A_600 = arith.constant 896 : index
        %swap3A_601 = tpu.vector_load %arg9[%swap3A_599, %swap3A_600] {strides = array<i32>} : memref<32x1280xf32, #tpu.memory_space<vmem>>, vector<16xf32>,
        tpu.vector_store %arg9[%swap3A_599, %swap3A_600], %add3A_598 {strides = array<i32>} : memref<32x1280xf32, #tpu.memory_space<vmem>>, vector<16xf32>,
        %get3A_602 = arith.index_cast %scan3A_32 : i32 to index
        %get3A_603 = arith.constant 912 : index
        %get3A_604 = tpu.vector_load %arg9[%get3A_602, %get3A_603] {strides = array<i32>} : memref<32x1280xf32, #tpu.memory_space<vmem>>, vector<16xf32>,
        %get3A_605 = arith.index_cast %scan3A_32 : i32 to index
        %get3A_606 = arith.constant 912 : index
        %get3A_607 = tpu.vector_load %arg10[%get3A_605, %get3A_606] {strides = array<i32>} : memref<32x1280xf32, #tpu.memory_space<vmem>>, vector<16xf32>,
        %add3A_608 = arith.addf %get3A_604, %get3A_607 : vector<16xf32>
        %swap3A_609 = arith.index_cast %scan3A_32 : i32 to index
        %swap3A_610 = arith.constant 912 : index
        %swap3A_611 = tpu.vector_load %arg9[%swap3A_609, %swap3A_610] {strides = array<i32>} : memref<32x1280xf32, #tpu.memory_space<vmem>>, vector<16xf32>,
        tpu.vector_store %arg9[%swap3A_609, %swap3A_610], %add3A_608 {strides = array<i32>} : memref<32x1280xf32, #tpu.memory_space<vmem>>, vector<16xf32>,
        %get3A_612 = arith.index_cast %scan3A_32 : i32 to index
        %get3A_613 = arith.constant 928 : index
        %get3A_614 = tpu.vector_load %arg9[%get3A_612, %get3A_613] {strides = array<i32>} : memref<32x1280xf32, #tpu.memory_space<vmem>>, vector<16xf32>,
        %get3A_615 = arith.index_cast %scan3A_32 : i32 to index
        %get3A_616 = arith.constant 928 : index
        %get3A_617 = tpu.vector_load %arg10[%get3A_615, %get3A_616] {strides = array<i32>} : memref<32x1280xf32, #tpu.memory_space<vmem>>, vector<16xf32>,
        %add3A_618 = arith.addf %get3A_614, %get3A_617 : vector<16xf32>
        %swap3A_619 = arith.index_cast %scan3A_32 : i32 to index
        %swap3A_620 = arith.constant 928 : index
        %swap3A_621 = tpu.vector_load %arg9[%swap3A_619, %swap3A_620] {strides = array<i32>} : memref<32x1280xf32, #tpu.memory_space<vmem>>, vector<16xf32>,
        tpu.vector_store %arg9[%swap3A_619, %swap3A_620], %add3A_618 {strides = array<i32>} : memref<32x1280xf32, #tpu.memory_space<vmem>>, vector<16xf32>,
        %get3A_622 = arith.index_cast %scan3A_32 : i32 to index
        %get3A_623 = arith.constant 944 : index
        %get3A_624 = tpu.vector_load %arg9[%get3A_622, %get3A_623] {strides = array<i32>} : memref<32x1280xf32, #tpu.memory_space<vmem>>, vector<16xf32>,
        %get3A_625 = arith.index_cast %scan3A_32 : i32 to index
        %get3A_626 = arith.constant 944 : index
        %get3A_627 = tpu.vector_load %arg10[%get3A_625, %get3A_626] {strides = array<i32>} : memref<32x1280xf32, #tpu.memory_space<vmem>>, vector<16xf32>,
        %add3A_628 = arith.addf %get3A_624, %get3A_627 : vector<16xf32>
        %swap3A_629 = arith.index_cast %scan3A_32 : i32 to index
        %swap3A_630 = arith.constant 944 : index
        %swap3A_631 = tpu.vector_load %arg9[%swap3A_629, %swap3A_630] {strides = array<i32>} : memref<32x1280xf32, #tpu.memory_space<vmem>>, vector<16xf32>,
        tpu.vector_store %arg9[%swap3A_629, %swap3A_630], %add3A_628 {strides = array<i32>} : memref<32x1280xf32, #tpu.memory_space<vmem>>, vector<16xf32>,
        %get3A_632 = arith.index_cast %scan3A_32 : i32 to index
        %get3A_633 = arith.constant 960 : index
        %get3A_634 = tpu.vector_load %arg9[%get3A_632, %get3A_633] {strides = array<i32>} : memref<32x1280xf32, #tpu.memory_space<vmem>>, vector<16xf32>,
        %get3A_635 = arith.index_cast %scan3A_32 : i32 to index
        %get3A_636 = arith.constant 960 : index
        %get3A_637 = tpu.vector_load %arg10[%get3A_635, %get3A_636] {strides = array<i32>} : memref<32x1280xf32, #tpu.memory_space<vmem>>, vector<16xf32>,
        %add3A_638 = arith.addf %get3A_634, %get3A_637 : vector<16xf32>
        %swap3A_639 = arith.index_cast %scan3A_32 : i32 to index
        %swap3A_640 = arith.constant 960 : index
        %swap3A_641 = tpu.vector_load %arg9[%swap3A_639, %swap3A_640] {strides = array<i32>} : memref<32x1280xf32, #tpu.memory_space<vmem>>, vector<16xf32>,
        tpu.vector_store %arg9[%swap3A_639, %swap3A_640], %add3A_638 {strides = array<i32>} : memref<32x1280xf32, #tpu.memory_space<vmem>>, vector<16xf32>,
        %get3A_642 = arith.index_cast %scan3A_32 : i32 to index
        %get3A_643 = arith.constant 976 : index
        %get3A_644 = tpu.vector_load %arg9[%get3A_642, %get3A_643] {strides = array<i32>} : memref<32x1280xf32, #tpu.memory_space<vmem>>, vector<16xf32>,
        %get3A_645 = arith.index_cast %scan3A_32 : i32 to index
        %get3A_646 = arith.constant 976 : index
        %get3A_647 = tpu.vector_load %arg10[%get3A_645, %get3A_646] {strides = array<i32>} : memref<32x1280xf32, #tpu.memory_space<vmem>>, vector<16xf32>,
        %add3A_648 = arith.addf %get3A_644, %get3A_647 : vector<16xf32>
        %swap3A_649 = arith.index_cast %scan3A_32 : i32 to index
        %swap3A_650 = arith.constant 976 : index
        %swap3A_651 = tpu.vector_load %arg9[%swap3A_649, %swap3A_650] {strides = array<i32>} : memref<32x1280xf32, #tpu.memory_space<vmem>>, vector<16xf32>,
        tpu.vector_store %arg9[%swap3A_649, %swap3A_650], %add3A_648 {strides = array<i32>} : memref<32x1280xf32, #tpu.memory_space<vmem>>, vector<16xf32>,
        %get3A_652 = arith.index_cast %scan3A_32 : i32 to index
        %get3A_653 = arith.constant 992 : index
        %get3A_654 = tpu.vector_load %arg9[%get3A_652, %get3A_653] {strides = array<i32>} : memref<32x1280xf32, #tpu.memory_space<vmem>>, vector<16xf32>,
        %get3A_655 = arith.index_cast %scan3A_32 : i32 to index
        %get3A_656 = arith.constant 992 : index
        %get3A_657 = tpu.vector_load %arg10[%get3A_655, %get3A_656] {strides = array<i32>} : memref<32x1280xf32, #tpu.memory_space<vmem>>, vector<16xf32>,
        %add3A_658 = arith.addf %get3A_654, %get3A_657 : vector<16xf32>
        %swap3A_659 = arith.index_cast %scan3A_32 : i32 to index
        %swap3A_660 = arith.constant 992 : index
        %swap3A_661 = tpu.vector_load %arg9[%swap3A_659, %swap3A_660] {strides = array<i32>} : memref<32x1280xf32, #tpu.memory_space<vmem>>, vector<16xf32>,
        tpu.vector_store %arg9[%swap3A_659, %swap3A_660], %add3A_658 {strides = array<i32>} : memref<32x1280xf32, #tpu.memory_space<vmem>>, vector<16xf32>,
        %get3A_662 = arith.index_cast %scan3A_32 : i32 to index
        %get3A_663 = arith.constant 1008 : index
        %get3A_664 = tpu.vector_load %arg9[%get3A_662, %get3A_663] {strides = array<i32>} : memref<32x1280xf32, #tpu.memory_space<vmem>>, vector<16xf32>,
        %get3A_665 = arith.index_cast %scan3A_32 : i32 to index
        %get3A_666 = arith.constant 1008 : index
        %get3A_667 = tpu.vector_load %arg10[%get3A_665, %get3A_666] {strides = array<i32>} : memref<32x1280xf32, #tpu.memory_space<vmem>>, vector<16xf32>,
        %add3A_668 = arith.addf %get3A_664, %get3A_667 : vector<16xf32>
        %swap3A_669 = arith.index_cast %scan3A_32 : i32 to index
        %swap3A_670 = arith.constant 1008 : index
        %swap3A_671 = tpu.vector_load %arg9[%swap3A_669, %swap3A_670] {strides = array<i32>} : memref<32x1280xf32, #tpu.memory_space<vmem>>, vector<16xf32>,
        tpu.vector_store %arg9[%swap3A_669, %swap3A_670], %add3A_668 {strides = array<i32>} : memref<32x1280xf32, #tpu.memory_space<vmem>>, vector<16xf32>,
        %get3A_672 = arith.index_cast %scan3A_32 : i32 to index
        %get3A_673 = arith.constant 1024 : index
        %get3A_674 = tpu.vector_load %arg9[%get3A_672, %get3A_673] {strides = array<i32>} : memref<32x1280xf32, #tpu.memory_space<vmem>>, vector<16xf32>,
        %get3A_675 = arith.index_cast %scan3A_32 : i32 to index
        %get3A_676 = arith.constant 1024 : index
        %get3A_677 = tpu.vector_load %arg10[%get3A_675, %get3A_676] {strides = array<i32>} : memref<32x1280xf32, #tpu.memory_space<vmem>>, vector<16xf32>,
        %add3A_678 = arith.addf %get3A_674, %get3A_677 : vector<16xf32>
        %swap3A_679 = arith.index_cast %scan3A_32 : i32 to index
        %swap3A_680 = arith.constant 1024 : index
        %swap3A_681 = tpu.vector_load %arg9[%swap3A_679, %swap3A_680] {strides = array<i32>} : memref<32x1280xf32, #tpu.memory_space<vmem>>, vector<16xf32>,
        tpu.vector_store %arg9[%swap3A_679, %swap3A_680], %add3A_678 {strides = array<i32>} : memref<32x1280xf32, #tpu.memory_space<vmem>>, vector<16xf32>,
        %get3A_682 = arith.index_cast %scan3A_32 : i32 to index
        %get3A_683 = arith.constant 1040 : index
        %get3A_684 = tpu.vector_load %arg9[%get3A_682, %get3A_683] {strides = array<i32>} : memref<32x1280xf32, #tpu.memory_space<vmem>>, vector<16xf32>,
        %get3A_685 = arith.index_cast %scan3A_32 : i32 to index
        %get3A_686 = arith.constant 1040 : index
        %get3A_687 = tpu.vector_load %arg10[%get3A_685, %get3A_686] {strides = array<i32>} : memref<32x1280xf32, #tpu.memory_space<vmem>>, vector<16xf32>,
        %add3A_688 = arith.addf %get3A_684, %get3A_687 : vector<16xf32>
        %swap3A_689 = arith.index_cast %scan3A_32 : i32 to index
        %swap3A_690 = arith.constant 1040 : index
        %swap3A_691 = tpu.vector_load %arg9[%swap3A_689, %swap3A_690] {strides = array<i32>} : memref<32x1280xf32, #tpu.memory_space<vmem>>, vector<16xf32>,
        tpu.vector_store %arg9[%swap3A_689, %swap3A_690], %add3A_688 {strides = array<i32>} : memref<32x1280xf32, #tpu.memory_space<vmem>>, vector<16xf32>,
        %get3A_692 = arith.index_cast %scan3A_32 : i32 to index
        %get3A_693 = arith.constant 1056 : index
        %get3A_694 = tpu.vector_load %arg9[%get3A_692, %get3A_693] {strides = array<i32>} : memref<32x1280xf32, #tpu.memory_space<vmem>>, vector<16xf32>,
        %get3A_695 = arith.index_cast %scan3A_32 : i32 to index
        %get3A_696 = arith.constant 1056 : index
        %get3A_697 = tpu.vector_load %arg10[%get3A_695, %get3A_696] {strides = array<i32>} : memref<32x1280xf32, #tpu.memory_space<vmem>>, vector<16xf32>,
        %add3A_698 = arith.addf %get3A_694, %get3A_697 : vector<16xf32>
        %swap3A_699 = arith.index_cast %scan3A_32 : i32 to index
        %swap3A_700 = arith.constant 1056 : index
        %swap3A_701 = tpu.vector_load %arg9[%swap3A_699, %swap3A_700] {strides = array<i32>} : memref<32x1280xf32, #tpu.memory_space<vmem>>, vector<16xf32>,
        tpu.vector_store %arg9[%swap3A_699, %swap3A_700], %add3A_698 {strides = array<i32>} : memref<32x1280xf32, #tpu.memory_space<vmem>>, vector<16xf32>,
        %get3A_702 = arith.index_cast %scan3A_32 : i32 to index
        %get3A_703 = arith.constant 1072 : index
        %get3A_704 = tpu.vector_load %arg9[%get3A_702, %get3A_703] {strides = array<i32>} : memref<32x1280xf32, #tpu.memory_space<vmem>>, vector<16xf32>,
        %get3A_705 = arith.index_cast %scan3A_32 : i32 to index
        %get3A_706 = arith.constant 1072 : index
        %get3A_707 = tpu.vector_load %arg10[%get3A_705, %get3A_706] {strides = array<i32>} : memref<32x1280xf32, #tpu.memory_space<vmem>>, vector<16xf32>,
        %add3A_708 = arith.addf %get3A_704, %get3A_707 : vector<16xf32>
        %swap3A_709 = arith.index_cast %scan3A_32 : i32 to index
        %swap3A_710 = arith.constant 1072 : index
        %swap3A_711 = tpu.vector_load %arg9[%swap3A_709, %swap3A_710] {strides = array<i32>} : memref<32x1280xf32, #tpu.memory_space<vmem>>, vector<16xf32>,
        tpu.vector_store %arg9[%swap3A_709, %swap3A_710], %add3A_708 {strides = array<i32>} : memref<32x1280xf32, #tpu.memory_space<vmem>>, vector<16xf32>,
        %get3A_712 = arith.index_cast %scan3A_32 : i32 to index
        %get3A_713 = arith.constant 1088 : index
        %get3A_714 = tpu.vector_load %arg9[%get3A_712, %get3A_713] {strides = array<i32>} : memref<32x1280xf32, #tpu.memory_space<vmem>>, vector<16xf32>,
        %get3A_715 = arith.index_cast %scan3A_32 : i32 to index
        %get3A_716 = arith.constant 1088 : index
        %get3A_717 = tpu.vector_load %arg10[%get3A_715, %get3A_716] {strides = array<i32>} : memref<32x1280xf32, #tpu.memory_space<vmem>>, vector<16xf32>,
        %add3A_718 = arith.addf %get3A_714, %get3A_717 : vector<16xf32>
        %swap3A_719 = arith.index_cast %scan3A_32 : i32 to index
        %swap3A_720 = arith.constant 1088 : index
        %swap3A_721 = tpu.vector_load %arg9[%swap3A_719, %swap3A_720] {strides = array<i32>} : memref<32x1280xf32, #tpu.memory_space<vmem>>, vector<16xf32>,
        tpu.vector_store %arg9[%swap3A_719, %swap3A_720], %add3A_718 {strides = array<i32>} : memref<32x1280xf32, #tpu.memory_space<vmem>>, vector<16xf32>,
        %get3A_722 = arith.index_cast %scan3A_32 : i32 to index
        %get3A_723 = arith.constant 1104 : index
        %get3A_724 = tpu.vector_load %arg9[%get3A_722, %get3A_723] {strides = array<i32>} : memref<32x1280xf32, #tpu.memory_space<vmem>>, vector<16xf32>,
        %get3A_725 = arith.index_cast %scan3A_32 : i32 to index
        %get3A_726 = arith.constant 1104 : index
        %get3A_727 = tpu.vector_load %arg10[%get3A_725, %get3A_726] {strides = array<i32>} : memref<32x1280xf32, #tpu.memory_space<vmem>>, vector<16xf32>,
        %add3A_728 = arith.addf %get3A_724, %get3A_727 : vector<16xf32>
        %swap3A_729 = arith.index_cast %scan3A_32 : i32 to index
        %swap3A_730 = arith.constant 1104 : index
        %swap3A_731 = tpu.vector_load %arg9[%swap3A_729, %swap3A_730] {strides = array<i32>} : memref<32x1280xf32, #tpu.memory_space<vmem>>, vector<16xf32>,
        tpu.vector_store %arg9[%swap3A_729, %swap3A_730], %add3A_728 {strides = array<i32>} : memref<32x1280xf32, #tpu.memory_space<vmem>>, vector<16xf32>,
        %get3A_732 = arith.index_cast %scan3A_32 : i32 to index
        %get3A_733 = arith.constant 1120 : index
        %get3A_734 = tpu.vector_load %arg9[%get3A_732, %get3A_733] {strides = array<i32>} : memref<32x1280xf32, #tpu.memory_space<vmem>>, vector<16xf32>,
        %get3A_735 = arith.index_cast %scan3A_32 : i32 to index
        %get3A_736 = arith.constant 1120 : index
        %get3A_737 = tpu.vector_load %arg10[%get3A_735, %get3A_736] {strides = array<i32>} : memref<32x1280xf32, #tpu.memory_space<vmem>>, vector<16xf32>,
        %add3A_738 = arith.addf %get3A_734, %get3A_737 : vector<16xf32>
        %swap3A_739 = arith.index_cast %scan3A_32 : i32 to index
        %swap3A_740 = arith.constant 1120 : index
        %swap3A_741 = tpu.vector_load %arg9[%swap3A_739, %swap3A_740] {strides = array<i32>} : memref<32x1280xf32, #tpu.memory_space<vmem>>, vector<16xf32>,
        tpu.vector_store %arg9[%swap3A_739, %swap3A_740], %add3A_738 {strides = array<i32>} : memref<32x1280xf32, #tpu.memory_space<vmem>>, vector<16xf32>,
        %get3A_742 = arith.index_cast %scan3A_32 : i32 to index
        %get3A_743 = arith.constant 1136 : index
        %get3A_744 = tpu.vector_load %arg9[%get3A_742, %get3A_743] {strides = array<i32>} : memref<32x1280xf32, #tpu.memory_space<vmem>>, vector<16xf32>,
        %get3A_745 = arith.index_cast %scan3A_32 : i32 to index
        %get3A_746 = arith.constant 1136 : index
        %get3A_747 = tpu.vector_load %arg10[%get3A_745, %get3A_746] {strides = array<i32>} : memref<32x1280xf32, #tpu.memory_space<vmem>>, vector<16xf32>,
        %add3A_748 = arith.addf %get3A_744, %get3A_747 : vector<16xf32>
        %swap3A_749 = arith.index_cast %scan3A_32 : i32 to index
        %swap3A_750 = arith.constant 1136 : index
        %swap3A_751 = tpu.vector_load %arg9[%swap3A_749, %swap3A_750] {strides = array<i32>} : memref<32x1280xf32, #tpu.memory_space<vmem>>, vector<16xf32>,
        tpu.vector_store %arg9[%swap3A_749, %swap3A_750], %add3A_748 {strides = array<i32>} : memref<32x1280xf32, #tpu.memory_space<vmem>>, vector<16xf32>,
        %get3A_752 = arith.index_cast %scan3A_32 : i32 to index
        %get3A_753 = arith.constant 1152 : index
        %get3A_754 = tpu.vector_load %arg9[%get3A_752, %get3A_753] {strides = array<i32>} : memref<32x1280xf32, #tpu.memory_space<vmem>>, vector<16xf32>,
        %get3A_755 = arith.index_cast %scan3A_32 : i32 to index
        %get3A_756 = arith.constant 1152 : index
        %get3A_757 = tpu.vector_load %arg10[%get3A_755, %get3A_756] {strides = array<i32>} : memref<32x1280xf32, #tpu.memory_space<vmem>>, vector<16xf32>,
        %add3A_758 = arith.addf %get3A_754, %get3A_757 : vector<16xf32>
        %swap3A_759 = arith.index_cast %scan3A_32 : i32 to index
        %swap3A_760 = arith.constant 1152 : index
        %swap3A_761 = tpu.vector_load %arg9[%swap3A_759, %swap3A_760] {strides = array<i32>} : memref<32x1280xf32, #tpu.memory_space<vmem>>, vector<16xf32>,
        tpu.vector_store %arg9[%swap3A_759, %swap3A_760], %add3A_758 {strides = array<i32>} : memref<32x1280xf32, #tpu.memory_space<vmem>>, vector<16xf32>,
        %get3A_762 = arith.index_cast %scan3A_32 : i32 to index
        %get3A_763 = arith.constant 1168 : index
        %get3A_764 = tpu.vector_load %arg9[%get3A_762, %get3A_763] {strides = array<i32>} : memref<32x1280xf32, #tpu.memory_space<vmem>>, vector<16xf32>,
        %get3A_765 = arith.index_cast %scan3A_32 : i32 to index
        %get3A_766 = arith.constant 1168 : index
        %get3A_767 = tpu.vector_load %arg10[%get3A_765, %get3A_766] {strides = array<i32>} : memref<32x1280xf32, #tpu.memory_space<vmem>>, vector<16xf32>,
        %add3A_768 = arith.addf %get3A_764, %get3A_767 : vector<16xf32>
        %swap3A_769 = arith.index_cast %scan3A_32 : i32 to index
        %swap3A_770 = arith.constant 1168 : index
        %swap3A_771 = tpu.vector_load %arg9[%swap3A_769, %swap3A_770] {strides = array<i32>} : memref<32x1280xf32, #tpu.memory_space<vmem>>, vector<16xf32>,
        tpu.vector_store %arg9[%swap3A_769, %swap3A_770], %add3A_768 {strides = array<i32>} : memref<32x1280xf32, #tpu.memory_space<vmem>>, vector<16xf32>,
        %get3A_772 = arith.index_cast %scan3A_32 : i32 to index
        %get3A_773 = arith.constant 1184 : index
        %get3A_774 = tpu.vector_load %arg9[%get3A_772, %get3A_773] {strides = array<i32>} : memref<32x1280xf32, #tpu.memory_space<vmem>>, vector<16xf32>,
        %get3A_775 = arith.index_cast %scan3A_32 : i32 to index
        %get3A_776 = arith.constant 1184 : index
        %get3A_777 = tpu.vector_load %arg10[%get3A_775, %get3A_776] {strides = array<i32>} : memref<32x1280xf32, #tpu.memory_space<vmem>>, vector<16xf32>,
        %add3A_778 = arith.addf %get3A_774, %get3A_777 : vector<16xf32>
        %swap3A_779 = arith.index_cast %scan3A_32 : i32 to index
        %swap3A_780 = arith.constant 1184 : index
        %swap3A_781 = tpu.vector_load %arg9[%swap3A_779, %swap3A_780] {strides = array<i32>} : memref<32x1280xf32, #tpu.memory_space<vmem>>, vector<16xf32>,
        tpu.vector_store %arg9[%swap3A_779, %swap3A_780], %add3A_778 {strides = array<i32>} : memref<32x1280xf32, #tpu.memory_space<vmem>>, vector<16xf32>,
        %get3A_782 = arith.index_cast %scan3A_32 : i32 to index
        %get3A_783 = arith.constant 1200 : index
        %get3A_784 = tpu.vector_load %arg9[%get3A_782, %get3A_783] {strides = array<i32>} : memref<32x1280xf32, #tpu.memory_space<vmem>>, vector<16xf32>,
        %get3A_785 = arith.index_cast %scan3A_32 : i32 to index
        %get3A_786 = arith.constant 1200 : index
        %get3A_787 = tpu.vector_load %arg10[%get3A_785, %get3A_786] {strides = array<i32>} : memref<32x1280xf32, #tpu.memory_space<vmem>>, vector<16xf32>,
        %add3A_788 = arith.addf %get3A_784, %get3A_787 : vector<16xf32>
        %swap3A_789 = arith.index_cast %scan3A_32 : i32 to index
        %swap3A_790 = arith.constant 1200 : index
        %swap3A_791 = tpu.vector_load %arg9[%swap3A_789, %swap3A_790] {strides = array<i32>} : memref<32x1280xf32, #tpu.memory_space<vmem>>, vector<16xf32>,
        tpu.vector_store %arg9[%swap3A_789, %swap3A_790], %add3A_788 {strides = array<i32>} : memref<32x1280xf32, #tpu.memory_space<vmem>>, vector<16xf32>,
        %get3A_792 = arith.index_cast %scan3A_32 : i32 to index
        %get3A_793 = arith.constant 1216 : index
        %get3A_794 = tpu.vector_load %arg9[%get3A_792, %get3A_793] {strides = array<i32>} : memref<32x1280xf32, #tpu.memory_space<vmem>>, vector<16xf32>,
        %get3A_795 = arith.index_cast %scan3A_32 : i32 to index
        %get3A_796 = arith.constant 1216 : index
        %get3A_797 = tpu.vector_load %arg10[%get3A_795, %get3A_796] {strides = array<i32>} : memref<32x1280xf32, #tpu.memory_space<vmem>>, vector<16xf32>,
        %add3A_798 = arith.addf %get3A_794, %get3A_797 : vector<16xf32>
        %swap3A_799 = arith.index_cast %scan3A_32 : i32 to index
        %swap3A_800 = arith.constant 1216 : index
        %swap3A_801 = tpu.vector_load %arg9[%swap3A_799, %swap3A_800] {strides = array<i32>} : memref<32x1280xf32, #tpu.memory_space<vmem>>, vector<16xf32>,
        tpu.vector_store %arg9[%swap3A_799, %swap3A_800], %add3A_798 {strides = array<i32>} : memref<32x1280xf32, #tpu.memory_space<vmem>>, vector<16xf32>,
        %get3A_802 = arith.index_cast %scan3A_32 : i32 to index
        %get3A_803 = arith.constant 1232 : index
        %get3A_804 = tpu.vector_load %arg9[%get3A_802, %get3A_803] {strides = array<i32>} : memref<32x1280xf32, #tpu.memory_space<vmem>>, vector<16xf32>,
        %get3A_805 = arith.index_cast %scan3A_32 : i32 to index
        %get3A_806 = arith.constant 1232 : index
        %get3A_807 = tpu.vector_load %arg10[%get3A_805, %get3A_806] {strides = array<i32>} : memref<32x1280xf32, #tpu.memory_space<vmem>>, vector<16xf32>,
        %add3A_808 = arith.addf %get3A_804, %get3A_807 : vector<16xf32>
        %swap3A_809 = arith.index_cast %scan3A_32 : i32 to index
        %swap3A_810 = arith.constant 1232 : index
        %swap3A_811 = tpu.vector_load %arg9[%swap3A_809, %swap3A_810] {strides = array<i32>} : memref<32x1280xf32, #tpu.memory_space<vmem>>, vector<16xf32>,
        tpu.vector_store %arg9[%swap3A_809, %swap3A_810], %add3A_808 {strides = array<i32>} : memref<32x1280xf32, #tpu.memory_space<vmem>>, vector<16xf32>,
        %get3A_812 = arith.index_cast %scan3A_32 : i32 to index
        %get3A_813 = arith.constant 1248 : index
        %get3A_814 = tpu.vector_load %arg9[%get3A_812, %get3A_813] {strides = array<i32>} : memref<32x1280xf32, #tpu.memory_space<vmem>>, vector<16xf32>,
        %get3A_815 = arith.index_cast %scan3A_32 : i32 to index
        %get3A_816 = arith.constant 1248 : index
        %get3A_817 = tpu.vector_load %arg10[%get3A_815, %get3A_816] {strides = array<i32>} : memref<32x1280xf32, #tpu.memory_space<vmem>>, vector<16xf32>,
        %add3A_818 = arith.addf %get3A_814, %get3A_817 : vector<16xf32>
        %swap3A_819 = arith.index_cast %scan3A_32 : i32 to index
        %swap3A_820 = arith.constant 1248 : index
        %swap3A_821 = tpu.vector_load %arg9[%swap3A_819, %swap3A_820] {strides = array<i32>} : memref<32x1280xf32, #tpu.memory_space<vmem>>, vector<16xf32>,
        tpu.vector_store %arg9[%swap3A_819, %swap3A_820], %add3A_818 {strides = array<i32>} : memref<32x1280xf32, #tpu.memory_space<vmem>>, vector<16xf32>,
        %get3A_822 = arith.index_cast %scan3A_32 : i32 to index
        %get3A_823 = arith.constant 1264 : index
        %get3A_824 = tpu.vector_load %arg9[%get3A_822, %get3A_823] {strides = array<i32>} : memref<32x1280xf32, #tpu.memory_space<vmem>>, vector<16xf32>,
        %get3A_825 = arith.index_cast %scan3A_32 : i32 to index
        %get3A_826 = arith.constant 1264 : index
        %get3A_827 = tpu.vector_load %arg10[%get3A_825, %get3A_826] {strides = array<i32>} : memref<32x1280xf32, #tpu.memory_space<vmem>>, vector<16xf32>,
        %add3A_828 = arith.addf %get3A_824, %get3A_827 : vector<16xf32>
        %swap3A_829 = arith.index_cast %scan3A_32 : i32 to index
        %swap3A_830 = arith.constant 1264 : index
        %swap3A_831 = tpu.vector_load %arg9[%swap3A_829, %swap3A_830] {strides = array<i32>} : memref<32x1280xf32, #tpu.memory_space<vmem>>, vector<16xf32>,
        tpu.vector_store %arg9[%swap3A_829, %swap3A_830], %add3A_828 {strides = array<i32>} : memref<32x1280xf32, #tpu.memory_space<vmem>>, vector<16xf32>,
        %scan3A_832 = arith.constant 0 : i32
        scf.yield %scan3A_832 : i32
      }
      %scan3A_30 = arith.constant 32 : i32
      "tpu.region"() ({
        %run_scoped3A = tpu.sem_alloc : memref<!tpu.dma_semaphore, #tpu.memory_space<semaphore_mem>>
        %dma_start3A_32 = arith.constant 0 : i32
        %dma_start3A_33 = tpu.memref_slice %arg6[%add3A_13, %dma_start3A_32] : memref<15360x1280xf32, #tpu.memory_space<hbm>> -> memref<32x1280xf32, #tpu.memory_space<hbm>>
        %dma_start3A_34 = arith.constant 0 : i32
        %dma_start3A_35 = tpu.memref_slice %arg6[%add3A_13, %dma_start3A_34] : memref<15360x1280xf32, #tpu.memory_space<hbm>> -> memref<32x1280xf32, #tpu.memory_space<hbm>>
        tpu.enqueue_dma source(%arg9 : memref<32x1280xf32, #tpu.memory_space<vmem>>) target(%dma_start3A_35 : memref<32x1280xf32, #tpu.memory_space<hbm>>) target_semaphore(%run_scoped3A : memref<!tpu.dma_semaphore, #tpu.memory_space<semaphore_mem>>)
        %dma_wait3A_36 = arith.constant 0 : i32
        %dma_wait3A_37 = tpu.memref_slice %arg6[%add3A_13, %dma_wait3A_36] : memref<15360x1280xf32, #tpu.memory_space<hbm>> -> memref<32x1280xf32, #tpu.memory_space<hbm>>
        %dma_wait3A_38 = arith.constant 0 : i32
        %dma_wait3A_39 = tpu.memref_slice %arg6[%add3A_13, %dma_wait3A_38] : memref<15360x1280xf32, #tpu.memory_space<hbm>> -> memref<32x1280xf32, #tpu.memory_space<hbm>>
        tpu.wait_dma2 semaphore(%run_scoped3A : memref<!tpu.dma_semaphore, #tpu.memory_space<semaphore_mem>>) src(%arg9 : memref<32x1280xf32, #tpu.memory_space<vmem>>) dst(%dma_wait3A_39 : memref<32x1280xf32, #tpu.memory_space<hbm>>)
        tpu.yield
      }) : () -> ()
      %scan3A_31 = arith.constant 0 : i32
      scf.yield %scan3A_31 : i32
    }
    %scan3A_8 = arith.constant 15 : i32
    return
  }
}

#map = affine_map<(d0, d1) -> (0, 0)>
#map1 = affine_map<(d0, d1) -> (0)>
module attributes {stable_mosaic.version = 14 : i64} {
  func.func @_sc_agg_body(%arg0: i32, %arg1: i32, %arg2: memref<153600x128xf32, #tpu.memory_space<hbm>>, %arg3: memref<15360xi32, #tpu.memory_space<hbm>>, %arg4: memref<5120x1280xf32, #tpu.memory_space<hbm>>, %arg5: memref<5120x1280xf32, #tpu.memory_space<hbm>>, %arg6: memref<5120x1280xf32, #tpu.memory_space<hbm>>, %arg7: memref<5120x1280xf32, #tpu.memory_space<hbm>>, %arg8: memref<5120x16xf32, #tpu.memory_space<hbm>>, %arg9: memref<1024xi32, #tpu.memory_space<vmem>>, %arg10: memref<2064xi32, #tpu.memory_space<vmem>>, %arg11: memref<2064xi32, #tpu.memory_space<vmem>>, %arg12: memref<128xi32, #tpu.memory_space<vmem>>, %arg13: memref<128x128xf32, #tpu.memory_space<vmem>>, %arg14: memref<160x128xf32, #tpu.memory_space<vmem>>, %arg15: memref<160x128xf32, #tpu.memory_space<vmem>>, %arg16: memref<160x128xf32, #tpu.memory_space<vmem>>, %arg17: memref<160x128xf32, #tpu.memory_space<vmem>>, %arg18: memref<160x16xf32, #tpu.memory_space<vmem>>, %arg19: memref<!tpu.dma_semaphore, #tpu.memory_space<semaphore_mem>>) attributes {dimension_semantics = [#tpu.dimension_semantics<core_parallel>, #tpu.dimension_semantics<subcore_parallel>], iteration_bounds = array<i64: 2, 16>, scalar_prefetch = 0 : i64, scratch_operands = 11 : i64, tpu.core_type = #tpu.core_type<sc_vector_subcore>, window_params = [{transform_indices = #map}, {transform_indices = #map1}, {transform_indices = #map}, {transform_indices = #map}, {transform_indices = #map}, {transform_indices = #map}, {transform_indices = #map}]} {
    %mul3A = arith.constant 2 : i32
    %mul3A_0 = arith.muli %arg1, %mul3A : i32
    %add3A = arith.addi %mul3A_0, %arg0 : i32
    %mul3A_1 = arith.constant 160 : i32
    %mul3A_2 = arith.muli %add3A, %mul3A_1 : i32
    %scan3A = arith.constant 0 : i32
    %scan3A_3 = arith.constant 0 : i32
    %scan3A_4 = arith.constant 128 : i32
    %scan3A_5 = arith.addi %scan3A_3, %scan3A_4 : i32
    %scan3A_6 = arith.constant 1 : i32
    %scan3A_7 = scf.for %scan3A_61 = %scan3A_3 to %scan3A_5 step %scan3A_6 iter_args(%scan3A_62 = %scan3A) -> (i32)  : i32 {
      %broadcast_in_dim3A = arith.constant 0 : i32
      %broadcast_in_dim3A_63 = vector.broadcast %broadcast_in_dim3A : i32 to vector<16xi32>
      %mul3A_64 = arith.constant 16 : i32
      %mul3A_65 = arith.muli %scan3A_61, %mul3A_64 : i32
      %swap3A = arith.index_cast %mul3A_65 : i32 to index
      %swap3A_66 = tpu.vector_load %arg10[%swap3A] {strides = array<i32>} : memref<2064xi32, #tpu.memory_space<vmem>>, vector<16xi32>,
      tpu.vector_store %arg10[%swap3A], %broadcast_in_dim3A_63 {strides = array<i32>} : memref<2064xi32, #tpu.memory_space<vmem>>, vector<16xi32>,
      %mul3A_67 = arith.constant 16 : i32
      %mul3A_68 = arith.muli %scan3A_61, %mul3A_67 : i32
      %swap3A_69 = arith.index_cast %mul3A_68 : i32 to index
      %swap3A_70 = tpu.vector_load %arg11[%swap3A_69] {strides = array<i32>} : memref<2064xi32, #tpu.memory_space<vmem>>, vector<16xi32>,
      tpu.vector_store %arg11[%swap3A_69], %broadcast_in_dim3A_63 {strides = array<i32>} : memref<2064xi32, #tpu.memory_space<vmem>>, vector<16xi32>,
      %scan3A_71 = arith.constant 0 : i32
      scf.yield %scan3A_71 : i32
    }
    %scan3A_8 = arith.constant 128 : i32
    %scan3A_9 = arith.constant 0 : i32
    %scan3A_10 = arith.constant 0 : i32
    %scan3A_11 = arith.constant 15 : i32
    %scan3A_12 = arith.addi %scan3A_10, %scan3A_11 : i32
    %scan3A_13 = arith.constant 1 : i32
    %scan3A_14 = scf.for %scan3A_61 = %scan3A_10 to %scan3A_12 step %scan3A_13 iter_args(%scan3A_62 = %scan3A_9) -> (i32)  : i32 {
      %mul3A_63 = arith.constant 1024 : i32
      %mul3A_64 = arith.muli %scan3A_61, %mul3A_63 : i32
      "tpu.region"() ({
        %run_scoped3A = tpu.sem_alloc : memref<!tpu.dma_semaphore, #tpu.memory_space<semaphore_mem>>
        %dma_start3A = tpu.memref_slice %arg3[%mul3A_64] : memref<15360xi32, #tpu.memory_space<hbm>> -> memref<1024xi32, #tpu.memory_space<hbm>>
        %dma_start3A_71 = tpu.memref_slice %arg3[%mul3A_64] : memref<15360xi32, #tpu.memory_space<hbm>> -> memref<1024xi32, #tpu.memory_space<hbm>>
        tpu.enqueue_dma source(%dma_start3A_71 : memref<1024xi32, #tpu.memory_space<hbm>>) target(%arg9 : memref<1024xi32, #tpu.memory_space<vmem>>) target_semaphore(%run_scoped3A : memref<!tpu.dma_semaphore, #tpu.memory_space<semaphore_mem>>)
        %dma_wait3A = tpu.memref_slice %arg3[%mul3A_64] : memref<15360xi32, #tpu.memory_space<hbm>> -> memref<1024xi32, #tpu.memory_space<hbm>>
        %dma_wait3A_72 = tpu.memref_slice %arg3[%mul3A_64] : memref<15360xi32, #tpu.memory_space<hbm>> -> memref<1024xi32, #tpu.memory_space<hbm>>
        tpu.wait_dma2 semaphore(%run_scoped3A : memref<!tpu.dma_semaphore, #tpu.memory_space<semaphore_mem>>) src(%dma_wait3A_72 : memref<1024xi32, #tpu.memory_space<hbm>>) dst(%arg9 : memref<1024xi32, #tpu.memory_space<vmem>>)
        tpu.yield
      }) : () -> ()
      %scan3A_65 = arith.constant 0 : i32
      %scan3A_66 = arith.constant 64 : i32
      %scan3A_67 = arith.addi %scan3A_65, %scan3A_66 : i32
      %scan3A_68 = arith.constant 1 : i32
      %scan3A_69 = scf.for %scan3A_71 = %scan3A_65 to %scan3A_67 step %scan3A_68 iter_args(%scan3A_72 = %scan3A_62) -> (i32)  : i32 {
        %mul3A_73 = arith.constant 16 : i32
        %mul3A_74 = arith.muli %scan3A_71, %mul3A_73 : i32
        %get3A = arith.index_cast %mul3A_74 : i32 to index
        %get3A_75 = tpu.vector_load %arg9[%get3A] {strides = array<i32>} : memref<1024xi32, #tpu.memory_space<vmem>>, vector<16xi32>,
        %ge3A = vector.broadcast %mul3A_2 : i32 to vector<16xi32>
        %ge3A_76 = arith.cmpi sge, %get3A_75, %ge3A : vector<16xi32>
        %add3A_77 = arith.constant 160 : i32
        %add3A_78 = arith.addi %mul3A_2, %add3A_77 : i32
        %lt3A = vector.broadcast %add3A_78 : i32 to vector<16xi32>
        %lt3A_79 = arith.cmpi slt, %get3A_75, %lt3A : vector<16xi32>
        %and3A_80 = arith.andi %ge3A_76, %lt3A_79 : vector<16xi1>
        %iota3A = tpu.iota {dimensions = array<i32: 0>} : vector<16xi32>
        %mul3A_81 = arith.constant 1024 : i32
        %mul3A_82 = arith.muli %scan3A_61, %mul3A_81 : i32
        %mul3A_83 = arith.constant 16 : i32
        %mul3A_84 = arith.muli %scan3A_71, %mul3A_83 : i32
        %add3A_85 = arith.addi %mul3A_82, %mul3A_84 : i32
        %add3A_86 = vector.broadcast %add3A_85 : i32 to vector<16xi32>
        %add3A_87 = arith.addi %add3A_86, %iota3A : vector<16xi32>
        %convert_element_type3A = arith.extui %and3A_80 : vector<16xi1> to vector<16xi32>
        %broadcast_in_dim3A = arith.constant true
        %broadcast_in_dim3A_88 = vector.broadcast %broadcast_in_dim3A : i1 to vector<16xi1>
        %masked_cumsum3A = tpu.scan <sum>, %convert_element_type3A masked %broadcast_in_dim3A_88 : vector<16xi32>, vector<16xi1> -> vector<16xi32>
        %add3A_89 = vector.broadcast %scan3A_72 : i32 to vector<16xi32>
        %add3A_90 = arith.addi %add3A_89, %masked_cumsum3A : vector<16xi32>
        %sub3A_91 = arith.subi %add3A_90, %convert_element_type3A : vector<16xi32>
        %add3A_92 = arith.constant 2048 : i32
        %add3A_93 = vector.broadcast %add3A_92 : i32 to vector<16xi32>
        %add3A_94 = arith.addi %add3A_93, %iota3A : vector<16xi32>
        %select_n3A_95 = arith.select %and3A_80, %sub3A_91, %add3A_94 : vector<16xi1>, vector<16xi32>
        tpu.vector_store_idx %arg10[%select_n3A_95], %add3A_87 : memref<2064xi32, #tpu.memory_space<vmem>>[vector<16xi32>], vector<16xi32>,
        %sub3A_96 = vector.broadcast %mul3A_2 : i32 to vector<16xi32>
        %sub3A_97 = arith.subi %get3A_75, %sub3A_96 : vector<16xi32>
        tpu.vector_store_idx %arg11[%select_n3A_95], %sub3A_97 : memref<2064xi32, #tpu.memory_space<vmem>>[vector<16xi32>], vector<16xi32>,
        %reduce_sum3A = arith.constant true
        %reduce_sum3A_98 = vector.broadcast %reduce_sum3A : i1 to vector<16xi1>
        %reduce_sum3A_99 = tpu.scan <sum>, %convert_element_type3A masked %reduce_sum3A_98 : vector<16xi32>, vector<16xi1> -> vector<16xi32>
        %reduce_sum3A_100 = vector.extract %reduce_sum3A_99[15] : i32 from vector<16xi32>
        %add3A_101 = arith.addi %scan3A_72, %reduce_sum3A_100 : i32
        scf.yield %add3A_101 : i32
      }
      %scan3A_70 = arith.constant 64 : i32
      scf.yield %scan3A_69 : i32
    }
    %scan3A_15 = arith.constant 15 : i32
    %scan3A_16 = arith.constant 0 : i32
    %scan3A_17 = arith.constant 0 : i32
    %scan3A_18 = arith.constant 160 : i32
    %scan3A_19 = arith.addi %scan3A_17, %scan3A_18 : i32
    %scan3A_20 = arith.constant 1 : i32
    %scan3A_21 = scf.for %scan3A_61 = %scan3A_17 to %scan3A_19 step %scan3A_20 iter_args(%scan3A_62 = %scan3A_16) -> (i32)  : i32 {
      %broadcast_in_dim3A = arith.constant 0.000000e+00 : f32
      %broadcast_in_dim3A_63 = vector.broadcast %broadcast_in_dim3A : f32 to vector<16xf32>
      %swap3A = arith.index_cast %scan3A_61 : i32 to index
      %swap3A_64 = arith.constant 0 : index
      %swap3A_65 = tpu.vector_load %arg18[%swap3A, %swap3A_64] {strides = array<i32>} : memref<160x16xf32, #tpu.memory_space<vmem>>, vector<16xf32>,
      tpu.vector_store %arg18[%swap3A, %swap3A_64], %broadcast_in_dim3A_63 {strides = array<i32>} : memref<160x16xf32, #tpu.memory_space<vmem>>, vector<16xf32>,
      %scan3A_66 = arith.constant 0 : i32
      scf.yield %scan3A_66 : i32
    }
    %scan3A_22 = arith.constant 160 : i32
    %while3A = arith.constant 0 : i32
    %while3A_23 = arith.constant 0 : i32
    %while3A_24 = arith.subi %scan3A_14, %while3A : i32
    %while3A_25 = arith.addi %while3A, %while3A_24 : i32
    %while3A_26 = arith.constant 1 : i32
    %while3A_27 = arith.divsi %while3A_24, %while3A_26 : i32
    %while3A_28 = arith.muli %while3A_27, %while3A_26 : i32
    %while3A_29 = arith.addi %while3A, %while3A_28 : i32
    %while3A_30 = arith.constant 1 : i32
    %while3A_31 = scf.for %while3A_61 = %while3A to %while3A_29 step %while3A_30 iter_args(%while3A_62 = %while3A_23) -> (i32)  : i32 {
      %get3A = arith.index_cast %while3A_61 : i32 to index
      %get3A_63 = tpu.vector_load %arg11[%get3A] {strides = array<i32>} : memref<2064xi32, #tpu.memory_space<vmem>>, vector<16xi32>,
      %slice3A = vector.extract_strided_slice %get3A_63 {offsets = [0], sizes = [1], strides = [1]} : vector<16xi32> to vector<1xi32>
      %squeeze3A = vector.extract %slice3A[0] : i32 from vector<1xi32>
      %get3A_64 = arith.index_cast %squeeze3A : i32 to index
      %get3A_65 = arith.constant 0 : index
      %get3A_66 = tpu.vector_load %arg18[%get3A_64, %get3A_65] {strides = array<i32>} : memref<160x16xf32, #tpu.memory_space<vmem>>, vector<16xf32>,
      %add3A_67 = arith.constant 1.000000e+00 : f32
      %add3A_68 = vector.broadcast %add3A_67 : f32 to vector<16xf32>
      %add3A_69 = arith.addf %get3A_66, %add3A_68 : vector<16xf32>
      %swap3A = arith.index_cast %squeeze3A : i32 to index
      %swap3A_70 = arith.constant 0 : index
      %swap3A_71 = tpu.vector_load %arg18[%swap3A, %swap3A_70] {strides = array<i32>} : memref<160x16xf32, #tpu.memory_space<vmem>>, vector<16xf32>,
      tpu.vector_store %arg18[%swap3A, %swap3A_70], %add3A_69 {strides = array<i32>} : memref<160x16xf32, #tpu.memory_space<vmem>>, vector<16xf32>,
      %while3A_72 = arith.constant 0 : i32
      scf.yield %while3A_72 : i32
    }
    %while3A_32 = arith.constant 1 : i32
    %while3A_33 = scf.for %while3A_61 = %while3A_29 to %while3A_25 step %while3A_32 iter_args(%while3A_62 = %while3A_31) -> (i32)  : i32 {
      %get3A = arith.index_cast %while3A_61 : i32 to index
      %get3A_63 = tpu.vector_load %arg11[%get3A] {strides = array<i32>} : memref<2064xi32, #tpu.memory_space<vmem>>, vector<16xi32>,
      %slice3A = vector.extract_strided_slice %get3A_63 {offsets = [0], sizes = [1], strides = [1]} : vector<16xi32> to vector<1xi32>
      %squeeze3A = vector.extract %slice3A[0] : i32 from vector<1xi32>
      %get3A_64 = arith.index_cast %squeeze3A : i32 to index
      %get3A_65 = arith.constant 0 : index
      %get3A_66 = tpu.vector_load %arg18[%get3A_64, %get3A_65] {strides = array<i32>} : memref<160x16xf32, #tpu.memory_space<vmem>>, vector<16xf32>,
      %add3A_67 = arith.constant 1.000000e+00 : f32
      %add3A_68 = vector.broadcast %add3A_67 : f32 to vector<16xf32>
      %add3A_69 = arith.addf %get3A_66, %add3A_68 : vector<16xf32>
      %swap3A = arith.index_cast %squeeze3A : i32 to index
      %swap3A_70 = arith.constant 0 : index
      %swap3A_71 = tpu.vector_load %arg18[%swap3A, %swap3A_70] {strides = array<i32>} : memref<160x16xf32, #tpu.memory_space<vmem>>, vector<16xf32>,
      tpu.vector_store %arg18[%swap3A, %swap3A_70], %add3A_69 {strides = array<i32>} : memref<160x16xf32, #tpu.memory_space<vmem>>, vector<16xf32>,
      %while3A_72 = arith.constant 0 : i32
      scf.yield %while3A_72 : i32
    }
    "tpu.region"() ({
      %run_scoped3A = tpu.sem_alloc : memref<!tpu.dma_semaphore, #tpu.memory_space<semaphore_mem>>
      %dma_start3A = arith.constant 0 : i32
      %dma_start3A_61 = tpu.memref_slice %arg8[%mul3A_2, %dma_start3A] : memref<5120x16xf32, #tpu.memory_space<hbm>> -> memref<160x16xf32, #tpu.memory_space<hbm>>
      %dma_start3A_62 = arith.constant 0 : i32
      %dma_start3A_63 = tpu.memref_slice %arg8[%mul3A_2, %dma_start3A_62] : memref<5120x16xf32, #tpu.memory_space<hbm>> -> memref<160x16xf32, #tpu.memory_space<hbm>>
      tpu.enqueue_dma source(%arg18 : memref<160x16xf32, #tpu.memory_space<vmem>>) target(%dma_start3A_63 : memref<160x16xf32, #tpu.memory_space<hbm>>) target_semaphore(%run_scoped3A : memref<!tpu.dma_semaphore, #tpu.memory_space<semaphore_mem>>)
      %dma_wait3A = arith.constant 0 : i32
      %dma_wait3A_64 = tpu.memref_slice %arg8[%mul3A_2, %dma_wait3A] : memref<5120x16xf32, #tpu.memory_space<hbm>> -> memref<160x16xf32, #tpu.memory_space<hbm>>
      %dma_wait3A_65 = arith.constant 0 : i32
      %dma_wait3A_66 = tpu.memref_slice %arg8[%mul3A_2, %dma_wait3A_65] : memref<5120x16xf32, #tpu.memory_space<hbm>> -> memref<160x16xf32, #tpu.memory_space<hbm>>
      tpu.wait_dma2 semaphore(%run_scoped3A : memref<!tpu.dma_semaphore, #tpu.memory_space<semaphore_mem>>) src(%arg18 : memref<160x16xf32, #tpu.memory_space<vmem>>) dst(%dma_wait3A_66 : memref<160x16xf32, #tpu.memory_space<hbm>>)
      tpu.yield
    }) : () -> ()
    %add3A_34 = arith.constant 128 : i32
    %add3A_35 = arith.addi %scan3A_14, %add3A_34 : i32
    %sub3A = arith.constant 1 : i32
    %sub3A_36 = arith.subi %add3A_35, %sub3A : i32
    %jit3A = arith.constant 128 : i32
    %div3A = arith.divsi %sub3A_36, %jit3A : i32
    %sign3A = arith.constant 0 : i32
    %sign3A_37 = arith.cmpi sgt, %sub3A_36, %sign3A : i32
    %sign3A_38 = arith.extui %sign3A_37 : i1 to i32
    %sign3A_39 = arith.constant 0 : i32
    %sign3A_40 = arith.cmpi slt, %sub3A_36, %sign3A_39 : i32
    %sign3A_41 = arith.extui %sign3A_40 : i1 to i32
    %sign3A_42 = arith.subi %sign3A_38, %sign3A_41 : i32
    %sign3A_43 = arith.constant 0 : i32
    %sign3A_44 = arith.cmpi sgt, %jit3A, %sign3A_43 : i32
    %sign3A_45 = arith.extui %sign3A_44 : i1 to i32
    %sign3A_46 = arith.constant 0 : i32
    %sign3A_47 = arith.cmpi slt, %jit3A, %sign3A_46 : i32
    %sign3A_48 = arith.extui %sign3A_47 : i1 to i32
    %sign3A_49 = arith.subi %sign3A_45, %sign3A_48 : i32
    %ne3A = arith.cmpi ne, %sign3A_42, %sign3A_49 : i32
    %rem3A = arith.remsi %sub3A_36, %jit3A : i32
    %ne3A_50 = arith.constant 0 : i32
    %ne3A_51 = arith.cmpi ne, %rem3A, %ne3A_50 : i32
    %and3A = arith.andi %ne3A, %ne3A_51 : i1
    %sub3A_52 = arith.constant 1 : i32
    %sub3A_53 = arith.subi %div3A, %sub3A_52 : i32
    %select_n3A = arith.select %and3A, %sub3A_53, %div3A : i32
    %scan3A_54 = arith.constant 0 : i32
    %scan3A_55 = arith.constant 0 : i32
    %scan3A_56 = arith.constant 10 : i32
    %scan3A_57 = arith.addi %scan3A_55, %scan3A_56 : i32
    %scan3A_58 = arith.constant 1 : i32
    %scan3A_59 = scf.for %scan3A_61 = %scan3A_55 to %scan3A_57 step %scan3A_58 iter_args(%scan3A_62 = %scan3A_54) -> (i32)  : i32 {
      %scan3A_63 = arith.constant 0 : i32
      %scan3A_64 = arith.constant 0 : i32
      %scan3A_65 = arith.constant 160 : i32
      %scan3A_66 = arith.addi %scan3A_64, %scan3A_65 : i32
      %scan3A_67 = arith.constant 1 : i32
      %scan3A_68 = scf.for %scan3A_85 = %scan3A_64 to %scan3A_66 step %scan3A_67 iter_args(%scan3A_86 = %scan3A_63) -> (i32)  : i32 {
        %broadcast_in_dim3A = arith.constant 0.000000e+00 : f32
        %broadcast_in_dim3A_87 = vector.broadcast %broadcast_in_dim3A : f32 to vector<16xf32>
        %swap3A = arith.index_cast %scan3A_85 : i32 to index
        %swap3A_88 = arith.constant 0 : index
        %swap3A_89 = tpu.vector_load %arg14[%swap3A, %swap3A_88] {strides = array<i32>} : memref<160x128xf32, #tpu.memory_space<vmem>>, vector<16xf32>,
        tpu.vector_store %arg14[%swap3A, %swap3A_88], %broadcast_in_dim3A_87 {strides = array<i32>} : memref<160x128xf32, #tpu.memory_space<vmem>>, vector<16xf32>,
        %broadcast_in_dim3A_90 = arith.constant 0.000000e+00 : f32
        %broadcast_in_dim3A_91 = vector.broadcast %broadcast_in_dim3A_90 : f32 to vector<16xf32>
        %swap3A_92 = arith.index_cast %scan3A_85 : i32 to index
        %swap3A_93 = arith.constant 0 : index
        %swap3A_94 = tpu.vector_load %arg15[%swap3A_92, %swap3A_93] {strides = array<i32>} : memref<160x128xf32, #tpu.memory_space<vmem>>, vector<16xf32>,
        tpu.vector_store %arg15[%swap3A_92, %swap3A_93], %broadcast_in_dim3A_91 {strides = array<i32>} : memref<160x128xf32, #tpu.memory_space<vmem>>, vector<16xf32>,
        %broadcast_in_dim3A_95 = arith.constant 3.000000e+38 : f32
        %broadcast_in_dim3A_96 = vector.broadcast %broadcast_in_dim3A_95 : f32 to vector<16xf32>
        %swap3A_97 = arith.index_cast %scan3A_85 : i32 to index
        %swap3A_98 = arith.constant 0 : index
        %swap3A_99 = tpu.vector_load %arg16[%swap3A_97, %swap3A_98] {strides = array<i32>} : memref<160x128xf32, #tpu.memory_space<vmem>>, vector<16xf32>,
        tpu.vector_store %arg16[%swap3A_97, %swap3A_98], %broadcast_in_dim3A_96 {strides = array<i32>} : memref<160x128xf32, #tpu.memory_space<vmem>>, vector<16xf32>,
        %broadcast_in_dim3A_100 = arith.constant -3.000000e+38 : f32
        %broadcast_in_dim3A_101 = vector.broadcast %broadcast_in_dim3A_100 : f32 to vector<16xf32>
        %swap3A_102 = arith.index_cast %scan3A_85 : i32 to index
        %swap3A_103 = arith.constant 0 : index
        %swap3A_104 = tpu.vector_load %arg17[%swap3A_102, %swap3A_103] {strides = array<i32>} : memref<160x128xf32, #tpu.memory_space<vmem>>, vector<16xf32>,
        tpu.vector_store %arg17[%swap3A_102, %swap3A_103], %broadcast_in_dim3A_101 {strides = array<i32>} : memref<160x128xf32, #tpu.memory_space<vmem>>, vector<16xf32>,
        %broadcast_in_dim3A_105 = arith.constant 0.000000e+00 : f32
        %broadcast_in_dim3A_106 = vector.broadcast %broadcast_in_dim3A_105 : f32 to vector<16xf32>
        %swap3A_107 = arith.index_cast %scan3A_85 : i32 to index
        %swap3A_108 = arith.constant 16 : index
        %swap3A_109 = tpu.vector_load %arg14[%swap3A_107, %swap3A_108] {strides = array<i32>} : memref<160x128xf32, #tpu.memory_space<vmem>>, vector<16xf32>,
        tpu.vector_store %arg14[%swap3A_107, %swap3A_108], %broadcast_in_dim3A_106 {strides = array<i32>} : memref<160x128xf32, #tpu.memory_space<vmem>>, vector<16xf32>,
        %broadcast_in_dim3A_110 = arith.constant 0.000000e+00 : f32
        %broadcast_in_dim3A_111 = vector.broadcast %broadcast_in_dim3A_110 : f32 to vector<16xf32>
        %swap3A_112 = arith.index_cast %scan3A_85 : i32 to index
        %swap3A_113 = arith.constant 16 : index
        %swap3A_114 = tpu.vector_load %arg15[%swap3A_112, %swap3A_113] {strides = array<i32>} : memref<160x128xf32, #tpu.memory_space<vmem>>, vector<16xf32>,
        tpu.vector_store %arg15[%swap3A_112, %swap3A_113], %broadcast_in_dim3A_111 {strides = array<i32>} : memref<160x128xf32, #tpu.memory_space<vmem>>, vector<16xf32>,
        %broadcast_in_dim3A_115 = arith.constant 3.000000e+38 : f32
        %broadcast_in_dim3A_116 = vector.broadcast %broadcast_in_dim3A_115 : f32 to vector<16xf32>
        %swap3A_117 = arith.index_cast %scan3A_85 : i32 to index
        %swap3A_118 = arith.constant 16 : index
        %swap3A_119 = tpu.vector_load %arg16[%swap3A_117, %swap3A_118] {strides = array<i32>} : memref<160x128xf32, #tpu.memory_space<vmem>>, vector<16xf32>,
        tpu.vector_store %arg16[%swap3A_117, %swap3A_118], %broadcast_in_dim3A_116 {strides = array<i32>} : memref<160x128xf32, #tpu.memory_space<vmem>>, vector<16xf32>,
        %broadcast_in_dim3A_120 = arith.constant -3.000000e+38 : f32
        %broadcast_in_dim3A_121 = vector.broadcast %broadcast_in_dim3A_120 : f32 to vector<16xf32>
        %swap3A_122 = arith.index_cast %scan3A_85 : i32 to index
        %swap3A_123 = arith.constant 16 : index
        %swap3A_124 = tpu.vector_load %arg17[%swap3A_122, %swap3A_123] {strides = array<i32>} : memref<160x128xf32, #tpu.memory_space<vmem>>, vector<16xf32>,
        tpu.vector_store %arg17[%swap3A_122, %swap3A_123], %broadcast_in_dim3A_121 {strides = array<i32>} : memref<160x128xf32, #tpu.memory_space<vmem>>, vector<16xf32>,
        %broadcast_in_dim3A_125 = arith.constant 0.000000e+00 : f32
        %broadcast_in_dim3A_126 = vector.broadcast %broadcast_in_dim3A_125 : f32 to vector<16xf32>
        %swap3A_127 = arith.index_cast %scan3A_85 : i32 to index
        %swap3A_128 = arith.constant 32 : index
        %swap3A_129 = tpu.vector_load %arg14[%swap3A_127, %swap3A_128] {strides = array<i32>} : memref<160x128xf32, #tpu.memory_space<vmem>>, vector<16xf32>,
        tpu.vector_store %arg14[%swap3A_127, %swap3A_128], %broadcast_in_dim3A_126 {strides = array<i32>} : memref<160x128xf32, #tpu.memory_space<vmem>>, vector<16xf32>,
        %broadcast_in_dim3A_130 = arith.constant 0.000000e+00 : f32
        %broadcast_in_dim3A_131 = vector.broadcast %broadcast_in_dim3A_130 : f32 to vector<16xf32>
        %swap3A_132 = arith.index_cast %scan3A_85 : i32 to index
        %swap3A_133 = arith.constant 32 : index
        %swap3A_134 = tpu.vector_load %arg15[%swap3A_132, %swap3A_133] {strides = array<i32>} : memref<160x128xf32, #tpu.memory_space<vmem>>, vector<16xf32>,
        tpu.vector_store %arg15[%swap3A_132, %swap3A_133], %broadcast_in_dim3A_131 {strides = array<i32>} : memref<160x128xf32, #tpu.memory_space<vmem>>, vector<16xf32>,
        %broadcast_in_dim3A_135 = arith.constant 3.000000e+38 : f32
        %broadcast_in_dim3A_136 = vector.broadcast %broadcast_in_dim3A_135 : f32 to vector<16xf32>
        %swap3A_137 = arith.index_cast %scan3A_85 : i32 to index
        %swap3A_138 = arith.constant 32 : index
        %swap3A_139 = tpu.vector_load %arg16[%swap3A_137, %swap3A_138] {strides = array<i32>} : memref<160x128xf32, #tpu.memory_space<vmem>>, vector<16xf32>,
        tpu.vector_store %arg16[%swap3A_137, %swap3A_138], %broadcast_in_dim3A_136 {strides = array<i32>} : memref<160x128xf32, #tpu.memory_space<vmem>>, vector<16xf32>,
        %broadcast_in_dim3A_140 = arith.constant -3.000000e+38 : f32
        %broadcast_in_dim3A_141 = vector.broadcast %broadcast_in_dim3A_140 : f32 to vector<16xf32>
        %swap3A_142 = arith.index_cast %scan3A_85 : i32 to index
        %swap3A_143 = arith.constant 32 : index
        %swap3A_144 = tpu.vector_load %arg17[%swap3A_142, %swap3A_143] {strides = array<i32>} : memref<160x128xf32, #tpu.memory_space<vmem>>, vector<16xf32>,
        tpu.vector_store %arg17[%swap3A_142, %swap3A_143], %broadcast_in_dim3A_141 {strides = array<i32>} : memref<160x128xf32, #tpu.memory_space<vmem>>, vector<16xf32>,
        %broadcast_in_dim3A_145 = arith.constant 0.000000e+00 : f32
        %broadcast_in_dim3A_146 = vector.broadcast %broadcast_in_dim3A_145 : f32 to vector<16xf32>
        %swap3A_147 = arith.index_cast %scan3A_85 : i32 to index
        %swap3A_148 = arith.constant 48 : index
        %swap3A_149 = tpu.vector_load %arg14[%swap3A_147, %swap3A_148] {strides = array<i32>} : memref<160x128xf32, #tpu.memory_space<vmem>>, vector<16xf32>,
        tpu.vector_store %arg14[%swap3A_147, %swap3A_148], %broadcast_in_dim3A_146 {strides = array<i32>} : memref<160x128xf32, #tpu.memory_space<vmem>>, vector<16xf32>,
        %broadcast_in_dim3A_150 = arith.constant 0.000000e+00 : f32
        %broadcast_in_dim3A_151 = vector.broadcast %broadcast_in_dim3A_150 : f32 to vector<16xf32>
        %swap3A_152 = arith.index_cast %scan3A_85 : i32 to index
        %swap3A_153 = arith.constant 48 : index
        %swap3A_154 = tpu.vector_load %arg15[%swap3A_152, %swap3A_153] {strides = array<i32>} : memref<160x128xf32, #tpu.memory_space<vmem>>, vector<16xf32>,
        tpu.vector_store %arg15[%swap3A_152, %swap3A_153], %broadcast_in_dim3A_151 {strides = array<i32>} : memref<160x128xf32, #tpu.memory_space<vmem>>, vector<16xf32>,
        %broadcast_in_dim3A_155 = arith.constant 3.000000e+38 : f32
        %broadcast_in_dim3A_156 = vector.broadcast %broadcast_in_dim3A_155 : f32 to vector<16xf32>
        %swap3A_157 = arith.index_cast %scan3A_85 : i32 to index
        %swap3A_158 = arith.constant 48 : index
        %swap3A_159 = tpu.vector_load %arg16[%swap3A_157, %swap3A_158] {strides = array<i32>} : memref<160x128xf32, #tpu.memory_space<vmem>>, vector<16xf32>,
        tpu.vector_store %arg16[%swap3A_157, %swap3A_158], %broadcast_in_dim3A_156 {strides = array<i32>} : memref<160x128xf32, #tpu.memory_space<vmem>>, vector<16xf32>,
        %broadcast_in_dim3A_160 = arith.constant -3.000000e+38 : f32
        %broadcast_in_dim3A_161 = vector.broadcast %broadcast_in_dim3A_160 : f32 to vector<16xf32>
        %swap3A_162 = arith.index_cast %scan3A_85 : i32 to index
        %swap3A_163 = arith.constant 48 : index
        %swap3A_164 = tpu.vector_load %arg17[%swap3A_162, %swap3A_163] {strides = array<i32>} : memref<160x128xf32, #tpu.memory_space<vmem>>, vector<16xf32>,
        tpu.vector_store %arg17[%swap3A_162, %swap3A_163], %broadcast_in_dim3A_161 {strides = array<i32>} : memref<160x128xf32, #tpu.memory_space<vmem>>, vector<16xf32>,
        %broadcast_in_dim3A_165 = arith.constant 0.000000e+00 : f32
        %broadcast_in_dim3A_166 = vector.broadcast %broadcast_in_dim3A_165 : f32 to vector<16xf32>
        %swap3A_167 = arith.index_cast %scan3A_85 : i32 to index
        %swap3A_168 = arith.constant 64 : index
        %swap3A_169 = tpu.vector_load %arg14[%swap3A_167, %swap3A_168] {strides = array<i32>} : memref<160x128xf32, #tpu.memory_space<vmem>>, vector<16xf32>,
        tpu.vector_store %arg14[%swap3A_167, %swap3A_168], %broadcast_in_dim3A_166 {strides = array<i32>} : memref<160x128xf32, #tpu.memory_space<vmem>>, vector<16xf32>,
        %broadcast_in_dim3A_170 = arith.constant 0.000000e+00 : f32
        %broadcast_in_dim3A_171 = vector.broadcast %broadcast_in_dim3A_170 : f32 to vector<16xf32>
        %swap3A_172 = arith.index_cast %scan3A_85 : i32 to index
        %swap3A_173 = arith.constant 64 : index
        %swap3A_174 = tpu.vector_load %arg15[%swap3A_172, %swap3A_173] {strides = array<i32>} : memref<160x128xf32, #tpu.memory_space<vmem>>, vector<16xf32>,
        tpu.vector_store %arg15[%swap3A_172, %swap3A_173], %broadcast_in_dim3A_171 {strides = array<i32>} : memref<160x128xf32, #tpu.memory_space<vmem>>, vector<16xf32>,
        %broadcast_in_dim3A_175 = arith.constant 3.000000e+38 : f32
        %broadcast_in_dim3A_176 = vector.broadcast %broadcast_in_dim3A_175 : f32 to vector<16xf32>
        %swap3A_177 = arith.index_cast %scan3A_85 : i32 to index
        %swap3A_178 = arith.constant 64 : index
        %swap3A_179 = tpu.vector_load %arg16[%swap3A_177, %swap3A_178] {strides = array<i32>} : memref<160x128xf32, #tpu.memory_space<vmem>>, vector<16xf32>,
        tpu.vector_store %arg16[%swap3A_177, %swap3A_178], %broadcast_in_dim3A_176 {strides = array<i32>} : memref<160x128xf32, #tpu.memory_space<vmem>>, vector<16xf32>,
        %broadcast_in_dim3A_180 = arith.constant -3.000000e+38 : f32
        %broadcast_in_dim3A_181 = vector.broadcast %broadcast_in_dim3A_180 : f32 to vector<16xf32>
        %swap3A_182 = arith.index_cast %scan3A_85 : i32 to index
        %swap3A_183 = arith.constant 64 : index
        %swap3A_184 = tpu.vector_load %arg17[%swap3A_182, %swap3A_183] {strides = array<i32>} : memref<160x128xf32, #tpu.memory_space<vmem>>, vector<16xf32>,
        tpu.vector_store %arg17[%swap3A_182, %swap3A_183], %broadcast_in_dim3A_181 {strides = array<i32>} : memref<160x128xf32, #tpu.memory_space<vmem>>, vector<16xf32>,
        %broadcast_in_dim3A_185 = arith.constant 0.000000e+00 : f32
        %broadcast_in_dim3A_186 = vector.broadcast %broadcast_in_dim3A_185 : f32 to vector<16xf32>
        %swap3A_187 = arith.index_cast %scan3A_85 : i32 to index
        %swap3A_188 = arith.constant 80 : index
        %swap3A_189 = tpu.vector_load %arg14[%swap3A_187, %swap3A_188] {strides = array<i32>} : memref<160x128xf32, #tpu.memory_space<vmem>>, vector<16xf32>,
        tpu.vector_store %arg14[%swap3A_187, %swap3A_188], %broadcast_in_dim3A_186 {strides = array<i32>} : memref<160x128xf32, #tpu.memory_space<vmem>>, vector<16xf32>,
        %broadcast_in_dim3A_190 = arith.constant 0.000000e+00 : f32
        %broadcast_in_dim3A_191 = vector.broadcast %broadcast_in_dim3A_190 : f32 to vector<16xf32>
        %swap3A_192 = arith.index_cast %scan3A_85 : i32 to index
        %swap3A_193 = arith.constant 80 : index
        %swap3A_194 = tpu.vector_load %arg15[%swap3A_192, %swap3A_193] {strides = array<i32>} : memref<160x128xf32, #tpu.memory_space<vmem>>, vector<16xf32>,
        tpu.vector_store %arg15[%swap3A_192, %swap3A_193], %broadcast_in_dim3A_191 {strides = array<i32>} : memref<160x128xf32, #tpu.memory_space<vmem>>, vector<16xf32>,
        %broadcast_in_dim3A_195 = arith.constant 3.000000e+38 : f32
        %broadcast_in_dim3A_196 = vector.broadcast %broadcast_in_dim3A_195 : f32 to vector<16xf32>
        %swap3A_197 = arith.index_cast %scan3A_85 : i32 to index
        %swap3A_198 = arith.constant 80 : index
        %swap3A_199 = tpu.vector_load %arg16[%swap3A_197, %swap3A_198] {strides = array<i32>} : memref<160x128xf32, #tpu.memory_space<vmem>>, vector<16xf32>,
        tpu.vector_store %arg16[%swap3A_197, %swap3A_198], %broadcast_in_dim3A_196 {strides = array<i32>} : memref<160x128xf32, #tpu.memory_space<vmem>>, vector<16xf32>,
        %broadcast_in_dim3A_200 = arith.constant -3.000000e+38 : f32
        %broadcast_in_dim3A_201 = vector.broadcast %broadcast_in_dim3A_200 : f32 to vector<16xf32>
        %swap3A_202 = arith.index_cast %scan3A_85 : i32 to index
        %swap3A_203 = arith.constant 80 : index
        %swap3A_204 = tpu.vector_load %arg17[%swap3A_202, %swap3A_203] {strides = array<i32>} : memref<160x128xf32, #tpu.memory_space<vmem>>, vector<16xf32>,
        tpu.vector_store %arg17[%swap3A_202, %swap3A_203], %broadcast_in_dim3A_201 {strides = array<i32>} : memref<160x128xf32, #tpu.memory_space<vmem>>, vector<16xf32>,
        %broadcast_in_dim3A_205 = arith.constant 0.000000e+00 : f32
        %broadcast_in_dim3A_206 = vector.broadcast %broadcast_in_dim3A_205 : f32 to vector<16xf32>
        %swap3A_207 = arith.index_cast %scan3A_85 : i32 to index
        %swap3A_208 = arith.constant 96 : index
        %swap3A_209 = tpu.vector_load %arg14[%swap3A_207, %swap3A_208] {strides = array<i32>} : memref<160x128xf32, #tpu.memory_space<vmem>>, vector<16xf32>,
        tpu.vector_store %arg14[%swap3A_207, %swap3A_208], %broadcast_in_dim3A_206 {strides = array<i32>} : memref<160x128xf32, #tpu.memory_space<vmem>>, vector<16xf32>,
        %broadcast_in_dim3A_210 = arith.constant 0.000000e+00 : f32
        %broadcast_in_dim3A_211 = vector.broadcast %broadcast_in_dim3A_210 : f32 to vector<16xf32>
        %swap3A_212 = arith.index_cast %scan3A_85 : i32 to index
        %swap3A_213 = arith.constant 96 : index
        %swap3A_214 = tpu.vector_load %arg15[%swap3A_212, %swap3A_213] {strides = array<i32>} : memref<160x128xf32, #tpu.memory_space<vmem>>, vector<16xf32>,
        tpu.vector_store %arg15[%swap3A_212, %swap3A_213], %broadcast_in_dim3A_211 {strides = array<i32>} : memref<160x128xf32, #tpu.memory_space<vmem>>, vector<16xf32>,
        %broadcast_in_dim3A_215 = arith.constant 3.000000e+38 : f32
        %broadcast_in_dim3A_216 = vector.broadcast %broadcast_in_dim3A_215 : f32 to vector<16xf32>
        %swap3A_217 = arith.index_cast %scan3A_85 : i32 to index
        %swap3A_218 = arith.constant 96 : index
        %swap3A_219 = tpu.vector_load %arg16[%swap3A_217, %swap3A_218] {strides = array<i32>} : memref<160x128xf32, #tpu.memory_space<vmem>>, vector<16xf32>,
        tpu.vector_store %arg16[%swap3A_217, %swap3A_218], %broadcast_in_dim3A_216 {strides = array<i32>} : memref<160x128xf32, #tpu.memory_space<vmem>>, vector<16xf32>,
        %broadcast_in_dim3A_220 = arith.constant -3.000000e+38 : f32
        %broadcast_in_dim3A_221 = vector.broadcast %broadcast_in_dim3A_220 : f32 to vector<16xf32>
        %swap3A_222 = arith.index_cast %scan3A_85 : i32 to index
        %swap3A_223 = arith.constant 96 : index
        %swap3A_224 = tpu.vector_load %arg17[%swap3A_222, %swap3A_223] {strides = array<i32>} : memref<160x128xf32, #tpu.memory_space<vmem>>, vector<16xf32>,
        tpu.vector_store %arg17[%swap3A_222, %swap3A_223], %broadcast_in_dim3A_221 {strides = array<i32>} : memref<160x128xf32, #tpu.memory_space<vmem>>, vector<16xf32>,
        %broadcast_in_dim3A_225 = arith.constant 0.000000e+00 : f32
        %broadcast_in_dim3A_226 = vector.broadcast %broadcast_in_dim3A_225 : f32 to vector<16xf32>
        %swap3A_227 = arith.index_cast %scan3A_85 : i32 to index
        %swap3A_228 = arith.constant 112 : index
        %swap3A_229 = tpu.vector_load %arg14[%swap3A_227, %swap3A_228] {strides = array<i32>} : memref<160x128xf32, #tpu.memory_space<vmem>>, vector<16xf32>,
        tpu.vector_store %arg14[%swap3A_227, %swap3A_228], %broadcast_in_dim3A_226 {strides = array<i32>} : memref<160x128xf32, #tpu.memory_space<vmem>>, vector<16xf32>,
        %broadcast_in_dim3A_230 = arith.constant 0.000000e+00 : f32
        %broadcast_in_dim3A_231 = vector.broadcast %broadcast_in_dim3A_230 : f32 to vector<16xf32>
        %swap3A_232 = arith.index_cast %scan3A_85 : i32 to index
        %swap3A_233 = arith.constant 112 : index
        %swap3A_234 = tpu.vector_load %arg15[%swap3A_232, %swap3A_233] {strides = array<i32>} : memref<160x128xf32, #tpu.memory_space<vmem>>, vector<16xf32>,
        tpu.vector_store %arg15[%swap3A_232, %swap3A_233], %broadcast_in_dim3A_231 {strides = array<i32>} : memref<160x128xf32, #tpu.memory_space<vmem>>, vector<16xf32>,
        %broadcast_in_dim3A_235 = arith.constant 3.000000e+38 : f32
        %broadcast_in_dim3A_236 = vector.broadcast %broadcast_in_dim3A_235 : f32 to vector<16xf32>
        %swap3A_237 = arith.index_cast %scan3A_85 : i32 to index
        %swap3A_238 = arith.constant 112 : index
        %swap3A_239 = tpu.vector_load %arg16[%swap3A_237, %swap3A_238] {strides = array<i32>} : memref<160x128xf32, #tpu.memory_space<vmem>>, vector<16xf32>,
        tpu.vector_store %arg16[%swap3A_237, %swap3A_238], %broadcast_in_dim3A_236 {strides = array<i32>} : memref<160x128xf32, #tpu.memory_space<vmem>>, vector<16xf32>,
        %broadcast_in_dim3A_240 = arith.constant -3.000000e+38 : f32
        %broadcast_in_dim3A_241 = vector.broadcast %broadcast_in_dim3A_240 : f32 to vector<16xf32>
        %swap3A_242 = arith.index_cast %scan3A_85 : i32 to index
        %swap3A_243 = arith.constant 112 : index
        %swap3A_244 = tpu.vector_load %arg17[%swap3A_242, %swap3A_243] {strides = array<i32>} : memref<160x128xf32, #tpu.memory_space<vmem>>, vector<16xf32>,
        tpu.vector_store %arg17[%swap3A_242, %swap3A_243], %broadcast_in_dim3A_241 {strides = array<i32>} : memref<160x128xf32, #tpu.memory_space<vmem>>, vector<16xf32>,
        %scan3A_245 = arith.constant 0 : i32
        scf.yield %scan3A_245 : i32
      }
      %scan3A_69 = arith.constant 160 : i32
      %while3A_70 = arith.constant 0 : i32
      %while3A_71 = arith.constant 0 : i32
      %while3A_72 = arith.subi %select_n3A, %while3A_70 : i32
      %while3A_73 = arith.addi %while3A_70, %while3A_72 : i32
      %while3A_74 = arith.constant 1 : i32
      %while3A_75 = arith.divsi %while3A_72, %while3A_74 : i32
      %while3A_76 = arith.muli %while3A_75, %while3A_74 : i32
      %while3A_77 = arith.addi %while3A_70, %while3A_76 : i32
      %while3A_78 = arith.constant 1 : i32
      %while3A_79 = scf.for %while3A_85 = %while3A_70 to %while3A_77 step %while3A_78 iter_args(%while3A_86 = %while3A_71) -> (i32)  : i32 {
        %mul3A_87 = arith.constant 128 : i32
        %mul3A_88 = arith.muli %while3A_85, %mul3A_87 : i32
        %scan3A_89 = arith.constant 0 : i32
        %scan3A_90 = arith.constant 0 : i32
        %scan3A_91 = arith.constant 8 : i32
        %scan3A_92 = arith.addi %scan3A_90, %scan3A_91 : i32
        %scan3A_93 = arith.constant 1 : i32
        %scan3A_94 = scf.for %scan3A_115 = %scan3A_90 to %scan3A_92 step %scan3A_93 iter_args(%scan3A_116 = %scan3A_89) -> (i32)  : i32 {
          %mul3A_117 = arith.constant 16 : i32
          %mul3A_118 = arith.muli %scan3A_115, %mul3A_117 : i32
          %add3A_119 = arith.addi %mul3A_88, %mul3A_118 : i32
          %get3A = arith.index_cast %add3A_119 : i32 to index
          %get3A_120 = tpu.vector_load %arg10[%get3A] {strides = array<i32>} : memref<2064xi32, #tpu.memory_space<vmem>>, vector<16xi32>,
          %mul3A_121 = arith.constant 10 : i32
          %mul3A_122 = vector.broadcast %mul3A_121 : i32 to vector<16xi32>
          %mul3A_123 = arith.muli %get3A_120, %mul3A_122 : vector<16xi32>
          %add3A_124 = vector.broadcast %scan3A_61 : i32 to vector<16xi32>
          %add3A_125 = arith.addi %mul3A_123, %add3A_124 : vector<16xi32>
          %mul3A_126 = arith.constant 16 : i32
          %mul3A_127 = arith.muli %scan3A_115, %mul3A_126 : i32
          %swap3A = arith.index_cast %mul3A_127 : i32 to index
          %swap3A_128 = tpu.vector_load %arg12[%swap3A] {strides = array<i32>} : memref<128xi32, #tpu.memory_space<vmem>>, vector<16xi32>,
          tpu.vector_store %arg12[%swap3A], %add3A_125 {strides = array<i32>} : memref<128xi32, #tpu.memory_space<vmem>>, vector<16xi32>,
          %scan3A_129 = arith.constant 0 : i32
          scf.yield %scan3A_129 : i32
        }
        %scan3A_95 = arith.constant 8 : i32
        %dma_start3A = arith.constant 0 : i32
        %dma_start3A_96 = arith.constant 0 : i32
        %dma_start3A_97 = tpu.memref_slice %arg2[%dma_start3A, %dma_start3A_96] : memref<153600x128xf32, #tpu.memory_space<hbm>> -> memref<153600x128xf32, #tpu.memory_space<hbm>>
        tpu.enqueue_indirect_dma source(%dma_start3A_97 : memref<153600x128xf32, #tpu.memory_space<hbm>>) target(%arg13 : memref<128x128xf32, #tpu.memory_space<vmem>>) offsets(%arg12 : memref<128xi32, #tpu.memory_space<vmem>>) semaphore(%arg19 : memref<!tpu.dma_semaphore, #tpu.memory_space<semaphore_mem>>)
        %dma_wait3A = arith.constant 0 : i32
        %dma_wait3A_98 = arith.constant 0 : i32
        %dma_wait3A_99 = tpu.memref_slice %arg2[%dma_wait3A, %dma_wait3A_98] : memref<153600x128xf32, #tpu.memory_space<hbm>> -> memref<153600x128xf32, #tpu.memory_space<hbm>>
        tpu.wait_indirect_dma semaphore(%arg19 : memref<!tpu.dma_semaphore, #tpu.memory_space<semaphore_mem>>) src(%dma_wait3A_99 : memref<153600x128xf32, #tpu.memory_space<hbm>>) dst(%arg13 : memref<128x128xf32, #tpu.memory_space<vmem>>)
        %sub3A_100 = arith.subi %scan3A_14, %mul3A_88 : i32
        %min3A = arith.constant 128 : i32
        %min3A_101 = arith.minsi %sub3A_100, %min3A : i32
        %while3A_102 = arith.constant 0 : i32
        %while3A_103 = arith.constant 0 : i32
        %while3A_104 = arith.subi %min3A_101, %while3A_102 : i32
        %while3A_105 = arith.addi %while3A_102, %while3A_104 : i32
        %while3A_106 = arith.constant 1 : i32
        %while3A_107 = arith.divsi %while3A_104, %while3A_106 : i32
        %while3A_108 = arith.muli %while3A_107, %while3A_106 : i32
        %while3A_109 = arith.addi %while3A_102, %while3A_108 : i32
        %while3A_110 = arith.constant 1 : i32
        %while3A_111 = scf.for %while3A_115 = %while3A_102 to %while3A_109 step %while3A_110 iter_args(%while3A_116 = %while3A_103) -> (i32)  : i32 {
          %add3A_117 = arith.addi %mul3A_88, %while3A_115 : i32
          %get3A = arith.index_cast %add3A_117 : i32 to index
          %get3A_118 = tpu.vector_load %arg11[%get3A] {strides = array<i32>} : memref<2064xi32, #tpu.memory_space<vmem>>, vector<16xi32>,
          %slice3A = vector.extract_strided_slice %get3A_118 {offsets = [0], sizes = [1], strides = [1]} : vector<16xi32> to vector<1xi32>
          %squeeze3A = vector.extract %slice3A[0] : i32 from vector<1xi32>
          %get3A_119 = arith.index_cast %while3A_115 : i32 to index
          %get3A_120 = arith.constant 0 : index
          %get3A_121 = tpu.vector_load %arg13[%get3A_119, %get3A_120] {strides = array<i32>} : memref<128x128xf32, #tpu.memory_space<vmem>>, vector<16xf32>,
          %get3A_122 = arith.index_cast %while3A_115 : i32 to index
          %get3A_123 = arith.constant 16 : index
          %get3A_124 = tpu.vector_load %arg13[%get3A_122, %get3A_123] {strides = array<i32>} : memref<128x128xf32, #tpu.memory_space<vmem>>, vector<16xf32>,
          %get3A_125 = arith.index_cast %while3A_115 : i32 to index
          %get3A_126 = arith.constant 32 : index
          %get3A_127 = tpu.vector_load %arg13[%get3A_125, %get3A_126] {strides = array<i32>} : memref<128x128xf32, #tpu.memory_space<vmem>>, vector<16xf32>,
          %get3A_128 = arith.index_cast %while3A_115 : i32 to index
          %get3A_129 = arith.constant 48 : index
          %get3A_130 = tpu.vector_load %arg13[%get3A_128, %get3A_129] {strides = array<i32>} : memref<128x128xf32, #tpu.memory_space<vmem>>, vector<16xf32>,
          %get3A_131 = arith.index_cast %while3A_115 : i32 to index
          %get3A_132 = arith.constant 64 : index
          %get3A_133 = tpu.vector_load %arg13[%get3A_131, %get3A_132] {strides = array<i32>} : memref<128x128xf32, #tpu.memory_space<vmem>>, vector<16xf32>,
          %get3A_134 = arith.index_cast %while3A_115 : i32 to index
          %get3A_135 = arith.constant 80 : index
          %get3A_136 = tpu.vector_load %arg13[%get3A_134, %get3A_135] {strides = array<i32>} : memref<128x128xf32, #tpu.memory_space<vmem>>, vector<16xf32>,
          %get3A_137 = arith.index_cast %while3A_115 : i32 to index
          %get3A_138 = arith.constant 96 : index
          %get3A_139 = tpu.vector_load %arg13[%get3A_137, %get3A_138] {strides = array<i32>} : memref<128x128xf32, #tpu.memory_space<vmem>>, vector<16xf32>,
          %get3A_140 = arith.index_cast %while3A_115 : i32 to index
          %get3A_141 = arith.constant 112 : index
          %get3A_142 = tpu.vector_load %arg13[%get3A_140, %get3A_141] {strides = array<i32>} : memref<128x128xf32, #tpu.memory_space<vmem>>, vector<16xf32>,
          %get3A_143 = arith.index_cast %squeeze3A : i32 to index
          %get3A_144 = arith.constant 0 : index
          %get3A_145 = tpu.vector_load %arg14[%get3A_143, %get3A_144] {strides = array<i32>} : memref<160x128xf32, #tpu.memory_space<vmem>>, vector<16xf32>,
          %get3A_146 = arith.index_cast %squeeze3A : i32 to index
          %get3A_147 = arith.constant 16 : index
          %get3A_148 = tpu.vector_load %arg14[%get3A_146, %get3A_147] {strides = array<i32>} : memref<160x128xf32, #tpu.memory_space<vmem>>, vector<16xf32>,
          %get3A_149 = arith.index_cast %squeeze3A : i32 to index
          %get3A_150 = arith.constant 32 : index
          %get3A_151 = tpu.vector_load %arg14[%get3A_149, %get3A_150] {strides = array<i32>} : memref<160x128xf32, #tpu.memory_space<vmem>>, vector<16xf32>,
          %get3A_152 = arith.index_cast %squeeze3A : i32 to index
          %get3A_153 = arith.constant 48 : index
          %get3A_154 = tpu.vector_load %arg14[%get3A_152, %get3A_153] {strides = array<i32>} : memref<160x128xf32, #tpu.memory_space<vmem>>, vector<16xf32>,
          %get3A_155 = arith.index_cast %squeeze3A : i32 to index
          %get3A_156 = arith.constant 64 : index
          %get3A_157 = tpu.vector_load %arg14[%get3A_155, %get3A_156] {strides = array<i32>} : memref<160x128xf32, #tpu.memory_space<vmem>>, vector<16xf32>,
          %get3A_158 = arith.index_cast %squeeze3A : i32 to index
          %get3A_159 = arith.constant 80 : index
          %get3A_160 = tpu.vector_load %arg14[%get3A_158, %get3A_159] {strides = array<i32>} : memref<160x128xf32, #tpu.memory_space<vmem>>, vector<16xf32>,
          %get3A_161 = arith.index_cast %squeeze3A : i32 to index
          %get3A_162 = arith.constant 96 : index
          %get3A_163 = tpu.vector_load %arg14[%get3A_161, %get3A_162] {strides = array<i32>} : memref<160x128xf32, #tpu.memory_space<vmem>>, vector<16xf32>,
          %get3A_164 = arith.index_cast %squeeze3A : i32 to index
          %get3A_165 = arith.constant 112 : index
          %get3A_166 = tpu.vector_load %arg14[%get3A_164, %get3A_165] {strides = array<i32>} : memref<160x128xf32, #tpu.memory_space<vmem>>, vector<16xf32>,
          %get3A_167 = arith.index_cast %squeeze3A : i32 to index
          %get3A_168 = arith.constant 0 : index
          %get3A_169 = tpu.vector_load %arg15[%get3A_167, %get3A_168] {strides = array<i32>} : memref<160x128xf32, #tpu.memory_space<vmem>>, vector<16xf32>,
          %get3A_170 = arith.index_cast %squeeze3A : i32 to index
          %get3A_171 = arith.constant 16 : index
          %get3A_172 = tpu.vector_load %arg15[%get3A_170, %get3A_171] {strides = array<i32>} : memref<160x128xf32, #tpu.memory_space<vmem>>, vector<16xf32>,
          %get3A_173 = arith.index_cast %squeeze3A : i32 to index
          %get3A_174 = arith.constant 32 : index
          %get3A_175 = tpu.vector_load %arg15[%get3A_173, %get3A_174] {strides = array<i32>} : memref<160x128xf32, #tpu.memory_space<vmem>>, vector<16xf32>,
          %get3A_176 = arith.index_cast %squeeze3A : i32 to index
          %get3A_177 = arith.constant 48 : index
          %get3A_178 = tpu.vector_load %arg15[%get3A_176, %get3A_177] {strides = array<i32>} : memref<160x128xf32, #tpu.memory_space<vmem>>, vector<16xf32>,
          %get3A_179 = arith.index_cast %squeeze3A : i32 to index
          %get3A_180 = arith.constant 64 : index
          %get3A_181 = tpu.vector_load %arg15[%get3A_179, %get3A_180] {strides = array<i32>} : memref<160x128xf32, #tpu.memory_space<vmem>>, vector<16xf32>,
          %get3A_182 = arith.index_cast %squeeze3A : i32 to index
          %get3A_183 = arith.constant 80 : index
          %get3A_184 = tpu.vector_load %arg15[%get3A_182, %get3A_183] {strides = array<i32>} : memref<160x128xf32, #tpu.memory_space<vmem>>, vector<16xf32>,
          %get3A_185 = arith.index_cast %squeeze3A : i32 to index
          %get3A_186 = arith.constant 96 : index
          %get3A_187 = tpu.vector_load %arg15[%get3A_185, %get3A_186] {strides = array<i32>} : memref<160x128xf32, #tpu.memory_space<vmem>>, vector<16xf32>,
          %get3A_188 = arith.index_cast %squeeze3A : i32 to index
          %get3A_189 = arith.constant 112 : index
          %get3A_190 = tpu.vector_load %arg15[%get3A_188, %get3A_189] {strides = array<i32>} : memref<160x128xf32, #tpu.memory_space<vmem>>, vector<16xf32>,
          %get3A_191 = arith.index_cast %squeeze3A : i32 to index
          %get3A_192 = arith.constant 0 : index
          %get3A_193 = tpu.vector_load %arg16[%get3A_191, %get3A_192] {strides = array<i32>} : memref<160x128xf32, #tpu.memory_space<vmem>>, vector<16xf32>,
          %get3A_194 = arith.index_cast %squeeze3A : i32 to index
          %get3A_195 = arith.constant 16 : index
          %get3A_196 = tpu.vector_load %arg16[%get3A_194, %get3A_195] {strides = array<i32>} : memref<160x128xf32, #tpu.memory_space<vmem>>, vector<16xf32>,
          %get3A_197 = arith.index_cast %squeeze3A : i32 to index
          %get3A_198 = arith.constant 32 : index
          %get3A_199 = tpu.vector_load %arg16[%get3A_197, %get3A_198] {strides = array<i32>} : memref<160x128xf32, #tpu.memory_space<vmem>>, vector<16xf32>,
          %get3A_200 = arith.index_cast %squeeze3A : i32 to index
          %get3A_201 = arith.constant 48 : index
          %get3A_202 = tpu.vector_load %arg16[%get3A_200, %get3A_201] {strides = array<i32>} : memref<160x128xf32, #tpu.memory_space<vmem>>, vector<16xf32>,
          %get3A_203 = arith.index_cast %squeeze3A : i32 to index
          %get3A_204 = arith.constant 64 : index
          %get3A_205 = tpu.vector_load %arg16[%get3A_203, %get3A_204] {strides = array<i32>} : memref<160x128xf32, #tpu.memory_space<vmem>>, vector<16xf32>,
          %get3A_206 = arith.index_cast %squeeze3A : i32 to index
          %get3A_207 = arith.constant 80 : index
          %get3A_208 = tpu.vector_load %arg16[%get3A_206, %get3A_207] {strides = array<i32>} : memref<160x128xf32, #tpu.memory_space<vmem>>, vector<16xf32>,
          %get3A_209 = arith.index_cast %squeeze3A : i32 to index
          %get3A_210 = arith.constant 96 : index
          %get3A_211 = tpu.vector_load %arg16[%get3A_209, %get3A_210] {strides = array<i32>} : memref<160x128xf32, #tpu.memory_space<vmem>>, vector<16xf32>,
          %get3A_212 = arith.index_cast %squeeze3A : i32 to index
          %get3A_213 = arith.constant 112 : index
          %get3A_214 = tpu.vector_load %arg16[%get3A_212, %get3A_213] {strides = array<i32>} : memref<160x128xf32, #tpu.memory_space<vmem>>, vector<16xf32>,
          %get3A_215 = arith.index_cast %squeeze3A : i32 to index
          %get3A_216 = arith.constant 0 : index
          %get3A_217 = tpu.vector_load %arg17[%get3A_215, %get3A_216] {strides = array<i32>} : memref<160x128xf32, #tpu.memory_space<vmem>>, vector<16xf32>,
          %get3A_218 = arith.index_cast %squeeze3A : i32 to index
          %get3A_219 = arith.constant 16 : index
          %get3A_220 = tpu.vector_load %arg17[%get3A_218, %get3A_219] {strides = array<i32>} : memref<160x128xf32, #tpu.memory_space<vmem>>, vector<16xf32>,
          %get3A_221 = arith.index_cast %squeeze3A : i32 to index
          %get3A_222 = arith.constant 32 : index
          %get3A_223 = tpu.vector_load %arg17[%get3A_221, %get3A_222] {strides = array<i32>} : memref<160x128xf32, #tpu.memory_space<vmem>>, vector<16xf32>,
          %get3A_224 = arith.index_cast %squeeze3A : i32 to index
          %get3A_225 = arith.constant 48 : index
          %get3A_226 = tpu.vector_load %arg17[%get3A_224, %get3A_225] {strides = array<i32>} : memref<160x128xf32, #tpu.memory_space<vmem>>, vector<16xf32>,
          %get3A_227 = arith.index_cast %squeeze3A : i32 to index
          %get3A_228 = arith.constant 64 : index
          %get3A_229 = tpu.vector_load %arg17[%get3A_227, %get3A_228] {strides = array<i32>} : memref<160x128xf32, #tpu.memory_space<vmem>>, vector<16xf32>,
          %get3A_230 = arith.index_cast %squeeze3A : i32 to index
          %get3A_231 = arith.constant 80 : index
          %get3A_232 = tpu.vector_load %arg17[%get3A_230, %get3A_231] {strides = array<i32>} : memref<160x128xf32, #tpu.memory_space<vmem>>, vector<16xf32>,
          %get3A_233 = arith.index_cast %squeeze3A : i32 to index
          %get3A_234 = arith.constant 96 : index
          %get3A_235 = tpu.vector_load %arg17[%get3A_233, %get3A_234] {strides = array<i32>} : memref<160x128xf32, #tpu.memory_space<vmem>>, vector<16xf32>,
          %get3A_236 = arith.index_cast %squeeze3A : i32 to index
          %get3A_237 = arith.constant 112 : index
          %get3A_238 = tpu.vector_load %arg17[%get3A_236, %get3A_237] {strides = array<i32>} : memref<160x128xf32, #tpu.memory_space<vmem>>, vector<16xf32>,
          %add3A_239 = arith.addf %get3A_145, %get3A_121 : vector<16xf32>
          %add3A_240 = arith.addf %get3A_148, %get3A_124 : vector<16xf32>
          %add3A_241 = arith.addf %get3A_151, %get3A_127 : vector<16xf32>
          %add3A_242 = arith.addf %get3A_154, %get3A_130 : vector<16xf32>
          %add3A_243 = arith.addf %get3A_157, %get3A_133 : vector<16xf32>
          %add3A_244 = arith.addf %get3A_160, %get3A_136 : vector<16xf32>
          %add3A_245 = arith.addf %get3A_163, %get3A_139 : vector<16xf32>
          %add3A_246 = arith.addf %get3A_166, %get3A_142 : vector<16xf32>
          %mul3A_247 = arith.mulf %get3A_121, %get3A_121 : vector<16xf32>
          %add3A_248 = arith.addf %get3A_169, %mul3A_247 : vector<16xf32>
          %mul3A_249 = arith.mulf %get3A_124, %get3A_124 : vector<16xf32>
          %add3A_250 = arith.addf %get3A_172, %mul3A_249 : vector<16xf32>
          %mul3A_251 = arith.mulf %get3A_127, %get3A_127 : vector<16xf32>
          %add3A_252 = arith.addf %get3A_175, %mul3A_251 : vector<16xf32>
          %mul3A_253 = arith.mulf %get3A_130, %get3A_130 : vector<16xf32>
          %add3A_254 = arith.addf %get3A_178, %mul3A_253 : vector<16xf32>
          %mul3A_255 = arith.mulf %get3A_133, %get3A_133 : vector<16xf32>
          %add3A_256 = arith.addf %get3A_181, %mul3A_255 : vector<16xf32>
          %mul3A_257 = arith.mulf %get3A_136, %get3A_136 : vector<16xf32>
          %add3A_258 = arith.addf %get3A_184, %mul3A_257 : vector<16xf32>
          %mul3A_259 = arith.mulf %get3A_139, %get3A_139 : vector<16xf32>
          %add3A_260 = arith.addf %get3A_187, %mul3A_259 : vector<16xf32>
          %mul3A_261 = arith.mulf %get3A_142, %get3A_142 : vector<16xf32>
          %add3A_262 = arith.addf %get3A_190, %mul3A_261 : vector<16xf32>
          %min3A_263 = arith.minimumf %get3A_193, %get3A_121 : vector<16xf32>
          %min3A_264 = arith.minimumf %get3A_196, %get3A_124 : vector<16xf32>
          %min3A_265 = arith.minimumf %get3A_199, %get3A_127 : vector<16xf32>
          %min3A_266 = arith.minimumf %get3A_202, %get3A_130 : vector<16xf32>
          %min3A_267 = arith.minimumf %get3A_205, %get3A_133 : vector<16xf32>
          %min3A_268 = arith.minimumf %get3A_208, %get3A_136 : vector<16xf32>
          %min3A_269 = arith.minimumf %get3A_211, %get3A_139 : vector<16xf32>
          %min3A_270 = arith.minimumf %get3A_214, %get3A_142 : vector<16xf32>
          %max3A = arith.maximumf %get3A_217, %get3A_121 : vector<16xf32>
          %max3A_271 = arith.maximumf %get3A_220, %get3A_124 : vector<16xf32>
          %max3A_272 = arith.maximumf %get3A_223, %get3A_127 : vector<16xf32>
          %max3A_273 = arith.maximumf %get3A_226, %get3A_130 : vector<16xf32>
          %max3A_274 = arith.maximumf %get3A_229, %get3A_133 : vector<16xf32>
          %max3A_275 = arith.maximumf %get3A_232, %get3A_136 : vector<16xf32>
          %max3A_276 = arith.maximumf %get3A_235, %get3A_139 : vector<16xf32>
          %max3A_277 = arith.maximumf %get3A_238, %get3A_142 : vector<16xf32>
          %swap3A = arith.index_cast %squeeze3A : i32 to index
          %swap3A_278 = arith.constant 0 : index
          %swap3A_279 = tpu.vector_load %arg14[%swap3A, %swap3A_278] {strides = array<i32>} : memref<160x128xf32, #tpu.memory_space<vmem>>, vector<16xf32>,
          tpu.vector_store %arg14[%swap3A, %swap3A_278], %add3A_239 {strides = array<i32>} : memref<160x128xf32, #tpu.memory_space<vmem>>, vector<16xf32>,
          %swap3A_280 = arith.index_cast %squeeze3A : i32 to index
          %swap3A_281 = arith.constant 0 : index
          %swap3A_282 = tpu.vector_load %arg15[%swap3A_280, %swap3A_281] {strides = array<i32>} : memref<160x128xf32, #tpu.memory_space<vmem>>, vector<16xf32>,
          tpu.vector_store %arg15[%swap3A_280, %swap3A_281], %add3A_248 {strides = array<i32>} : memref<160x128xf32, #tpu.memory_space<vmem>>, vector<16xf32>,
          %swap3A_283 = arith.index_cast %squeeze3A : i32 to index
          %swap3A_284 = arith.constant 0 : index
          %swap3A_285 = tpu.vector_load %arg16[%swap3A_283, %swap3A_284] {strides = array<i32>} : memref<160x128xf32, #tpu.memory_space<vmem>>, vector<16xf32>,
          tpu.vector_store %arg16[%swap3A_283, %swap3A_284], %min3A_263 {strides = array<i32>} : memref<160x128xf32, #tpu.memory_space<vmem>>, vector<16xf32>,
          %swap3A_286 = arith.index_cast %squeeze3A : i32 to index
          %swap3A_287 = arith.constant 0 : index
          %swap3A_288 = tpu.vector_load %arg17[%swap3A_286, %swap3A_287] {strides = array<i32>} : memref<160x128xf32, #tpu.memory_space<vmem>>, vector<16xf32>,
          tpu.vector_store %arg17[%swap3A_286, %swap3A_287], %max3A {strides = array<i32>} : memref<160x128xf32, #tpu.memory_space<vmem>>, vector<16xf32>,
          %swap3A_289 = arith.index_cast %squeeze3A : i32 to index
          %swap3A_290 = arith.constant 16 : index
          %swap3A_291 = tpu.vector_load %arg14[%swap3A_289, %swap3A_290] {strides = array<i32>} : memref<160x128xf32, #tpu.memory_space<vmem>>, vector<16xf32>,
          tpu.vector_store %arg14[%swap3A_289, %swap3A_290], %add3A_240 {strides = array<i32>} : memref<160x128xf32, #tpu.memory_space<vmem>>, vector<16xf32>,
          %swap3A_292 = arith.index_cast %squeeze3A : i32 to index
          %swap3A_293 = arith.constant 16 : index
          %swap3A_294 = tpu.vector_load %arg15[%swap3A_292, %swap3A_293] {strides = array<i32>} : memref<160x128xf32, #tpu.memory_space<vmem>>, vector<16xf32>,
          tpu.vector_store %arg15[%swap3A_292, %swap3A_293], %add3A_250 {strides = array<i32>} : memref<160x128xf32, #tpu.memory_space<vmem>>, vector<16xf32>,
          %swap3A_295 = arith.index_cast %squeeze3A : i32 to index
          %swap3A_296 = arith.constant 16 : index
          %swap3A_297 = tpu.vector_load %arg16[%swap3A_295, %swap3A_296] {strides = array<i32>} : memref<160x128xf32, #tpu.memory_space<vmem>>, vector<16xf32>,
          tpu.vector_store %arg16[%swap3A_295, %swap3A_296], %min3A_264 {strides = array<i32>} : memref<160x128xf32, #tpu.memory_space<vmem>>, vector<16xf32>,
          %swap3A_298 = arith.index_cast %squeeze3A : i32 to index
          %swap3A_299 = arith.constant 16 : index
          %swap3A_300 = tpu.vector_load %arg17[%swap3A_298, %swap3A_299] {strides = array<i32>} : memref<160x128xf32, #tpu.memory_space<vmem>>, vector<16xf32>,
          tpu.vector_store %arg17[%swap3A_298, %swap3A_299], %max3A_271 {strides = array<i32>} : memref<160x128xf32, #tpu.memory_space<vmem>>, vector<16xf32>,
          %swap3A_301 = arith.index_cast %squeeze3A : i32 to index
          %swap3A_302 = arith.constant 32 : index
          %swap3A_303 = tpu.vector_load %arg14[%swap3A_301, %swap3A_302] {strides = array<i32>} : memref<160x128xf32, #tpu.memory_space<vmem>>, vector<16xf32>,
          tpu.vector_store %arg14[%swap3A_301, %swap3A_302], %add3A_241 {strides = array<i32>} : memref<160x128xf32, #tpu.memory_space<vmem>>, vector<16xf32>,
          %swap3A_304 = arith.index_cast %squeeze3A : i32 to index
          %swap3A_305 = arith.constant 32 : index
          %swap3A_306 = tpu.vector_load %arg15[%swap3A_304, %swap3A_305] {strides = array<i32>} : memref<160x128xf32, #tpu.memory_space<vmem>>, vector<16xf32>,
          tpu.vector_store %arg15[%swap3A_304, %swap3A_305], %add3A_252 {strides = array<i32>} : memref<160x128xf32, #tpu.memory_space<vmem>>, vector<16xf32>,
          %swap3A_307 = arith.index_cast %squeeze3A : i32 to index
          %swap3A_308 = arith.constant 32 : index
          %swap3A_309 = tpu.vector_load %arg16[%swap3A_307, %swap3A_308] {strides = array<i32>} : memref<160x128xf32, #tpu.memory_space<vmem>>, vector<16xf32>,
          tpu.vector_store %arg16[%swap3A_307, %swap3A_308], %min3A_265 {strides = array<i32>} : memref<160x128xf32, #tpu.memory_space<vmem>>, vector<16xf32>,
          %swap3A_310 = arith.index_cast %squeeze3A : i32 to index
          %swap3A_311 = arith.constant 32 : index
          %swap3A_312 = tpu.vector_load %arg17[%swap3A_310, %swap3A_311] {strides = array<i32>} : memref<160x128xf32, #tpu.memory_space<vmem>>, vector<16xf32>,
          tpu.vector_store %arg17[%swap3A_310, %swap3A_311], %max3A_272 {strides = array<i32>} : memref<160x128xf32, #tpu.memory_space<vmem>>, vector<16xf32>,
          %swap3A_313 = arith.index_cast %squeeze3A : i32 to index
          %swap3A_314 = arith.constant 48 : index
          %swap3A_315 = tpu.vector_load %arg14[%swap3A_313, %swap3A_314] {strides = array<i32>} : memref<160x128xf32, #tpu.memory_space<vmem>>, vector<16xf32>,
          tpu.vector_store %arg14[%swap3A_313, %swap3A_314], %add3A_242 {strides = array<i32>} : memref<160x128xf32, #tpu.memory_space<vmem>>, vector<16xf32>,
          %swap3A_316 = arith.index_cast %squeeze3A : i32 to index
          %swap3A_317 = arith.constant 48 : index
          %swap3A_318 = tpu.vector_load %arg15[%swap3A_316, %swap3A_317] {strides = array<i32>} : memref<160x128xf32, #tpu.memory_space<vmem>>, vector<16xf32>,
          tpu.vector_store %arg15[%swap3A_316, %swap3A_317], %add3A_254 {strides = array<i32>} : memref<160x128xf32, #tpu.memory_space<vmem>>, vector<16xf32>,
          %swap3A_319 = arith.index_cast %squeeze3A : i32 to index
          %swap3A_320 = arith.constant 48 : index
          %swap3A_321 = tpu.vector_load %arg16[%swap3A_319, %swap3A_320] {strides = array<i32>} : memref<160x128xf32, #tpu.memory_space<vmem>>, vector<16xf32>,
          tpu.vector_store %arg16[%swap3A_319, %swap3A_320], %min3A_266 {strides = array<i32>} : memref<160x128xf32, #tpu.memory_space<vmem>>, vector<16xf32>,
          %swap3A_322 = arith.index_cast %squeeze3A : i32 to index
          %swap3A_323 = arith.constant 48 : index
          %swap3A_324 = tpu.vector_load %arg17[%swap3A_322, %swap3A_323] {strides = array<i32>} : memref<160x128xf32, #tpu.memory_space<vmem>>, vector<16xf32>,
          tpu.vector_store %arg17[%swap3A_322, %swap3A_323], %max3A_273 {strides = array<i32>} : memref<160x128xf32, #tpu.memory_space<vmem>>, vector<16xf32>,
          %swap3A_325 = arith.index_cast %squeeze3A : i32 to index
          %swap3A_326 = arith.constant 64 : index
          %swap3A_327 = tpu.vector_load %arg14[%swap3A_325, %swap3A_326] {strides = array<i32>} : memref<160x128xf32, #tpu.memory_space<vmem>>, vector<16xf32>,
          tpu.vector_store %arg14[%swap3A_325, %swap3A_326], %add3A_243 {strides = array<i32>} : memref<160x128xf32, #tpu.memory_space<vmem>>, vector<16xf32>,
          %swap3A_328 = arith.index_cast %squeeze3A : i32 to index
          %swap3A_329 = arith.constant 64 : index
          %swap3A_330 = tpu.vector_load %arg15[%swap3A_328, %swap3A_329] {strides = array<i32>} : memref<160x128xf32, #tpu.memory_space<vmem>>, vector<16xf32>,
          tpu.vector_store %arg15[%swap3A_328, %swap3A_329], %add3A_256 {strides = array<i32>} : memref<160x128xf32, #tpu.memory_space<vmem>>, vector<16xf32>,
          %swap3A_331 = arith.index_cast %squeeze3A : i32 to index
          %swap3A_332 = arith.constant 64 : index
          %swap3A_333 = tpu.vector_load %arg16[%swap3A_331, %swap3A_332] {strides = array<i32>} : memref<160x128xf32, #tpu.memory_space<vmem>>, vector<16xf32>,
          tpu.vector_store %arg16[%swap3A_331, %swap3A_332], %min3A_267 {strides = array<i32>} : memref<160x128xf32, #tpu.memory_space<vmem>>, vector<16xf32>,
          %swap3A_334 = arith.index_cast %squeeze3A : i32 to index
          %swap3A_335 = arith.constant 64 : index
          %swap3A_336 = tpu.vector_load %arg17[%swap3A_334, %swap3A_335] {strides = array<i32>} : memref<160x128xf32, #tpu.memory_space<vmem>>, vector<16xf32>,
          tpu.vector_store %arg17[%swap3A_334, %swap3A_335], %max3A_274 {strides = array<i32>} : memref<160x128xf32, #tpu.memory_space<vmem>>, vector<16xf32>,
          %swap3A_337 = arith.index_cast %squeeze3A : i32 to index
          %swap3A_338 = arith.constant 80 : index
          %swap3A_339 = tpu.vector_load %arg14[%swap3A_337, %swap3A_338] {strides = array<i32>} : memref<160x128xf32, #tpu.memory_space<vmem>>, vector<16xf32>,
          tpu.vector_store %arg14[%swap3A_337, %swap3A_338], %add3A_244 {strides = array<i32>} : memref<160x128xf32, #tpu.memory_space<vmem>>, vector<16xf32>,
          %swap3A_340 = arith.index_cast %squeeze3A : i32 to index
          %swap3A_341 = arith.constant 80 : index
          %swap3A_342 = tpu.vector_load %arg15[%swap3A_340, %swap3A_341] {strides = array<i32>} : memref<160x128xf32, #tpu.memory_space<vmem>>, vector<16xf32>,
          tpu.vector_store %arg15[%swap3A_340, %swap3A_341], %add3A_258 {strides = array<i32>} : memref<160x128xf32, #tpu.memory_space<vmem>>, vector<16xf32>,
          %swap3A_343 = arith.index_cast %squeeze3A : i32 to index
          %swap3A_344 = arith.constant 80 : index
          %swap3A_345 = tpu.vector_load %arg16[%swap3A_343, %swap3A_344] {strides = array<i32>} : memref<160x128xf32, #tpu.memory_space<vmem>>, vector<16xf32>,
          tpu.vector_store %arg16[%swap3A_343, %swap3A_344], %min3A_268 {strides = array<i32>} : memref<160x128xf32, #tpu.memory_space<vmem>>, vector<16xf32>,
          %swap3A_346 = arith.index_cast %squeeze3A : i32 to index
          %swap3A_347 = arith.constant 80 : index
          %swap3A_348 = tpu.vector_load %arg17[%swap3A_346, %swap3A_347] {strides = array<i32>} : memref<160x128xf32, #tpu.memory_space<vmem>>, vector<16xf32>,
          tpu.vector_store %arg17[%swap3A_346, %swap3A_347], %max3A_275 {strides = array<i32>} : memref<160x128xf32, #tpu.memory_space<vmem>>, vector<16xf32>,
          %swap3A_349 = arith.index_cast %squeeze3A : i32 to index
          %swap3A_350 = arith.constant 96 : index
          %swap3A_351 = tpu.vector_load %arg14[%swap3A_349, %swap3A_350] {strides = array<i32>} : memref<160x128xf32, #tpu.memory_space<vmem>>, vector<16xf32>,
          tpu.vector_store %arg14[%swap3A_349, %swap3A_350], %add3A_245 {strides = array<i32>} : memref<160x128xf32, #tpu.memory_space<vmem>>, vector<16xf32>,
          %swap3A_352 = arith.index_cast %squeeze3A : i32 to index
          %swap3A_353 = arith.constant 96 : index
          %swap3A_354 = tpu.vector_load %arg15[%swap3A_352, %swap3A_353] {strides = array<i32>} : memref<160x128xf32, #tpu.memory_space<vmem>>, vector<16xf32>,
          tpu.vector_store %arg15[%swap3A_352, %swap3A_353], %add3A_260 {strides = array<i32>} : memref<160x128xf32, #tpu.memory_space<vmem>>, vector<16xf32>,
          %swap3A_355 = arith.index_cast %squeeze3A : i32 to index
          %swap3A_356 = arith.constant 96 : index
          %swap3A_357 = tpu.vector_load %arg16[%swap3A_355, %swap3A_356] {strides = array<i32>} : memref<160x128xf32, #tpu.memory_space<vmem>>, vector<16xf32>,
          tpu.vector_store %arg16[%swap3A_355, %swap3A_356], %min3A_269 {strides = array<i32>} : memref<160x128xf32, #tpu.memory_space<vmem>>, vector<16xf32>,
          %swap3A_358 = arith.index_cast %squeeze3A : i32 to index
          %swap3A_359 = arith.constant 96 : index
          %swap3A_360 = tpu.vector_load %arg17[%swap3A_358, %swap3A_359] {strides = array<i32>} : memref<160x128xf32, #tpu.memory_space<vmem>>, vector<16xf32>,
          tpu.vector_store %arg17[%swap3A_358, %swap3A_359], %max3A_276 {strides = array<i32>} : memref<160x128xf32, #tpu.memory_space<vmem>>, vector<16xf32>,
          %swap3A_361 = arith.index_cast %squeeze3A : i32 to index
          %swap3A_362 = arith.constant 112 : index
          %swap3A_363 = tpu.vector_load %arg14[%swap3A_361, %swap3A_362] {strides = array<i32>} : memref<160x128xf32, #tpu.memory_space<vmem>>, vector<16xf32>,
          tpu.vector_store %arg14[%swap3A_361, %swap3A_362], %add3A_246 {strides = array<i32>} : memref<160x128xf32, #tpu.memory_space<vmem>>, vector<16xf32>,
          %swap3A_364 = arith.index_cast %squeeze3A : i32 to index
          %swap3A_365 = arith.constant 112 : index
          %swap3A_366 = tpu.vector_load %arg15[%swap3A_364, %swap3A_365] {strides = array<i32>} : memref<160x128xf32, #tpu.memory_space<vmem>>, vector<16xf32>,
          tpu.vector_store %arg15[%swap3A_364, %swap3A_365], %add3A_262 {strides = array<i32>} : memref<160x128xf32, #tpu.memory_space<vmem>>, vector<16xf32>,
          %swap3A_367 = arith.index_cast %squeeze3A : i32 to index
          %swap3A_368 = arith.constant 112 : index
          %swap3A_369 = tpu.vector_load %arg16[%swap3A_367, %swap3A_368] {strides = array<i32>} : memref<160x128xf32, #tpu.memory_space<vmem>>, vector<16xf32>,
          tpu.vector_store %arg16[%swap3A_367, %swap3A_368], %min3A_270 {strides = array<i32>} : memref<160x128xf32, #tpu.memory_space<vmem>>, vector<16xf32>,
          %swap3A_370 = arith.index_cast %squeeze3A : i32 to index
          %swap3A_371 = arith.constant 112 : index
          %swap3A_372 = tpu.vector_load %arg17[%swap3A_370, %swap3A_371] {strides = array<i32>} : memref<160x128xf32, #tpu.memory_space<vmem>>, vector<16xf32>,
          tpu.vector_store %arg17[%swap3A_370, %swap3A_371], %max3A_277 {strides = array<i32>} : memref<160x128xf32, #tpu.memory_space<vmem>>, vector<16xf32>,
          %while3A_373 = arith.constant 0 : i32
          scf.yield %while3A_373 : i32
        }
        %while3A_112 = arith.constant 1 : i32
        %while3A_113 = scf.for %while3A_115 = %while3A_109 to %while3A_105 step %while3A_112 iter_args(%while3A_116 = %while3A_111) -> (i32)  : i32 {
          %add3A_117 = arith.addi %mul3A_88, %while3A_115 : i32
          %get3A = arith.index_cast %add3A_117 : i32 to index
          %get3A_118 = tpu.vector_load %arg11[%get3A] {strides = array<i32>} : memref<2064xi32, #tpu.memory_space<vmem>>, vector<16xi32>,
          %slice3A = vector.extract_strided_slice %get3A_118 {offsets = [0], sizes = [1], strides = [1]} : vector<16xi32> to vector<1xi32>
          %squeeze3A = vector.extract %slice3A[0] : i32 from vector<1xi32>
          %get3A_119 = arith.index_cast %while3A_115 : i32 to index
          %get3A_120 = arith.constant 0 : index
          %get3A_121 = tpu.vector_load %arg13[%get3A_119, %get3A_120] {strides = array<i32>} : memref<128x128xf32, #tpu.memory_space<vmem>>, vector<16xf32>,
          %get3A_122 = arith.index_cast %while3A_115 : i32 to index
          %get3A_123 = arith.constant 16 : index
          %get3A_124 = tpu.vector_load %arg13[%get3A_122, %get3A_123] {strides = array<i32>} : memref<128x128xf32, #tpu.memory_space<vmem>>, vector<16xf32>,
          %get3A_125 = arith.index_cast %while3A_115 : i32 to index
          %get3A_126 = arith.constant 32 : index
          %get3A_127 = tpu.vector_load %arg13[%get3A_125, %get3A_126] {strides = array<i32>} : memref<128x128xf32, #tpu.memory_space<vmem>>, vector<16xf32>,
          %get3A_128 = arith.index_cast %while3A_115 : i32 to index
          %get3A_129 = arith.constant 48 : index
          %get3A_130 = tpu.vector_load %arg13[%get3A_128, %get3A_129] {strides = array<i32>} : memref<128x128xf32, #tpu.memory_space<vmem>>, vector<16xf32>,
          %get3A_131 = arith.index_cast %while3A_115 : i32 to index
          %get3A_132 = arith.constant 64 : index
          %get3A_133 = tpu.vector_load %arg13[%get3A_131, %get3A_132] {strides = array<i32>} : memref<128x128xf32, #tpu.memory_space<vmem>>, vector<16xf32>,
          %get3A_134 = arith.index_cast %while3A_115 : i32 to index
          %get3A_135 = arith.constant 80 : index
          %get3A_136 = tpu.vector_load %arg13[%get3A_134, %get3A_135] {strides = array<i32>} : memref<128x128xf32, #tpu.memory_space<vmem>>, vector<16xf32>,
          %get3A_137 = arith.index_cast %while3A_115 : i32 to index
          %get3A_138 = arith.constant 96 : index
          %get3A_139 = tpu.vector_load %arg13[%get3A_137, %get3A_138] {strides = array<i32>} : memref<128x128xf32, #tpu.memory_space<vmem>>, vector<16xf32>,
          %get3A_140 = arith.index_cast %while3A_115 : i32 to index
          %get3A_141 = arith.constant 112 : index
          %get3A_142 = tpu.vector_load %arg13[%get3A_140, %get3A_141] {strides = array<i32>} : memref<128x128xf32, #tpu.memory_space<vmem>>, vector<16xf32>,
          %get3A_143 = arith.index_cast %squeeze3A : i32 to index
          %get3A_144 = arith.constant 0 : index
          %get3A_145 = tpu.vector_load %arg14[%get3A_143, %get3A_144] {strides = array<i32>} : memref<160x128xf32, #tpu.memory_space<vmem>>, vector<16xf32>,
          %get3A_146 = arith.index_cast %squeeze3A : i32 to index
          %get3A_147 = arith.constant 16 : index
          %get3A_148 = tpu.vector_load %arg14[%get3A_146, %get3A_147] {strides = array<i32>} : memref<160x128xf32, #tpu.memory_space<vmem>>, vector<16xf32>,
          %get3A_149 = arith.index_cast %squeeze3A : i32 to index
          %get3A_150 = arith.constant 32 : index
          %get3A_151 = tpu.vector_load %arg14[%get3A_149, %get3A_150] {strides = array<i32>} : memref<160x128xf32, #tpu.memory_space<vmem>>, vector<16xf32>,
          %get3A_152 = arith.index_cast %squeeze3A : i32 to index
          %get3A_153 = arith.constant 48 : index
          %get3A_154 = tpu.vector_load %arg14[%get3A_152, %get3A_153] {strides = array<i32>} : memref<160x128xf32, #tpu.memory_space<vmem>>, vector<16xf32>,
          %get3A_155 = arith.index_cast %squeeze3A : i32 to index
          %get3A_156 = arith.constant 64 : index
          %get3A_157 = tpu.vector_load %arg14[%get3A_155, %get3A_156] {strides = array<i32>} : memref<160x128xf32, #tpu.memory_space<vmem>>, vector<16xf32>,
          %get3A_158 = arith.index_cast %squeeze3A : i32 to index
          %get3A_159 = arith.constant 80 : index
          %get3A_160 = tpu.vector_load %arg14[%get3A_158, %get3A_159] {strides = array<i32>} : memref<160x128xf32, #tpu.memory_space<vmem>>, vector<16xf32>,
          %get3A_161 = arith.index_cast %squeeze3A : i32 to index
          %get3A_162 = arith.constant 96 : index
          %get3A_163 = tpu.vector_load %arg14[%get3A_161, %get3A_162] {strides = array<i32>} : memref<160x128xf32, #tpu.memory_space<vmem>>, vector<16xf32>,
          %get3A_164 = arith.index_cast %squeeze3A : i32 to index
          %get3A_165 = arith.constant 112 : index
          %get3A_166 = tpu.vector_load %arg14[%get3A_164, %get3A_165] {strides = array<i32>} : memref<160x128xf32, #tpu.memory_space<vmem>>, vector<16xf32>,
          %get3A_167 = arith.index_cast %squeeze3A : i32 to index
          %get3A_168 = arith.constant 0 : index
          %get3A_169 = tpu.vector_load %arg15[%get3A_167, %get3A_168] {strides = array<i32>} : memref<160x128xf32, #tpu.memory_space<vmem>>, vector<16xf32>,
          %get3A_170 = arith.index_cast %squeeze3A : i32 to index
          %get3A_171 = arith.constant 16 : index
          %get3A_172 = tpu.vector_load %arg15[%get3A_170, %get3A_171] {strides = array<i32>} : memref<160x128xf32, #tpu.memory_space<vmem>>, vector<16xf32>,
          %get3A_173 = arith.index_cast %squeeze3A : i32 to index
          %get3A_174 = arith.constant 32 : index
          %get3A_175 = tpu.vector_load %arg15[%get3A_173, %get3A_174] {strides = array<i32>} : memref<160x128xf32, #tpu.memory_space<vmem>>, vector<16xf32>,
          %get3A_176 = arith.index_cast %squeeze3A : i32 to index
          %get3A_177 = arith.constant 48 : index
          %get3A_178 = tpu.vector_load %arg15[%get3A_176, %get3A_177] {strides = array<i32>} : memref<160x128xf32, #tpu.memory_space<vmem>>, vector<16xf32>,
          %get3A_179 = arith.index_cast %squeeze3A : i32 to index
          %get3A_180 = arith.constant 64 : index
          %get3A_181 = tpu.vector_load %arg15[%get3A_179, %get3A_180] {strides = array<i32>} : memref<160x128xf32, #tpu.memory_space<vmem>>, vector<16xf32>,
          %get3A_182 = arith.index_cast %squeeze3A : i32 to index
          %get3A_183 = arith.constant 80 : index
          %get3A_184 = tpu.vector_load %arg15[%get3A_182, %get3A_183] {strides = array<i32>} : memref<160x128xf32, #tpu.memory_space<vmem>>, vector<16xf32>,
          %get3A_185 = arith.index_cast %squeeze3A : i32 to index
          %get3A_186 = arith.constant 96 : index
          %get3A_187 = tpu.vector_load %arg15[%get3A_185, %get3A_186] {strides = array<i32>} : memref<160x128xf32, #tpu.memory_space<vmem>>, vector<16xf32>,
          %get3A_188 = arith.index_cast %squeeze3A : i32 to index
          %get3A_189 = arith.constant 112 : index
          %get3A_190 = tpu.vector_load %arg15[%get3A_188, %get3A_189] {strides = array<i32>} : memref<160x128xf32, #tpu.memory_space<vmem>>, vector<16xf32>,
          %get3A_191 = arith.index_cast %squeeze3A : i32 to index
          %get3A_192 = arith.constant 0 : index
          %get3A_193 = tpu.vector_load %arg16[%get3A_191, %get3A_192] {strides = array<i32>} : memref<160x128xf32, #tpu.memory_space<vmem>>, vector<16xf32>,
          %get3A_194 = arith.index_cast %squeeze3A : i32 to index
          %get3A_195 = arith.constant 16 : index
          %get3A_196 = tpu.vector_load %arg16[%get3A_194, %get3A_195] {strides = array<i32>} : memref<160x128xf32, #tpu.memory_space<vmem>>, vector<16xf32>,
          %get3A_197 = arith.index_cast %squeeze3A : i32 to index
          %get3A_198 = arith.constant 32 : index
          %get3A_199 = tpu.vector_load %arg16[%get3A_197, %get3A_198] {strides = array<i32>} : memref<160x128xf32, #tpu.memory_space<vmem>>, vector<16xf32>,
          %get3A_200 = arith.index_cast %squeeze3A : i32 to index
          %get3A_201 = arith.constant 48 : index
          %get3A_202 = tpu.vector_load %arg16[%get3A_200, %get3A_201] {strides = array<i32>} : memref<160x128xf32, #tpu.memory_space<vmem>>, vector<16xf32>,
          %get3A_203 = arith.index_cast %squeeze3A : i32 to index
          %get3A_204 = arith.constant 64 : index
          %get3A_205 = tpu.vector_load %arg16[%get3A_203, %get3A_204] {strides = array<i32>} : memref<160x128xf32, #tpu.memory_space<vmem>>, vector<16xf32>,
          %get3A_206 = arith.index_cast %squeeze3A : i32 to index
          %get3A_207 = arith.constant 80 : index
          %get3A_208 = tpu.vector_load %arg16[%get3A_206, %get3A_207] {strides = array<i32>} : memref<160x128xf32, #tpu.memory_space<vmem>>, vector<16xf32>,
          %get3A_209 = arith.index_cast %squeeze3A : i32 to index
          %get3A_210 = arith.constant 96 : index
          %get3A_211 = tpu.vector_load %arg16[%get3A_209, %get3A_210] {strides = array<i32>} : memref<160x128xf32, #tpu.memory_space<vmem>>, vector<16xf32>,
          %get3A_212 = arith.index_cast %squeeze3A : i32 to index
          %get3A_213 = arith.constant 112 : index
          %get3A_214 = tpu.vector_load %arg16[%get3A_212, %get3A_213] {strides = array<i32>} : memref<160x128xf32, #tpu.memory_space<vmem>>, vector<16xf32>,
          %get3A_215 = arith.index_cast %squeeze3A : i32 to index
          %get3A_216 = arith.constant 0 : index
          %get3A_217 = tpu.vector_load %arg17[%get3A_215, %get3A_216] {strides = array<i32>} : memref<160x128xf32, #tpu.memory_space<vmem>>, vector<16xf32>,
          %get3A_218 = arith.index_cast %squeeze3A : i32 to index
          %get3A_219 = arith.constant 16 : index
          %get3A_220 = tpu.vector_load %arg17[%get3A_218, %get3A_219] {strides = array<i32>} : memref<160x128xf32, #tpu.memory_space<vmem>>, vector<16xf32>,
          %get3A_221 = arith.index_cast %squeeze3A : i32 to index
          %get3A_222 = arith.constant 32 : index
          %get3A_223 = tpu.vector_load %arg17[%get3A_221, %get3A_222] {strides = array<i32>} : memref<160x128xf32, #tpu.memory_space<vmem>>, vector<16xf32>,
          %get3A_224 = arith.index_cast %squeeze3A : i32 to index
          %get3A_225 = arith.constant 48 : index
          %get3A_226 = tpu.vector_load %arg17[%get3A_224, %get3A_225] {strides = array<i32>} : memref<160x128xf32, #tpu.memory_space<vmem>>, vector<16xf32>,
          %get3A_227 = arith.index_cast %squeeze3A : i32 to index
          %get3A_228 = arith.constant 64 : index
          %get3A_229 = tpu.vector_load %arg17[%get3A_227, %get3A_228] {strides = array<i32>} : memref<160x128xf32, #tpu.memory_space<vmem>>, vector<16xf32>,
          %get3A_230 = arith.index_cast %squeeze3A : i32 to index
          %get3A_231 = arith.constant 80 : index
          %get3A_232 = tpu.vector_load %arg17[%get3A_230, %get3A_231] {strides = array<i32>} : memref<160x128xf32, #tpu.memory_space<vmem>>, vector<16xf32>,
          %get3A_233 = arith.index_cast %squeeze3A : i32 to index
          %get3A_234 = arith.constant 96 : index
          %get3A_235 = tpu.vector_load %arg17[%get3A_233, %get3A_234] {strides = array<i32>} : memref<160x128xf32, #tpu.memory_space<vmem>>, vector<16xf32>,
          %get3A_236 = arith.index_cast %squeeze3A : i32 to index
          %get3A_237 = arith.constant 112 : index
          %get3A_238 = tpu.vector_load %arg17[%get3A_236, %get3A_237] {strides = array<i32>} : memref<160x128xf32, #tpu.memory_space<vmem>>, vector<16xf32>,
          %add3A_239 = arith.addf %get3A_145, %get3A_121 : vector<16xf32>
          %add3A_240 = arith.addf %get3A_148, %get3A_124 : vector<16xf32>
          %add3A_241 = arith.addf %get3A_151, %get3A_127 : vector<16xf32>
          %add3A_242 = arith.addf %get3A_154, %get3A_130 : vector<16xf32>
          %add3A_243 = arith.addf %get3A_157, %get3A_133 : vector<16xf32>
          %add3A_244 = arith.addf %get3A_160, %get3A_136 : vector<16xf32>
          %add3A_245 = arith.addf %get3A_163, %get3A_139 : vector<16xf32>
          %add3A_246 = arith.addf %get3A_166, %get3A_142 : vector<16xf32>
          %mul3A_247 = arith.mulf %get3A_121, %get3A_121 : vector<16xf32>
          %add3A_248 = arith.addf %get3A_169, %mul3A_247 : vector<16xf32>
          %mul3A_249 = arith.mulf %get3A_124, %get3A_124 : vector<16xf32>
          %add3A_250 = arith.addf %get3A_172, %mul3A_249 : vector<16xf32>
          %mul3A_251 = arith.mulf %get3A_127, %get3A_127 : vector<16xf32>
          %add3A_252 = arith.addf %get3A_175, %mul3A_251 : vector<16xf32>
          %mul3A_253 = arith.mulf %get3A_130, %get3A_130 : vector<16xf32>
          %add3A_254 = arith.addf %get3A_178, %mul3A_253 : vector<16xf32>
          %mul3A_255 = arith.mulf %get3A_133, %get3A_133 : vector<16xf32>
          %add3A_256 = arith.addf %get3A_181, %mul3A_255 : vector<16xf32>
          %mul3A_257 = arith.mulf %get3A_136, %get3A_136 : vector<16xf32>
          %add3A_258 = arith.addf %get3A_184, %mul3A_257 : vector<16xf32>
          %mul3A_259 = arith.mulf %get3A_139, %get3A_139 : vector<16xf32>
          %add3A_260 = arith.addf %get3A_187, %mul3A_259 : vector<16xf32>
          %mul3A_261 = arith.mulf %get3A_142, %get3A_142 : vector<16xf32>
          %add3A_262 = arith.addf %get3A_190, %mul3A_261 : vector<16xf32>
          %min3A_263 = arith.minimumf %get3A_193, %get3A_121 : vector<16xf32>
          %min3A_264 = arith.minimumf %get3A_196, %get3A_124 : vector<16xf32>
          %min3A_265 = arith.minimumf %get3A_199, %get3A_127 : vector<16xf32>
          %min3A_266 = arith.minimumf %get3A_202, %get3A_130 : vector<16xf32>
          %min3A_267 = arith.minimumf %get3A_205, %get3A_133 : vector<16xf32>
          %min3A_268 = arith.minimumf %get3A_208, %get3A_136 : vector<16xf32>
          %min3A_269 = arith.minimumf %get3A_211, %get3A_139 : vector<16xf32>
          %min3A_270 = arith.minimumf %get3A_214, %get3A_142 : vector<16xf32>
          %max3A = arith.maximumf %get3A_217, %get3A_121 : vector<16xf32>
          %max3A_271 = arith.maximumf %get3A_220, %get3A_124 : vector<16xf32>
          %max3A_272 = arith.maximumf %get3A_223, %get3A_127 : vector<16xf32>
          %max3A_273 = arith.maximumf %get3A_226, %get3A_130 : vector<16xf32>
          %max3A_274 = arith.maximumf %get3A_229, %get3A_133 : vector<16xf32>
          %max3A_275 = arith.maximumf %get3A_232, %get3A_136 : vector<16xf32>
          %max3A_276 = arith.maximumf %get3A_235, %get3A_139 : vector<16xf32>
          %max3A_277 = arith.maximumf %get3A_238, %get3A_142 : vector<16xf32>
          %swap3A = arith.index_cast %squeeze3A : i32 to index
          %swap3A_278 = arith.constant 0 : index
          %swap3A_279 = tpu.vector_load %arg14[%swap3A, %swap3A_278] {strides = array<i32>} : memref<160x128xf32, #tpu.memory_space<vmem>>, vector<16xf32>,
          tpu.vector_store %arg14[%swap3A, %swap3A_278], %add3A_239 {strides = array<i32>} : memref<160x128xf32, #tpu.memory_space<vmem>>, vector<16xf32>,
          %swap3A_280 = arith.index_cast %squeeze3A : i32 to index
          %swap3A_281 = arith.constant 0 : index
          %swap3A_282 = tpu.vector_load %arg15[%swap3A_280, %swap3A_281] {strides = array<i32>} : memref<160x128xf32, #tpu.memory_space<vmem>>, vector<16xf32>,
          tpu.vector_store %arg15[%swap3A_280, %swap3A_281], %add3A_248 {strides = array<i32>} : memref<160x128xf32, #tpu.memory_space<vmem>>, vector<16xf32>,
          %swap3A_283 = arith.index_cast %squeeze3A : i32 to index
          %swap3A_284 = arith.constant 0 : index
          %swap3A_285 = tpu.vector_load %arg16[%swap3A_283, %swap3A_284] {strides = array<i32>} : memref<160x128xf32, #tpu.memory_space<vmem>>, vector<16xf32>,
          tpu.vector_store %arg16[%swap3A_283, %swap3A_284], %min3A_263 {strides = array<i32>} : memref<160x128xf32, #tpu.memory_space<vmem>>, vector<16xf32>,
          %swap3A_286 = arith.index_cast %squeeze3A : i32 to index
          %swap3A_287 = arith.constant 0 : index
          %swap3A_288 = tpu.vector_load %arg17[%swap3A_286, %swap3A_287] {strides = array<i32>} : memref<160x128xf32, #tpu.memory_space<vmem>>, vector<16xf32>,
          tpu.vector_store %arg17[%swap3A_286, %swap3A_287], %max3A {strides = array<i32>} : memref<160x128xf32, #tpu.memory_space<vmem>>, vector<16xf32>,
          %swap3A_289 = arith.index_cast %squeeze3A : i32 to index
          %swap3A_290 = arith.constant 16 : index
          %swap3A_291 = tpu.vector_load %arg14[%swap3A_289, %swap3A_290] {strides = array<i32>} : memref<160x128xf32, #tpu.memory_space<vmem>>, vector<16xf32>,
          tpu.vector_store %arg14[%swap3A_289, %swap3A_290], %add3A_240 {strides = array<i32>} : memref<160x128xf32, #tpu.memory_space<vmem>>, vector<16xf32>,
          %swap3A_292 = arith.index_cast %squeeze3A : i32 to index
          %swap3A_293 = arith.constant 16 : index
          %swap3A_294 = tpu.vector_load %arg15[%swap3A_292, %swap3A_293] {strides = array<i32>} : memref<160x128xf32, #tpu.memory_space<vmem>>, vector<16xf32>,
          tpu.vector_store %arg15[%swap3A_292, %swap3A_293], %add3A_250 {strides = array<i32>} : memref<160x128xf32, #tpu.memory_space<vmem>>, vector<16xf32>,
          %swap3A_295 = arith.index_cast %squeeze3A : i32 to index
          %swap3A_296 = arith.constant 16 : index
          %swap3A_297 = tpu.vector_load %arg16[%swap3A_295, %swap3A_296] {strides = array<i32>} : memref<160x128xf32, #tpu.memory_space<vmem>>, vector<16xf32>,
          tpu.vector_store %arg16[%swap3A_295, %swap3A_296], %min3A_264 {strides = array<i32>} : memref<160x128xf32, #tpu.memory_space<vmem>>, vector<16xf32>,
          %swap3A_298 = arith.index_cast %squeeze3A : i32 to index
          %swap3A_299 = arith.constant 16 : index
          %swap3A_300 = tpu.vector_load %arg17[%swap3A_298, %swap3A_299] {strides = array<i32>} : memref<160x128xf32, #tpu.memory_space<vmem>>, vector<16xf32>,
          tpu.vector_store %arg17[%swap3A_298, %swap3A_299], %max3A_271 {strides = array<i32>} : memref<160x128xf32, #tpu.memory_space<vmem>>, vector<16xf32>,
          %swap3A_301 = arith.index_cast %squeeze3A : i32 to index
          %swap3A_302 = arith.constant 32 : index
          %swap3A_303 = tpu.vector_load %arg14[%swap3A_301, %swap3A_302] {strides = array<i32>} : memref<160x128xf32, #tpu.memory_space<vmem>>, vector<16xf32>,
          tpu.vector_store %arg14[%swap3A_301, %swap3A_302], %add3A_241 {strides = array<i32>} : memref<160x128xf32, #tpu.memory_space<vmem>>, vector<16xf32>,
          %swap3A_304 = arith.index_cast %squeeze3A : i32 to index
          %swap3A_305 = arith.constant 32 : index
          %swap3A_306 = tpu.vector_load %arg15[%swap3A_304, %swap3A_305] {strides = array<i32>} : memref<160x128xf32, #tpu.memory_space<vmem>>, vector<16xf32>,
          tpu.vector_store %arg15[%swap3A_304, %swap3A_305], %add3A_252 {strides = array<i32>} : memref<160x128xf32, #tpu.memory_space<vmem>>, vector<16xf32>,
          %swap3A_307 = arith.index_cast %squeeze3A : i32 to index
          %swap3A_308 = arith.constant 32 : index
          %swap3A_309 = tpu.vector_load %arg16[%swap3A_307, %swap3A_308] {strides = array<i32>} : memref<160x128xf32, #tpu.memory_space<vmem>>, vector<16xf32>,
          tpu.vector_store %arg16[%swap3A_307, %swap3A_308], %min3A_265 {strides = array<i32>} : memref<160x128xf32, #tpu.memory_space<vmem>>, vector<16xf32>,
          %swap3A_310 = arith.index_cast %squeeze3A : i32 to index
          %swap3A_311 = arith.constant 32 : index
          %swap3A_312 = tpu.vector_load %arg17[%swap3A_310, %swap3A_311] {strides = array<i32>} : memref<160x128xf32, #tpu.memory_space<vmem>>, vector<16xf32>,
          tpu.vector_store %arg17[%swap3A_310, %swap3A_311], %max3A_272 {strides = array<i32>} : memref<160x128xf32, #tpu.memory_space<vmem>>, vector<16xf32>,
          %swap3A_313 = arith.index_cast %squeeze3A : i32 to index
          %swap3A_314 = arith.constant 48 : index
          %swap3A_315 = tpu.vector_load %arg14[%swap3A_313, %swap3A_314] {strides = array<i32>} : memref<160x128xf32, #tpu.memory_space<vmem>>, vector<16xf32>,
          tpu.vector_store %arg14[%swap3A_313, %swap3A_314], %add3A_242 {strides = array<i32>} : memref<160x128xf32, #tpu.memory_space<vmem>>, vector<16xf32>,
          %swap3A_316 = arith.index_cast %squeeze3A : i32 to index
          %swap3A_317 = arith.constant 48 : index
          %swap3A_318 = tpu.vector_load %arg15[%swap3A_316, %swap3A_317] {strides = array<i32>} : memref<160x128xf32, #tpu.memory_space<vmem>>, vector<16xf32>,
          tpu.vector_store %arg15[%swap3A_316, %swap3A_317], %add3A_254 {strides = array<i32>} : memref<160x128xf32, #tpu.memory_space<vmem>>, vector<16xf32>,
          %swap3A_319 = arith.index_cast %squeeze3A : i32 to index
          %swap3A_320 = arith.constant 48 : index
          %swap3A_321 = tpu.vector_load %arg16[%swap3A_319, %swap3A_320] {strides = array<i32>} : memref<160x128xf32, #tpu.memory_space<vmem>>, vector<16xf32>,
          tpu.vector_store %arg16[%swap3A_319, %swap3A_320], %min3A_266 {strides = array<i32>} : memref<160x128xf32, #tpu.memory_space<vmem>>, vector<16xf32>,
          %swap3A_322 = arith.index_cast %squeeze3A : i32 to index
          %swap3A_323 = arith.constant 48 : index
          %swap3A_324 = tpu.vector_load %arg17[%swap3A_322, %swap3A_323] {strides = array<i32>} : memref<160x128xf32, #tpu.memory_space<vmem>>, vector<16xf32>,
          tpu.vector_store %arg17[%swap3A_322, %swap3A_323], %max3A_273 {strides = array<i32>} : memref<160x128xf32, #tpu.memory_space<vmem>>, vector<16xf32>,
          %swap3A_325 = arith.index_cast %squeeze3A : i32 to index
          %swap3A_326 = arith.constant 64 : index
          %swap3A_327 = tpu.vector_load %arg14[%swap3A_325, %swap3A_326] {strides = array<i32>} : memref<160x128xf32, #tpu.memory_space<vmem>>, vector<16xf32>,
          tpu.vector_store %arg14[%swap3A_325, %swap3A_326], %add3A_243 {strides = array<i32>} : memref<160x128xf32, #tpu.memory_space<vmem>>, vector<16xf32>,
          %swap3A_328 = arith.index_cast %squeeze3A : i32 to index
          %swap3A_329 = arith.constant 64 : index
          %swap3A_330 = tpu.vector_load %arg15[%swap3A_328, %swap3A_329] {strides = array<i32>} : memref<160x128xf32, #tpu.memory_space<vmem>>, vector<16xf32>,
          tpu.vector_store %arg15[%swap3A_328, %swap3A_329], %add3A_256 {strides = array<i32>} : memref<160x128xf32, #tpu.memory_space<vmem>>, vector<16xf32>,
          %swap3A_331 = arith.index_cast %squeeze3A : i32 to index
          %swap3A_332 = arith.constant 64 : index
          %swap3A_333 = tpu.vector_load %arg16[%swap3A_331, %swap3A_332] {strides = array<i32>} : memref<160x128xf32, #tpu.memory_space<vmem>>, vector<16xf32>,
          tpu.vector_store %arg16[%swap3A_331, %swap3A_332], %min3A_267 {strides = array<i32>} : memref<160x128xf32, #tpu.memory_space<vmem>>, vector<16xf32>,
          %swap3A_334 = arith.index_cast %squeeze3A : i32 to index
          %swap3A_335 = arith.constant 64 : index
          %swap3A_336 = tpu.vector_load %arg17[%swap3A_334, %swap3A_335] {strides = array<i32>} : memref<160x128xf32, #tpu.memory_space<vmem>>, vector<16xf32>,
          tpu.vector_store %arg17[%swap3A_334, %swap3A_335], %max3A_274 {strides = array<i32>} : memref<160x128xf32, #tpu.memory_space<vmem>>, vector<16xf32>,
          %swap3A_337 = arith.index_cast %squeeze3A : i32 to index
          %swap3A_338 = arith.constant 80 : index
          %swap3A_339 = tpu.vector_load %arg14[%swap3A_337, %swap3A_338] {strides = array<i32>} : memref<160x128xf32, #tpu.memory_space<vmem>>, vector<16xf32>,
          tpu.vector_store %arg14[%swap3A_337, %swap3A_338], %add3A_244 {strides = array<i32>} : memref<160x128xf32, #tpu.memory_space<vmem>>, vector<16xf32>,
          %swap3A_340 = arith.index_cast %squeeze3A : i32 to index
          %swap3A_341 = arith.constant 80 : index
          %swap3A_342 = tpu.vector_load %arg15[%swap3A_340, %swap3A_341] {strides = array<i32>} : memref<160x128xf32, #tpu.memory_space<vmem>>, vector<16xf32>,
          tpu.vector_store %arg15[%swap3A_340, %swap3A_341], %add3A_258 {strides = array<i32>} : memref<160x128xf32, #tpu.memory_space<vmem>>, vector<16xf32>,
          %swap3A_343 = arith.index_cast %squeeze3A : i32 to index
          %swap3A_344 = arith.constant 80 : index
          %swap3A_345 = tpu.vector_load %arg16[%swap3A_343, %swap3A_344] {strides = array<i32>} : memref<160x128xf32, #tpu.memory_space<vmem>>, vector<16xf32>,
          tpu.vector_store %arg16[%swap3A_343, %swap3A_344], %min3A_268 {strides = array<i32>} : memref<160x128xf32, #tpu.memory_space<vmem>>, vector<16xf32>,
          %swap3A_346 = arith.index_cast %squeeze3A : i32 to index
          %swap3A_347 = arith.constant 80 : index
          %swap3A_348 = tpu.vector_load %arg17[%swap3A_346, %swap3A_347] {strides = array<i32>} : memref<160x128xf32, #tpu.memory_space<vmem>>, vector<16xf32>,
          tpu.vector_store %arg17[%swap3A_346, %swap3A_347], %max3A_275 {strides = array<i32>} : memref<160x128xf32, #tpu.memory_space<vmem>>, vector<16xf32>,
          %swap3A_349 = arith.index_cast %squeeze3A : i32 to index
          %swap3A_350 = arith.constant 96 : index
          %swap3A_351 = tpu.vector_load %arg14[%swap3A_349, %swap3A_350] {strides = array<i32>} : memref<160x128xf32, #tpu.memory_space<vmem>>, vector<16xf32>,
          tpu.vector_store %arg14[%swap3A_349, %swap3A_350], %add3A_245 {strides = array<i32>} : memref<160x128xf32, #tpu.memory_space<vmem>>, vector<16xf32>,
          %swap3A_352 = arith.index_cast %squeeze3A : i32 to index
          %swap3A_353 = arith.constant 96 : index
          %swap3A_354 = tpu.vector_load %arg15[%swap3A_352, %swap3A_353] {strides = array<i32>} : memref<160x128xf32, #tpu.memory_space<vmem>>, vector<16xf32>,
          tpu.vector_store %arg15[%swap3A_352, %swap3A_353], %add3A_260 {strides = array<i32>} : memref<160x128xf32, #tpu.memory_space<vmem>>, vector<16xf32>,
          %swap3A_355 = arith.index_cast %squeeze3A : i32 to index
          %swap3A_356 = arith.constant 96 : index
          %swap3A_357 = tpu.vector_load %arg16[%swap3A_355, %swap3A_356] {strides = array<i32>} : memref<160x128xf32, #tpu.memory_space<vmem>>, vector<16xf32>,
          tpu.vector_store %arg16[%swap3A_355, %swap3A_356], %min3A_269 {strides = array<i32>} : memref<160x128xf32, #tpu.memory_space<vmem>>, vector<16xf32>,
          %swap3A_358 = arith.index_cast %squeeze3A : i32 to index
          %swap3A_359 = arith.constant 96 : index
          %swap3A_360 = tpu.vector_load %arg17[%swap3A_358, %swap3A_359] {strides = array<i32>} : memref<160x128xf32, #tpu.memory_space<vmem>>, vector<16xf32>,
          tpu.vector_store %arg17[%swap3A_358, %swap3A_359], %max3A_276 {strides = array<i32>} : memref<160x128xf32, #tpu.memory_space<vmem>>, vector<16xf32>,
          %swap3A_361 = arith.index_cast %squeeze3A : i32 to index
          %swap3A_362 = arith.constant 112 : index
          %swap3A_363 = tpu.vector_load %arg14[%swap3A_361, %swap3A_362] {strides = array<i32>} : memref<160x128xf32, #tpu.memory_space<vmem>>, vector<16xf32>,
          tpu.vector_store %arg14[%swap3A_361, %swap3A_362], %add3A_246 {strides = array<i32>} : memref<160x128xf32, #tpu.memory_space<vmem>>, vector<16xf32>,
          %swap3A_364 = arith.index_cast %squeeze3A : i32 to index
          %swap3A_365 = arith.constant 112 : index
          %swap3A_366 = tpu.vector_load %arg15[%swap3A_364, %swap3A_365] {strides = array<i32>} : memref<160x128xf32, #tpu.memory_space<vmem>>, vector<16xf32>,
          tpu.vector_store %arg15[%swap3A_364, %swap3A_365], %add3A_262 {strides = array<i32>} : memref<160x128xf32, #tpu.memory_space<vmem>>, vector<16xf32>,
          %swap3A_367 = arith.index_cast %squeeze3A : i32 to index
          %swap3A_368 = arith.constant 112 : index
          %swap3A_369 = tpu.vector_load %arg16[%swap3A_367, %swap3A_368] {strides = array<i32>} : memref<160x128xf32, #tpu.memory_space<vmem>>, vector<16xf32>,
          tpu.vector_store %arg16[%swap3A_367, %swap3A_368], %min3A_270 {strides = array<i32>} : memref<160x128xf32, #tpu.memory_space<vmem>>, vector<16xf32>,
          %swap3A_370 = arith.index_cast %squeeze3A : i32 to index
          %swap3A_371 = arith.constant 112 : index
          %swap3A_372 = tpu.vector_load %arg17[%swap3A_370, %swap3A_371] {strides = array<i32>} : memref<160x128xf32, #tpu.memory_space<vmem>>, vector<16xf32>,
          tpu.vector_store %arg17[%swap3A_370, %swap3A_371], %max3A_277 {strides = array<i32>} : memref<160x128xf32, #tpu.memory_space<vmem>>, vector<16xf32>,
          %while3A_373 = arith.constant 0 : i32
          scf.yield %while3A_373 : i32
        }
        %while3A_114 = arith.constant 0 : i32
        scf.yield %while3A_114 : i32
      }
      %while3A_80 = arith.constant 1 : i32
      %while3A_81 = scf.for %while3A_85 = %while3A_77 to %while3A_73 step %while3A_80 iter_args(%while3A_86 = %while3A_79) -> (i32)  : i32 {
        %mul3A_87 = arith.constant 128 : i32
        %mul3A_88 = arith.muli %while3A_85, %mul3A_87 : i32
        %scan3A_89 = arith.constant 0 : i32
        %scan3A_90 = arith.constant 0 : i32
        %scan3A_91 = arith.constant 8 : i32
        %scan3A_92 = arith.addi %scan3A_90, %scan3A_91 : i32
        %scan3A_93 = arith.constant 1 : i32
        %scan3A_94 = scf.for %scan3A_115 = %scan3A_90 to %scan3A_92 step %scan3A_93 iter_args(%scan3A_116 = %scan3A_89) -> (i32)  : i32 {
          %mul3A_117 = arith.constant 16 : i32
          %mul3A_118 = arith.muli %scan3A_115, %mul3A_117 : i32
          %add3A_119 = arith.addi %mul3A_88, %mul3A_118 : i32
          %get3A = arith.index_cast %add3A_119 : i32 to index
          %get3A_120 = tpu.vector_load %arg10[%get3A] {strides = array<i32>} : memref<2064xi32, #tpu.memory_space<vmem>>, vector<16xi32>,
          %mul3A_121 = arith.constant 10 : i32
          %mul3A_122 = vector.broadcast %mul3A_121 : i32 to vector<16xi32>
          %mul3A_123 = arith.muli %get3A_120, %mul3A_122 : vector<16xi32>
          %add3A_124 = vector.broadcast %scan3A_61 : i32 to vector<16xi32>
          %add3A_125 = arith.addi %mul3A_123, %add3A_124 : vector<16xi32>
          %mul3A_126 = arith.constant 16 : i32
          %mul3A_127 = arith.muli %scan3A_115, %mul3A_126 : i32
          %swap3A = arith.index_cast %mul3A_127 : i32 to index
          %swap3A_128 = tpu.vector_load %arg12[%swap3A] {strides = array<i32>} : memref<128xi32, #tpu.memory_space<vmem>>, vector<16xi32>,
          tpu.vector_store %arg12[%swap3A], %add3A_125 {strides = array<i32>} : memref<128xi32, #tpu.memory_space<vmem>>, vector<16xi32>,
          %scan3A_129 = arith.constant 0 : i32
          scf.yield %scan3A_129 : i32
        }
        %scan3A_95 = arith.constant 8 : i32
        %dma_start3A = arith.constant 0 : i32
        %dma_start3A_96 = arith.constant 0 : i32
        %dma_start3A_97 = tpu.memref_slice %arg2[%dma_start3A, %dma_start3A_96] : memref<153600x128xf32, #tpu.memory_space<hbm>> -> memref<153600x128xf32, #tpu.memory_space<hbm>>
        tpu.enqueue_indirect_dma source(%dma_start3A_97 : memref<153600x128xf32, #tpu.memory_space<hbm>>) target(%arg13 : memref<128x128xf32, #tpu.memory_space<vmem>>) offsets(%arg12 : memref<128xi32, #tpu.memory_space<vmem>>) semaphore(%arg19 : memref<!tpu.dma_semaphore, #tpu.memory_space<semaphore_mem>>)
        %dma_wait3A = arith.constant 0 : i32
        %dma_wait3A_98 = arith.constant 0 : i32
        %dma_wait3A_99 = tpu.memref_slice %arg2[%dma_wait3A, %dma_wait3A_98] : memref<153600x128xf32, #tpu.memory_space<hbm>> -> memref<153600x128xf32, #tpu.memory_space<hbm>>
        tpu.wait_indirect_dma semaphore(%arg19 : memref<!tpu.dma_semaphore, #tpu.memory_space<semaphore_mem>>) src(%dma_wait3A_99 : memref<153600x128xf32, #tpu.memory_space<hbm>>) dst(%arg13 : memref<128x128xf32, #tpu.memory_space<vmem>>)
        %sub3A_100 = arith.subi %scan3A_14, %mul3A_88 : i32
        %min3A = arith.constant 128 : i32
        %min3A_101 = arith.minsi %sub3A_100, %min3A : i32
        %while3A_102 = arith.constant 0 : i32
        %while3A_103 = arith.constant 0 : i32
        %while3A_104 = arith.subi %min3A_101, %while3A_102 : i32
        %while3A_105 = arith.addi %while3A_102, %while3A_104 : i32
        %while3A_106 = arith.constant 1 : i32
        %while3A_107 = arith.divsi %while3A_104, %while3A_106 : i32
        %while3A_108 = arith.muli %while3A_107, %while3A_106 : i32
        %while3A_109 = arith.addi %while3A_102, %while3A_108 : i32
        %while3A_110 = arith.constant 1 : i32
        %while3A_111 = scf.for %while3A_115 = %while3A_102 to %while3A_109 step %while3A_110 iter_args(%while3A_116 = %while3A_103) -> (i32)  : i32 {
          %add3A_117 = arith.addi %mul3A_88, %while3A_115 : i32
          %get3A = arith.index_cast %add3A_117 : i32 to index
          %get3A_118 = tpu.vector_load %arg11[%get3A] {strides = array<i32>} : memref<2064xi32, #tpu.memory_space<vmem>>, vector<16xi32>,
          %slice3A = vector.extract_strided_slice %get3A_118 {offsets = [0], sizes = [1], strides = [1]} : vector<16xi32> to vector<1xi32>
          %squeeze3A = vector.extract %slice3A[0] : i32 from vector<1xi32>
          %get3A_119 = arith.index_cast %while3A_115 : i32 to index
          %get3A_120 = arith.constant 0 : index
          %get3A_121 = tpu.vector_load %arg13[%get3A_119, %get3A_120] {strides = array<i32>} : memref<128x128xf32, #tpu.memory_space<vmem>>, vector<16xf32>,
          %get3A_122 = arith.index_cast %while3A_115 : i32 to index
          %get3A_123 = arith.constant 16 : index
          %get3A_124 = tpu.vector_load %arg13[%get3A_122, %get3A_123] {strides = array<i32>} : memref<128x128xf32, #tpu.memory_space<vmem>>, vector<16xf32>,
          %get3A_125 = arith.index_cast %while3A_115 : i32 to index
          %get3A_126 = arith.constant 32 : index
          %get3A_127 = tpu.vector_load %arg13[%get3A_125, %get3A_126] {strides = array<i32>} : memref<128x128xf32, #tpu.memory_space<vmem>>, vector<16xf32>,
          %get3A_128 = arith.index_cast %while3A_115 : i32 to index
          %get3A_129 = arith.constant 48 : index
          %get3A_130 = tpu.vector_load %arg13[%get3A_128, %get3A_129] {strides = array<i32>} : memref<128x128xf32, #tpu.memory_space<vmem>>, vector<16xf32>,
          %get3A_131 = arith.index_cast %while3A_115 : i32 to index
          %get3A_132 = arith.constant 64 : index
          %get3A_133 = tpu.vector_load %arg13[%get3A_131, %get3A_132] {strides = array<i32>} : memref<128x128xf32, #tpu.memory_space<vmem>>, vector<16xf32>,
          %get3A_134 = arith.index_cast %while3A_115 : i32 to index
          %get3A_135 = arith.constant 80 : index
          %get3A_136 = tpu.vector_load %arg13[%get3A_134, %get3A_135] {strides = array<i32>} : memref<128x128xf32, #tpu.memory_space<vmem>>, vector<16xf32>,
          %get3A_137 = arith.index_cast %while3A_115 : i32 to index
          %get3A_138 = arith.constant 96 : index
          %get3A_139 = tpu.vector_load %arg13[%get3A_137, %get3A_138] {strides = array<i32>} : memref<128x128xf32, #tpu.memory_space<vmem>>, vector<16xf32>,
          %get3A_140 = arith.index_cast %while3A_115 : i32 to index
          %get3A_141 = arith.constant 112 : index
          %get3A_142 = tpu.vector_load %arg13[%get3A_140, %get3A_141] {strides = array<i32>} : memref<128x128xf32, #tpu.memory_space<vmem>>, vector<16xf32>,
          %get3A_143 = arith.index_cast %squeeze3A : i32 to index
          %get3A_144 = arith.constant 0 : index
          %get3A_145 = tpu.vector_load %arg14[%get3A_143, %get3A_144] {strides = array<i32>} : memref<160x128xf32, #tpu.memory_space<vmem>>, vector<16xf32>,
          %get3A_146 = arith.index_cast %squeeze3A : i32 to index
          %get3A_147 = arith.constant 16 : index
          %get3A_148 = tpu.vector_load %arg14[%get3A_146, %get3A_147] {strides = array<i32>} : memref<160x128xf32, #tpu.memory_space<vmem>>, vector<16xf32>,
          %get3A_149 = arith.index_cast %squeeze3A : i32 to index
          %get3A_150 = arith.constant 32 : index
          %get3A_151 = tpu.vector_load %arg14[%get3A_149, %get3A_150] {strides = array<i32>} : memref<160x128xf32, #tpu.memory_space<vmem>>, vector<16xf32>,
          %get3A_152 = arith.index_cast %squeeze3A : i32 to index
          %get3A_153 = arith.constant 48 : index
          %get3A_154 = tpu.vector_load %arg14[%get3A_152, %get3A_153] {strides = array<i32>} : memref<160x128xf32, #tpu.memory_space<vmem>>, vector<16xf32>,
          %get3A_155 = arith.index_cast %squeeze3A : i32 to index
          %get3A_156 = arith.constant 64 : index
          %get3A_157 = tpu.vector_load %arg14[%get3A_155, %get3A_156] {strides = array<i32>} : memref<160x128xf32, #tpu.memory_space<vmem>>, vector<16xf32>,
          %get3A_158 = arith.index_cast %squeeze3A : i32 to index
          %get3A_159 = arith.constant 80 : index
          %get3A_160 = tpu.vector_load %arg14[%get3A_158, %get3A_159] {strides = array<i32>} : memref<160x128xf32, #tpu.memory_space<vmem>>, vector<16xf32>,
          %get3A_161 = arith.index_cast %squeeze3A : i32 to index
          %get3A_162 = arith.constant 96 : index
          %get3A_163 = tpu.vector_load %arg14[%get3A_161, %get3A_162] {strides = array<i32>} : memref<160x128xf32, #tpu.memory_space<vmem>>, vector<16xf32>,
          %get3A_164 = arith.index_cast %squeeze3A : i32 to index
          %get3A_165 = arith.constant 112 : index
          %get3A_166 = tpu.vector_load %arg14[%get3A_164, %get3A_165] {strides = array<i32>} : memref<160x128xf32, #tpu.memory_space<vmem>>, vector<16xf32>,
          %get3A_167 = arith.index_cast %squeeze3A : i32 to index
          %get3A_168 = arith.constant 0 : index
          %get3A_169 = tpu.vector_load %arg15[%get3A_167, %get3A_168] {strides = array<i32>} : memref<160x128xf32, #tpu.memory_space<vmem>>, vector<16xf32>,
          %get3A_170 = arith.index_cast %squeeze3A : i32 to index
          %get3A_171 = arith.constant 16 : index
          %get3A_172 = tpu.vector_load %arg15[%get3A_170, %get3A_171] {strides = array<i32>} : memref<160x128xf32, #tpu.memory_space<vmem>>, vector<16xf32>,
          %get3A_173 = arith.index_cast %squeeze3A : i32 to index
          %get3A_174 = arith.constant 32 : index
          %get3A_175 = tpu.vector_load %arg15[%get3A_173, %get3A_174] {strides = array<i32>} : memref<160x128xf32, #tpu.memory_space<vmem>>, vector<16xf32>,
          %get3A_176 = arith.index_cast %squeeze3A : i32 to index
          %get3A_177 = arith.constant 48 : index
          %get3A_178 = tpu.vector_load %arg15[%get3A_176, %get3A_177] {strides = array<i32>} : memref<160x128xf32, #tpu.memory_space<vmem>>, vector<16xf32>,
          %get3A_179 = arith.index_cast %squeeze3A : i32 to index
          %get3A_180 = arith.constant 64 : index
          %get3A_181 = tpu.vector_load %arg15[%get3A_179, %get3A_180] {strides = array<i32>} : memref<160x128xf32, #tpu.memory_space<vmem>>, vector<16xf32>,
          %get3A_182 = arith.index_cast %squeeze3A : i32 to index
          %get3A_183 = arith.constant 80 : index
          %get3A_184 = tpu.vector_load %arg15[%get3A_182, %get3A_183] {strides = array<i32>} : memref<160x128xf32, #tpu.memory_space<vmem>>, vector<16xf32>,
          %get3A_185 = arith.index_cast %squeeze3A : i32 to index
          %get3A_186 = arith.constant 96 : index
          %get3A_187 = tpu.vector_load %arg15[%get3A_185, %get3A_186] {strides = array<i32>} : memref<160x128xf32, #tpu.memory_space<vmem>>, vector<16xf32>,
          %get3A_188 = arith.index_cast %squeeze3A : i32 to index
          %get3A_189 = arith.constant 112 : index
          %get3A_190 = tpu.vector_load %arg15[%get3A_188, %get3A_189] {strides = array<i32>} : memref<160x128xf32, #tpu.memory_space<vmem>>, vector<16xf32>,
          %get3A_191 = arith.index_cast %squeeze3A : i32 to index
          %get3A_192 = arith.constant 0 : index
          %get3A_193 = tpu.vector_load %arg16[%get3A_191, %get3A_192] {strides = array<i32>} : memref<160x128xf32, #tpu.memory_space<vmem>>, vector<16xf32>,
          %get3A_194 = arith.index_cast %squeeze3A : i32 to index
          %get3A_195 = arith.constant 16 : index
          %get3A_196 = tpu.vector_load %arg16[%get3A_194, %get3A_195] {strides = array<i32>} : memref<160x128xf32, #tpu.memory_space<vmem>>, vector<16xf32>,
          %get3A_197 = arith.index_cast %squeeze3A : i32 to index
          %get3A_198 = arith.constant 32 : index
          %get3A_199 = tpu.vector_load %arg16[%get3A_197, %get3A_198] {strides = array<i32>} : memref<160x128xf32, #tpu.memory_space<vmem>>, vector<16xf32>,
          %get3A_200 = arith.index_cast %squeeze3A : i32 to index
          %get3A_201 = arith.constant 48 : index
          %get3A_202 = tpu.vector_load %arg16[%get3A_200, %get3A_201] {strides = array<i32>} : memref<160x128xf32, #tpu.memory_space<vmem>>, vector<16xf32>,
          %get3A_203 = arith.index_cast %squeeze3A : i32 to index
          %get3A_204 = arith.constant 64 : index
          %get3A_205 = tpu.vector_load %arg16[%get3A_203, %get3A_204] {strides = array<i32>} : memref<160x128xf32, #tpu.memory_space<vmem>>, vector<16xf32>,
          %get3A_206 = arith.index_cast %squeeze3A : i32 to index
          %get3A_207 = arith.constant 80 : index
          %get3A_208 = tpu.vector_load %arg16[%get3A_206, %get3A_207] {strides = array<i32>} : memref<160x128xf32, #tpu.memory_space<vmem>>, vector<16xf32>,
          %get3A_209 = arith.index_cast %squeeze3A : i32 to index
          %get3A_210 = arith.constant 96 : index
          %get3A_211 = tpu.vector_load %arg16[%get3A_209, %get3A_210] {strides = array<i32>} : memref<160x128xf32, #tpu.memory_space<vmem>>, vector<16xf32>,
          %get3A_212 = arith.index_cast %squeeze3A : i32 to index
          %get3A_213 = arith.constant 112 : index
          %get3A_214 = tpu.vector_load %arg16[%get3A_212, %get3A_213] {strides = array<i32>} : memref<160x128xf32, #tpu.memory_space<vmem>>, vector<16xf32>,
          %get3A_215 = arith.index_cast %squeeze3A : i32 to index
          %get3A_216 = arith.constant 0 : index
          %get3A_217 = tpu.vector_load %arg17[%get3A_215, %get3A_216] {strides = array<i32>} : memref<160x128xf32, #tpu.memory_space<vmem>>, vector<16xf32>,
          %get3A_218 = arith.index_cast %squeeze3A : i32 to index
          %get3A_219 = arith.constant 16 : index
          %get3A_220 = tpu.vector_load %arg17[%get3A_218, %get3A_219] {strides = array<i32>} : memref<160x128xf32, #tpu.memory_space<vmem>>, vector<16xf32>,
          %get3A_221 = arith.index_cast %squeeze3A : i32 to index
          %get3A_222 = arith.constant 32 : index
          %get3A_223 = tpu.vector_load %arg17[%get3A_221, %get3A_222] {strides = array<i32>} : memref<160x128xf32, #tpu.memory_space<vmem>>, vector<16xf32>,
          %get3A_224 = arith.index_cast %squeeze3A : i32 to index
          %get3A_225 = arith.constant 48 : index
          %get3A_226 = tpu.vector_load %arg17[%get3A_224, %get3A_225] {strides = array<i32>} : memref<160x128xf32, #tpu.memory_space<vmem>>, vector<16xf32>,
          %get3A_227 = arith.index_cast %squeeze3A : i32 to index
          %get3A_228 = arith.constant 64 : index
          %get3A_229 = tpu.vector_load %arg17[%get3A_227, %get3A_228] {strides = array<i32>} : memref<160x128xf32, #tpu.memory_space<vmem>>, vector<16xf32>,
          %get3A_230 = arith.index_cast %squeeze3A : i32 to index
          %get3A_231 = arith.constant 80 : index
          %get3A_232 = tpu.vector_load %arg17[%get3A_230, %get3A_231] {strides = array<i32>} : memref<160x128xf32, #tpu.memory_space<vmem>>, vector<16xf32>,
          %get3A_233 = arith.index_cast %squeeze3A : i32 to index
          %get3A_234 = arith.constant 96 : index
          %get3A_235 = tpu.vector_load %arg17[%get3A_233, %get3A_234] {strides = array<i32>} : memref<160x128xf32, #tpu.memory_space<vmem>>, vector<16xf32>,
          %get3A_236 = arith.index_cast %squeeze3A : i32 to index
          %get3A_237 = arith.constant 112 : index
          %get3A_238 = tpu.vector_load %arg17[%get3A_236, %get3A_237] {strides = array<i32>} : memref<160x128xf32, #tpu.memory_space<vmem>>, vector<16xf32>,
          %add3A_239 = arith.addf %get3A_145, %get3A_121 : vector<16xf32>
          %add3A_240 = arith.addf %get3A_148, %get3A_124 : vector<16xf32>
          %add3A_241 = arith.addf %get3A_151, %get3A_127 : vector<16xf32>
          %add3A_242 = arith.addf %get3A_154, %get3A_130 : vector<16xf32>
          %add3A_243 = arith.addf %get3A_157, %get3A_133 : vector<16xf32>
          %add3A_244 = arith.addf %get3A_160, %get3A_136 : vector<16xf32>
          %add3A_245 = arith.addf %get3A_163, %get3A_139 : vector<16xf32>
          %add3A_246 = arith.addf %get3A_166, %get3A_142 : vector<16xf32>
          %mul3A_247 = arith.mulf %get3A_121, %get3A_121 : vector<16xf32>
          %add3A_248 = arith.addf %get3A_169, %mul3A_247 : vector<16xf32>
          %mul3A_249 = arith.mulf %get3A_124, %get3A_124 : vector<16xf32>
          %add3A_250 = arith.addf %get3A_172, %mul3A_249 : vector<16xf32>
          %mul3A_251 = arith.mulf %get3A_127, %get3A_127 : vector<16xf32>
          %add3A_252 = arith.addf %get3A_175, %mul3A_251 : vector<16xf32>
          %mul3A_253 = arith.mulf %get3A_130, %get3A_130 : vector<16xf32>
          %add3A_254 = arith.addf %get3A_178, %mul3A_253 : vector<16xf32>
          %mul3A_255 = arith.mulf %get3A_133, %get3A_133 : vector<16xf32>
          %add3A_256 = arith.addf %get3A_181, %mul3A_255 : vector<16xf32>
          %mul3A_257 = arith.mulf %get3A_136, %get3A_136 : vector<16xf32>
          %add3A_258 = arith.addf %get3A_184, %mul3A_257 : vector<16xf32>
          %mul3A_259 = arith.mulf %get3A_139, %get3A_139 : vector<16xf32>
          %add3A_260 = arith.addf %get3A_187, %mul3A_259 : vector<16xf32>
          %mul3A_261 = arith.mulf %get3A_142, %get3A_142 : vector<16xf32>
          %add3A_262 = arith.addf %get3A_190, %mul3A_261 : vector<16xf32>
          %min3A_263 = arith.minimumf %get3A_193, %get3A_121 : vector<16xf32>
          %min3A_264 = arith.minimumf %get3A_196, %get3A_124 : vector<16xf32>
          %min3A_265 = arith.minimumf %get3A_199, %get3A_127 : vector<16xf32>
          %min3A_266 = arith.minimumf %get3A_202, %get3A_130 : vector<16xf32>
          %min3A_267 = arith.minimumf %get3A_205, %get3A_133 : vector<16xf32>
          %min3A_268 = arith.minimumf %get3A_208, %get3A_136 : vector<16xf32>
          %min3A_269 = arith.minimumf %get3A_211, %get3A_139 : vector<16xf32>
          %min3A_270 = arith.minimumf %get3A_214, %get3A_142 : vector<16xf32>
          %max3A = arith.maximumf %get3A_217, %get3A_121 : vector<16xf32>
          %max3A_271 = arith.maximumf %get3A_220, %get3A_124 : vector<16xf32>
          %max3A_272 = arith.maximumf %get3A_223, %get3A_127 : vector<16xf32>
          %max3A_273 = arith.maximumf %get3A_226, %get3A_130 : vector<16xf32>
          %max3A_274 = arith.maximumf %get3A_229, %get3A_133 : vector<16xf32>
          %max3A_275 = arith.maximumf %get3A_232, %get3A_136 : vector<16xf32>
          %max3A_276 = arith.maximumf %get3A_235, %get3A_139 : vector<16xf32>
          %max3A_277 = arith.maximumf %get3A_238, %get3A_142 : vector<16xf32>
          %swap3A = arith.index_cast %squeeze3A : i32 to index
          %swap3A_278 = arith.constant 0 : index
          %swap3A_279 = tpu.vector_load %arg14[%swap3A, %swap3A_278] {strides = array<i32>} : memref<160x128xf32, #tpu.memory_space<vmem>>, vector<16xf32>,
          tpu.vector_store %arg14[%swap3A, %swap3A_278], %add3A_239 {strides = array<i32>} : memref<160x128xf32, #tpu.memory_space<vmem>>, vector<16xf32>,
          %swap3A_280 = arith.index_cast %squeeze3A : i32 to index
          %swap3A_281 = arith.constant 0 : index
          %swap3A_282 = tpu.vector_load %arg15[%swap3A_280, %swap3A_281] {strides = array<i32>} : memref<160x128xf32, #tpu.memory_space<vmem>>, vector<16xf32>,
          tpu.vector_store %arg15[%swap3A_280, %swap3A_281], %add3A_248 {strides = array<i32>} : memref<160x128xf32, #tpu.memory_space<vmem>>, vector<16xf32>,
          %swap3A_283 = arith.index_cast %squeeze3A : i32 to index
          %swap3A_284 = arith.constant 0 : index
          %swap3A_285 = tpu.vector_load %arg16[%swap3A_283, %swap3A_284] {strides = array<i32>} : memref<160x128xf32, #tpu.memory_space<vmem>>, vector<16xf32>,
          tpu.vector_store %arg16[%swap3A_283, %swap3A_284], %min3A_263 {strides = array<i32>} : memref<160x128xf32, #tpu.memory_space<vmem>>, vector<16xf32>,
          %swap3A_286 = arith.index_cast %squeeze3A : i32 to index
          %swap3A_287 = arith.constant 0 : index
          %swap3A_288 = tpu.vector_load %arg17[%swap3A_286, %swap3A_287] {strides = array<i32>} : memref<160x128xf32, #tpu.memory_space<vmem>>, vector<16xf32>,
          tpu.vector_store %arg17[%swap3A_286, %swap3A_287], %max3A {strides = array<i32>} : memref<160x128xf32, #tpu.memory_space<vmem>>, vector<16xf32>,
          %swap3A_289 = arith.index_cast %squeeze3A : i32 to index
          %swap3A_290 = arith.constant 16 : index
          %swap3A_291 = tpu.vector_load %arg14[%swap3A_289, %swap3A_290] {strides = array<i32>} : memref<160x128xf32, #tpu.memory_space<vmem>>, vector<16xf32>,
          tpu.vector_store %arg14[%swap3A_289, %swap3A_290], %add3A_240 {strides = array<i32>} : memref<160x128xf32, #tpu.memory_space<vmem>>, vector<16xf32>,
          %swap3A_292 = arith.index_cast %squeeze3A : i32 to index
          %swap3A_293 = arith.constant 16 : index
          %swap3A_294 = tpu.vector_load %arg15[%swap3A_292, %swap3A_293] {strides = array<i32>} : memref<160x128xf32, #tpu.memory_space<vmem>>, vector<16xf32>,
          tpu.vector_store %arg15[%swap3A_292, %swap3A_293], %add3A_250 {strides = array<i32>} : memref<160x128xf32, #tpu.memory_space<vmem>>, vector<16xf32>,
          %swap3A_295 = arith.index_cast %squeeze3A : i32 to index
          %swap3A_296 = arith.constant 16 : index
          %swap3A_297 = tpu.vector_load %arg16[%swap3A_295, %swap3A_296] {strides = array<i32>} : memref<160x128xf32, #tpu.memory_space<vmem>>, vector<16xf32>,
          tpu.vector_store %arg16[%swap3A_295, %swap3A_296], %min3A_264 {strides = array<i32>} : memref<160x128xf32, #tpu.memory_space<vmem>>, vector<16xf32>,
          %swap3A_298 = arith.index_cast %squeeze3A : i32 to index
          %swap3A_299 = arith.constant 16 : index
          %swap3A_300 = tpu.vector_load %arg17[%swap3A_298, %swap3A_299] {strides = array<i32>} : memref<160x128xf32, #tpu.memory_space<vmem>>, vector<16xf32>,
          tpu.vector_store %arg17[%swap3A_298, %swap3A_299], %max3A_271 {strides = array<i32>} : memref<160x128xf32, #tpu.memory_space<vmem>>, vector<16xf32>,
          %swap3A_301 = arith.index_cast %squeeze3A : i32 to index
          %swap3A_302 = arith.constant 32 : index
          %swap3A_303 = tpu.vector_load %arg14[%swap3A_301, %swap3A_302] {strides = array<i32>} : memref<160x128xf32, #tpu.memory_space<vmem>>, vector<16xf32>,
          tpu.vector_store %arg14[%swap3A_301, %swap3A_302], %add3A_241 {strides = array<i32>} : memref<160x128xf32, #tpu.memory_space<vmem>>, vector<16xf32>,
          %swap3A_304 = arith.index_cast %squeeze3A : i32 to index
          %swap3A_305 = arith.constant 32 : index
          %swap3A_306 = tpu.vector_load %arg15[%swap3A_304, %swap3A_305] {strides = array<i32>} : memref<160x128xf32, #tpu.memory_space<vmem>>, vector<16xf32>,
          tpu.vector_store %arg15[%swap3A_304, %swap3A_305], %add3A_252 {strides = array<i32>} : memref<160x128xf32, #tpu.memory_space<vmem>>, vector<16xf32>,
          %swap3A_307 = arith.index_cast %squeeze3A : i32 to index
          %swap3A_308 = arith.constant 32 : index
          %swap3A_309 = tpu.vector_load %arg16[%swap3A_307, %swap3A_308] {strides = array<i32>} : memref<160x128xf32, #tpu.memory_space<vmem>>, vector<16xf32>,
          tpu.vector_store %arg16[%swap3A_307, %swap3A_308], %min3A_265 {strides = array<i32>} : memref<160x128xf32, #tpu.memory_space<vmem>>, vector<16xf32>,
          %swap3A_310 = arith.index_cast %squeeze3A : i32 to index
          %swap3A_311 = arith.constant 32 : index
          %swap3A_312 = tpu.vector_load %arg17[%swap3A_310, %swap3A_311] {strides = array<i32>} : memref<160x128xf32, #tpu.memory_space<vmem>>, vector<16xf32>,
          tpu.vector_store %arg17[%swap3A_310, %swap3A_311], %max3A_272 {strides = array<i32>} : memref<160x128xf32, #tpu.memory_space<vmem>>, vector<16xf32>,
          %swap3A_313 = arith.index_cast %squeeze3A : i32 to index
          %swap3A_314 = arith.constant 48 : index
          %swap3A_315 = tpu.vector_load %arg14[%swap3A_313, %swap3A_314] {strides = array<i32>} : memref<160x128xf32, #tpu.memory_space<vmem>>, vector<16xf32>,
          tpu.vector_store %arg14[%swap3A_313, %swap3A_314], %add3A_242 {strides = array<i32>} : memref<160x128xf32, #tpu.memory_space<vmem>>, vector<16xf32>,
          %swap3A_316 = arith.index_cast %squeeze3A : i32 to index
          %swap3A_317 = arith.constant 48 : index
          %swap3A_318 = tpu.vector_load %arg15[%swap3A_316, %swap3A_317] {strides = array<i32>} : memref<160x128xf32, #tpu.memory_space<vmem>>, vector<16xf32>,
          tpu.vector_store %arg15[%swap3A_316, %swap3A_317], %add3A_254 {strides = array<i32>} : memref<160x128xf32, #tpu.memory_space<vmem>>, vector<16xf32>,
          %swap3A_319 = arith.index_cast %squeeze3A : i32 to index
          %swap3A_320 = arith.constant 48 : index
          %swap3A_321 = tpu.vector_load %arg16[%swap3A_319, %swap3A_320] {strides = array<i32>} : memref<160x128xf32, #tpu.memory_space<vmem>>, vector<16xf32>,
          tpu.vector_store %arg16[%swap3A_319, %swap3A_320], %min3A_266 {strides = array<i32>} : memref<160x128xf32, #tpu.memory_space<vmem>>, vector<16xf32>,
          %swap3A_322 = arith.index_cast %squeeze3A : i32 to index
          %swap3A_323 = arith.constant 48 : index
          %swap3A_324 = tpu.vector_load %arg17[%swap3A_322, %swap3A_323] {strides = array<i32>} : memref<160x128xf32, #tpu.memory_space<vmem>>, vector<16xf32>,
          tpu.vector_store %arg17[%swap3A_322, %swap3A_323], %max3A_273 {strides = array<i32>} : memref<160x128xf32, #tpu.memory_space<vmem>>, vector<16xf32>,
          %swap3A_325 = arith.index_cast %squeeze3A : i32 to index
          %swap3A_326 = arith.constant 64 : index
          %swap3A_327 = tpu.vector_load %arg14[%swap3A_325, %swap3A_326] {strides = array<i32>} : memref<160x128xf32, #tpu.memory_space<vmem>>, vector<16xf32>,
          tpu.vector_store %arg14[%swap3A_325, %swap3A_326], %add3A_243 {strides = array<i32>} : memref<160x128xf32, #tpu.memory_space<vmem>>, vector<16xf32>,
          %swap3A_328 = arith.index_cast %squeeze3A : i32 to index
          %swap3A_329 = arith.constant 64 : index
          %swap3A_330 = tpu.vector_load %arg15[%swap3A_328, %swap3A_329] {strides = array<i32>} : memref<160x128xf32, #tpu.memory_space<vmem>>, vector<16xf32>,
          tpu.vector_store %arg15[%swap3A_328, %swap3A_329], %add3A_256 {strides = array<i32>} : memref<160x128xf32, #tpu.memory_space<vmem>>, vector<16xf32>,
          %swap3A_331 = arith.index_cast %squeeze3A : i32 to index
          %swap3A_332 = arith.constant 64 : index
          %swap3A_333 = tpu.vector_load %arg16[%swap3A_331, %swap3A_332] {strides = array<i32>} : memref<160x128xf32, #tpu.memory_space<vmem>>, vector<16xf32>,
          tpu.vector_store %arg16[%swap3A_331, %swap3A_332], %min3A_267 {strides = array<i32>} : memref<160x128xf32, #tpu.memory_space<vmem>>, vector<16xf32>,
          %swap3A_334 = arith.index_cast %squeeze3A : i32 to index
          %swap3A_335 = arith.constant 64 : index
          %swap3A_336 = tpu.vector_load %arg17[%swap3A_334, %swap3A_335] {strides = array<i32>} : memref<160x128xf32, #tpu.memory_space<vmem>>, vector<16xf32>,
          tpu.vector_store %arg17[%swap3A_334, %swap3A_335], %max3A_274 {strides = array<i32>} : memref<160x128xf32, #tpu.memory_space<vmem>>, vector<16xf32>,
          %swap3A_337 = arith.index_cast %squeeze3A : i32 to index
          %swap3A_338 = arith.constant 80 : index
          %swap3A_339 = tpu.vector_load %arg14[%swap3A_337, %swap3A_338] {strides = array<i32>} : memref<160x128xf32, #tpu.memory_space<vmem>>, vector<16xf32>,
          tpu.vector_store %arg14[%swap3A_337, %swap3A_338], %add3A_244 {strides = array<i32>} : memref<160x128xf32, #tpu.memory_space<vmem>>, vector<16xf32>,
          %swap3A_340 = arith.index_cast %squeeze3A : i32 to index
          %swap3A_341 = arith.constant 80 : index
          %swap3A_342 = tpu.vector_load %arg15[%swap3A_340, %swap3A_341] {strides = array<i32>} : memref<160x128xf32, #tpu.memory_space<vmem>>, vector<16xf32>,
          tpu.vector_store %arg15[%swap3A_340, %swap3A_341], %add3A_258 {strides = array<i32>} : memref<160x128xf32, #tpu.memory_space<vmem>>, vector<16xf32>,
          %swap3A_343 = arith.index_cast %squeeze3A : i32 to index
          %swap3A_344 = arith.constant 80 : index
          %swap3A_345 = tpu.vector_load %arg16[%swap3A_343, %swap3A_344] {strides = array<i32>} : memref<160x128xf32, #tpu.memory_space<vmem>>, vector<16xf32>,
          tpu.vector_store %arg16[%swap3A_343, %swap3A_344], %min3A_268 {strides = array<i32>} : memref<160x128xf32, #tpu.memory_space<vmem>>, vector<16xf32>,
          %swap3A_346 = arith.index_cast %squeeze3A : i32 to index
          %swap3A_347 = arith.constant 80 : index
          %swap3A_348 = tpu.vector_load %arg17[%swap3A_346, %swap3A_347] {strides = array<i32>} : memref<160x128xf32, #tpu.memory_space<vmem>>, vector<16xf32>,
          tpu.vector_store %arg17[%swap3A_346, %swap3A_347], %max3A_275 {strides = array<i32>} : memref<160x128xf32, #tpu.memory_space<vmem>>, vector<16xf32>,
          %swap3A_349 = arith.index_cast %squeeze3A : i32 to index
          %swap3A_350 = arith.constant 96 : index
          %swap3A_351 = tpu.vector_load %arg14[%swap3A_349, %swap3A_350] {strides = array<i32>} : memref<160x128xf32, #tpu.memory_space<vmem>>, vector<16xf32>,
          tpu.vector_store %arg14[%swap3A_349, %swap3A_350], %add3A_245 {strides = array<i32>} : memref<160x128xf32, #tpu.memory_space<vmem>>, vector<16xf32>,
          %swap3A_352 = arith.index_cast %squeeze3A : i32 to index
          %swap3A_353 = arith.constant 96 : index
          %swap3A_354 = tpu.vector_load %arg15[%swap3A_352, %swap3A_353] {strides = array<i32>} : memref<160x128xf32, #tpu.memory_space<vmem>>, vector<16xf32>,
          tpu.vector_store %arg15[%swap3A_352, %swap3A_353], %add3A_260 {strides = array<i32>} : memref<160x128xf32, #tpu.memory_space<vmem>>, vector<16xf32>,
          %swap3A_355 = arith.index_cast %squeeze3A : i32 to index
          %swap3A_356 = arith.constant 96 : index
          %swap3A_357 = tpu.vector_load %arg16[%swap3A_355, %swap3A_356] {strides = array<i32>} : memref<160x128xf32, #tpu.memory_space<vmem>>, vector<16xf32>,
          tpu.vector_store %arg16[%swap3A_355, %swap3A_356], %min3A_269 {strides = array<i32>} : memref<160x128xf32, #tpu.memory_space<vmem>>, vector<16xf32>,
          %swap3A_358 = arith.index_cast %squeeze3A : i32 to index
          %swap3A_359 = arith.constant 96 : index
          %swap3A_360 = tpu.vector_load %arg17[%swap3A_358, %swap3A_359] {strides = array<i32>} : memref<160x128xf32, #tpu.memory_space<vmem>>, vector<16xf32>,
          tpu.vector_store %arg17[%swap3A_358, %swap3A_359], %max3A_276 {strides = array<i32>} : memref<160x128xf32, #tpu.memory_space<vmem>>, vector<16xf32>,
          %swap3A_361 = arith.index_cast %squeeze3A : i32 to index
          %swap3A_362 = arith.constant 112 : index
          %swap3A_363 = tpu.vector_load %arg14[%swap3A_361, %swap3A_362] {strides = array<i32>} : memref<160x128xf32, #tpu.memory_space<vmem>>, vector<16xf32>,
          tpu.vector_store %arg14[%swap3A_361, %swap3A_362], %add3A_246 {strides = array<i32>} : memref<160x128xf32, #tpu.memory_space<vmem>>, vector<16xf32>,
          %swap3A_364 = arith.index_cast %squeeze3A : i32 to index
          %swap3A_365 = arith.constant 112 : index
          %swap3A_366 = tpu.vector_load %arg15[%swap3A_364, %swap3A_365] {strides = array<i32>} : memref<160x128xf32, #tpu.memory_space<vmem>>, vector<16xf32>,
          tpu.vector_store %arg15[%swap3A_364, %swap3A_365], %add3A_262 {strides = array<i32>} : memref<160x128xf32, #tpu.memory_space<vmem>>, vector<16xf32>,
          %swap3A_367 = arith.index_cast %squeeze3A : i32 to index
          %swap3A_368 = arith.constant 112 : index
          %swap3A_369 = tpu.vector_load %arg16[%swap3A_367, %swap3A_368] {strides = array<i32>} : memref<160x128xf32, #tpu.memory_space<vmem>>, vector<16xf32>,
          tpu.vector_store %arg16[%swap3A_367, %swap3A_368], %min3A_270 {strides = array<i32>} : memref<160x128xf32, #tpu.memory_space<vmem>>, vector<16xf32>,
          %swap3A_370 = arith.index_cast %squeeze3A : i32 to index
          %swap3A_371 = arith.constant 112 : index
          %swap3A_372 = tpu.vector_load %arg17[%swap3A_370, %swap3A_371] {strides = array<i32>} : memref<160x128xf32, #tpu.memory_space<vmem>>, vector<16xf32>,
          tpu.vector_store %arg17[%swap3A_370, %swap3A_371], %max3A_277 {strides = array<i32>} : memref<160x128xf32, #tpu.memory_space<vmem>>, vector<16xf32>,
          %while3A_373 = arith.constant 0 : i32
          scf.yield %while3A_373 : i32
        }
        %while3A_112 = arith.constant 1 : i32
        %while3A_113 = scf.for %while3A_115 = %while3A_109 to %while3A_105 step %while3A_112 iter_args(%while3A_116 = %while3A_111) -> (i32)  : i32 {
          %add3A_117 = arith.addi %mul3A_88, %while3A_115 : i32
          %get3A = arith.index_cast %add3A_117 : i32 to index
          %get3A_118 = tpu.vector_load %arg11[%get3A] {strides = array<i32>} : memref<2064xi32, #tpu.memory_space<vmem>>, vector<16xi32>,
          %slice3A = vector.extract_strided_slice %get3A_118 {offsets = [0], sizes = [1], strides = [1]} : vector<16xi32> to vector<1xi32>
          %squeeze3A = vector.extract %slice3A[0] : i32 from vector<1xi32>
          %get3A_119 = arith.index_cast %while3A_115 : i32 to index
          %get3A_120 = arith.constant 0 : index
          %get3A_121 = tpu.vector_load %arg13[%get3A_119, %get3A_120] {strides = array<i32>} : memref<128x128xf32, #tpu.memory_space<vmem>>, vector<16xf32>,
          %get3A_122 = arith.index_cast %while3A_115 : i32 to index
          %get3A_123 = arith.constant 16 : index
          %get3A_124 = tpu.vector_load %arg13[%get3A_122, %get3A_123] {strides = array<i32>} : memref<128x128xf32, #tpu.memory_space<vmem>>, vector<16xf32>,
          %get3A_125 = arith.index_cast %while3A_115 : i32 to index
          %get3A_126 = arith.constant 32 : index
          %get3A_127 = tpu.vector_load %arg13[%get3A_125, %get3A_126] {strides = array<i32>} : memref<128x128xf32, #tpu.memory_space<vmem>>, vector<16xf32>,
          %get3A_128 = arith.index_cast %while3A_115 : i32 to index
          %get3A_129 = arith.constant 48 : index
          %get3A_130 = tpu.vector_load %arg13[%get3A_128, %get3A_129] {strides = array<i32>} : memref<128x128xf32, #tpu.memory_space<vmem>>, vector<16xf32>,
          %get3A_131 = arith.index_cast %while3A_115 : i32 to index
          %get3A_132 = arith.constant 64 : index
          %get3A_133 = tpu.vector_load %arg13[%get3A_131, %get3A_132] {strides = array<i32>} : memref<128x128xf32, #tpu.memory_space<vmem>>, vector<16xf32>,
          %get3A_134 = arith.index_cast %while3A_115 : i32 to index
          %get3A_135 = arith.constant 80 : index
          %get3A_136 = tpu.vector_load %arg13[%get3A_134, %get3A_135] {strides = array<i32>} : memref<128x128xf32, #tpu.memory_space<vmem>>, vector<16xf32>,
          %get3A_137 = arith.index_cast %while3A_115 : i32 to index
          %get3A_138 = arith.constant 96 : index
          %get3A_139 = tpu.vector_load %arg13[%get3A_137, %get3A_138] {strides = array<i32>} : memref<128x128xf32, #tpu.memory_space<vmem>>, vector<16xf32>,
          %get3A_140 = arith.index_cast %while3A_115 : i32 to index
          %get3A_141 = arith.constant 112 : index
          %get3A_142 = tpu.vector_load %arg13[%get3A_140, %get3A_141] {strides = array<i32>} : memref<128x128xf32, #tpu.memory_space<vmem>>, vector<16xf32>,
          %get3A_143 = arith.index_cast %squeeze3A : i32 to index
          %get3A_144 = arith.constant 0 : index
          %get3A_145 = tpu.vector_load %arg14[%get3A_143, %get3A_144] {strides = array<i32>} : memref<160x128xf32, #tpu.memory_space<vmem>>, vector<16xf32>,
          %get3A_146 = arith.index_cast %squeeze3A : i32 to index
          %get3A_147 = arith.constant 16 : index
          %get3A_148 = tpu.vector_load %arg14[%get3A_146, %get3A_147] {strides = array<i32>} : memref<160x128xf32, #tpu.memory_space<vmem>>, vector<16xf32>,
          %get3A_149 = arith.index_cast %squeeze3A : i32 to index
          %get3A_150 = arith.constant 32 : index
          %get3A_151 = tpu.vector_load %arg14[%get3A_149, %get3A_150] {strides = array<i32>} : memref<160x128xf32, #tpu.memory_space<vmem>>, vector<16xf32>,
          %get3A_152 = arith.index_cast %squeeze3A : i32 to index
          %get3A_153 = arith.constant 48 : index
          %get3A_154 = tpu.vector_load %arg14[%get3A_152, %get3A_153] {strides = array<i32>} : memref<160x128xf32, #tpu.memory_space<vmem>>, vector<16xf32>,
          %get3A_155 = arith.index_cast %squeeze3A : i32 to index
          %get3A_156 = arith.constant 64 : index
          %get3A_157 = tpu.vector_load %arg14[%get3A_155, %get3A_156] {strides = array<i32>} : memref<160x128xf32, #tpu.memory_space<vmem>>, vector<16xf32>,
          %get3A_158 = arith.index_cast %squeeze3A : i32 to index
          %get3A_159 = arith.constant 80 : index
          %get3A_160 = tpu.vector_load %arg14[%get3A_158, %get3A_159] {strides = array<i32>} : memref<160x128xf32, #tpu.memory_space<vmem>>, vector<16xf32>,
          %get3A_161 = arith.index_cast %squeeze3A : i32 to index
          %get3A_162 = arith.constant 96 : index
          %get3A_163 = tpu.vector_load %arg14[%get3A_161, %get3A_162] {strides = array<i32>} : memref<160x128xf32, #tpu.memory_space<vmem>>, vector<16xf32>,
          %get3A_164 = arith.index_cast %squeeze3A : i32 to index
          %get3A_165 = arith.constant 112 : index
          %get3A_166 = tpu.vector_load %arg14[%get3A_164, %get3A_165] {strides = array<i32>} : memref<160x128xf32, #tpu.memory_space<vmem>>, vector<16xf32>,
          %get3A_167 = arith.index_cast %squeeze3A : i32 to index
          %get3A_168 = arith.constant 0 : index
          %get3A_169 = tpu.vector_load %arg15[%get3A_167, %get3A_168] {strides = array<i32>} : memref<160x128xf32, #tpu.memory_space<vmem>>, vector<16xf32>,
          %get3A_170 = arith.index_cast %squeeze3A : i32 to index
          %get3A_171 = arith.constant 16 : index
          %get3A_172 = tpu.vector_load %arg15[%get3A_170, %get3A_171] {strides = array<i32>} : memref<160x128xf32, #tpu.memory_space<vmem>>, vector<16xf32>,
          %get3A_173 = arith.index_cast %squeeze3A : i32 to index
          %get3A_174 = arith.constant 32 : index
          %get3A_175 = tpu.vector_load %arg15[%get3A_173, %get3A_174] {strides = array<i32>} : memref<160x128xf32, #tpu.memory_space<vmem>>, vector<16xf32>,
          %get3A_176 = arith.index_cast %squeeze3A : i32 to index
          %get3A_177 = arith.constant 48 : index
          %get3A_178 = tpu.vector_load %arg15[%get3A_176, %get3A_177] {strides = array<i32>} : memref<160x128xf32, #tpu.memory_space<vmem>>, vector<16xf32>,
          %get3A_179 = arith.index_cast %squeeze3A : i32 to index
          %get3A_180 = arith.constant 64 : index
          %get3A_181 = tpu.vector_load %arg15[%get3A_179, %get3A_180] {strides = array<i32>} : memref<160x128xf32, #tpu.memory_space<vmem>>, vector<16xf32>,
          %get3A_182 = arith.index_cast %squeeze3A : i32 to index
          %get3A_183 = arith.constant 80 : index
          %get3A_184 = tpu.vector_load %arg15[%get3A_182, %get3A_183] {strides = array<i32>} : memref<160x128xf32, #tpu.memory_space<vmem>>, vector<16xf32>,
          %get3A_185 = arith.index_cast %squeeze3A : i32 to index
          %get3A_186 = arith.constant 96 : index
          %get3A_187 = tpu.vector_load %arg15[%get3A_185, %get3A_186] {strides = array<i32>} : memref<160x128xf32, #tpu.memory_space<vmem>>, vector<16xf32>,
          %get3A_188 = arith.index_cast %squeeze3A : i32 to index
          %get3A_189 = arith.constant 112 : index
          %get3A_190 = tpu.vector_load %arg15[%get3A_188, %get3A_189] {strides = array<i32>} : memref<160x128xf32, #tpu.memory_space<vmem>>, vector<16xf32>,
          %get3A_191 = arith.index_cast %squeeze3A : i32 to index
          %get3A_192 = arith.constant 0 : index
          %get3A_193 = tpu.vector_load %arg16[%get3A_191, %get3A_192] {strides = array<i32>} : memref<160x128xf32, #tpu.memory_space<vmem>>, vector<16xf32>,
          %get3A_194 = arith.index_cast %squeeze3A : i32 to index
          %get3A_195 = arith.constant 16 : index
          %get3A_196 = tpu.vector_load %arg16[%get3A_194, %get3A_195] {strides = array<i32>} : memref<160x128xf32, #tpu.memory_space<vmem>>, vector<16xf32>,
          %get3A_197 = arith.index_cast %squeeze3A : i32 to index
          %get3A_198 = arith.constant 32 : index
          %get3A_199 = tpu.vector_load %arg16[%get3A_197, %get3A_198] {strides = array<i32>} : memref<160x128xf32, #tpu.memory_space<vmem>>, vector<16xf32>,
          %get3A_200 = arith.index_cast %squeeze3A : i32 to index
          %get3A_201 = arith.constant 48 : index
          %get3A_202 = tpu.vector_load %arg16[%get3A_200, %get3A_201] {strides = array<i32>} : memref<160x128xf32, #tpu.memory_space<vmem>>, vector<16xf32>,
          %get3A_203 = arith.index_cast %squeeze3A : i32 to index
          %get3A_204 = arith.constant 64 : index
          %get3A_205 = tpu.vector_load %arg16[%get3A_203, %get3A_204] {strides = array<i32>} : memref<160x128xf32, #tpu.memory_space<vmem>>, vector<16xf32>,
          %get3A_206 = arith.index_cast %squeeze3A : i32 to index
          %get3A_207 = arith.constant 80 : index
          %get3A_208 = tpu.vector_load %arg16[%get3A_206, %get3A_207] {strides = array<i32>} : memref<160x128xf32, #tpu.memory_space<vmem>>, vector<16xf32>,
          %get3A_209 = arith.index_cast %squeeze3A : i32 to index
          %get3A_210 = arith.constant 96 : index
          %get3A_211 = tpu.vector_load %arg16[%get3A_209, %get3A_210] {strides = array<i32>} : memref<160x128xf32, #tpu.memory_space<vmem>>, vector<16xf32>,
          %get3A_212 = arith.index_cast %squeeze3A : i32 to index
          %get3A_213 = arith.constant 112 : index
          %get3A_214 = tpu.vector_load %arg16[%get3A_212, %get3A_213] {strides = array<i32>} : memref<160x128xf32, #tpu.memory_space<vmem>>, vector<16xf32>,
          %get3A_215 = arith.index_cast %squeeze3A : i32 to index
          %get3A_216 = arith.constant 0 : index
          %get3A_217 = tpu.vector_load %arg17[%get3A_215, %get3A_216] {strides = array<i32>} : memref<160x128xf32, #tpu.memory_space<vmem>>, vector<16xf32>,
          %get3A_218 = arith.index_cast %squeeze3A : i32 to index
          %get3A_219 = arith.constant 16 : index
          %get3A_220 = tpu.vector_load %arg17[%get3A_218, %get3A_219] {strides = array<i32>} : memref<160x128xf32, #tpu.memory_space<vmem>>, vector<16xf32>,
          %get3A_221 = arith.index_cast %squeeze3A : i32 to index
          %get3A_222 = arith.constant 32 : index
          %get3A_223 = tpu.vector_load %arg17[%get3A_221, %get3A_222] {strides = array<i32>} : memref<160x128xf32, #tpu.memory_space<vmem>>, vector<16xf32>,
          %get3A_224 = arith.index_cast %squeeze3A : i32 to index
          %get3A_225 = arith.constant 48 : index
          %get3A_226 = tpu.vector_load %arg17[%get3A_224, %get3A_225] {strides = array<i32>} : memref<160x128xf32, #tpu.memory_space<vmem>>, vector<16xf32>,
          %get3A_227 = arith.index_cast %squeeze3A : i32 to index
          %get3A_228 = arith.constant 64 : index
          %get3A_229 = tpu.vector_load %arg17[%get3A_227, %get3A_228] {strides = array<i32>} : memref<160x128xf32, #tpu.memory_space<vmem>>, vector<16xf32>,
          %get3A_230 = arith.index_cast %squeeze3A : i32 to index
          %get3A_231 = arith.constant 80 : index
          %get3A_232 = tpu.vector_load %arg17[%get3A_230, %get3A_231] {strides = array<i32>} : memref<160x128xf32, #tpu.memory_space<vmem>>, vector<16xf32>,
          %get3A_233 = arith.index_cast %squeeze3A : i32 to index
          %get3A_234 = arith.constant 96 : index
          %get3A_235 = tpu.vector_load %arg17[%get3A_233, %get3A_234] {strides = array<i32>} : memref<160x128xf32, #tpu.memory_space<vmem>>, vector<16xf32>,
          %get3A_236 = arith.index_cast %squeeze3A : i32 to index
          %get3A_237 = arith.constant 112 : index
          %get3A_238 = tpu.vector_load %arg17[%get3A_236, %get3A_237] {strides = array<i32>} : memref<160x128xf32, #tpu.memory_space<vmem>>, vector<16xf32>,
          %add3A_239 = arith.addf %get3A_145, %get3A_121 : vector<16xf32>
          %add3A_240 = arith.addf %get3A_148, %get3A_124 : vector<16xf32>
          %add3A_241 = arith.addf %get3A_151, %get3A_127 : vector<16xf32>
          %add3A_242 = arith.addf %get3A_154, %get3A_130 : vector<16xf32>
          %add3A_243 = arith.addf %get3A_157, %get3A_133 : vector<16xf32>
          %add3A_244 = arith.addf %get3A_160, %get3A_136 : vector<16xf32>
          %add3A_245 = arith.addf %get3A_163, %get3A_139 : vector<16xf32>
          %add3A_246 = arith.addf %get3A_166, %get3A_142 : vector<16xf32>
          %mul3A_247 = arith.mulf %get3A_121, %get3A_121 : vector<16xf32>
          %add3A_248 = arith.addf %get3A_169, %mul3A_247 : vector<16xf32>
          %mul3A_249 = arith.mulf %get3A_124, %get3A_124 : vector<16xf32>
          %add3A_250 = arith.addf %get3A_172, %mul3A_249 : vector<16xf32>
          %mul3A_251 = arith.mulf %get3A_127, %get3A_127 : vector<16xf32>
          %add3A_252 = arith.addf %get3A_175, %mul3A_251 : vector<16xf32>
          %mul3A_253 = arith.mulf %get3A_130, %get3A_130 : vector<16xf32>
          %add3A_254 = arith.addf %get3A_178, %mul3A_253 : vector<16xf32>
          %mul3A_255 = arith.mulf %get3A_133, %get3A_133 : vector<16xf32>
          %add3A_256 = arith.addf %get3A_181, %mul3A_255 : vector<16xf32>
          %mul3A_257 = arith.mulf %get3A_136, %get3A_136 : vector<16xf32>
          %add3A_258 = arith.addf %get3A_184, %mul3A_257 : vector<16xf32>
          %mul3A_259 = arith.mulf %get3A_139, %get3A_139 : vector<16xf32>
          %add3A_260 = arith.addf %get3A_187, %mul3A_259 : vector<16xf32>
          %mul3A_261 = arith.mulf %get3A_142, %get3A_142 : vector<16xf32>
          %add3A_262 = arith.addf %get3A_190, %mul3A_261 : vector<16xf32>
          %min3A_263 = arith.minimumf %get3A_193, %get3A_121 : vector<16xf32>
          %min3A_264 = arith.minimumf %get3A_196, %get3A_124 : vector<16xf32>
          %min3A_265 = arith.minimumf %get3A_199, %get3A_127 : vector<16xf32>
          %min3A_266 = arith.minimumf %get3A_202, %get3A_130 : vector<16xf32>
          %min3A_267 = arith.minimumf %get3A_205, %get3A_133 : vector<16xf32>
          %min3A_268 = arith.minimumf %get3A_208, %get3A_136 : vector<16xf32>
          %min3A_269 = arith.minimumf %get3A_211, %get3A_139 : vector<16xf32>
          %min3A_270 = arith.minimumf %get3A_214, %get3A_142 : vector<16xf32>
          %max3A = arith.maximumf %get3A_217, %get3A_121 : vector<16xf32>
          %max3A_271 = arith.maximumf %get3A_220, %get3A_124 : vector<16xf32>
          %max3A_272 = arith.maximumf %get3A_223, %get3A_127 : vector<16xf32>
          %max3A_273 = arith.maximumf %get3A_226, %get3A_130 : vector<16xf32>
          %max3A_274 = arith.maximumf %get3A_229, %get3A_133 : vector<16xf32>
          %max3A_275 = arith.maximumf %get3A_232, %get3A_136 : vector<16xf32>
          %max3A_276 = arith.maximumf %get3A_235, %get3A_139 : vector<16xf32>
          %max3A_277 = arith.maximumf %get3A_238, %get3A_142 : vector<16xf32>
          %swap3A = arith.index_cast %squeeze3A : i32 to index
          %swap3A_278 = arith.constant 0 : index
          %swap3A_279 = tpu.vector_load %arg14[%swap3A, %swap3A_278] {strides = array<i32>} : memref<160x128xf32, #tpu.memory_space<vmem>>, vector<16xf32>,
          tpu.vector_store %arg14[%swap3A, %swap3A_278], %add3A_239 {strides = array<i32>} : memref<160x128xf32, #tpu.memory_space<vmem>>, vector<16xf32>,
          %swap3A_280 = arith.index_cast %squeeze3A : i32 to index
          %swap3A_281 = arith.constant 0 : index
          %swap3A_282 = tpu.vector_load %arg15[%swap3A_280, %swap3A_281] {strides = array<i32>} : memref<160x128xf32, #tpu.memory_space<vmem>>, vector<16xf32>,
          tpu.vector_store %arg15[%swap3A_280, %swap3A_281], %add3A_248 {strides = array<i32>} : memref<160x128xf32, #tpu.memory_space<vmem>>, vector<16xf32>,
          %swap3A_283 = arith.index_cast %squeeze3A : i32 to index
          %swap3A_284 = arith.constant 0 : index
          %swap3A_285 = tpu.vector_load %arg16[%swap3A_283, %swap3A_284] {strides = array<i32>} : memref<160x128xf32, #tpu.memory_space<vmem>>, vector<16xf32>,
          tpu.vector_store %arg16[%swap3A_283, %swap3A_284], %min3A_263 {strides = array<i32>} : memref<160x128xf32, #tpu.memory_space<vmem>>, vector<16xf32>,
          %swap3A_286 = arith.index_cast %squeeze3A : i32 to index
          %swap3A_287 = arith.constant 0 : index
          %swap3A_288 = tpu.vector_load %arg17[%swap3A_286, %swap3A_287] {strides = array<i32>} : memref<160x128xf32, #tpu.memory_space<vmem>>, vector<16xf32>,
          tpu.vector_store %arg17[%swap3A_286, %swap3A_287], %max3A {strides = array<i32>} : memref<160x128xf32, #tpu.memory_space<vmem>>, vector<16xf32>,
          %swap3A_289 = arith.index_cast %squeeze3A : i32 to index
          %swap3A_290 = arith.constant 16 : index
          %swap3A_291 = tpu.vector_load %arg14[%swap3A_289, %swap3A_290] {strides = array<i32>} : memref<160x128xf32, #tpu.memory_space<vmem>>, vector<16xf32>,
          tpu.vector_store %arg14[%swap3A_289, %swap3A_290], %add3A_240 {strides = array<i32>} : memref<160x128xf32, #tpu.memory_space<vmem>>, vector<16xf32>,
          %swap3A_292 = arith.index_cast %squeeze3A : i32 to index
          %swap3A_293 = arith.constant 16 : index
          %swap3A_294 = tpu.vector_load %arg15[%swap3A_292, %swap3A_293] {strides = array<i32>} : memref<160x128xf32, #tpu.memory_space<vmem>>, vector<16xf32>,
          tpu.vector_store %arg15[%swap3A_292, %swap3A_293], %add3A_250 {strides = array<i32>} : memref<160x128xf32, #tpu.memory_space<vmem>>, vector<16xf32>,
          %swap3A_295 = arith.index_cast %squeeze3A : i32 to index
          %swap3A_296 = arith.constant 16 : index
          %swap3A_297 = tpu.vector_load %arg16[%swap3A_295, %swap3A_296] {strides = array<i32>} : memref<160x128xf32, #tpu.memory_space<vmem>>, vector<16xf32>,
          tpu.vector_store %arg16[%swap3A_295, %swap3A_296], %min3A_264 {strides = array<i32>} : memref<160x128xf32, #tpu.memory_space<vmem>>, vector<16xf32>,
          %swap3A_298 = arith.index_cast %squeeze3A : i32 to index
          %swap3A_299 = arith.constant 16 : index
          %swap3A_300 = tpu.vector_load %arg17[%swap3A_298, %swap3A_299] {strides = array<i32>} : memref<160x128xf32, #tpu.memory_space<vmem>>, vector<16xf32>,
          tpu.vector_store %arg17[%swap3A_298, %swap3A_299], %max3A_271 {strides = array<i32>} : memref<160x128xf32, #tpu.memory_space<vmem>>, vector<16xf32>,
          %swap3A_301 = arith.index_cast %squeeze3A : i32 to index
          %swap3A_302 = arith.constant 32 : index
          %swap3A_303 = tpu.vector_load %arg14[%swap3A_301, %swap3A_302] {strides = array<i32>} : memref<160x128xf32, #tpu.memory_space<vmem>>, vector<16xf32>,
          tpu.vector_store %arg14[%swap3A_301, %swap3A_302], %add3A_241 {strides = array<i32>} : memref<160x128xf32, #tpu.memory_space<vmem>>, vector<16xf32>,
          %swap3A_304 = arith.index_cast %squeeze3A : i32 to index
          %swap3A_305 = arith.constant 32 : index
          %swap3A_306 = tpu.vector_load %arg15[%swap3A_304, %swap3A_305] {strides = array<i32>} : memref<160x128xf32, #tpu.memory_space<vmem>>, vector<16xf32>,
          tpu.vector_store %arg15[%swap3A_304, %swap3A_305], %add3A_252 {strides = array<i32>} : memref<160x128xf32, #tpu.memory_space<vmem>>, vector<16xf32>,
          %swap3A_307 = arith.index_cast %squeeze3A : i32 to index
          %swap3A_308 = arith.constant 32 : index
          %swap3A_309 = tpu.vector_load %arg16[%swap3A_307, %swap3A_308] {strides = array<i32>} : memref<160x128xf32, #tpu.memory_space<vmem>>, vector<16xf32>,
          tpu.vector_store %arg16[%swap3A_307, %swap3A_308], %min3A_265 {strides = array<i32>} : memref<160x128xf32, #tpu.memory_space<vmem>>, vector<16xf32>,
          %swap3A_310 = arith.index_cast %squeeze3A : i32 to index
          %swap3A_311 = arith.constant 32 : index
          %swap3A_312 = tpu.vector_load %arg17[%swap3A_310, %swap3A_311] {strides = array<i32>} : memref<160x128xf32, #tpu.memory_space<vmem>>, vector<16xf32>,
          tpu.vector_store %arg17[%swap3A_310, %swap3A_311], %max3A_272 {strides = array<i32>} : memref<160x128xf32, #tpu.memory_space<vmem>>, vector<16xf32>,
          %swap3A_313 = arith.index_cast %squeeze3A : i32 to index
          %swap3A_314 = arith.constant 48 : index
          %swap3A_315 = tpu.vector_load %arg14[%swap3A_313, %swap3A_314] {strides = array<i32>} : memref<160x128xf32, #tpu.memory_space<vmem>>, vector<16xf32>,
          tpu.vector_store %arg14[%swap3A_313, %swap3A_314], %add3A_242 {strides = array<i32>} : memref<160x128xf32, #tpu.memory_space<vmem>>, vector<16xf32>,
          %swap3A_316 = arith.index_cast %squeeze3A : i32 to index
          %swap3A_317 = arith.constant 48 : index
          %swap3A_318 = tpu.vector_load %arg15[%swap3A_316, %swap3A_317] {strides = array<i32>} : memref<160x128xf32, #tpu.memory_space<vmem>>, vector<16xf32>,
          tpu.vector_store %arg15[%swap3A_316, %swap3A_317], %add3A_254 {strides = array<i32>} : memref<160x128xf32, #tpu.memory_space<vmem>>, vector<16xf32>,
          %swap3A_319 = arith.index_cast %squeeze3A : i32 to index
          %swap3A_320 = arith.constant 48 : index
          %swap3A_321 = tpu.vector_load %arg16[%swap3A_319, %swap3A_320] {strides = array<i32>} : memref<160x128xf32, #tpu.memory_space<vmem>>, vector<16xf32>,
          tpu.vector_store %arg16[%swap3A_319, %swap3A_320], %min3A_266 {strides = array<i32>} : memref<160x128xf32, #tpu.memory_space<vmem>>, vector<16xf32>,
          %swap3A_322 = arith.index_cast %squeeze3A : i32 to index
          %swap3A_323 = arith.constant 48 : index
          %swap3A_324 = tpu.vector_load %arg17[%swap3A_322, %swap3A_323] {strides = array<i32>} : memref<160x128xf32, #tpu.memory_space<vmem>>, vector<16xf32>,
          tpu.vector_store %arg17[%swap3A_322, %swap3A_323], %max3A_273 {strides = array<i32>} : memref<160x128xf32, #tpu.memory_space<vmem>>, vector<16xf32>,
          %swap3A_325 = arith.index_cast %squeeze3A : i32 to index
          %swap3A_326 = arith.constant 64 : index
          %swap3A_327 = tpu.vector_load %arg14[%swap3A_325, %swap3A_326] {strides = array<i32>} : memref<160x128xf32, #tpu.memory_space<vmem>>, vector<16xf32>,
          tpu.vector_store %arg14[%swap3A_325, %swap3A_326], %add3A_243 {strides = array<i32>} : memref<160x128xf32, #tpu.memory_space<vmem>>, vector<16xf32>,
          %swap3A_328 = arith.index_cast %squeeze3A : i32 to index
          %swap3A_329 = arith.constant 64 : index
          %swap3A_330 = tpu.vector_load %arg15[%swap3A_328, %swap3A_329] {strides = array<i32>} : memref<160x128xf32, #tpu.memory_space<vmem>>, vector<16xf32>,
          tpu.vector_store %arg15[%swap3A_328, %swap3A_329], %add3A_256 {strides = array<i32>} : memref<160x128xf32, #tpu.memory_space<vmem>>, vector<16xf32>,
          %swap3A_331 = arith.index_cast %squeeze3A : i32 to index
          %swap3A_332 = arith.constant 64 : index
          %swap3A_333 = tpu.vector_load %arg16[%swap3A_331, %swap3A_332] {strides = array<i32>} : memref<160x128xf32, #tpu.memory_space<vmem>>, vector<16xf32>,
          tpu.vector_store %arg16[%swap3A_331, %swap3A_332], %min3A_267 {strides = array<i32>} : memref<160x128xf32, #tpu.memory_space<vmem>>, vector<16xf32>,
          %swap3A_334 = arith.index_cast %squeeze3A : i32 to index
          %swap3A_335 = arith.constant 64 : index
          %swap3A_336 = tpu.vector_load %arg17[%swap3A_334, %swap3A_335] {strides = array<i32>} : memref<160x128xf32, #tpu.memory_space<vmem>>, vector<16xf32>,
          tpu.vector_store %arg17[%swap3A_334, %swap3A_335], %max3A_274 {strides = array<i32>} : memref<160x128xf32, #tpu.memory_space<vmem>>, vector<16xf32>,
          %swap3A_337 = arith.index_cast %squeeze3A : i32 to index
          %swap3A_338 = arith.constant 80 : index
          %swap3A_339 = tpu.vector_load %arg14[%swap3A_337, %swap3A_338] {strides = array<i32>} : memref<160x128xf32, #tpu.memory_space<vmem>>, vector<16xf32>,
          tpu.vector_store %arg14[%swap3A_337, %swap3A_338], %add3A_244 {strides = array<i32>} : memref<160x128xf32, #tpu.memory_space<vmem>>, vector<16xf32>,
          %swap3A_340 = arith.index_cast %squeeze3A : i32 to index
          %swap3A_341 = arith.constant 80 : index
          %swap3A_342 = tpu.vector_load %arg15[%swap3A_340, %swap3A_341] {strides = array<i32>} : memref<160x128xf32, #tpu.memory_space<vmem>>, vector<16xf32>,
          tpu.vector_store %arg15[%swap3A_340, %swap3A_341], %add3A_258 {strides = array<i32>} : memref<160x128xf32, #tpu.memory_space<vmem>>, vector<16xf32>,
          %swap3A_343 = arith.index_cast %squeeze3A : i32 to index
          %swap3A_344 = arith.constant 80 : index
          %swap3A_345 = tpu.vector_load %arg16[%swap3A_343, %swap3A_344] {strides = array<i32>} : memref<160x128xf32, #tpu.memory_space<vmem>>, vector<16xf32>,
          tpu.vector_store %arg16[%swap3A_343, %swap3A_344], %min3A_268 {strides = array<i32>} : memref<160x128xf32, #tpu.memory_space<vmem>>, vector<16xf32>,
          %swap3A_346 = arith.index_cast %squeeze3A : i32 to index
          %swap3A_347 = arith.constant 80 : index
          %swap3A_348 = tpu.vector_load %arg17[%swap3A_346, %swap3A_347] {strides = array<i32>} : memref<160x128xf32, #tpu.memory_space<vmem>>, vector<16xf32>,
          tpu.vector_store %arg17[%swap3A_346, %swap3A_347], %max3A_275 {strides = array<i32>} : memref<160x128xf32, #tpu.memory_space<vmem>>, vector<16xf32>,
          %swap3A_349 = arith.index_cast %squeeze3A : i32 to index
          %swap3A_350 = arith.constant 96 : index
          %swap3A_351 = tpu.vector_load %arg14[%swap3A_349, %swap3A_350] {strides = array<i32>} : memref<160x128xf32, #tpu.memory_space<vmem>>, vector<16xf32>,
          tpu.vector_store %arg14[%swap3A_349, %swap3A_350], %add3A_245 {strides = array<i32>} : memref<160x128xf32, #tpu.memory_space<vmem>>, vector<16xf32>,
          %swap3A_352 = arith.index_cast %squeeze3A : i32 to index
          %swap3A_353 = arith.constant 96 : index
          %swap3A_354 = tpu.vector_load %arg15[%swap3A_352, %swap3A_353] {strides = array<i32>} : memref<160x128xf32, #tpu.memory_space<vmem>>, vector<16xf32>,
          tpu.vector_store %arg15[%swap3A_352, %swap3A_353], %add3A_260 {strides = array<i32>} : memref<160x128xf32, #tpu.memory_space<vmem>>, vector<16xf32>,
          %swap3A_355 = arith.index_cast %squeeze3A : i32 to index
          %swap3A_356 = arith.constant 96 : index
          %swap3A_357 = tpu.vector_load %arg16[%swap3A_355, %swap3A_356] {strides = array<i32>} : memref<160x128xf32, #tpu.memory_space<vmem>>, vector<16xf32>,
          tpu.vector_store %arg16[%swap3A_355, %swap3A_356], %min3A_269 {strides = array<i32>} : memref<160x128xf32, #tpu.memory_space<vmem>>, vector<16xf32>,
          %swap3A_358 = arith.index_cast %squeeze3A : i32 to index
          %swap3A_359 = arith.constant 96 : index
          %swap3A_360 = tpu.vector_load %arg17[%swap3A_358, %swap3A_359] {strides = array<i32>} : memref<160x128xf32, #tpu.memory_space<vmem>>, vector<16xf32>,
          tpu.vector_store %arg17[%swap3A_358, %swap3A_359], %max3A_276 {strides = array<i32>} : memref<160x128xf32, #tpu.memory_space<vmem>>, vector<16xf32>,
          %swap3A_361 = arith.index_cast %squeeze3A : i32 to index
          %swap3A_362 = arith.constant 112 : index
          %swap3A_363 = tpu.vector_load %arg14[%swap3A_361, %swap3A_362] {strides = array<i32>} : memref<160x128xf32, #tpu.memory_space<vmem>>, vector<16xf32>,
          tpu.vector_store %arg14[%swap3A_361, %swap3A_362], %add3A_246 {strides = array<i32>} : memref<160x128xf32, #tpu.memory_space<vmem>>, vector<16xf32>,
          %swap3A_364 = arith.index_cast %squeeze3A : i32 to index
          %swap3A_365 = arith.constant 112 : index
          %swap3A_366 = tpu.vector_load %arg15[%swap3A_364, %swap3A_365] {strides = array<i32>} : memref<160x128xf32, #tpu.memory_space<vmem>>, vector<16xf32>,
          tpu.vector_store %arg15[%swap3A_364, %swap3A_365], %add3A_262 {strides = array<i32>} : memref<160x128xf32, #tpu.memory_space<vmem>>, vector<16xf32>,
          %swap3A_367 = arith.index_cast %squeeze3A : i32 to index
          %swap3A_368 = arith.constant 112 : index
          %swap3A_369 = tpu.vector_load %arg16[%swap3A_367, %swap3A_368] {strides = array<i32>} : memref<160x128xf32, #tpu.memory_space<vmem>>, vector<16xf32>,
          tpu.vector_store %arg16[%swap3A_367, %swap3A_368], %min3A_270 {strides = array<i32>} : memref<160x128xf32, #tpu.memory_space<vmem>>, vector<16xf32>,
          %swap3A_370 = arith.index_cast %squeeze3A : i32 to index
          %swap3A_371 = arith.constant 112 : index
          %swap3A_372 = tpu.vector_load %arg17[%swap3A_370, %swap3A_371] {strides = array<i32>} : memref<160x128xf32, #tpu.memory_space<vmem>>, vector<16xf32>,
          tpu.vector_store %arg17[%swap3A_370, %swap3A_371], %max3A_277 {strides = array<i32>} : memref<160x128xf32, #tpu.memory_space<vmem>>, vector<16xf32>,
          %while3A_373 = arith.constant 0 : i32
          scf.yield %while3A_373 : i32
        }
        %while3A_114 = arith.constant 0 : i32
        scf.yield %while3A_114 : i32
      }
      %mul3A_82 = arith.constant 128 : i32
      %mul3A_83 = arith.muli %scan3A_61, %mul3A_82 : i32
      "tpu.region"() ({
        %run_scoped3A = tpu.sem_alloc : memref<!tpu.dma_semaphore, #tpu.memory_space<semaphore_mem>>
        %dma_start3A = tpu.memref_slice %arg4[%mul3A_2, %mul3A_83] : memref<5120x1280xf32, #tpu.memory_space<hbm>> -> memref<160x128xf32, #tpu.memory_space<hbm>>
        %dma_start3A_85 = tpu.memref_slice %arg4[%mul3A_2, %mul3A_83] : memref<5120x1280xf32, #tpu.memory_space<hbm>> -> memref<160x128xf32, #tpu.memory_space<hbm>>
        tpu.enqueue_dma source(%arg14 : memref<160x128xf32, #tpu.memory_space<vmem>>) target(%dma_start3A_85 : memref<160x128xf32, #tpu.memory_space<hbm>>) target_semaphore(%run_scoped3A : memref<!tpu.dma_semaphore, #tpu.memory_space<semaphore_mem>>)
        %dma_wait3A = tpu.memref_slice %arg4[%mul3A_2, %mul3A_83] : memref<5120x1280xf32, #tpu.memory_space<hbm>> -> memref<160x128xf32, #tpu.memory_space<hbm>>
        %dma_wait3A_86 = tpu.memref_slice %arg4[%mul3A_2, %mul3A_83] : memref<5120x1280xf32, #tpu.memory_space<hbm>> -> memref<160x128xf32, #tpu.memory_space<hbm>>
        tpu.wait_dma2 semaphore(%run_scoped3A : memref<!tpu.dma_semaphore, #tpu.memory_space<semaphore_mem>>) src(%arg14 : memref<160x128xf32, #tpu.memory_space<vmem>>) dst(%dma_wait3A_86 : memref<160x128xf32, #tpu.memory_space<hbm>>)
        tpu.yield
      }) : () -> ()
      "tpu.region"() ({
        %run_scoped3A = tpu.sem_alloc : memref<!tpu.dma_semaphore, #tpu.memory_space<semaphore_mem>>
        %dma_start3A = tpu.memref_slice %arg5[%mul3A_2, %mul3A_83] : memref<5120x1280xf32, #tpu.memory_space<hbm>> -> memref<160x128xf32, #tpu.memory_space<hbm>>
        %dma_start3A_85 = tpu.memref_slice %arg5[%mul3A_2, %mul3A_83] : memref<5120x1280xf32, #tpu.memory_space<hbm>> -> memref<160x128xf32, #tpu.memory_space<hbm>>
        tpu.enqueue_dma source(%arg15 : memref<160x128xf32, #tpu.memory_space<vmem>>) target(%dma_start3A_85 : memref<160x128xf32, #tpu.memory_space<hbm>>) target_semaphore(%run_scoped3A : memref<!tpu.dma_semaphore, #tpu.memory_space<semaphore_mem>>)
        %dma_wait3A = tpu.memref_slice %arg5[%mul3A_2, %mul3A_83] : memref<5120x1280xf32, #tpu.memory_space<hbm>> -> memref<160x128xf32, #tpu.memory_space<hbm>>
        %dma_wait3A_86 = tpu.memref_slice %arg5[%mul3A_2, %mul3A_83] : memref<5120x1280xf32, #tpu.memory_space<hbm>> -> memref<160x128xf32, #tpu.memory_space<hbm>>
        tpu.wait_dma2 semaphore(%run_scoped3A : memref<!tpu.dma_semaphore, #tpu.memory_space<semaphore_mem>>) src(%arg15 : memref<160x128xf32, #tpu.memory_space<vmem>>) dst(%dma_wait3A_86 : memref<160x128xf32, #tpu.memory_space<hbm>>)
        tpu.yield
      }) : () -> ()
      "tpu.region"() ({
        %run_scoped3A = tpu.sem_alloc : memref<!tpu.dma_semaphore, #tpu.memory_space<semaphore_mem>>
        %dma_start3A = tpu.memref_slice %arg6[%mul3A_2, %mul3A_83] : memref<5120x1280xf32, #tpu.memory_space<hbm>> -> memref<160x128xf32, #tpu.memory_space<hbm>>
        %dma_start3A_85 = tpu.memref_slice %arg6[%mul3A_2, %mul3A_83] : memref<5120x1280xf32, #tpu.memory_space<hbm>> -> memref<160x128xf32, #tpu.memory_space<hbm>>
        tpu.enqueue_dma source(%arg16 : memref<160x128xf32, #tpu.memory_space<vmem>>) target(%dma_start3A_85 : memref<160x128xf32, #tpu.memory_space<hbm>>) target_semaphore(%run_scoped3A : memref<!tpu.dma_semaphore, #tpu.memory_space<semaphore_mem>>)
        %dma_wait3A = tpu.memref_slice %arg6[%mul3A_2, %mul3A_83] : memref<5120x1280xf32, #tpu.memory_space<hbm>> -> memref<160x128xf32, #tpu.memory_space<hbm>>
        %dma_wait3A_86 = tpu.memref_slice %arg6[%mul3A_2, %mul3A_83] : memref<5120x1280xf32, #tpu.memory_space<hbm>> -> memref<160x128xf32, #tpu.memory_space<hbm>>
        tpu.wait_dma2 semaphore(%run_scoped3A : memref<!tpu.dma_semaphore, #tpu.memory_space<semaphore_mem>>) src(%arg16 : memref<160x128xf32, #tpu.memory_space<vmem>>) dst(%dma_wait3A_86 : memref<160x128xf32, #tpu.memory_space<hbm>>)
        tpu.yield
      }) : () -> ()
      "tpu.region"() ({
        %run_scoped3A = tpu.sem_alloc : memref<!tpu.dma_semaphore, #tpu.memory_space<semaphore_mem>>
        %dma_start3A = tpu.memref_slice %arg7[%mul3A_2, %mul3A_83] : memref<5120x1280xf32, #tpu.memory_space<hbm>> -> memref<160x128xf32, #tpu.memory_space<hbm>>
        %dma_start3A_85 = tpu.memref_slice %arg7[%mul3A_2, %mul3A_83] : memref<5120x1280xf32, #tpu.memory_space<hbm>> -> memref<160x128xf32, #tpu.memory_space<hbm>>
        tpu.enqueue_dma source(%arg17 : memref<160x128xf32, #tpu.memory_space<vmem>>) target(%dma_start3A_85 : memref<160x128xf32, #tpu.memory_space<hbm>>) target_semaphore(%run_scoped3A : memref<!tpu.dma_semaphore, #tpu.memory_space<semaphore_mem>>)
        %dma_wait3A = tpu.memref_slice %arg7[%mul3A_2, %mul3A_83] : memref<5120x1280xf32, #tpu.memory_space<hbm>> -> memref<160x128xf32, #tpu.memory_space<hbm>>
        %dma_wait3A_86 = tpu.memref_slice %arg7[%mul3A_2, %mul3A_83] : memref<5120x1280xf32, #tpu.memory_space<hbm>> -> memref<160x128xf32, #tpu.memory_space<hbm>>
        tpu.wait_dma2 semaphore(%run_scoped3A : memref<!tpu.dma_semaphore, #tpu.memory_space<semaphore_mem>>) src(%arg17 : memref<160x128xf32, #tpu.memory_space<vmem>>) dst(%dma_wait3A_86 : memref<160x128xf32, #tpu.memory_space<hbm>>)
        tpu.yield
      }) : () -> ()
      %scan3A_84 = arith.constant 0 : i32
      scf.yield %scan3A_84 : i32
    }
    %scan3A_60 = arith.constant 10 : i32
    return
  }
}

module attributes {stable_mosaic.version = 14 : i64} {
  func.func @_tc_node_kernel(%arg0: i32, %arg1: memref<512x1280xf32, #tpu.memory_space<vmem>>, %arg2: memref<2x1280x1280xbf16, #tpu.memory_space<vmem>>, %arg3: memref<1x1280xf32, #tpu.memory_space<vmem>>, %arg4: memref<2x1280x1280xbf16, #tpu.memory_space<vmem>>, %arg5: memref<2x1280x1280xbf16, #tpu.memory_space<vmem>>, %arg6: memref<2x1280x1280xbf16, #tpu.memory_space<vmem>>, %arg7: memref<512x1280xf32, #tpu.memory_space<vmem>>, %arg8: memref<512x1280xf32, #tpu.memory_space<vmem>>, %arg9: memref<512x1280xf32, #tpu.memory_space<vmem>>) attributes {dimension_semantics = [#tpu.dimension_semantics<arbitrary>], iteration_bounds = array<i64: 10>, scalar_prefetch = 0 : i64, scratch_operands = 0 : i64, tpu.core_type = #tpu.core_type<tc>, window_params = [{transform_indices = @transform_0, window_bounds = array<i64: 512, 1280>}, {pipeline_mode = #tpu.pipeline_mode<synchronous>, transform_indices = @transform_1, window_bounds = array<i64: 2, 1280, 1280>}, {pipeline_mode = #tpu.pipeline_mode<synchronous>, transform_indices = @transform_2, window_bounds = array<i64: 1, 1280>}, {pipeline_mode = #tpu.pipeline_mode<synchronous>, transform_indices = @transform_3, window_bounds = array<i64: 2, 1280, 1280>}, {pipeline_mode = #tpu.pipeline_mode<synchronous>, transform_indices = @transform_4, window_bounds = array<i64: 2, 1280, 1280>}, {pipeline_mode = #tpu.pipeline_mode<synchronous>, transform_indices = @transform_5, window_bounds = array<i64: 2, 1280, 1280>}, {transform_indices = @transform_6, window_bounds = array<i64: 512, 1280>}, {transform_indices = @transform_7, window_bounds = array<i64: 512, 1280>}, {transform_indices = @transform_8, window_bounds = array<i64: 512, 1280>}]} {
    %get3A = arith.constant 0 : index
    %get3A_0 = arith.constant 0 : index
    %get3A_1 = vector.load %arg1[%get3A, %get3A_0] : memref<512x1280xf32, #tpu.memory_space<vmem>>, vector<512x1280xf32>
    %convert_element_type3A = arith.truncf %get3A_1 : vector<512x1280xf32> to vector<512x1280xbf16>
    %convert_element_type3A_2 = arith.extf %convert_element_type3A : vector<512x1280xbf16> to vector<512x1280xf32>
    %sub3A = arith.subf %get3A_1, %convert_element_type3A_2 : vector<512x1280xf32>
    %convert_element_type3A_3 = arith.truncf %sub3A : vector<512x1280xf32> to vector<512x1280xbf16>
    %get3A_4 = arith.constant 0 : index
    %get3A_5 = arith.constant 0 : index
    %get3A_6 = arith.constant 0 : index
    %get3A_7 = vector.load %arg2[%get3A_4, %get3A_5, %get3A_6] : memref<2x1280x1280xbf16, #tpu.memory_space<vmem>>, vector<1x1280x1280xbf16>
    %get3A_8 = vector.shape_cast %get3A_7 : vector<1x1280x1280xbf16> to vector<1280x1280xbf16>
    %get3A_9 = arith.constant 1 : index
    %get3A_10 = arith.constant 0 : index
    %get3A_11 = arith.constant 0 : index
    %get3A_12 = vector.load %arg2[%get3A_9, %get3A_10, %get3A_11] : memref<2x1280x1280xbf16, #tpu.memory_space<vmem>>, vector<1x1280x1280xbf16>
    %get3A_13 = vector.shape_cast %get3A_12 : vector<1x1280x1280xbf16> to vector<1280x1280xbf16>
    %dot_general3A = arith.constant dense<0.000000e+00> : vector<512x1280xf32>
    %dot_general3A_14 = tpu.matmul %convert_element_type3A_3, %get3A_8, %dot_general3A {dimension_numbers = #tpu.dot_dimension_numbers<[1], [0], [0], [1], [0, 0, 1, 1], [], []>, transpose_lhs_hint = false} : vector<512x1280xbf16>, vector<1280x1280xbf16>, vector<512x1280xf32> -> vector<512x1280xf32>
    %dot_general3A_15 = arith.constant dense<0.000000e+00> : vector<512x1280xf32>
    %dot_general3A_16 = tpu.matmul %convert_element_type3A, %get3A_13, %dot_general3A_15 {dimension_numbers = #tpu.dot_dimension_numbers<[1], [0], [0], [1], [0, 0, 1, 1], [], []>, transpose_lhs_hint = false} : vector<512x1280xbf16>, vector<1280x1280xbf16>, vector<512x1280xf32> -> vector<512x1280xf32>
    %add3A = arith.addf %dot_general3A_14, %dot_general3A_16 : vector<512x1280xf32>
    %dot_general3A_17 = arith.constant dense<0.000000e+00> : vector<512x1280xf32>
    %dot_general3A_18 = tpu.matmul %convert_element_type3A, %get3A_8, %dot_general3A_17 {dimension_numbers = #tpu.dot_dimension_numbers<[1], [0], [0], [1], [0, 0, 1, 1], [], []>, transpose_lhs_hint = false} : vector<512x1280xbf16>, vector<1280x1280xbf16>, vector<512x1280xf32> -> vector<512x1280xf32>
    %add3A_19 = arith.addf %add3A, %dot_general3A_18 : vector<512x1280xf32>
    %get3A_20 = arith.constant 0 : index
    %get3A_21 = arith.constant 0 : index
    %get3A_22 = vector.load %arg3[%get3A_20, %get3A_21] : memref<1x1280xf32, #tpu.memory_space<vmem>>, vector<1x1280xf32>
    %add3A_23 = vector.broadcast %get3A_22 : vector<1x1280xf32> to vector<512x1280xf32>
    %add3A_24 = arith.addf %add3A_19, %add3A_23 : vector<512x1280xf32>
    %max3A = arith.constant 0.000000e+00 : f32
    %max3A_25 = vector.broadcast %max3A : f32 to vector<512x1280xf32>
    %max3A_26 = arith.maximumf %add3A_24, %max3A_25 : vector<512x1280xf32>
    %convert_element_type3A_27 = arith.truncf %max3A_26 : vector<512x1280xf32> to vector<512x1280xbf16>
    %convert_element_type3A_28 = arith.extf %convert_element_type3A_27 : vector<512x1280xbf16> to vector<512x1280xf32>
    %sub3A_29 = arith.subf %max3A_26, %convert_element_type3A_28 : vector<512x1280xf32>
    %convert_element_type3A_30 = arith.truncf %sub3A_29 : vector<512x1280xf32> to vector<512x1280xbf16>
    %get3A_31 = arith.constant 0 : index
    %get3A_32 = arith.constant 0 : index
    %get3A_33 = arith.constant 0 : index
    %get3A_34 = vector.load %arg4[%get3A_31, %get3A_32, %get3A_33] : memref<2x1280x1280xbf16, #tpu.memory_space<vmem>>, vector<1x1280x1280xbf16>
    %get3A_35 = vector.shape_cast %get3A_34 : vector<1x1280x1280xbf16> to vector<1280x1280xbf16>
    %get3A_36 = arith.constant 1 : index
    %get3A_37 = arith.constant 0 : index
    %get3A_38 = arith.constant 0 : index
    %get3A_39 = vector.load %arg4[%get3A_36, %get3A_37, %get3A_38] : memref<2x1280x1280xbf16, #tpu.memory_space<vmem>>, vector<1x1280x1280xbf16>
    %get3A_40 = vector.shape_cast %get3A_39 : vector<1x1280x1280xbf16> to vector<1280x1280xbf16>
    %dot_general3A_41 = arith.constant dense<0.000000e+00> : vector<512x1280xf32>
    %dot_general3A_42 = tpu.matmul %convert_element_type3A_30, %get3A_35, %dot_general3A_41 {dimension_numbers = #tpu.dot_dimension_numbers<[1], [0], [0], [1], [0, 0, 1, 1], [], []>, transpose_lhs_hint = false} : vector<512x1280xbf16>, vector<1280x1280xbf16>, vector<512x1280xf32> -> vector<512x1280xf32>
    %dot_general3A_43 = arith.constant dense<0.000000e+00> : vector<512x1280xf32>
    %dot_general3A_44 = tpu.matmul %convert_element_type3A_27, %get3A_40, %dot_general3A_43 {dimension_numbers = #tpu.dot_dimension_numbers<[1], [0], [0], [1], [0, 0, 1, 1], [], []>, transpose_lhs_hint = false} : vector<512x1280xbf16>, vector<1280x1280xbf16>, vector<512x1280xf32> -> vector<512x1280xf32>
    %add3A_45 = arith.addf %dot_general3A_42, %dot_general3A_44 : vector<512x1280xf32>
    %dot_general3A_46 = arith.constant dense<0.000000e+00> : vector<512x1280xf32>
    %dot_general3A_47 = tpu.matmul %convert_element_type3A_27, %get3A_35, %dot_general3A_46 {dimension_numbers = #tpu.dot_dimension_numbers<[1], [0], [0], [1], [0, 0, 1, 1], [], []>, transpose_lhs_hint = false} : vector<512x1280xbf16>, vector<1280x1280xbf16>, vector<512x1280xf32> -> vector<512x1280xf32>
    %add3A_48 = arith.addf %add3A_45, %dot_general3A_47 : vector<512x1280xf32>
    %swap3A = arith.constant 0 : index
    %swap3A_49 = arith.constant 0 : index
    %swap3A_50 = vector.load %arg7[%swap3A, %swap3A_49] : memref<512x1280xf32, #tpu.memory_space<vmem>>, vector<512x1280xf32>
    tpu.vector_store %arg7[%swap3A, %swap3A_49], %add3A_48 {strides = array<i32>} : memref<512x1280xf32, #tpu.memory_space<vmem>>, vector<512x1280xf32>,
    %get3A_51 = arith.constant 0 : index
    %get3A_52 = arith.constant 0 : index
    %get3A_53 = arith.constant 0 : index
    %get3A_54 = vector.load %arg5[%get3A_51, %get3A_52, %get3A_53] : memref<2x1280x1280xbf16, #tpu.memory_space<vmem>>, vector<1x1280x1280xbf16>
    %get3A_55 = vector.shape_cast %get3A_54 : vector<1x1280x1280xbf16> to vector<1280x1280xbf16>
    %get3A_56 = arith.constant 1 : index
    %get3A_57 = arith.constant 0 : index
    %get3A_58 = arith.constant 0 : index
    %get3A_59 = vector.load %arg5[%get3A_56, %get3A_57, %get3A_58] : memref<2x1280x1280xbf16, #tpu.memory_space<vmem>>, vector<1x1280x1280xbf16>
    %get3A_60 = vector.shape_cast %get3A_59 : vector<1x1280x1280xbf16> to vector<1280x1280xbf16>
    %dot_general3A_61 = arith.constant dense<0.000000e+00> : vector<512x1280xf32>
    %dot_general3A_62 = tpu.matmul %convert_element_type3A_30, %get3A_55, %dot_general3A_61 {dimension_numbers = #tpu.dot_dimension_numbers<[1], [0], [0], [1], [0, 0, 1, 1], [], []>, transpose_lhs_hint = false} : vector<512x1280xbf16>, vector<1280x1280xbf16>, vector<512x1280xf32> -> vector<512x1280xf32>
    %dot_general3A_63 = arith.constant dense<0.000000e+00> : vector<512x1280xf32>
    %dot_general3A_64 = tpu.matmul %convert_element_type3A_27, %get3A_60, %dot_general3A_63 {dimension_numbers = #tpu.dot_dimension_numbers<[1], [0], [0], [1], [0, 0, 1, 1], [], []>, transpose_lhs_hint = false} : vector<512x1280xbf16>, vector<1280x1280xbf16>, vector<512x1280xf32> -> vector<512x1280xf32>
    %add3A_65 = arith.addf %dot_general3A_62, %dot_general3A_64 : vector<512x1280xf32>
    %dot_general3A_66 = arith.constant dense<0.000000e+00> : vector<512x1280xf32>
    %dot_general3A_67 = tpu.matmul %convert_element_type3A_27, %get3A_55, %dot_general3A_66 {dimension_numbers = #tpu.dot_dimension_numbers<[1], [0], [0], [1], [0, 0, 1, 1], [], []>, transpose_lhs_hint = false} : vector<512x1280xbf16>, vector<1280x1280xbf16>, vector<512x1280xf32> -> vector<512x1280xf32>
    %add3A_68 = arith.addf %add3A_65, %dot_general3A_67 : vector<512x1280xf32>
    %swap3A_69 = arith.constant 0 : index
    %swap3A_70 = arith.constant 0 : index
    %swap3A_71 = vector.load %arg8[%swap3A_69, %swap3A_70] : memref<512x1280xf32, #tpu.memory_space<vmem>>, vector<512x1280xf32>
    tpu.vector_store %arg8[%swap3A_69, %swap3A_70], %add3A_68 {strides = array<i32>} : memref<512x1280xf32, #tpu.memory_space<vmem>>, vector<512x1280xf32>,
    %get3A_72 = arith.constant 0 : index
    %get3A_73 = arith.constant 0 : index
    %get3A_74 = arith.constant 0 : index
    %get3A_75 = vector.load %arg6[%get3A_72, %get3A_73, %get3A_74] : memref<2x1280x1280xbf16, #tpu.memory_space<vmem>>, vector<1x1280x1280xbf16>
    %get3A_76 = vector.shape_cast %get3A_75 : vector<1x1280x1280xbf16> to vector<1280x1280xbf16>
    %get3A_77 = arith.constant 1 : index
    %get3A_78 = arith.constant 0 : index
    %get3A_79 = arith.constant 0 : index
    %get3A_80 = vector.load %arg6[%get3A_77, %get3A_78, %get3A_79] : memref<2x1280x1280xbf16, #tpu.memory_space<vmem>>, vector<1x1280x1280xbf16>
    %get3A_81 = vector.shape_cast %get3A_80 : vector<1x1280x1280xbf16> to vector<1280x1280xbf16>
    %dot_general3A_82 = arith.constant dense<0.000000e+00> : vector<512x1280xf32>
    %dot_general3A_83 = tpu.matmul %convert_element_type3A_30, %get3A_76, %dot_general3A_82 {dimension_numbers = #tpu.dot_dimension_numbers<[1], [0], [0], [1], [0, 0, 1, 1], [], []>, transpose_lhs_hint = false} : vector<512x1280xbf16>, vector<1280x1280xbf16>, vector<512x1280xf32> -> vector<512x1280xf32>
    %dot_general3A_84 = arith.constant dense<0.000000e+00> : vector<512x1280xf32>
    %dot_general3A_85 = tpu.matmul %convert_element_type3A_27, %get3A_81, %dot_general3A_84 {dimension_numbers = #tpu.dot_dimension_numbers<[1], [0], [0], [1], [0, 0, 1, 1], [], []>, transpose_lhs_hint = false} : vector<512x1280xbf16>, vector<1280x1280xbf16>, vector<512x1280xf32> -> vector<512x1280xf32>
    %add3A_86 = arith.addf %dot_general3A_83, %dot_general3A_85 : vector<512x1280xf32>
    %dot_general3A_87 = arith.constant dense<0.000000e+00> : vector<512x1280xf32>
    %dot_general3A_88 = tpu.matmul %convert_element_type3A_27, %get3A_76, %dot_general3A_87 {dimension_numbers = #tpu.dot_dimension_numbers<[1], [0], [0], [1], [0, 0, 1, 1], [], []>, transpose_lhs_hint = false} : vector<512x1280xbf16>, vector<1280x1280xbf16>, vector<512x1280xf32> -> vector<512x1280xf32>
    %add3A_89 = arith.addf %add3A_86, %dot_general3A_88 : vector<512x1280xf32>
    %swap3A_90 = arith.constant 0 : index
    %swap3A_91 = arith.constant 0 : index
    %swap3A_92 = vector.load %arg9[%swap3A_90, %swap3A_91] : memref<512x1280xf32, #tpu.memory_space<vmem>>, vector<512x1280xf32>
    tpu.vector_store %arg9[%swap3A_90, %swap3A_91], %add3A_89 {strides = array<i32>} : memref<512x1280xf32, #tpu.memory_space<vmem>>, vector<512x1280xf32>,
    return
  }
  func.func @transform_0(%arg0: i32) -> (i32, i32) {
    %c0_i32 = arith.constant 0 : i32
    %c0_i32_0 = arith.constant 0 : i32
    return %arg0, %c0_i32 : i32, i32
  }
  func.func @transform_1(%arg0: i32) -> (i32, i32, i32) {
    %c0_i32 = arith.constant 0 : i32
    %c0_i32_0 = arith.constant 0 : i32
    %c0_i32_1 = arith.constant 0 : i32
    %c0_i32_2 = arith.constant 0 : i32
    return %c0_i32, %c0_i32_0, %c0_i32_1 : i32, i32, i32
  }
  func.func @transform_2(%arg0: i32) -> (i32, i32) {
    %c0_i32 = arith.constant 0 : i32
    %c0_i32_0 = arith.constant 0 : i32
    %c0_i32_1 = arith.constant 0 : i32
    return %c0_i32, %c0_i32_0 : i32, i32
  }
  func.func @transform_3(%arg0: i32) -> (i32, i32, i32) {
    %c0_i32 = arith.constant 0 : i32
    %c0_i32_0 = arith.constant 0 : i32
    %c0_i32_1 = arith.constant 0 : i32
    %c0_i32_2 = arith.constant 0 : i32
    return %c0_i32, %c0_i32_0, %c0_i32_1 : i32, i32, i32
  }
  func.func @transform_4(%arg0: i32) -> (i32, i32, i32) {
    %c0_i32 = arith.constant 0 : i32
    %c0_i32_0 = arith.constant 0 : i32
    %c0_i32_1 = arith.constant 0 : i32
    %c0_i32_2 = arith.constant 0 : i32
    return %c0_i32, %c0_i32_0, %c0_i32_1 : i32, i32, i32
  }
  func.func @transform_5(%arg0: i32) -> (i32, i32, i32) {
    %c0_i32 = arith.constant 0 : i32
    %c0_i32_0 = arith.constant 0 : i32
    %c0_i32_1 = arith.constant 0 : i32
    %c0_i32_2 = arith.constant 0 : i32
    return %c0_i32, %c0_i32_0, %c0_i32_1 : i32, i32, i32
  }
  func.func @transform_6(%arg0: i32) -> (i32, i32) {
    %c0_i32 = arith.constant 0 : i32
    %c0_i32_0 = arith.constant 0 : i32
    return %arg0, %c0_i32 : i32, i32
  }
  func.func @transform_7(%arg0: i32) -> (i32, i32) {
    %c0_i32 = arith.constant 0 : i32
    %c0_i32_0 = arith.constant 0 : i32
    return %arg0, %c0_i32 : i32, i32
  }
  func.func @transform_8(%arg0: i32) -> (i32, i32) {
    %c0_i32 = arith.constant 0 : i32
    %c0_i32_0 = arith.constant 0 : i32
    return %arg0, %c0_i32 : i32, i32
  }
}

module attributes {stable_mosaic.version = 14 : i64} {
  func.func @_tc_table_kernel(%arg0: memref<32x16xf32, #tpu.memory_space<vmem>>, %arg1: memref<16x1280xf32, #tpu.memory_space<vmem>>, %arg2: memref<1x1280xf32, #tpu.memory_space<vmem>>, %arg3: memref<1280x1280xf32, #tpu.memory_space<vmem>>, %arg4: memref<1x1280xf32, #tpu.memory_space<vmem>>, %arg5: memref<32x1280xf32, #tpu.memory_space<vmem>>) attributes {dimension_semantics = [], scalar_prefetch = 0 : i64, scratch_operands = 0 : i64, tpu.core_type = #tpu.core_type<tc>} {
    %get3A = arith.constant 0 : index
    %get3A_0 = arith.constant 0 : index
    %get3A_1 = vector.load %arg0[%get3A, %get3A_0] : memref<32x16xf32, #tpu.memory_space<vmem>>, vector<32x16xf32>
    %get3A_2 = arith.constant 0 : index
    %get3A_3 = arith.constant 0 : index
    %get3A_4 = vector.load %arg1[%get3A_2, %get3A_3] : memref<16x1280xf32, #tpu.memory_space<vmem>>, vector<16x1280xf32>
    %convert_element_type3A = arith.truncf %get3A_1 : vector<32x16xf32> to vector<32x16xbf16>
    %convert_element_type3A_5 = arith.extf %convert_element_type3A : vector<32x16xbf16> to vector<32x16xf32>
    %sub3A = arith.subf %get3A_1, %convert_element_type3A_5 : vector<32x16xf32>
    %convert_element_type3A_6 = arith.truncf %sub3A : vector<32x16xf32> to vector<32x16xbf16>
    %convert_element_type3A_7 = arith.truncf %get3A_4 : vector<16x1280xf32> to vector<16x1280xbf16>
    %convert_element_type3A_8 = arith.extf %convert_element_type3A_7 : vector<16x1280xbf16> to vector<16x1280xf32>
    %sub3A_9 = arith.subf %get3A_4, %convert_element_type3A_8 : vector<16x1280xf32>
    %convert_element_type3A_10 = arith.truncf %sub3A_9 : vector<16x1280xf32> to vector<16x1280xbf16>
    %dot_general3A = arith.constant dense<0.000000e+00> : vector<32x1280xf32>
    %dot_general3A_11 = tpu.matmul %convert_element_type3A_6, %convert_element_type3A_7, %dot_general3A {dimension_numbers = #tpu.dot_dimension_numbers<[1], [0], [0], [1], [0, 0, 1, 1], [], []>, transpose_lhs_hint = false} : vector<32x16xbf16>, vector<16x1280xbf16>, vector<32x1280xf32> -> vector<32x1280xf32>
    %dot_general3A_12 = arith.constant dense<0.000000e+00> : vector<32x1280xf32>
    %dot_general3A_13 = tpu.matmul %convert_element_type3A, %convert_element_type3A_10, %dot_general3A_12 {dimension_numbers = #tpu.dot_dimension_numbers<[1], [0], [0], [1], [0, 0, 1, 1], [], []>, transpose_lhs_hint = false} : vector<32x16xbf16>, vector<16x1280xbf16>, vector<32x1280xf32> -> vector<32x1280xf32>
    %add3A = arith.addf %dot_general3A_11, %dot_general3A_13 : vector<32x1280xf32>
    %dot_general3A_14 = arith.constant dense<0.000000e+00> : vector<32x1280xf32>
    %dot_general3A_15 = tpu.matmul %convert_element_type3A, %convert_element_type3A_7, %dot_general3A_14 {dimension_numbers = #tpu.dot_dimension_numbers<[1], [0], [0], [1], [0, 0, 1, 1], [], []>, transpose_lhs_hint = false} : vector<32x16xbf16>, vector<16x1280xbf16>, vector<32x1280xf32> -> vector<32x1280xf32>
    %add3A_16 = arith.addf %add3A, %dot_general3A_15 : vector<32x1280xf32>
    %get3A_17 = arith.constant 0 : index
    %get3A_18 = arith.constant 0 : index
    %get3A_19 = vector.load %arg2[%get3A_17, %get3A_18] : memref<1x1280xf32, #tpu.memory_space<vmem>>, vector<1x1280xf32>
    %add3A_20 = vector.broadcast %get3A_19 : vector<1x1280xf32> to vector<32x1280xf32>
    %add3A_21 = arith.addf %add3A_16, %add3A_20 : vector<32x1280xf32>
    %get3A_22 = arith.constant 0 : index
    %get3A_23 = arith.constant 0 : index
    %get3A_24 = vector.load %arg3[%get3A_22, %get3A_23] : memref<1280x1280xf32, #tpu.memory_space<vmem>>, vector<1280x1280xf32>
    %convert_element_type3A_25 = arith.truncf %add3A_21 : vector<32x1280xf32> to vector<32x1280xbf16>
    %convert_element_type3A_26 = arith.extf %convert_element_type3A_25 : vector<32x1280xbf16> to vector<32x1280xf32>
    %sub3A_27 = arith.subf %add3A_21, %convert_element_type3A_26 : vector<32x1280xf32>
    %convert_element_type3A_28 = arith.truncf %sub3A_27 : vector<32x1280xf32> to vector<32x1280xbf16>
    %convert_element_type3A_29 = arith.truncf %get3A_24 : vector<1280x1280xf32> to vector<1280x1280xbf16>
    %convert_element_type3A_30 = arith.extf %convert_element_type3A_29 : vector<1280x1280xbf16> to vector<1280x1280xf32>
    %sub3A_31 = arith.subf %get3A_24, %convert_element_type3A_30 : vector<1280x1280xf32>
    %convert_element_type3A_32 = arith.truncf %sub3A_31 : vector<1280x1280xf32> to vector<1280x1280xbf16>
    %dot_general3A_33 = arith.constant dense<0.000000e+00> : vector<32x1280xf32>
    %dot_general3A_34 = tpu.matmul %convert_element_type3A_28, %convert_element_type3A_29, %dot_general3A_33 {dimension_numbers = #tpu.dot_dimension_numbers<[1], [0], [0], [1], [0, 0, 1, 1], [], []>, transpose_lhs_hint = false} : vector<32x1280xbf16>, vector<1280x1280xbf16>, vector<32x1280xf32> -> vector<32x1280xf32>
    %dot_general3A_35 = arith.constant dense<0.000000e+00> : vector<32x1280xf32>
    %dot_general3A_36 = tpu.matmul %convert_element_type3A_25, %convert_element_type3A_32, %dot_general3A_35 {dimension_numbers = #tpu.dot_dimension_numbers<[1], [0], [0], [1], [0, 0, 1, 1], [], []>, transpose_lhs_hint = false} : vector<32x1280xbf16>, vector<1280x1280xbf16>, vector<32x1280xf32> -> vector<32x1280xf32>
    %add3A_37 = arith.addf %dot_general3A_34, %dot_general3A_36 : vector<32x1280xf32>
    %dot_general3A_38 = arith.constant dense<0.000000e+00> : vector<32x1280xf32>
    %dot_general3A_39 = tpu.matmul %convert_element_type3A_25, %convert_element_type3A_29, %dot_general3A_38 {dimension_numbers = #tpu.dot_dimension_numbers<[1], [0], [0], [1], [0, 0, 1, 1], [], []>, transpose_lhs_hint = false} : vector<32x1280xbf16>, vector<1280x1280xbf16>, vector<32x1280xf32> -> vector<32x1280xf32>
    %add3A_40 = arith.addf %add3A_37, %dot_general3A_39 : vector<32x1280xf32>
    %get3A_41 = arith.constant 0 : index
    %get3A_42 = arith.constant 0 : index
    %get3A_43 = vector.load %arg4[%get3A_41, %get3A_42] : memref<1x1280xf32, #tpu.memory_space<vmem>>, vector<1x1280xf32>
    %add3A_44 = vector.broadcast %get3A_43 : vector<1x1280xf32> to vector<32x1280xf32>
    %add3A_45 = arith.addf %add3A_40, %add3A_44 : vector<32x1280xf32>
    %swap3A = arith.constant 0 : index
    %swap3A_46 = arith.constant 0 : index
    %swap3A_47 = vector.load %arg5[%swap3A, %swap3A_46] : memref<32x1280xf32, #tpu.memory_space<vmem>>, vector<32x1280xf32>
    tpu.vector_store %arg5[%swap3A, %swap3A_46], %add3A_45 {strides = array<i32>} : memref<32x1280xf32, #tpu.memory_space<vmem>>, vector<32x1280xf32>,
    return
  }
}

module attributes {stable_mosaic.version = 14 : i64} {
  func.func @_tc_edge_kernel(%arg0: i32, %arg1: memref<512x1280xf32, #tpu.memory_space<vmem>>, %arg2: memref<512x1xi32, #tpu.memory_space<vmem>>, %arg3: memref<32x1280xf32, #tpu.memory_space<vmem>>, %arg4: memref<2x1280x1280xbf16, #tpu.memory_space<vmem>>, %arg5: memref<1x1280xf32, #tpu.memory_space<vmem>>, %arg6: memref<2x1280x1280xbf16, #tpu.memory_space<vmem>>, %arg7: memref<1x1280xf32, #tpu.memory_space<vmem>>, %arg8: memref<2x1280x1280xbf16, #tpu.memory_space<vmem>>, %arg9: memref<1x1280xf32, #tpu.memory_space<vmem>>, %arg10: memref<2x1280x1280xbf16, #tpu.memory_space<vmem>>, %arg11: memref<1x1280xf32, #tpu.memory_space<vmem>>, %arg12: memref<512x1280xf32, #tpu.memory_space<vmem>>) attributes {dimension_semantics = [#tpu.dimension_semantics<arbitrary>], iteration_bounds = array<i64: 30>, scalar_prefetch = 0 : i64, scratch_operands = 0 : i64, tpu.core_type = #tpu.core_type<tc>, window_params = [{transform_indices = @transform_0, window_bounds = array<i64: 512, 1280>}, {transform_indices = @transform_1, window_bounds = array<i64: 512, 1>}, {pipeline_mode = #tpu.pipeline_mode<synchronous>, transform_indices = @transform_2, window_bounds = array<i64: 32, 1280>}, {pipeline_mode = #tpu.pipeline_mode<synchronous>, transform_indices = @transform_3, window_bounds = array<i64: 2, 1280, 1280>}, {pipeline_mode = #tpu.pipeline_mode<synchronous>, transform_indices = @transform_4, window_bounds = array<i64: 1, 1280>}, {pipeline_mode = #tpu.pipeline_mode<synchronous>, transform_indices = @transform_5, window_bounds = array<i64: 2, 1280, 1280>}, {pipeline_mode = #tpu.pipeline_mode<synchronous>, transform_indices = @transform_6, window_bounds = array<i64: 1, 1280>}, {pipeline_mode = #tpu.pipeline_mode<synchronous>, transform_indices = @transform_7, window_bounds = array<i64: 2, 1280, 1280>}, {pipeline_mode = #tpu.pipeline_mode<synchronous>, transform_indices = @transform_8, window_bounds = array<i64: 1, 1280>}, {pipeline_mode = #tpu.pipeline_mode<synchronous>, transform_indices = @transform_9, window_bounds = array<i64: 2, 1280, 1280>}, {pipeline_mode = #tpu.pipeline_mode<synchronous>, transform_indices = @transform_10, window_bounds = array<i64: 1, 1280>}, {transform_indices = @transform_11, window_bounds = array<i64: 512, 1280>}]} {
    %get3A = arith.constant 0 : index
    %get3A_0 = arith.constant 0 : index
    %get3A_1 = vector.load %arg2[%get3A, %get3A_0] : memref<512x1xi32, #tpu.memory_space<vmem>>, vector<512x1xi32>
    %iota3A = tpu.iota {dimensions = array<i32: 1>} : vector<1x32xi32>
    %eq3A = vector.broadcast %get3A_1 : vector<512x1xi32> to vector<512x32xi32>
    %eq3A_2 = vector.broadcast %iota3A : vector<1x32xi32> to vector<512x32xi32>
    %eq3A_3 = arith.cmpi eq, %eq3A, %eq3A_2 : vector<512x32xi32>
    %convert_element_type3A = arith.extui %eq3A_3 : vector<512x32xi1> to vector<512x32xi32>
    %convert_element_type3A_4 = arith.sitofp %convert_element_type3A : vector<512x32xi32> to vector<512x32xf32>
    %get3A_5 = arith.constant 0 : index
    %get3A_6 = arith.constant 0 : index
    %get3A_7 = vector.load %arg1[%get3A_5, %get3A_6] : memref<512x1280xf32, #tpu.memory_space<vmem>>, vector<256x1280xf32>
    %slice3A = vector.extract_strided_slice %convert_element_type3A_4 {offsets = [0, 0], sizes = [256, 32], strides = [1, 1]} : vector<512x32xf32> to vector<256x32xf32>
    %get3A_8 = arith.constant 0 : index
    %get3A_9 = arith.constant 0 : index
    %get3A_10 = vector.load %arg3[%get3A_8, %get3A_9] : memref<32x1280xf32, #tpu.memory_space<vmem>>, vector<32x1280xf32>
    %convert_element_type3A_11 = arith.truncf %slice3A : vector<256x32xf32> to vector<256x32xbf16>
    %convert_element_type3A_12 = arith.extf %convert_element_type3A_11 : vector<256x32xbf16> to vector<256x32xf32>
    %sub3A = arith.subf %slice3A, %convert_element_type3A_12 : vector<256x32xf32>
    %convert_element_type3A_13 = arith.truncf %sub3A : vector<256x32xf32> to vector<256x32xbf16>
    %convert_element_type3A_14 = arith.truncf %get3A_10 : vector<32x1280xf32> to vector<32x1280xbf16>
    %convert_element_type3A_15 = arith.extf %convert_element_type3A_14 : vector<32x1280xbf16> to vector<32x1280xf32>
    %sub3A_16 = arith.subf %get3A_10, %convert_element_type3A_15 : vector<32x1280xf32>
    %convert_element_type3A_17 = arith.truncf %sub3A_16 : vector<32x1280xf32> to vector<32x1280xbf16>
    %dot_general3A = arith.constant dense<0.000000e+00> : vector<256x1280xf32>
    %dot_general3A_18 = tpu.matmul %convert_element_type3A_13, %convert_element_type3A_14, %dot_general3A {dimension_numbers = #tpu.dot_dimension_numbers<[1], [0], [0], [1], [0, 0, 1, 1], [], []>, transpose_lhs_hint = false} : vector<256x32xbf16>, vector<32x1280xbf16>, vector<256x1280xf32> -> vector<256x1280xf32>
    %dot_general3A_19 = arith.constant dense<0.000000e+00> : vector<256x1280xf32>
    %dot_general3A_20 = tpu.matmul %convert_element_type3A_11, %convert_element_type3A_17, %dot_general3A_19 {dimension_numbers = #tpu.dot_dimension_numbers<[1], [0], [0], [1], [0, 0, 1, 1], [], []>, transpose_lhs_hint = false} : vector<256x32xbf16>, vector<32x1280xbf16>, vector<256x1280xf32> -> vector<256x1280xf32>
    %add3A = arith.addf %dot_general3A_18, %dot_general3A_20 : vector<256x1280xf32>
    %dot_general3A_21 = arith.constant dense<0.000000e+00> : vector<256x1280xf32>
    %dot_general3A_22 = tpu.matmul %convert_element_type3A_11, %convert_element_type3A_14, %dot_general3A_21 {dimension_numbers = #tpu.dot_dimension_numbers<[1], [0], [0], [1], [0, 0, 1, 1], [], []>, transpose_lhs_hint = false} : vector<256x32xbf16>, vector<32x1280xbf16>, vector<256x1280xf32> -> vector<256x1280xf32>
    %add3A_23 = arith.addf %add3A, %dot_general3A_22 : vector<256x1280xf32>
    %add3A_24 = arith.addf %get3A_7, %add3A_23 : vector<256x1280xf32>
    %get3A_25 = arith.constant 256 : index
    %get3A_26 = arith.constant 0 : index
    %get3A_27 = vector.load %arg1[%get3A_25, %get3A_26] : memref<512x1280xf32, #tpu.memory_space<vmem>>, vector<256x1280xf32>
    %slice3A_28 = vector.extract_strided_slice %convert_element_type3A_4 {offsets = [256, 0], sizes = [256, 32], strides = [1, 1]} : vector<512x32xf32> to vector<256x32xf32>
    %get3A_29 = arith.constant 0 : index
    %get3A_30 = arith.constant 0 : index
    %get3A_31 = vector.load %arg3[%get3A_29, %get3A_30] : memref<32x1280xf32, #tpu.memory_space<vmem>>, vector<32x1280xf32>
    %convert_element_type3A_32 = arith.truncf %slice3A_28 : vector<256x32xf32> to vector<256x32xbf16>
    %convert_element_type3A_33 = arith.extf %convert_element_type3A_32 : vector<256x32xbf16> to vector<256x32xf32>
    %sub3A_34 = arith.subf %slice3A_28, %convert_element_type3A_33 : vector<256x32xf32>
    %convert_element_type3A_35 = arith.truncf %sub3A_34 : vector<256x32xf32> to vector<256x32xbf16>
    %convert_element_type3A_36 = arith.truncf %get3A_31 : vector<32x1280xf32> to vector<32x1280xbf16>
    %convert_element_type3A_37 = arith.extf %convert_element_type3A_36 : vector<32x1280xbf16> to vector<32x1280xf32>
    %sub3A_38 = arith.subf %get3A_31, %convert_element_type3A_37 : vector<32x1280xf32>
    %convert_element_type3A_39 = arith.truncf %sub3A_38 : vector<32x1280xf32> to vector<32x1280xbf16>
    %dot_general3A_40 = arith.constant dense<0.000000e+00> : vector<256x1280xf32>
    %dot_general3A_41 = tpu.matmul %convert_element_type3A_35, %convert_element_type3A_36, %dot_general3A_40 {dimension_numbers = #tpu.dot_dimension_numbers<[1], [0], [0], [1], [0, 0, 1, 1], [], []>, transpose_lhs_hint = false} : vector<256x32xbf16>, vector<32x1280xbf16>, vector<256x1280xf32> -> vector<256x1280xf32>
    %dot_general3A_42 = arith.constant dense<0.000000e+00> : vector<256x1280xf32>
    %dot_general3A_43 = tpu.matmul %convert_element_type3A_32, %convert_element_type3A_39, %dot_general3A_42 {dimension_numbers = #tpu.dot_dimension_numbers<[1], [0], [0], [1], [0, 0, 1, 1], [], []>, transpose_lhs_hint = false} : vector<256x32xbf16>, vector<32x1280xbf16>, vector<256x1280xf32> -> vector<256x1280xf32>
    %add3A_44 = arith.addf %dot_general3A_41, %dot_general3A_43 : vector<256x1280xf32>
    %dot_general3A_45 = arith.constant dense<0.000000e+00> : vector<256x1280xf32>
    %dot_general3A_46 = tpu.matmul %convert_element_type3A_32, %convert_element_type3A_36, %dot_general3A_45 {dimension_numbers = #tpu.dot_dimension_numbers<[1], [0], [0], [1], [0, 0, 1, 1], [], []>, transpose_lhs_hint = false} : vector<256x32xbf16>, vector<32x1280xbf16>, vector<256x1280xf32> -> vector<256x1280xf32>
    %add3A_47 = arith.addf %add3A_44, %dot_general3A_46 : vector<256x1280xf32>
    %add3A_48 = arith.addf %get3A_27, %add3A_47 : vector<256x1280xf32>
    %max3A = arith.constant 0.000000e+00 : f32
    %max3A_49 = vector.broadcast %max3A : f32 to vector<256x1280xf32>
    %max3A_50 = arith.maximumf %add3A_24, %max3A_49 : vector<256x1280xf32>
    %convert_element_type3A_51 = arith.truncf %max3A_50 : vector<256x1280xf32> to vector<256x1280xbf16>
    %convert_element_type3A_52 = arith.extf %convert_element_type3A_51 : vector<256x1280xbf16> to vector<256x1280xf32>
    %sub3A_53 = arith.subf %max3A_50, %convert_element_type3A_52 : vector<256x1280xf32>
    %convert_element_type3A_54 = arith.truncf %sub3A_53 : vector<256x1280xf32> to vector<256x1280xbf16>
    %get3A_55 = arith.constant 0 : index
    %get3A_56 = arith.constant 0 : index
    %get3A_57 = arith.constant 0 : index
    %get3A_58 = vector.load %arg4[%get3A_55, %get3A_56, %get3A_57] : memref<2x1280x1280xbf16, #tpu.memory_space<vmem>>, vector<1x1280x1280xbf16>
    %get3A_59 = vector.shape_cast %get3A_58 : vector<1x1280x1280xbf16> to vector<1280x1280xbf16>
    %get3A_60 = arith.constant 1 : index
    %get3A_61 = arith.constant 0 : index
    %get3A_62 = arith.constant 0 : index
    %get3A_63 = vector.load %arg4[%get3A_60, %get3A_61, %get3A_62] : memref<2x1280x1280xbf16, #tpu.memory_space<vmem>>, vector<1x1280x1280xbf16>
    %get3A_64 = vector.shape_cast %get3A_63 : vector<1x1280x1280xbf16> to vector<1280x1280xbf16>
    %dot_general3A_65 = arith.constant dense<0.000000e+00> : vector<256x1280xf32>
    %dot_general3A_66 = tpu.matmul %convert_element_type3A_54, %get3A_59, %dot_general3A_65 {dimension_numbers = #tpu.dot_dimension_numbers<[1], [0], [0], [1], [0, 0, 1, 1], [], []>, transpose_lhs_hint = false} : vector<256x1280xbf16>, vector<1280x1280xbf16>, vector<256x1280xf32> -> vector<256x1280xf32>
    %dot_general3A_67 = arith.constant dense<0.000000e+00> : vector<256x1280xf32>
    %dot_general3A_68 = tpu.matmul %convert_element_type3A_51, %get3A_64, %dot_general3A_67 {dimension_numbers = #tpu.dot_dimension_numbers<[1], [0], [0], [1], [0, 0, 1, 1], [], []>, transpose_lhs_hint = false} : vector<256x1280xbf16>, vector<1280x1280xbf16>, vector<256x1280xf32> -> vector<256x1280xf32>
    %add3A_69 = arith.addf %dot_general3A_66, %dot_general3A_68 : vector<256x1280xf32>
    %dot_general3A_70 = arith.constant dense<0.000000e+00> : vector<256x1280xf32>
    %dot_general3A_71 = tpu.matmul %convert_element_type3A_51, %get3A_59, %dot_general3A_70 {dimension_numbers = #tpu.dot_dimension_numbers<[1], [0], [0], [1], [0, 0, 1, 1], [], []>, transpose_lhs_hint = false} : vector<256x1280xbf16>, vector<1280x1280xbf16>, vector<256x1280xf32> -> vector<256x1280xf32>
    %add3A_72 = arith.addf %add3A_69, %dot_general3A_71 : vector<256x1280xf32>
    %get3A_73 = arith.constant 0 : index
    %get3A_74 = arith.constant 0 : index
    %get3A_75 = vector.load %arg5[%get3A_73, %get3A_74] : memref<1x1280xf32, #tpu.memory_space<vmem>>, vector<1x1280xf32>
    %add3A_76 = vector.broadcast %get3A_75 : vector<1x1280xf32> to vector<256x1280xf32>
    %add3A_77 = arith.addf %add3A_72, %add3A_76 : vector<256x1280xf32>
    %max3A_78 = arith.constant 0.000000e+00 : f32
    %max3A_79 = vector.broadcast %max3A_78 : f32 to vector<256x1280xf32>
    %max3A_80 = arith.maximumf %add3A_48, %max3A_79 : vector<256x1280xf32>
    %convert_element_type3A_81 = arith.truncf %max3A_80 : vector<256x1280xf32> to vector<256x1280xbf16>
    %convert_element_type3A_82 = arith.extf %convert_element_type3A_81 : vector<256x1280xbf16> to vector<256x1280xf32>
    %sub3A_83 = arith.subf %max3A_80, %convert_element_type3A_82 : vector<256x1280xf32>
    %convert_element_type3A_84 = arith.truncf %sub3A_83 : vector<256x1280xf32> to vector<256x1280xbf16>
    %get3A_85 = arith.constant 0 : index
    %get3A_86 = arith.constant 0 : index
    %get3A_87 = arith.constant 0 : index
    %get3A_88 = vector.load %arg4[%get3A_85, %get3A_86, %get3A_87] : memref<2x1280x1280xbf16, #tpu.memory_space<vmem>>, vector<1x1280x1280xbf16>
    %get3A_89 = vector.shape_cast %get3A_88 : vector<1x1280x1280xbf16> to vector<1280x1280xbf16>
    %get3A_90 = arith.constant 1 : index
    %get3A_91 = arith.constant 0 : index
    %get3A_92 = arith.constant 0 : index
    %get3A_93 = vector.load %arg4[%get3A_90, %get3A_91, %get3A_92] : memref<2x1280x1280xbf16, #tpu.memory_space<vmem>>, vector<1x1280x1280xbf16>
    %get3A_94 = vector.shape_cast %get3A_93 : vector<1x1280x1280xbf16> to vector<1280x1280xbf16>
    %dot_general3A_95 = arith.constant dense<0.000000e+00> : vector<256x1280xf32>
    %dot_general3A_96 = tpu.matmul %convert_element_type3A_84, %get3A_89, %dot_general3A_95 {dimension_numbers = #tpu.dot_dimension_numbers<[1], [0], [0], [1], [0, 0, 1, 1], [], []>, transpose_lhs_hint = false} : vector<256x1280xbf16>, vector<1280x1280xbf16>, vector<256x1280xf32> -> vector<256x1280xf32>
    %dot_general3A_97 = arith.constant dense<0.000000e+00> : vector<256x1280xf32>
    %dot_general3A_98 = tpu.matmul %convert_element_type3A_81, %get3A_94, %dot_general3A_97 {dimension_numbers = #tpu.dot_dimension_numbers<[1], [0], [0], [1], [0, 0, 1, 1], [], []>, transpose_lhs_hint = false} : vector<256x1280xbf16>, vector<1280x1280xbf16>, vector<256x1280xf32> -> vector<256x1280xf32>
    %add3A_99 = arith.addf %dot_general3A_96, %dot_general3A_98 : vector<256x1280xf32>
    %dot_general3A_100 = arith.constant dense<0.000000e+00> : vector<256x1280xf32>
    %dot_general3A_101 = tpu.matmul %convert_element_type3A_81, %get3A_89, %dot_general3A_100 {dimension_numbers = #tpu.dot_dimension_numbers<[1], [0], [0], [1], [0, 0, 1, 1], [], []>, transpose_lhs_hint = false} : vector<256x1280xbf16>, vector<1280x1280xbf16>, vector<256x1280xf32> -> vector<256x1280xf32>
    %add3A_102 = arith.addf %add3A_99, %dot_general3A_101 : vector<256x1280xf32>
    %get3A_103 = arith.constant 0 : index
    %get3A_104 = arith.constant 0 : index
    %get3A_105 = vector.load %arg5[%get3A_103, %get3A_104] : memref<1x1280xf32, #tpu.memory_space<vmem>>, vector<1x1280xf32>
    %add3A_106 = vector.broadcast %get3A_105 : vector<1x1280xf32> to vector<256x1280xf32>
    %add3A_107 = arith.addf %add3A_102, %add3A_106 : vector<256x1280xf32>
    %max3A_108 = arith.constant 0.000000e+00 : f32
    %max3A_109 = vector.broadcast %max3A_108 : f32 to vector<256x1280xf32>
    %max3A_110 = arith.maximumf %add3A_77, %max3A_109 : vector<256x1280xf32>
    %convert_element_type3A_111 = arith.truncf %max3A_110 : vector<256x1280xf32> to vector<256x1280xbf16>
    %convert_element_type3A_112 = arith.extf %convert_element_type3A_111 : vector<256x1280xbf16> to vector<256x1280xf32>
    %sub3A_113 = arith.subf %max3A_110, %convert_element_type3A_112 : vector<256x1280xf32>
    %convert_element_type3A_114 = arith.truncf %sub3A_113 : vector<256x1280xf32> to vector<256x1280xbf16>
    %get3A_115 = arith.constant 0 : index
    %get3A_116 = arith.constant 0 : index
    %get3A_117 = arith.constant 0 : index
    %get3A_118 = vector.load %arg6[%get3A_115, %get3A_116, %get3A_117] : memref<2x1280x1280xbf16, #tpu.memory_space<vmem>>, vector<1x1280x1280xbf16>
    %get3A_119 = vector.shape_cast %get3A_118 : vector<1x1280x1280xbf16> to vector<1280x1280xbf16>
    %get3A_120 = arith.constant 1 : index
    %get3A_121 = arith.constant 0 : index
    %get3A_122 = arith.constant 0 : index
    %get3A_123 = vector.load %arg6[%get3A_120, %get3A_121, %get3A_122] : memref<2x1280x1280xbf16, #tpu.memory_space<vmem>>, vector<1x1280x1280xbf16>
    %get3A_124 = vector.shape_cast %get3A_123 : vector<1x1280x1280xbf16> to vector<1280x1280xbf16>
    %dot_general3A_125 = arith.constant dense<0.000000e+00> : vector<256x1280xf32>
    %dot_general3A_126 = tpu.matmul %convert_element_type3A_114, %get3A_119, %dot_general3A_125 {dimension_numbers = #tpu.dot_dimension_numbers<[1], [0], [0], [1], [0, 0, 1, 1], [], []>, transpose_lhs_hint = false} : vector<256x1280xbf16>, vector<1280x1280xbf16>, vector<256x1280xf32> -> vector<256x1280xf32>
    %dot_general3A_127 = arith.constant dense<0.000000e+00> : vector<256x1280xf32>
    %dot_general3A_128 = tpu.matmul %convert_element_type3A_111, %get3A_124, %dot_general3A_127 {dimension_numbers = #tpu.dot_dimension_numbers<[1], [0], [0], [1], [0, 0, 1, 1], [], []>, transpose_lhs_hint = false} : vector<256x1280xbf16>, vector<1280x1280xbf16>, vector<256x1280xf32> -> vector<256x1280xf32>
    %add3A_129 = arith.addf %dot_general3A_126, %dot_general3A_128 : vector<256x1280xf32>
    %dot_general3A_130 = arith.constant dense<0.000000e+00> : vector<256x1280xf32>
    %dot_general3A_131 = tpu.matmul %convert_element_type3A_111, %get3A_119, %dot_general3A_130 {dimension_numbers = #tpu.dot_dimension_numbers<[1], [0], [0], [1], [0, 0, 1, 1], [], []>, transpose_lhs_hint = false} : vector<256x1280xbf16>, vector<1280x1280xbf16>, vector<256x1280xf32> -> vector<256x1280xf32>
    %add3A_132 = arith.addf %add3A_129, %dot_general3A_131 : vector<256x1280xf32>
    %get3A_133 = arith.constant 0 : index
    %get3A_134 = arith.constant 0 : index
    %get3A_135 = vector.load %arg7[%get3A_133, %get3A_134] : memref<1x1280xf32, #tpu.memory_space<vmem>>, vector<1x1280xf32>
    %add3A_136 = vector.broadcast %get3A_135 : vector<1x1280xf32> to vector<256x1280xf32>
    %add3A_137 = arith.addf %add3A_132, %add3A_136 : vector<256x1280xf32>
    %max3A_138 = arith.constant 0.000000e+00 : f32
    %max3A_139 = vector.broadcast %max3A_138 : f32 to vector<256x1280xf32>
    %max3A_140 = arith.maximumf %add3A_107, %max3A_139 : vector<256x1280xf32>
    %convert_element_type3A_141 = arith.truncf %max3A_140 : vector<256x1280xf32> to vector<256x1280xbf16>
    %convert_element_type3A_142 = arith.extf %convert_element_type3A_141 : vector<256x1280xbf16> to vector<256x1280xf32>
    %sub3A_143 = arith.subf %max3A_140, %convert_element_type3A_142 : vector<256x1280xf32>
    %convert_element_type3A_144 = arith.truncf %sub3A_143 : vector<256x1280xf32> to vector<256x1280xbf16>
    %get3A_145 = arith.constant 0 : index
    %get3A_146 = arith.constant 0 : index
    %get3A_147 = arith.constant 0 : index
    %get3A_148 = vector.load %arg6[%get3A_145, %get3A_146, %get3A_147] : memref<2x1280x1280xbf16, #tpu.memory_space<vmem>>, vector<1x1280x1280xbf16>
    %get3A_149 = vector.shape_cast %get3A_148 : vector<1x1280x1280xbf16> to vector<1280x1280xbf16>
    %get3A_150 = arith.constant 1 : index
    %get3A_151 = arith.constant 0 : index
    %get3A_152 = arith.constant 0 : index
    %get3A_153 = vector.load %arg6[%get3A_150, %get3A_151, %get3A_152] : memref<2x1280x1280xbf16, #tpu.memory_space<vmem>>, vector<1x1280x1280xbf16>
    %get3A_154 = vector.shape_cast %get3A_153 : vector<1x1280x1280xbf16> to vector<1280x1280xbf16>
    %dot_general3A_155 = arith.constant dense<0.000000e+00> : vector<256x1280xf32>
    %dot_general3A_156 = tpu.matmul %convert_element_type3A_144, %get3A_149, %dot_general3A_155 {dimension_numbers = #tpu.dot_dimension_numbers<[1], [0], [0], [1], [0, 0, 1, 1], [], []>, transpose_lhs_hint = false} : vector<256x1280xbf16>, vector<1280x1280xbf16>, vector<256x1280xf32> -> vector<256x1280xf32>
    %dot_general3A_157 = arith.constant dense<0.000000e+00> : vector<256x1280xf32>
    %dot_general3A_158 = tpu.matmul %convert_element_type3A_141, %get3A_154, %dot_general3A_157 {dimension_numbers = #tpu.dot_dimension_numbers<[1], [0], [0], [1], [0, 0, 1, 1], [], []>, transpose_lhs_hint = false} : vector<256x1280xbf16>, vector<1280x1280xbf16>, vector<256x1280xf32> -> vector<256x1280xf32>
    %add3A_159 = arith.addf %dot_general3A_156, %dot_general3A_158 : vector<256x1280xf32>
    %dot_general3A_160 = arith.constant dense<0.000000e+00> : vector<256x1280xf32>
    %dot_general3A_161 = tpu.matmul %convert_element_type3A_141, %get3A_149, %dot_general3A_160 {dimension_numbers = #tpu.dot_dimension_numbers<[1], [0], [0], [1], [0, 0, 1, 1], [], []>, transpose_lhs_hint = false} : vector<256x1280xbf16>, vector<1280x1280xbf16>, vector<256x1280xf32> -> vector<256x1280xf32>
    %add3A_162 = arith.addf %add3A_159, %dot_general3A_161 : vector<256x1280xf32>
    %get3A_163 = arith.constant 0 : index
    %get3A_164 = arith.constant 0 : index
    %get3A_165 = vector.load %arg7[%get3A_163, %get3A_164] : memref<1x1280xf32, #tpu.memory_space<vmem>>, vector<1x1280xf32>
    %add3A_166 = vector.broadcast %get3A_165 : vector<1x1280xf32> to vector<256x1280xf32>
    %add3A_167 = arith.addf %add3A_162, %add3A_166 : vector<256x1280xf32>
    %max3A_168 = arith.constant 0.000000e+00 : f32
    %max3A_169 = vector.broadcast %max3A_168 : f32 to vector<256x1280xf32>
    %max3A_170 = arith.maximumf %add3A_137, %max3A_169 : vector<256x1280xf32>
    %convert_element_type3A_171 = arith.truncf %max3A_170 : vector<256x1280xf32> to vector<256x1280xbf16>
    %convert_element_type3A_172 = arith.extf %convert_element_type3A_171 : vector<256x1280xbf16> to vector<256x1280xf32>
    %sub3A_173 = arith.subf %max3A_170, %convert_element_type3A_172 : vector<256x1280xf32>
    %convert_element_type3A_174 = arith.truncf %sub3A_173 : vector<256x1280xf32> to vector<256x1280xbf16>
    %get3A_175 = arith.constant 0 : index
    %get3A_176 = arith.constant 0 : index
    %get3A_177 = arith.constant 0 : index
    %get3A_178 = vector.load %arg8[%get3A_175, %get3A_176, %get3A_177] : memref<2x1280x1280xbf16, #tpu.memory_space<vmem>>, vector<1x1280x1280xbf16>
    %get3A_179 = vector.shape_cast %get3A_178 : vector<1x1280x1280xbf16> to vector<1280x1280xbf16>
    %get3A_180 = arith.constant 1 : index
    %get3A_181 = arith.constant 0 : index
    %get3A_182 = arith.constant 0 : index
    %get3A_183 = vector.load %arg8[%get3A_180, %get3A_181, %get3A_182] : memref<2x1280x1280xbf16, #tpu.memory_space<vmem>>, vector<1x1280x1280xbf16>
    %get3A_184 = vector.shape_cast %get3A_183 : vector<1x1280x1280xbf16> to vector<1280x1280xbf16>
    %dot_general3A_185 = arith.constant dense<0.000000e+00> : vector<256x1280xf32>
    %dot_general3A_186 = tpu.matmul %convert_element_type3A_174, %get3A_179, %dot_general3A_185 {dimension_numbers = #tpu.dot_dimension_numbers<[1], [0], [0], [1], [0, 0, 1, 1], [], []>, transpose_lhs_hint = false} : vector<256x1280xbf16>, vector<1280x1280xbf16>, vector<256x1280xf32> -> vector<256x1280xf32>
    %dot_general3A_187 = arith.constant dense<0.000000e+00> : vector<256x1280xf32>
    %dot_general3A_188 = tpu.matmul %convert_element_type3A_171, %get3A_184, %dot_general3A_187 {dimension_numbers = #tpu.dot_dimension_numbers<[1], [0], [0], [1], [0, 0, 1, 1], [], []>, transpose_lhs_hint = false} : vector<256x1280xbf16>, vector<1280x1280xbf16>, vector<256x1280xf32> -> vector<256x1280xf32>
    %add3A_189 = arith.addf %dot_general3A_186, %dot_general3A_188 : vector<256x1280xf32>
    %dot_general3A_190 = arith.constant dense<0.000000e+00> : vector<256x1280xf32>
    %dot_general3A_191 = tpu.matmul %convert_element_type3A_171, %get3A_179, %dot_general3A_190 {dimension_numbers = #tpu.dot_dimension_numbers<[1], [0], [0], [1], [0, 0, 1, 1], [], []>, transpose_lhs_hint = false} : vector<256x1280xbf16>, vector<1280x1280xbf16>, vector<256x1280xf32> -> vector<256x1280xf32>
    %add3A_192 = arith.addf %add3A_189, %dot_general3A_191 : vector<256x1280xf32>
    %get3A_193 = arith.constant 0 : index
    %get3A_194 = arith.constant 0 : index
    %get3A_195 = vector.load %arg9[%get3A_193, %get3A_194] : memref<1x1280xf32, #tpu.memory_space<vmem>>, vector<1x1280xf32>
    %add3A_196 = vector.broadcast %get3A_195 : vector<1x1280xf32> to vector<256x1280xf32>
    %add3A_197 = arith.addf %add3A_192, %add3A_196 : vector<256x1280xf32>
    %max3A_198 = arith.constant 0.000000e+00 : f32
    %max3A_199 = vector.broadcast %max3A_198 : f32 to vector<256x1280xf32>
    %max3A_200 = arith.maximumf %add3A_167, %max3A_199 : vector<256x1280xf32>
    %convert_element_type3A_201 = arith.truncf %max3A_200 : vector<256x1280xf32> to vector<256x1280xbf16>
    %convert_element_type3A_202 = arith.extf %convert_element_type3A_201 : vector<256x1280xbf16> to vector<256x1280xf32>
    %sub3A_203 = arith.subf %max3A_200, %convert_element_type3A_202 : vector<256x1280xf32>
    %convert_element_type3A_204 = arith.truncf %sub3A_203 : vector<256x1280xf32> to vector<256x1280xbf16>
    %get3A_205 = arith.constant 0 : index
    %get3A_206 = arith.constant 0 : index
    %get3A_207 = arith.constant 0 : index
    %get3A_208 = vector.load %arg8[%get3A_205, %get3A_206, %get3A_207] : memref<2x1280x1280xbf16, #tpu.memory_space<vmem>>, vector<1x1280x1280xbf16>
    %get3A_209 = vector.shape_cast %get3A_208 : vector<1x1280x1280xbf16> to vector<1280x1280xbf16>
    %get3A_210 = arith.constant 1 : index
    %get3A_211 = arith.constant 0 : index
    %get3A_212 = arith.constant 0 : index
    %get3A_213 = vector.load %arg8[%get3A_210, %get3A_211, %get3A_212] : memref<2x1280x1280xbf16, #tpu.memory_space<vmem>>, vector<1x1280x1280xbf16>
    %get3A_214 = vector.shape_cast %get3A_213 : vector<1x1280x1280xbf16> to vector<1280x1280xbf16>
    %dot_general3A_215 = arith.constant dense<0.000000e+00> : vector<256x1280xf32>
    %dot_general3A_216 = tpu.matmul %convert_element_type3A_204, %get3A_209, %dot_general3A_215 {dimension_numbers = #tpu.dot_dimension_numbers<[1], [0], [0], [1], [0, 0, 1, 1], [], []>, transpose_lhs_hint = false} : vector<256x1280xbf16>, vector<1280x1280xbf16>, vector<256x1280xf32> -> vector<256x1280xf32>
    %dot_general3A_217 = arith.constant dense<0.000000e+00> : vector<256x1280xf32>
    %dot_general3A_218 = tpu.matmul %convert_element_type3A_201, %get3A_214, %dot_general3A_217 {dimension_numbers = #tpu.dot_dimension_numbers<[1], [0], [0], [1], [0, 0, 1, 1], [], []>, transpose_lhs_hint = false} : vector<256x1280xbf16>, vector<1280x1280xbf16>, vector<256x1280xf32> -> vector<256x1280xf32>
    %add3A_219 = arith.addf %dot_general3A_216, %dot_general3A_218 : vector<256x1280xf32>
    %dot_general3A_220 = arith.constant dense<0.000000e+00> : vector<256x1280xf32>
    %dot_general3A_221 = tpu.matmul %convert_element_type3A_201, %get3A_209, %dot_general3A_220 {dimension_numbers = #tpu.dot_dimension_numbers<[1], [0], [0], [1], [0, 0, 1, 1], [], []>, transpose_lhs_hint = false} : vector<256x1280xbf16>, vector<1280x1280xbf16>, vector<256x1280xf32> -> vector<256x1280xf32>
    %add3A_222 = arith.addf %add3A_219, %dot_general3A_221 : vector<256x1280xf32>
    %get3A_223 = arith.constant 0 : index
    %get3A_224 = arith.constant 0 : index
    %get3A_225 = vector.load %arg9[%get3A_223, %get3A_224] : memref<1x1280xf32, #tpu.memory_space<vmem>>, vector<1x1280xf32>
    %add3A_226 = vector.broadcast %get3A_225 : vector<1x1280xf32> to vector<256x1280xf32>
    %add3A_227 = arith.addf %add3A_222, %add3A_226 : vector<256x1280xf32>
    %max3A_228 = arith.constant 0.000000e+00 : f32
    %max3A_229 = vector.broadcast %max3A_228 : f32 to vector<256x1280xf32>
    %max3A_230 = arith.maximumf %add3A_197, %max3A_229 : vector<256x1280xf32>
    %convert_element_type3A_231 = arith.truncf %max3A_230 : vector<256x1280xf32> to vector<256x1280xbf16>
    %convert_element_type3A_232 = arith.extf %convert_element_type3A_231 : vector<256x1280xbf16> to vector<256x1280xf32>
    %sub3A_233 = arith.subf %max3A_230, %convert_element_type3A_232 : vector<256x1280xf32>
    %convert_element_type3A_234 = arith.truncf %sub3A_233 : vector<256x1280xf32> to vector<256x1280xbf16>
    %get3A_235 = arith.constant 0 : index
    %get3A_236 = arith.constant 0 : index
    %get3A_237 = arith.constant 0 : index
    %get3A_238 = vector.load %arg10[%get3A_235, %get3A_236, %get3A_237] : memref<2x1280x1280xbf16, #tpu.memory_space<vmem>>, vector<1x1280x1280xbf16>
    %get3A_239 = vector.shape_cast %get3A_238 : vector<1x1280x1280xbf16> to vector<1280x1280xbf16>
    %get3A_240 = arith.constant 1 : index
    %get3A_241 = arith.constant 0 : index
    %get3A_242 = arith.constant 0 : index
    %get3A_243 = vector.load %arg10[%get3A_240, %get3A_241, %get3A_242] : memref<2x1280x1280xbf16, #tpu.memory_space<vmem>>, vector<1x1280x1280xbf16>
    %get3A_244 = vector.shape_cast %get3A_243 : vector<1x1280x1280xbf16> to vector<1280x1280xbf16>
    %dot_general3A_245 = arith.constant dense<0.000000e+00> : vector<256x1280xf32>
    %dot_general3A_246 = tpu.matmul %convert_element_type3A_234, %get3A_239, %dot_general3A_245 {dimension_numbers = #tpu.dot_dimension_numbers<[1], [0], [0], [1], [0, 0, 1, 1], [], []>, transpose_lhs_hint = false} : vector<256x1280xbf16>, vector<1280x1280xbf16>, vector<256x1280xf32> -> vector<256x1280xf32>
    %dot_general3A_247 = arith.constant dense<0.000000e+00> : vector<256x1280xf32>
    %dot_general3A_248 = tpu.matmul %convert_element_type3A_231, %get3A_244, %dot_general3A_247 {dimension_numbers = #tpu.dot_dimension_numbers<[1], [0], [0], [1], [0, 0, 1, 1], [], []>, transpose_lhs_hint = false} : vector<256x1280xbf16>, vector<1280x1280xbf16>, vector<256x1280xf32> -> vector<256x1280xf32>
    %add3A_249 = arith.addf %dot_general3A_246, %dot_general3A_248 : vector<256x1280xf32>
    %dot_general3A_250 = arith.constant dense<0.000000e+00> : vector<256x1280xf32>
    %dot_general3A_251 = tpu.matmul %convert_element_type3A_231, %get3A_239, %dot_general3A_250 {dimension_numbers = #tpu.dot_dimension_numbers<[1], [0], [0], [1], [0, 0, 1, 1], [], []>, transpose_lhs_hint = false} : vector<256x1280xbf16>, vector<1280x1280xbf16>, vector<256x1280xf32> -> vector<256x1280xf32>
    %add3A_252 = arith.addf %add3A_249, %dot_general3A_251 : vector<256x1280xf32>
    %get3A_253 = arith.constant 0 : index
    %get3A_254 = arith.constant 0 : index
    %get3A_255 = vector.load %arg11[%get3A_253, %get3A_254] : memref<1x1280xf32, #tpu.memory_space<vmem>>, vector<1x1280xf32>
    %add3A_256 = vector.broadcast %get3A_255 : vector<1x1280xf32> to vector<256x1280xf32>
    %add3A_257 = arith.addf %add3A_252, %add3A_256 : vector<256x1280xf32>
    %max3A_258 = arith.constant 0.000000e+00 : f32
    %max3A_259 = vector.broadcast %max3A_258 : f32 to vector<256x1280xf32>
    %max3A_260 = arith.maximumf %add3A_227, %max3A_259 : vector<256x1280xf32>
    %convert_element_type3A_261 = arith.truncf %max3A_260 : vector<256x1280xf32> to vector<256x1280xbf16>
    %convert_element_type3A_262 = arith.extf %convert_element_type3A_261 : vector<256x1280xbf16> to vector<256x1280xf32>
    %sub3A_263 = arith.subf %max3A_260, %convert_element_type3A_262 : vector<256x1280xf32>
    %convert_element_type3A_264 = arith.truncf %sub3A_263 : vector<256x1280xf32> to vector<256x1280xbf16>
    %get3A_265 = arith.constant 0 : index
    %get3A_266 = arith.constant 0 : index
    %get3A_267 = arith.constant 0 : index
    %get3A_268 = vector.load %arg10[%get3A_265, %get3A_266, %get3A_267] : memref<2x1280x1280xbf16, #tpu.memory_space<vmem>>, vector<1x1280x1280xbf16>
    %get3A_269 = vector.shape_cast %get3A_268 : vector<1x1280x1280xbf16> to vector<1280x1280xbf16>
    %get3A_270 = arith.constant 1 : index
    %get3A_271 = arith.constant 0 : index
    %get3A_272 = arith.constant 0 : index
    %get3A_273 = vector.load %arg10[%get3A_270, %get3A_271, %get3A_272] : memref<2x1280x1280xbf16, #tpu.memory_space<vmem>>, vector<1x1280x1280xbf16>
    %get3A_274 = vector.shape_cast %get3A_273 : vector<1x1280x1280xbf16> to vector<1280x1280xbf16>
    %dot_general3A_275 = arith.constant dense<0.000000e+00> : vector<256x1280xf32>
    %dot_general3A_276 = tpu.matmul %convert_element_type3A_264, %get3A_269, %dot_general3A_275 {dimension_numbers = #tpu.dot_dimension_numbers<[1], [0], [0], [1], [0, 0, 1, 1], [], []>, transpose_lhs_hint = false} : vector<256x1280xbf16>, vector<1280x1280xbf16>, vector<256x1280xf32> -> vector<256x1280xf32>
    %dot_general3A_277 = arith.constant dense<0.000000e+00> : vector<256x1280xf32>
    %dot_general3A_278 = tpu.matmul %convert_element_type3A_261, %get3A_274, %dot_general3A_277 {dimension_numbers = #tpu.dot_dimension_numbers<[1], [0], [0], [1], [0, 0, 1, 1], [], []>, transpose_lhs_hint = false} : vector<256x1280xbf16>, vector<1280x1280xbf16>, vector<256x1280xf32> -> vector<256x1280xf32>
    %add3A_279 = arith.addf %dot_general3A_276, %dot_general3A_278 : vector<256x1280xf32>
    %dot_general3A_280 = arith.constant dense<0.000000e+00> : vector<256x1280xf32>
    %dot_general3A_281 = tpu.matmul %convert_element_type3A_261, %get3A_269, %dot_general3A_280 {dimension_numbers = #tpu.dot_dimension_numbers<[1], [0], [0], [1], [0, 0, 1, 1], [], []>, transpose_lhs_hint = false} : vector<256x1280xbf16>, vector<1280x1280xbf16>, vector<256x1280xf32> -> vector<256x1280xf32>
    %add3A_282 = arith.addf %add3A_279, %dot_general3A_281 : vector<256x1280xf32>
    %get3A_283 = arith.constant 0 : index
    %get3A_284 = arith.constant 0 : index
    %get3A_285 = vector.load %arg11[%get3A_283, %get3A_284] : memref<1x1280xf32, #tpu.memory_space<vmem>>, vector<1x1280xf32>
    %add3A_286 = vector.broadcast %get3A_285 : vector<1x1280xf32> to vector<256x1280xf32>
    %add3A_287 = arith.addf %add3A_282, %add3A_286 : vector<256x1280xf32>
    %swap3A = arith.constant 0 : index
    %swap3A_288 = arith.constant 0 : index
    %swap3A_289 = vector.load %arg12[%swap3A, %swap3A_288] : memref<512x1280xf32, #tpu.memory_space<vmem>>, vector<256x1280xf32>
    tpu.vector_store %arg12[%swap3A, %swap3A_288], %add3A_257 {strides = array<i32>} : memref<512x1280xf32, #tpu.memory_space<vmem>>, vector<256x1280xf32>,
    %swap3A_290 = arith.constant 256 : index
    %swap3A_291 = arith.constant 0 : index
    %swap3A_292 = vector.load %arg12[%swap3A_290, %swap3A_291] : memref<512x1280xf32, #tpu.memory_space<vmem>>, vector<256x1280xf32>
    tpu.vector_store %arg12[%swap3A_290, %swap3A_291], %add3A_287 {strides = array<i32>} : memref<512x1280xf32, #tpu.memory_space<vmem>>, vector<256x1280xf32>,
    return
  }
  func.func @transform_0(%arg0: i32) -> (i32, i32) {
    %c0_i32 = arith.constant 0 : i32
    %c0_i32_0 = arith.constant 0 : i32
    return %arg0, %c0_i32 : i32, i32
  }
  func.func @transform_1(%arg0: i32) -> (i32, i32) {
    %c0_i32 = arith.constant 0 : i32
    %c0_i32_0 = arith.constant 0 : i32
    return %arg0, %c0_i32 : i32, i32
  }
  func.func @transform_2(%arg0: i32) -> (i32, i32) {
    %c0_i32 = arith.constant 0 : i32
    %c0_i32_0 = arith.constant 0 : i32
    %c0_i32_1 = arith.constant 0 : i32
    return %c0_i32, %c0_i32_0 : i32, i32
  }
  func.func @transform_3(%arg0: i32) -> (i32, i32, i32) {
    %c0_i32 = arith.constant 0 : i32
    %c0_i32_0 = arith.constant 0 : i32
    %c0_i32_1 = arith.constant 0 : i32
    %c0_i32_2 = arith.constant 0 : i32
    return %c0_i32, %c0_i32_0, %c0_i32_1 : i32, i32, i32
  }
  func.func @transform_4(%arg0: i32) -> (i32, i32) {
    %c0_i32 = arith.constant 0 : i32
    %c0_i32_0 = arith.constant 0 : i32
    %c0_i32_1 = arith.constant 0 : i32
    return %c0_i32, %c0_i32_0 : i32, i32
  }
  func.func @transform_5(%arg0: i32) -> (i32, i32, i32) {
    %c0_i32 = arith.constant 0 : i32
    %c0_i32_0 = arith.constant 0 : i32
    %c0_i32_1 = arith.constant 0 : i32
    %c0_i32_2 = arith.constant 0 : i32
    return %c0_i32, %c0_i32_0, %c0_i32_1 : i32, i32, i32
  }
  func.func @transform_6(%arg0: i32) -> (i32, i32) {
    %c0_i32 = arith.constant 0 : i32
    %c0_i32_0 = arith.constant 0 : i32
    %c0_i32_1 = arith.constant 0 : i32
    return %c0_i32, %c0_i32_0 : i32, i32
  }
  func.func @transform_7(%arg0: i32) -> (i32, i32, i32) {
    %c0_i32 = arith.constant 0 : i32
    %c0_i32_0 = arith.constant 0 : i32
    %c0_i32_1 = arith.constant 0 : i32
    %c0_i32_2 = arith.constant 0 : i32
    return %c0_i32, %c0_i32_0, %c0_i32_1 : i32, i32, i32
  }
  func.func @transform_8(%arg0: i32) -> (i32, i32) {
    %c0_i32 = arith.constant 0 : i32
    %c0_i32_0 = arith.constant 0 : i32
    %c0_i32_1 = arith.constant 0 : i32
    return %c0_i32, %c0_i32_0 : i32, i32
  }
  func.func @transform_9(%arg0: i32) -> (i32, i32, i32) {
    %c0_i32 = arith.constant 0 : i32
    %c0_i32_0 = arith.constant 0 : i32
    %c0_i32_1 = arith.constant 0 : i32
    %c0_i32_2 = arith.constant 0 : i32
    return %c0_i32, %c0_i32_0, %c0_i32_1 : i32, i32, i32
  }
  func.func @transform_10(%arg0: i32) -> (i32, i32) {
    %c0_i32 = arith.constant 0 : i32
    %c0_i32_0 = arith.constant 0 : i32
    %c0_i32_1 = arith.constant 0 : i32
    return %c0_i32, %c0_i32_0 : i32, i32
  }
  func.func @transform_11(%arg0: i32) -> (i32, i32) {
    %c0_i32 = arith.constant 0 : i32
    %c0_i32_0 = arith.constant 0 : i32
    return %arg0, %c0_i32 : i32, i32
  }
}

module attributes {stable_mosaic.version = 14 : i64} {
  func.func @_tc_post0_kernel(%arg0: i32, %arg1: memref<256x1280xf32, #tpu.memory_space<vmem>>, %arg2: memref<256x1280xf32, #tpu.memory_space<vmem>>, %arg3: memref<256x1280xf32, #tpu.memory_space<vmem>>, %arg4: memref<256x1280xf32, #tpu.memory_space<vmem>>, %arg5: memref<256x1280xf32, #tpu.memory_space<vmem>>, %arg6: memref<256x16xf32, #tpu.memory_space<vmem>>, %arg7: memref<2x1280x1280xbf16, #tpu.memory_space<vmem>>, %arg8: memref<2x1280x1280xbf16, #tpu.memory_space<vmem>>, %arg9: memref<2x1280x1280xbf16, #tpu.memory_space<vmem>>, %arg10: memref<2x1280x1280xbf16, #tpu.memory_space<vmem>>, %arg11: memref<2x1280x1280xbf16, #tpu.memory_space<vmem>>, %arg12: memref<1x1280xf32, #tpu.memory_space<vmem>>, %arg13: memref<256x1280xf32, #tpu.memory_space<vmem>>) attributes {dimension_semantics = [#tpu.dimension_semantics<arbitrary>], iteration_bounds = array<i64: 20>, scalar_prefetch = 0 : i64, scratch_operands = 0 : i64, tpu.core_type = #tpu.core_type<tc>, window_params = [{transform_indices = @transform_0, window_bounds = array<i64: 256, 1280>}, {transform_indices = @transform_1, window_bounds = array<i64: 256, 1280>}, {transform_indices = @transform_2, window_bounds = array<i64: 256, 1280>}, {transform_indices = @transform_3, window_bounds = array<i64: 256, 1280>}, {transform_indices = @transform_4, window_bounds = array<i64: 256, 1280>}, {transform_indices = @transform_5, window_bounds = array<i64: 256, 16>}, {pipeline_mode = #tpu.pipeline_mode<synchronous>, transform_indices = @transform_6, window_bounds = array<i64: 2, 1280, 1280>}, {pipeline_mode = #tpu.pipeline_mode<synchronous>, transform_indices = @transform_7, window_bounds = array<i64: 2, 1280, 1280>}, {pipeline_mode = #tpu.pipeline_mode<synchronous>, transform_indices = @transform_8, window_bounds = array<i64: 2, 1280, 1280>}, {pipeline_mode = #tpu.pipeline_mode<synchronous>, transform_indices = @transform_9, window_bounds = array<i64: 2, 1280, 1280>}, {pipeline_mode = #tpu.pipeline_mode<synchronous>, transform_indices = @transform_10, window_bounds = array<i64: 2, 1280, 1280>}, {pipeline_mode = #tpu.pipeline_mode<synchronous>, transform_indices = @transform_11, window_bounds = array<i64: 1, 1280>}, {transform_indices = @transform_12, window_bounds = array<i64: 256, 1280>}]} {
    %get3A = arith.constant 0 : index
    %get3A_0 = arith.constant 0 : index
    %get3A_1 = vector.load %arg6[%get3A, %get3A_0] : memref<256x16xf32, #tpu.memory_space<vmem>>, vector<256x16xf32>
    %slice3A = vector.extract_strided_slice %get3A_1 {offsets = [0, 0], sizes = [256, 1], strides = [1, 1]} : vector<256x16xf32> to vector<256x1xf32>
    %max3A = arith.constant 1.000000e+00 : f32
    %max3A_2 = vector.broadcast %max3A : f32 to vector<256x1xf32>
    %max3A_3 = arith.maximumf %slice3A, %max3A_2 : vector<256x1xf32>
    %div3A = arith.constant 1.000000e+00 : f32
    %div3A_4 = vector.broadcast %div3A : f32 to vector<256x1xf32>
    %div3A_5 = arith.divf %div3A_4, %max3A_3 : vector<256x1xf32>
    %gt3A = arith.constant 0.000000e+00 : f32
    %gt3A_6 = vector.broadcast %gt3A : f32 to vector<256x1xf32>
    %gt3A_7 = arith.cmpf ogt, %slice3A, %gt3A_6 : vector<256x1xf32>
    %convert_element_type3A = arith.extui %gt3A_7 : vector<256x1xi1> to vector<256x1xi32>
    %convert_element_type3A_8 = arith.sitofp %convert_element_type3A : vector<256x1xi32> to vector<256x1xf32>
    %get3A_9 = arith.constant 0 : index
    %get3A_10 = arith.constant 0 : index
    %get3A_11 = vector.load %arg2[%get3A_9, %get3A_10] : memref<256x1280xf32, #tpu.memory_space<vmem>>, vector<256x1280xf32>
    %mul3A = vector.broadcast %div3A_5 : vector<256x1xf32> to vector<256x1280xf32>
    %mul3A_12 = arith.mulf %get3A_11, %mul3A : vector<256x1280xf32>
    %get3A_13 = arith.constant 0 : index
    %get3A_14 = arith.constant 0 : index
    %get3A_15 = vector.load %arg3[%get3A_13, %get3A_14] : memref<256x1280xf32, #tpu.memory_space<vmem>>, vector<256x1280xf32>
    %mul3A_16 = vector.broadcast %div3A_5 : vector<256x1xf32> to vector<256x1280xf32>
    %mul3A_17 = arith.mulf %get3A_15, %mul3A_16 : vector<256x1280xf32>
    %mul3A_18 = arith.mulf %mul3A_12, %mul3A_12 : vector<256x1280xf32>
    %sub3A = arith.subf %mul3A_17, %mul3A_18 : vector<256x1280xf32>
    %max3A_19 = arith.constant 0.000000e+00 : f32
    %max3A_20 = vector.broadcast %max3A_19 : f32 to vector<256x1280xf32>
    %max3A_21 = arith.maximumf %sub3A, %max3A_20 : vector<256x1280xf32>
    %add3A = arith.constant 9.99999974E-6 : f32
    %add3A_22 = vector.broadcast %add3A : f32 to vector<256x1280xf32>
    %add3A_23 = arith.addf %max3A_21, %add3A_22 : vector<256x1280xf32>
    %sqrt3A = math.sqrt %add3A_23 : vector<256x1280xf32>
    %get3A_24 = arith.constant 0 : index
    %get3A_25 = arith.constant 0 : index
    %get3A_26 = vector.load %arg4[%get3A_24, %get3A_25] : memref<256x1280xf32, #tpu.memory_space<vmem>>, vector<256x1280xf32>
    %mul3A_27 = vector.broadcast %convert_element_type3A_8 : vector<256x1xf32> to vector<256x1280xf32>
    %mul3A_28 = arith.mulf %get3A_26, %mul3A_27 : vector<256x1280xf32>
    %get3A_29 = arith.constant 0 : index
    %get3A_30 = arith.constant 0 : index
    %get3A_31 = vector.load %arg5[%get3A_29, %get3A_30] : memref<256x1280xf32, #tpu.memory_space<vmem>>, vector<256x1280xf32>
    %mul3A_32 = vector.broadcast %convert_element_type3A_8 : vector<256x1xf32> to vector<256x1280xf32>
    %mul3A_33 = arith.mulf %get3A_31, %mul3A_32 : vector<256x1280xf32>
    %get3A_34 = arith.constant 0 : index
    %get3A_35 = arith.constant 0 : index
    %get3A_36 = vector.load %arg1[%get3A_34, %get3A_35] : memref<256x1280xf32, #tpu.memory_space<vmem>>, vector<256x1280xf32>
    %get3A_37 = arith.constant 0 : index
    %get3A_38 = arith.constant 0 : index
    %get3A_39 = vector.load %arg12[%get3A_37, %get3A_38] : memref<1x1280xf32, #tpu.memory_space<vmem>>, vector<1x1280xf32>
    %add3A_40 = vector.broadcast %get3A_39 : vector<1x1280xf32> to vector<256x1280xf32>
    %add3A_41 = arith.addf %get3A_36, %add3A_40 : vector<256x1280xf32>
    %convert_element_type3A_42 = arith.truncf %get3A_11 : vector<256x1280xf32> to vector<256x1280xbf16>
    %convert_element_type3A_43 = arith.extf %convert_element_type3A_42 : vector<256x1280xbf16> to vector<256x1280xf32>
    %sub3A_44 = arith.subf %get3A_11, %convert_element_type3A_43 : vector<256x1280xf32>
    %convert_element_type3A_45 = arith.truncf %sub3A_44 : vector<256x1280xf32> to vector<256x1280xbf16>
    %get3A_46 = arith.constant 0 : index
    %get3A_47 = arith.constant 0 : index
    %get3A_48 = arith.constant 0 : index
    %get3A_49 = vector.load %arg7[%get3A_46, %get3A_47, %get3A_48] : memref<2x1280x1280xbf16, #tpu.memory_space<vmem>>, vector<1x1280x1280xbf16>
    %get3A_50 = vector.shape_cast %get3A_49 : vector<1x1280x1280xbf16> to vector<1280x1280xbf16>
    %get3A_51 = arith.constant 1 : index
    %get3A_52 = arith.constant 0 : index
    %get3A_53 = arith.constant 0 : index
    %get3A_54 = vector.load %arg7[%get3A_51, %get3A_52, %get3A_53] : memref<2x1280x1280xbf16, #tpu.memory_space<vmem>>, vector<1x1280x1280xbf16>
    %get3A_55 = vector.shape_cast %get3A_54 : vector<1x1280x1280xbf16> to vector<1280x1280xbf16>
    %dot_general3A = arith.constant dense<0.000000e+00> : vector<256x1280xf32>
    %dot_general3A_56 = tpu.matmul %convert_element_type3A_45, %get3A_50, %dot_general3A {dimension_numbers = #tpu.dot_dimension_numbers<[1], [0], [0], [1], [0, 0, 1, 1], [], []>, transpose_lhs_hint = false} : vector<256x1280xbf16>, vector<1280x1280xbf16>, vector<256x1280xf32> -> vector<256x1280xf32>
    %dot_general3A_57 = arith.constant dense<0.000000e+00> : vector<256x1280xf32>
    %dot_general3A_58 = tpu.matmul %convert_element_type3A_42, %get3A_55, %dot_general3A_57 {dimension_numbers = #tpu.dot_dimension_numbers<[1], [0], [0], [1], [0, 0, 1, 1], [], []>, transpose_lhs_hint = false} : vector<256x1280xbf16>, vector<1280x1280xbf16>, vector<256x1280xf32> -> vector<256x1280xf32>
    %add3A_59 = arith.addf %dot_general3A_56, %dot_general3A_58 : vector<256x1280xf32>
    %dot_general3A_60 = arith.constant dense<0.000000e+00> : vector<256x1280xf32>
    %dot_general3A_61 = tpu.matmul %convert_element_type3A_42, %get3A_50, %dot_general3A_60 {dimension_numbers = #tpu.dot_dimension_numbers<[1], [0], [0], [1], [0, 0, 1, 1], [], []>, transpose_lhs_hint = false} : vector<256x1280xbf16>, vector<1280x1280xbf16>, vector<256x1280xf32> -> vector<256x1280xf32>
    %add3A_62 = arith.addf %add3A_59, %dot_general3A_61 : vector<256x1280xf32>
    %add3A_63 = arith.addf %add3A_41, %add3A_62 : vector<256x1280xf32>
    %convert_element_type3A_64 = arith.truncf %mul3A_12 : vector<256x1280xf32> to vector<256x1280xbf16>
    %convert_element_type3A_65 = arith.extf %convert_element_type3A_64 : vector<256x1280xbf16> to vector<256x1280xf32>
    %sub3A_66 = arith.subf %mul3A_12, %convert_element_type3A_65 : vector<256x1280xf32>
    %convert_element_type3A_67 = arith.truncf %sub3A_66 : vector<256x1280xf32> to vector<256x1280xbf16>
    %get3A_68 = arith.constant 0 : index
    %get3A_69 = arith.constant 0 : index
    %get3A_70 = arith.constant 0 : index
    %get3A_71 = vector.load %arg8[%get3A_68, %get3A_69, %get3A_70] : memref<2x1280x1280xbf16, #tpu.memory_space<vmem>>, vector<1x1280x1280xbf16>
    %get3A_72 = vector.shape_cast %get3A_71 : vector<1x1280x1280xbf16> to vector<1280x1280xbf16>
    %get3A_73 = arith.constant 1 : index
    %get3A_74 = arith.constant 0 : index
    %get3A_75 = arith.constant 0 : index
    %get3A_76 = vector.load %arg8[%get3A_73, %get3A_74, %get3A_75] : memref<2x1280x1280xbf16, #tpu.memory_space<vmem>>, vector<1x1280x1280xbf16>
    %get3A_77 = vector.shape_cast %get3A_76 : vector<1x1280x1280xbf16> to vector<1280x1280xbf16>
    %dot_general3A_78 = arith.constant dense<0.000000e+00> : vector<256x1280xf32>
    %dot_general3A_79 = tpu.matmul %convert_element_type3A_67, %get3A_72, %dot_general3A_78 {dimension_numbers = #tpu.dot_dimension_numbers<[1], [0], [0], [1], [0, 0, 1, 1], [], []>, transpose_lhs_hint = false} : vector<256x1280xbf16>, vector<1280x1280xbf16>, vector<256x1280xf32> -> vector<256x1280xf32>
    %dot_general3A_80 = arith.constant dense<0.000000e+00> : vector<256x1280xf32>
    %dot_general3A_81 = tpu.matmul %convert_element_type3A_64, %get3A_77, %dot_general3A_80 {dimension_numbers = #tpu.dot_dimension_numbers<[1], [0], [0], [1], [0, 0, 1, 1], [], []>, transpose_lhs_hint = false} : vector<256x1280xbf16>, vector<1280x1280xbf16>, vector<256x1280xf32> -> vector<256x1280xf32>
    %add3A_82 = arith.addf %dot_general3A_79, %dot_general3A_81 : vector<256x1280xf32>
    %dot_general3A_83 = arith.constant dense<0.000000e+00> : vector<256x1280xf32>
    %dot_general3A_84 = tpu.matmul %convert_element_type3A_64, %get3A_72, %dot_general3A_83 {dimension_numbers = #tpu.dot_dimension_numbers<[1], [0], [0], [1], [0, 0, 1, 1], [], []>, transpose_lhs_hint = false} : vector<256x1280xbf16>, vector<1280x1280xbf16>, vector<256x1280xf32> -> vector<256x1280xf32>
    %add3A_85 = arith.addf %add3A_82, %dot_general3A_84 : vector<256x1280xf32>
    %add3A_86 = arith.addf %add3A_63, %add3A_85 : vector<256x1280xf32>
    %convert_element_type3A_87 = arith.truncf %mul3A_28 : vector<256x1280xf32> to vector<256x1280xbf16>
    %convert_element_type3A_88 = arith.extf %convert_element_type3A_87 : vector<256x1280xbf16> to vector<256x1280xf32>
    %sub3A_89 = arith.subf %mul3A_28, %convert_element_type3A_88 : vector<256x1280xf32>
    %convert_element_type3A_90 = arith.truncf %sub3A_89 : vector<256x1280xf32> to vector<256x1280xbf16>
    %get3A_91 = arith.constant 0 : index
    %get3A_92 = arith.constant 0 : index
    %get3A_93 = arith.constant 0 : index
    %get3A_94 = vector.load %arg9[%get3A_91, %get3A_92, %get3A_93] : memref<2x1280x1280xbf16, #tpu.memory_space<vmem>>, vector<1x1280x1280xbf16>
    %get3A_95 = vector.shape_cast %get3A_94 : vector<1x1280x1280xbf16> to vector<1280x1280xbf16>
    %get3A_96 = arith.constant 1 : index
    %get3A_97 = arith.constant 0 : index
    %get3A_98 = arith.constant 0 : index
    %get3A_99 = vector.load %arg9[%get3A_96, %get3A_97, %get3A_98] : memref<2x1280x1280xbf16, #tpu.memory_space<vmem>>, vector<1x1280x1280xbf16>
    %get3A_100 = vector.shape_cast %get3A_99 : vector<1x1280x1280xbf16> to vector<1280x1280xbf16>
    %dot_general3A_101 = arith.constant dense<0.000000e+00> : vector<256x1280xf32>
    %dot_general3A_102 = tpu.matmul %convert_element_type3A_90, %get3A_95, %dot_general3A_101 {dimension_numbers = #tpu.dot_dimension_numbers<[1], [0], [0], [1], [0, 0, 1, 1], [], []>, transpose_lhs_hint = false} : vector<256x1280xbf16>, vector<1280x1280xbf16>, vector<256x1280xf32> -> vector<256x1280xf32>
    %dot_general3A_103 = arith.constant dense<0.000000e+00> : vector<256x1280xf32>
    %dot_general3A_104 = tpu.matmul %convert_element_type3A_87, %get3A_100, %dot_general3A_103 {dimension_numbers = #tpu.dot_dimension_numbers<[1], [0], [0], [1], [0, 0, 1, 1], [], []>, transpose_lhs_hint = false} : vector<256x1280xbf16>, vector<1280x1280xbf16>, vector<256x1280xf32> -> vector<256x1280xf32>
    %add3A_105 = arith.addf %dot_general3A_102, %dot_general3A_104 : vector<256x1280xf32>
    %dot_general3A_106 = arith.constant dense<0.000000e+00> : vector<256x1280xf32>
    %dot_general3A_107 = tpu.matmul %convert_element_type3A_87, %get3A_95, %dot_general3A_106 {dimension_numbers = #tpu.dot_dimension_numbers<[1], [0], [0], [1], [0, 0, 1, 1], [], []>, transpose_lhs_hint = false} : vector<256x1280xbf16>, vector<1280x1280xbf16>, vector<256x1280xf32> -> vector<256x1280xf32>
    %add3A_108 = arith.addf %add3A_105, %dot_general3A_107 : vector<256x1280xf32>
    %add3A_109 = arith.addf %add3A_86, %add3A_108 : vector<256x1280xf32>
    %convert_element_type3A_110 = arith.truncf %mul3A_33 : vector<256x1280xf32> to vector<256x1280xbf16>
    %convert_element_type3A_111 = arith.extf %convert_element_type3A_110 : vector<256x1280xbf16> to vector<256x1280xf32>
    %sub3A_112 = arith.subf %mul3A_33, %convert_element_type3A_111 : vector<256x1280xf32>
    %convert_element_type3A_113 = arith.truncf %sub3A_112 : vector<256x1280xf32> to vector<256x1280xbf16>
    %get3A_114 = arith.constant 0 : index
    %get3A_115 = arith.constant 0 : index
    %get3A_116 = arith.constant 0 : index
    %get3A_117 = vector.load %arg10[%get3A_114, %get3A_115, %get3A_116] : memref<2x1280x1280xbf16, #tpu.memory_space<vmem>>, vector<1x1280x1280xbf16>
    %get3A_118 = vector.shape_cast %get3A_117 : vector<1x1280x1280xbf16> to vector<1280x1280xbf16>
    %get3A_119 = arith.constant 1 : index
    %get3A_120 = arith.constant 0 : index
    %get3A_121 = arith.constant 0 : index
    %get3A_122 = vector.load %arg10[%get3A_119, %get3A_120, %get3A_121] : memref<2x1280x1280xbf16, #tpu.memory_space<vmem>>, vector<1x1280x1280xbf16>
    %get3A_123 = vector.shape_cast %get3A_122 : vector<1x1280x1280xbf16> to vector<1280x1280xbf16>
    %dot_general3A_124 = arith.constant dense<0.000000e+00> : vector<256x1280xf32>
    %dot_general3A_125 = tpu.matmul %convert_element_type3A_113, %get3A_118, %dot_general3A_124 {dimension_numbers = #tpu.dot_dimension_numbers<[1], [0], [0], [1], [0, 0, 1, 1], [], []>, transpose_lhs_hint = false} : vector<256x1280xbf16>, vector<1280x1280xbf16>, vector<256x1280xf32> -> vector<256x1280xf32>
    %dot_general3A_126 = arith.constant dense<0.000000e+00> : vector<256x1280xf32>
    %dot_general3A_127 = tpu.matmul %convert_element_type3A_110, %get3A_123, %dot_general3A_126 {dimension_numbers = #tpu.dot_dimension_numbers<[1], [0], [0], [1], [0, 0, 1, 1], [], []>, transpose_lhs_hint = false} : vector<256x1280xbf16>, vector<1280x1280xbf16>, vector<256x1280xf32> -> vector<256x1280xf32>
    %add3A_128 = arith.addf %dot_general3A_125, %dot_general3A_127 : vector<256x1280xf32>
    %dot_general3A_129 = arith.constant dense<0.000000e+00> : vector<256x1280xf32>
    %dot_general3A_130 = tpu.matmul %convert_element_type3A_110, %get3A_118, %dot_general3A_129 {dimension_numbers = #tpu.dot_dimension_numbers<[1], [0], [0], [1], [0, 0, 1, 1], [], []>, transpose_lhs_hint = false} : vector<256x1280xbf16>, vector<1280x1280xbf16>, vector<256x1280xf32> -> vector<256x1280xf32>
    %add3A_131 = arith.addf %add3A_128, %dot_general3A_130 : vector<256x1280xf32>
    %add3A_132 = arith.addf %add3A_109, %add3A_131 : vector<256x1280xf32>
    %convert_element_type3A_133 = arith.truncf %sqrt3A : vector<256x1280xf32> to vector<256x1280xbf16>
    %convert_element_type3A_134 = arith.extf %convert_element_type3A_133 : vector<256x1280xbf16> to vector<256x1280xf32>
    %sub3A_135 = arith.subf %sqrt3A, %convert_element_type3A_134 : vector<256x1280xf32>
    %convert_element_type3A_136 = arith.truncf %sub3A_135 : vector<256x1280xf32> to vector<256x1280xbf16>
    %get3A_137 = arith.constant 0 : index
    %get3A_138 = arith.constant 0 : index
    %get3A_139 = arith.constant 0 : index
    %get3A_140 = vector.load %arg11[%get3A_137, %get3A_138, %get3A_139] : memref<2x1280x1280xbf16, #tpu.memory_space<vmem>>, vector<1x1280x1280xbf16>
    %get3A_141 = vector.shape_cast %get3A_140 : vector<1x1280x1280xbf16> to vector<1280x1280xbf16>
    %get3A_142 = arith.constant 1 : index
    %get3A_143 = arith.constant 0 : index
    %get3A_144 = arith.constant 0 : index
    %get3A_145 = vector.load %arg11[%get3A_142, %get3A_143, %get3A_144] : memref<2x1280x1280xbf16, #tpu.memory_space<vmem>>, vector<1x1280x1280xbf16>
    %get3A_146 = vector.shape_cast %get3A_145 : vector<1x1280x1280xbf16> to vector<1280x1280xbf16>
    %dot_general3A_147 = arith.constant dense<0.000000e+00> : vector<256x1280xf32>
    %dot_general3A_148 = tpu.matmul %convert_element_type3A_136, %get3A_141, %dot_general3A_147 {dimension_numbers = #tpu.dot_dimension_numbers<[1], [0], [0], [1], [0, 0, 1, 1], [], []>, transpose_lhs_hint = false} : vector<256x1280xbf16>, vector<1280x1280xbf16>, vector<256x1280xf32> -> vector<256x1280xf32>
    %dot_general3A_149 = arith.constant dense<0.000000e+00> : vector<256x1280xf32>
    %dot_general3A_150 = tpu.matmul %convert_element_type3A_133, %get3A_146, %dot_general3A_149 {dimension_numbers = #tpu.dot_dimension_numbers<[1], [0], [0], [1], [0, 0, 1, 1], [], []>, transpose_lhs_hint = false} : vector<256x1280xbf16>, vector<1280x1280xbf16>, vector<256x1280xf32> -> vector<256x1280xf32>
    %add3A_151 = arith.addf %dot_general3A_148, %dot_general3A_150 : vector<256x1280xf32>
    %dot_general3A_152 = arith.constant dense<0.000000e+00> : vector<256x1280xf32>
    %dot_general3A_153 = tpu.matmul %convert_element_type3A_133, %get3A_141, %dot_general3A_152 {dimension_numbers = #tpu.dot_dimension_numbers<[1], [0], [0], [1], [0, 0, 1, 1], [], []>, transpose_lhs_hint = false} : vector<256x1280xbf16>, vector<1280x1280xbf16>, vector<256x1280xf32> -> vector<256x1280xf32>
    %add3A_154 = arith.addf %add3A_151, %dot_general3A_153 : vector<256x1280xf32>
    %add3A_155 = arith.addf %add3A_132, %add3A_154 : vector<256x1280xf32>
    %swap3A = arith.constant 0 : index
    %swap3A_156 = arith.constant 0 : index
    %swap3A_157 = vector.load %arg13[%swap3A, %swap3A_156] : memref<256x1280xf32, #tpu.memory_space<vmem>>, vector<256x1280xf32>
    tpu.vector_store %arg13[%swap3A, %swap3A_156], %add3A_155 {strides = array<i32>} : memref<256x1280xf32, #tpu.memory_space<vmem>>, vector<256x1280xf32>,
    return
  }
  func.func @transform_0(%arg0: i32) -> (i32, i32) {
    %c0_i32 = arith.constant 0 : i32
    %c0_i32_0 = arith.constant 0 : i32
    return %arg0, %c0_i32 : i32, i32
  }
  func.func @transform_1(%arg0: i32) -> (i32, i32) {
    %c0_i32 = arith.constant 0 : i32
    %c0_i32_0 = arith.constant 0 : i32
    return %arg0, %c0_i32 : i32, i32
  }
  func.func @transform_2(%arg0: i32) -> (i32, i32) {
    %c0_i32 = arith.constant 0 : i32
    %c0_i32_0 = arith.constant 0 : i32
    return %arg0, %c0_i32 : i32, i32
  }
  func.func @transform_3(%arg0: i32) -> (i32, i32) {
    %c0_i32 = arith.constant 0 : i32
    %c0_i32_0 = arith.constant 0 : i32
    return %arg0, %c0_i32 : i32, i32
  }
  func.func @transform_4(%arg0: i32) -> (i32, i32) {
    %c0_i32 = arith.constant 0 : i32
    %c0_i32_0 = arith.constant 0 : i32
    return %arg0, %c0_i32 : i32, i32
  }
  func.func @transform_5(%arg0: i32) -> (i32, i32) {
    %c0_i32 = arith.constant 0 : i32
    %c0_i32_0 = arith.constant 0 : i32
    return %arg0, %c0_i32 : i32, i32
  }
  func.func @transform_6(%arg0: i32) -> (i32, i32, i32) {
    %c0_i32 = arith.constant 0 : i32
    %c0_i32_0 = arith.constant 0 : i32
    %c0_i32_1 = arith.constant 0 : i32
    %c0_i32_2 = arith.constant 0 : i32
    return %c0_i32, %c0_i32_0, %c0_i32_1 : i32, i32, i32
  }
  func.func @transform_7(%arg0: i32) -> (i32, i32, i32) {
    %c0_i32 = arith.constant 0 : i32
    %c0_i32_0 = arith.constant 0 : i32
    %c0_i32_1 = arith.constant 0 : i32
    %c0_i32_2 = arith.constant 0 : i32
    return %c0_i32, %c0_i32_0, %c0_i32_1 : i32, i32, i32
  }
  func.func @transform_8(%arg0: i32) -> (i32, i32, i32) {
    %c0_i32 = arith.constant 0 : i32
    %c0_i32_0 = arith.constant 0 : i32
    %c0_i32_1 = arith.constant 0 : i32
    %c0_i32_2 = arith.constant 0 : i32
    return %c0_i32, %c0_i32_0, %c0_i32_1 : i32, i32, i32
  }
  func.func @transform_9(%arg0: i32) -> (i32, i32, i32) {
    %c0_i32 = arith.constant 0 : i32
    %c0_i32_0 = arith.constant 0 : i32
    %c0_i32_1 = arith.constant 0 : i32
    %c0_i32_2 = arith.constant 0 : i32
    return %c0_i32, %c0_i32_0, %c0_i32_1 : i32, i32, i32
  }
  func.func @transform_10(%arg0: i32) -> (i32, i32, i32) {
    %c0_i32 = arith.constant 0 : i32
    %c0_i32_0 = arith.constant 0 : i32
    %c0_i32_1 = arith.constant 0 : i32
    %c0_i32_2 = arith.constant 0 : i32
    return %c0_i32, %c0_i32_0, %c0_i32_1 : i32, i32, i32
  }
  func.func @transform_11(%arg0: i32) -> (i32, i32) {
    %c0_i32 = arith.constant 0 : i32
    %c0_i32_0 = arith.constant 0 : i32
    %c0_i32_1 = arith.constant 0 : i32
    return %c0_i32, %c0_i32_0 : i32, i32
  }
  func.func @transform_12(%arg0: i32) -> (i32, i32) {
    %c0_i32 = arith.constant 0 : i32
    %c0_i32_0 = arith.constant 0 : i32
    return %arg0, %c0_i32 : i32, i32
  }
}

module attributes {stable_mosaic.version = 14 : i64} {
  func.func @_tc_post_chain_kernel(%arg0: i32, %arg1: memref<256x1280xf32, #tpu.memory_space<vmem>>, %arg2: memref<2x1280x1280xbf16, #tpu.memory_space<vmem>>, %arg3: memref<1x1280xf32, #tpu.memory_space<vmem>>, %arg4: memref<2x1280x1280xbf16, #tpu.memory_space<vmem>>, %arg5: memref<1x1280xf32, #tpu.memory_space<vmem>>, %arg6: memref<2x1280x1280xbf16, #tpu.memory_space<vmem>>, %arg7: memref<1x1280xf32, #tpu.memory_space<vmem>>, %arg8: memref<2x1280x1280xbf16, #tpu.memory_space<vmem>>, %arg9: memref<1x1280xf32, #tpu.memory_space<vmem>>, %arg10: memref<2x1280x1280xbf16, #tpu.memory_space<vmem>>, %arg11: memref<1x1280xf32, #tpu.memory_space<vmem>>, %arg12: memref<256x1280xf32, #tpu.memory_space<vmem>>, %arg13: memref<8x1280xf32, #tpu.memory_space<vmem>>) attributes {dimension_semantics = [#tpu.dimension_semantics<arbitrary>], iteration_bounds = array<i64: 20>, scalar_prefetch = 0 : i64, scratch_operands = 0 : i64, tpu.core_type = #tpu.core_type<tc>, window_params = [{transform_indices = @transform_0, window_bounds = array<i64: 256, 1280>}, {pipeline_mode = #tpu.pipeline_mode<synchronous>, transform_indices = @transform_1, window_bounds = array<i64: 2, 1280, 1280>}, {pipeline_mode = #tpu.pipeline_mode<synchronous>, transform_indices = @transform_2, window_bounds = array<i64: 1, 1280>}, {pipeline_mode = #tpu.pipeline_mode<synchronous>, transform_indices = @transform_3, window_bounds = array<i64: 2, 1280, 1280>}, {pipeline_mode = #tpu.pipeline_mode<synchronous>, transform_indices = @transform_4, window_bounds = array<i64: 1, 1280>}, {pipeline_mode = #tpu.pipeline_mode<synchronous>, transform_indices = @transform_5, window_bounds = array<i64: 2, 1280, 1280>}, {pipeline_mode = #tpu.pipeline_mode<synchronous>, transform_indices = @transform_6, window_bounds = array<i64: 1, 1280>}, {pipeline_mode = #tpu.pipeline_mode<synchronous>, transform_indices = @transform_7, window_bounds = array<i64: 2, 1280, 1280>}, {pipeline_mode = #tpu.pipeline_mode<synchronous>, transform_indices = @transform_8, window_bounds = array<i64: 1, 1280>}, {pipeline_mode = #tpu.pipeline_mode<synchronous>, transform_indices = @transform_9, window_bounds = array<i64: 2, 1280, 1280>}, {pipeline_mode = #tpu.pipeline_mode<synchronous>, transform_indices = @transform_10, window_bounds = array<i64: 1, 1280>}, {transform_indices = @transform_11, window_bounds = array<i64: 256, 1280>}, {pipeline_mode = #tpu.pipeline_mode<synchronous>, transform_indices = @transform_12, window_bounds = array<i64: 8, 1280>}]} {
    %get3A = arith.constant 0 : index
    %get3A_0 = arith.constant 0 : index
    %get3A_1 = vector.load %arg1[%get3A, %get3A_0] : memref<256x1280xf32, #tpu.memory_space<vmem>>, vector<128x1280xf32>
    %get3A_2 = arith.constant 128 : index
    %get3A_3 = arith.constant 0 : index
    %get3A_4 = vector.load %arg1[%get3A_2, %get3A_3] : memref<256x1280xf32, #tpu.memory_space<vmem>>, vector<128x1280xf32>
    %max3A = arith.constant 0.000000e+00 : f32
    %max3A_5 = vector.broadcast %max3A : f32 to vector<128x1280xf32>
    %max3A_6 = arith.maximumf %get3A_1, %max3A_5 : vector<128x1280xf32>
    %convert_element_type3A = arith.truncf %max3A_6 : vector<128x1280xf32> to vector<128x1280xbf16>
    %convert_element_type3A_7 = arith.extf %convert_element_type3A : vector<128x1280xbf16> to vector<128x1280xf32>
    %sub3A = arith.subf %max3A_6, %convert_element_type3A_7 : vector<128x1280xf32>
    %convert_element_type3A_8 = arith.truncf %sub3A : vector<128x1280xf32> to vector<128x1280xbf16>
    %get3A_9 = arith.constant 0 : index
    %get3A_10 = arith.constant 0 : index
    %get3A_11 = arith.constant 0 : index
    %get3A_12 = vector.load %arg2[%get3A_9, %get3A_10, %get3A_11] : memref<2x1280x1280xbf16, #tpu.memory_space<vmem>>, vector<1x1280x1280xbf16>
    %get3A_13 = vector.shape_cast %get3A_12 : vector<1x1280x1280xbf16> to vector<1280x1280xbf16>
    %get3A_14 = arith.constant 1 : index
    %get3A_15 = arith.constant 0 : index
    %get3A_16 = arith.constant 0 : index
    %get3A_17 = vector.load %arg2[%get3A_14, %get3A_15, %get3A_16] : memref<2x1280x1280xbf16, #tpu.memory_space<vmem>>, vector<1x1280x1280xbf16>
    %get3A_18 = vector.shape_cast %get3A_17 : vector<1x1280x1280xbf16> to vector<1280x1280xbf16>
    %dot_general3A = arith.constant dense<0.000000e+00> : vector<128x1280xf32>
    %dot_general3A_19 = tpu.matmul %convert_element_type3A_8, %get3A_13, %dot_general3A {dimension_numbers = #tpu.dot_dimension_numbers<[1], [0], [0], [1], [0, 0, 1, 1], [], []>, transpose_lhs_hint = false} : vector<128x1280xbf16>, vector<1280x1280xbf16>, vector<128x1280xf32> -> vector<128x1280xf32>
    %dot_general3A_20 = arith.constant dense<0.000000e+00> : vector<128x1280xf32>
    %dot_general3A_21 = tpu.matmul %convert_element_type3A, %get3A_18, %dot_general3A_20 {dimension_numbers = #tpu.dot_dimension_numbers<[1], [0], [0], [1], [0, 0, 1, 1], [], []>, transpose_lhs_hint = false} : vector<128x1280xbf16>, vector<1280x1280xbf16>, vector<128x1280xf32> -> vector<128x1280xf32>
    %add3A = arith.addf %dot_general3A_19, %dot_general3A_21 : vector<128x1280xf32>
    %dot_general3A_22 = arith.constant dense<0.000000e+00> : vector<128x1280xf32>
    %dot_general3A_23 = tpu.matmul %convert_element_type3A, %get3A_13, %dot_general3A_22 {dimension_numbers = #tpu.dot_dimension_numbers<[1], [0], [0], [1], [0, 0, 1, 1], [], []>, transpose_lhs_hint = false} : vector<128x1280xbf16>, vector<1280x1280xbf16>, vector<128x1280xf32> -> vector<128x1280xf32>
    %add3A_24 = arith.addf %add3A, %dot_general3A_23 : vector<128x1280xf32>
    %get3A_25 = arith.constant 0 : index
    %get3A_26 = arith.constant 0 : index
    %get3A_27 = vector.load %arg3[%get3A_25, %get3A_26] : memref<1x1280xf32, #tpu.memory_space<vmem>>, vector<1x1280xf32>
    %add3A_28 = vector.broadcast %get3A_27 : vector<1x1280xf32> to vector<128x1280xf32>
    %add3A_29 = arith.addf %add3A_24, %add3A_28 : vector<128x1280xf32>
    %max3A_30 = arith.constant 0.000000e+00 : f32
    %max3A_31 = vector.broadcast %max3A_30 : f32 to vector<128x1280xf32>
    %max3A_32 = arith.maximumf %get3A_4, %max3A_31 : vector<128x1280xf32>
    %convert_element_type3A_33 = arith.truncf %max3A_32 : vector<128x1280xf32> to vector<128x1280xbf16>
    %convert_element_type3A_34 = arith.extf %convert_element_type3A_33 : vector<128x1280xbf16> to vector<128x1280xf32>
    %sub3A_35 = arith.subf %max3A_32, %convert_element_type3A_34 : vector<128x1280xf32>
    %convert_element_type3A_36 = arith.truncf %sub3A_35 : vector<128x1280xf32> to vector<128x1280xbf16>
    %get3A_37 = arith.constant 0 : index
    %get3A_38 = arith.constant 0 : index
    %get3A_39 = arith.constant 0 : index
    %get3A_40 = vector.load %arg2[%get3A_37, %get3A_38, %get3A_39] : memref<2x1280x1280xbf16, #tpu.memory_space<vmem>>, vector<1x1280x1280xbf16>
    %get3A_41 = vector.shape_cast %get3A_40 : vector<1x1280x1280xbf16> to vector<1280x1280xbf16>
    %get3A_42 = arith.constant 1 : index
    %get3A_43 = arith.constant 0 : index
    %get3A_44 = arith.constant 0 : index
    %get3A_45 = vector.load %arg2[%get3A_42, %get3A_43, %get3A_44] : memref<2x1280x1280xbf16, #tpu.memory_space<vmem>>, vector<1x1280x1280xbf16>
    %get3A_46 = vector.shape_cast %get3A_45 : vector<1x1280x1280xbf16> to vector<1280x1280xbf16>
    %dot_general3A_47 = arith.constant dense<0.000000e+00> : vector<128x1280xf32>
    %dot_general3A_48 = tpu.matmul %convert_element_type3A_36, %get3A_41, %dot_general3A_47 {dimension_numbers = #tpu.dot_dimension_numbers<[1], [0], [0], [1], [0, 0, 1, 1], [], []>, transpose_lhs_hint = false} : vector<128x1280xbf16>, vector<1280x1280xbf16>, vector<128x1280xf32> -> vector<128x1280xf32>
    %dot_general3A_49 = arith.constant dense<0.000000e+00> : vector<128x1280xf32>
    %dot_general3A_50 = tpu.matmul %convert_element_type3A_33, %get3A_46, %dot_general3A_49 {dimension_numbers = #tpu.dot_dimension_numbers<[1], [0], [0], [1], [0, 0, 1, 1], [], []>, transpose_lhs_hint = false} : vector<128x1280xbf16>, vector<1280x1280xbf16>, vector<128x1280xf32> -> vector<128x1280xf32>
    %add3A_51 = arith.addf %dot_general3A_48, %dot_general3A_50 : vector<128x1280xf32>
    %dot_general3A_52 = arith.constant dense<0.000000e+00> : vector<128x1280xf32>
    %dot_general3A_53 = tpu.matmul %convert_element_type3A_33, %get3A_41, %dot_general3A_52 {dimension_numbers = #tpu.dot_dimension_numbers<[1], [0], [0], [1], [0, 0, 1, 1], [], []>, transpose_lhs_hint = false} : vector<128x1280xbf16>, vector<1280x1280xbf16>, vector<128x1280xf32> -> vector<128x1280xf32>
    %add3A_54 = arith.addf %add3A_51, %dot_general3A_53 : vector<128x1280xf32>
    %get3A_55 = arith.constant 0 : index
    %get3A_56 = arith.constant 0 : index
    %get3A_57 = vector.load %arg3[%get3A_55, %get3A_56] : memref<1x1280xf32, #tpu.memory_space<vmem>>, vector<1x1280xf32>
    %add3A_58 = vector.broadcast %get3A_57 : vector<1x1280xf32> to vector<128x1280xf32>
    %add3A_59 = arith.addf %add3A_54, %add3A_58 : vector<128x1280xf32>
    %max3A_60 = arith.constant 0.000000e+00 : f32
    %max3A_61 = vector.broadcast %max3A_60 : f32 to vector<128x1280xf32>
    %max3A_62 = arith.maximumf %add3A_29, %max3A_61 : vector<128x1280xf32>
    %convert_element_type3A_63 = arith.truncf %max3A_62 : vector<128x1280xf32> to vector<128x1280xbf16>
    %convert_element_type3A_64 = arith.extf %convert_element_type3A_63 : vector<128x1280xbf16> to vector<128x1280xf32>
    %sub3A_65 = arith.subf %max3A_62, %convert_element_type3A_64 : vector<128x1280xf32>
    %convert_element_type3A_66 = arith.truncf %sub3A_65 : vector<128x1280xf32> to vector<128x1280xbf16>
    %get3A_67 = arith.constant 0 : index
    %get3A_68 = arith.constant 0 : index
    %get3A_69 = arith.constant 0 : index
    %get3A_70 = vector.load %arg4[%get3A_67, %get3A_68, %get3A_69] : memref<2x1280x1280xbf16, #tpu.memory_space<vmem>>, vector<1x1280x1280xbf16>
    %get3A_71 = vector.shape_cast %get3A_70 : vector<1x1280x1280xbf16> to vector<1280x1280xbf16>
    %get3A_72 = arith.constant 1 : index
    %get3A_73 = arith.constant 0 : index
    %get3A_74 = arith.constant 0 : index
    %get3A_75 = vector.load %arg4[%get3A_72, %get3A_73, %get3A_74] : memref<2x1280x1280xbf16, #tpu.memory_space<vmem>>, vector<1x1280x1280xbf16>
    %get3A_76 = vector.shape_cast %get3A_75 : vector<1x1280x1280xbf16> to vector<1280x1280xbf16>
    %dot_general3A_77 = arith.constant dense<0.000000e+00> : vector<128x1280xf32>
    %dot_general3A_78 = tpu.matmul %convert_element_type3A_66, %get3A_71, %dot_general3A_77 {dimension_numbers = #tpu.dot_dimension_numbers<[1], [0], [0], [1], [0, 0, 1, 1], [], []>, transpose_lhs_hint = false} : vector<128x1280xbf16>, vector<1280x1280xbf16>, vector<128x1280xf32> -> vector<128x1280xf32>
    %dot_general3A_79 = arith.constant dense<0.000000e+00> : vector<128x1280xf32>
    %dot_general3A_80 = tpu.matmul %convert_element_type3A_63, %get3A_76, %dot_general3A_79 {dimension_numbers = #tpu.dot_dimension_numbers<[1], [0], [0], [1], [0, 0, 1, 1], [], []>, transpose_lhs_hint = false} : vector<128x1280xbf16>, vector<1280x1280xbf16>, vector<128x1280xf32> -> vector<128x1280xf32>
    %add3A_81 = arith.addf %dot_general3A_78, %dot_general3A_80 : vector<128x1280xf32>
    %dot_general3A_82 = arith.constant dense<0.000000e+00> : vector<128x1280xf32>
    %dot_general3A_83 = tpu.matmul %convert_element_type3A_63, %get3A_71, %dot_general3A_82 {dimension_numbers = #tpu.dot_dimension_numbers<[1], [0], [0], [1], [0, 0, 1, 1], [], []>, transpose_lhs_hint = false} : vector<128x1280xbf16>, vector<1280x1280xbf16>, vector<128x1280xf32> -> vector<128x1280xf32>
    %add3A_84 = arith.addf %add3A_81, %dot_general3A_83 : vector<128x1280xf32>
    %get3A_85 = arith.constant 0 : index
    %get3A_86 = arith.constant 0 : index
    %get3A_87 = vector.load %arg5[%get3A_85, %get3A_86] : memref<1x1280xf32, #tpu.memory_space<vmem>>, vector<1x1280xf32>
    %add3A_88 = vector.broadcast %get3A_87 : vector<1x1280xf32> to vector<128x1280xf32>
    %add3A_89 = arith.addf %add3A_84, %add3A_88 : vector<128x1280xf32>
    %max3A_90 = arith.constant 0.000000e+00 : f32
    %max3A_91 = vector.broadcast %max3A_90 : f32 to vector<128x1280xf32>
    %max3A_92 = arith.maximumf %add3A_59, %max3A_91 : vector<128x1280xf32>
    %convert_element_type3A_93 = arith.truncf %max3A_92 : vector<128x1280xf32> to vector<128x1280xbf16>
    %convert_element_type3A_94 = arith.extf %convert_element_type3A_93 : vector<128x1280xbf16> to vector<128x1280xf32>
    %sub3A_95 = arith.subf %max3A_92, %convert_element_type3A_94 : vector<128x1280xf32>
    %convert_element_type3A_96 = arith.truncf %sub3A_95 : vector<128x1280xf32> to vector<128x1280xbf16>
    %get3A_97 = arith.constant 0 : index
    %get3A_98 = arith.constant 0 : index
    %get3A_99 = arith.constant 0 : index
    %get3A_100 = vector.load %arg4[%get3A_97, %get3A_98, %get3A_99] : memref<2x1280x1280xbf16, #tpu.memory_space<vmem>>, vector<1x1280x1280xbf16>
    %get3A_101 = vector.shape_cast %get3A_100 : vector<1x1280x1280xbf16> to vector<1280x1280xbf16>
    %get3A_102 = arith.constant 1 : index
    %get3A_103 = arith.constant 0 : index
    %get3A_104 = arith.constant 0 : index
    %get3A_105 = vector.load %arg4[%get3A_102, %get3A_103, %get3A_104] : memref<2x1280x1280xbf16, #tpu.memory_space<vmem>>, vector<1x1280x1280xbf16>
    %get3A_106 = vector.shape_cast %get3A_105 : vector<1x1280x1280xbf16> to vector<1280x1280xbf16>
    %dot_general3A_107 = arith.constant dense<0.000000e+00> : vector<128x1280xf32>
    %dot_general3A_108 = tpu.matmul %convert_element_type3A_96, %get3A_101, %dot_general3A_107 {dimension_numbers = #tpu.dot_dimension_numbers<[1], [0], [0], [1], [0, 0, 1, 1], [], []>, transpose_lhs_hint = false} : vector<128x1280xbf16>, vector<1280x1280xbf16>, vector<128x1280xf32> -> vector<128x1280xf32>
    %dot_general3A_109 = arith.constant dense<0.000000e+00> : vector<128x1280xf32>
    %dot_general3A_110 = tpu.matmul %convert_element_type3A_93, %get3A_106, %dot_general3A_109 {dimension_numbers = #tpu.dot_dimension_numbers<[1], [0], [0], [1], [0, 0, 1, 1], [], []>, transpose_lhs_hint = false} : vector<128x1280xbf16>, vector<1280x1280xbf16>, vector<128x1280xf32> -> vector<128x1280xf32>
    %add3A_111 = arith.addf %dot_general3A_108, %dot_general3A_110 : vector<128x1280xf32>
    %dot_general3A_112 = arith.constant dense<0.000000e+00> : vector<128x1280xf32>
    %dot_general3A_113 = tpu.matmul %convert_element_type3A_93, %get3A_101, %dot_general3A_112 {dimension_numbers = #tpu.dot_dimension_numbers<[1], [0], [0], [1], [0, 0, 1, 1], [], []>, transpose_lhs_hint = false} : vector<128x1280xbf16>, vector<1280x1280xbf16>, vector<128x1280xf32> -> vector<128x1280xf32>
    %add3A_114 = arith.addf %add3A_111, %dot_general3A_113 : vector<128x1280xf32>
    %get3A_115 = arith.constant 0 : index
    %get3A_116 = arith.constant 0 : index
    %get3A_117 = vector.load %arg5[%get3A_115, %get3A_116] : memref<1x1280xf32, #tpu.memory_space<vmem>>, vector<1x1280xf32>
    %add3A_118 = vector.broadcast %get3A_117 : vector<1x1280xf32> to vector<128x1280xf32>
    %add3A_119 = arith.addf %add3A_114, %add3A_118 : vector<128x1280xf32>
    %max3A_120 = arith.constant 0.000000e+00 : f32
    %max3A_121 = vector.broadcast %max3A_120 : f32 to vector<128x1280xf32>
    %max3A_122 = arith.maximumf %add3A_89, %max3A_121 : vector<128x1280xf32>
    %convert_element_type3A_123 = arith.truncf %max3A_122 : vector<128x1280xf32> to vector<128x1280xbf16>
    %convert_element_type3A_124 = arith.extf %convert_element_type3A_123 : vector<128x1280xbf16> to vector<128x1280xf32>
    %sub3A_125 = arith.subf %max3A_122, %convert_element_type3A_124 : vector<128x1280xf32>
    %convert_element_type3A_126 = arith.truncf %sub3A_125 : vector<128x1280xf32> to vector<128x1280xbf16>
    %get3A_127 = arith.constant 0 : index
    %get3A_128 = arith.constant 0 : index
    %get3A_129 = arith.constant 0 : index
    %get3A_130 = vector.load %arg6[%get3A_127, %get3A_128, %get3A_129] : memref<2x1280x1280xbf16, #tpu.memory_space<vmem>>, vector<1x1280x1280xbf16>
    %get3A_131 = vector.shape_cast %get3A_130 : vector<1x1280x1280xbf16> to vector<1280x1280xbf16>
    %get3A_132 = arith.constant 1 : index
    %get3A_133 = arith.constant 0 : index
    %get3A_134 = arith.constant 0 : index
    %get3A_135 = vector.load %arg6[%get3A_132, %get3A_133, %get3A_134] : memref<2x1280x1280xbf16, #tpu.memory_space<vmem>>, vector<1x1280x1280xbf16>
    %get3A_136 = vector.shape_cast %get3A_135 : vector<1x1280x1280xbf16> to vector<1280x1280xbf16>
    %dot_general3A_137 = arith.constant dense<0.000000e+00> : vector<128x1280xf32>
    %dot_general3A_138 = tpu.matmul %convert_element_type3A_126, %get3A_131, %dot_general3A_137 {dimension_numbers = #tpu.dot_dimension_numbers<[1], [0], [0], [1], [0, 0, 1, 1], [], []>, transpose_lhs_hint = false} : vector<128x1280xbf16>, vector<1280x1280xbf16>, vector<128x1280xf32> -> vector<128x1280xf32>
    %dot_general3A_139 = arith.constant dense<0.000000e+00> : vector<128x1280xf32>
    %dot_general3A_140 = tpu.matmul %convert_element_type3A_123, %get3A_136, %dot_general3A_139 {dimension_numbers = #tpu.dot_dimension_numbers<[1], [0], [0], [1], [0, 0, 1, 1], [], []>, transpose_lhs_hint = false} : vector<128x1280xbf16>, vector<1280x1280xbf16>, vector<128x1280xf32> -> vector<128x1280xf32>
    %add3A_141 = arith.addf %dot_general3A_138, %dot_general3A_140 : vector<128x1280xf32>
    %dot_general3A_142 = arith.constant dense<0.000000e+00> : vector<128x1280xf32>
    %dot_general3A_143 = tpu.matmul %convert_element_type3A_123, %get3A_131, %dot_general3A_142 {dimension_numbers = #tpu.dot_dimension_numbers<[1], [0], [0], [1], [0, 0, 1, 1], [], []>, transpose_lhs_hint = false} : vector<128x1280xbf16>, vector<1280x1280xbf16>, vector<128x1280xf32> -> vector<128x1280xf32>
    %add3A_144 = arith.addf %add3A_141, %dot_general3A_143 : vector<128x1280xf32>
    %get3A_145 = arith.constant 0 : index
    %get3A_146 = arith.constant 0 : index
    %get3A_147 = vector.load %arg7[%get3A_145, %get3A_146] : memref<1x1280xf32, #tpu.memory_space<vmem>>, vector<1x1280xf32>
    %add3A_148 = vector.broadcast %get3A_147 : vector<1x1280xf32> to vector<128x1280xf32>
    %add3A_149 = arith.addf %add3A_144, %add3A_148 : vector<128x1280xf32>
    %max3A_150 = arith.constant 0.000000e+00 : f32
    %max3A_151 = vector.broadcast %max3A_150 : f32 to vector<128x1280xf32>
    %max3A_152 = arith.maximumf %add3A_119, %max3A_151 : vector<128x1280xf32>
    %convert_element_type3A_153 = arith.truncf %max3A_152 : vector<128x1280xf32> to vector<128x1280xbf16>
    %convert_element_type3A_154 = arith.extf %convert_element_type3A_153 : vector<128x1280xbf16> to vector<128x1280xf32>
    %sub3A_155 = arith.subf %max3A_152, %convert_element_type3A_154 : vector<128x1280xf32>
    %convert_element_type3A_156 = arith.truncf %sub3A_155 : vector<128x1280xf32> to vector<128x1280xbf16>
    %get3A_157 = arith.constant 0 : index
    %get3A_158 = arith.constant 0 : index
    %get3A_159 = arith.constant 0 : index
    %get3A_160 = vector.load %arg6[%get3A_157, %get3A_158, %get3A_159] : memref<2x1280x1280xbf16, #tpu.memory_space<vmem>>, vector<1x1280x1280xbf16>
    %get3A_161 = vector.shape_cast %get3A_160 : vector<1x1280x1280xbf16> to vector<1280x1280xbf16>
    %get3A_162 = arith.constant 1 : index
    %get3A_163 = arith.constant 0 : index
    %get3A_164 = arith.constant 0 : index
    %get3A_165 = vector.load %arg6[%get3A_162, %get3A_163, %get3A_164] : memref<2x1280x1280xbf16, #tpu.memory_space<vmem>>, vector<1x1280x1280xbf16>
    %get3A_166 = vector.shape_cast %get3A_165 : vector<1x1280x1280xbf16> to vector<1280x1280xbf16>
    %dot_general3A_167 = arith.constant dense<0.000000e+00> : vector<128x1280xf32>
    %dot_general3A_168 = tpu.matmul %convert_element_type3A_156, %get3A_161, %dot_general3A_167 {dimension_numbers = #tpu.dot_dimension_numbers<[1], [0], [0], [1], [0, 0, 1, 1], [], []>, transpose_lhs_hint = false} : vector<128x1280xbf16>, vector<1280x1280xbf16>, vector<128x1280xf32> -> vector<128x1280xf32>
    %dot_general3A_169 = arith.constant dense<0.000000e+00> : vector<128x1280xf32>
    %dot_general3A_170 = tpu.matmul %convert_element_type3A_153, %get3A_166, %dot_general3A_169 {dimension_numbers = #tpu.dot_dimension_numbers<[1], [0], [0], [1], [0, 0, 1, 1], [], []>, transpose_lhs_hint = false} : vector<128x1280xbf16>, vector<1280x1280xbf16>, vector<128x1280xf32> -> vector<128x1280xf32>
    %add3A_171 = arith.addf %dot_general3A_168, %dot_general3A_170 : vector<128x1280xf32>
    %dot_general3A_172 = arith.constant dense<0.000000e+00> : vector<128x1280xf32>
    %dot_general3A_173 = tpu.matmul %convert_element_type3A_153, %get3A_161, %dot_general3A_172 {dimension_numbers = #tpu.dot_dimension_numbers<[1], [0], [0], [1], [0, 0, 1, 1], [], []>, transpose_lhs_hint = false} : vector<128x1280xbf16>, vector<1280x1280xbf16>, vector<128x1280xf32> -> vector<128x1280xf32>
    %add3A_174 = arith.addf %add3A_171, %dot_general3A_173 : vector<128x1280xf32>
    %get3A_175 = arith.constant 0 : index
    %get3A_176 = arith.constant 0 : index
    %get3A_177 = vector.load %arg7[%get3A_175, %get3A_176] : memref<1x1280xf32, #tpu.memory_space<vmem>>, vector<1x1280xf32>
    %add3A_178 = vector.broadcast %get3A_177 : vector<1x1280xf32> to vector<128x1280xf32>
    %add3A_179 = arith.addf %add3A_174, %add3A_178 : vector<128x1280xf32>
    %max3A_180 = arith.constant 0.000000e+00 : f32
    %max3A_181 = vector.broadcast %max3A_180 : f32 to vector<128x1280xf32>
    %max3A_182 = arith.maximumf %add3A_149, %max3A_181 : vector<128x1280xf32>
    %convert_element_type3A_183 = arith.truncf %max3A_182 : vector<128x1280xf32> to vector<128x1280xbf16>
    %convert_element_type3A_184 = arith.extf %convert_element_type3A_183 : vector<128x1280xbf16> to vector<128x1280xf32>
    %sub3A_185 = arith.subf %max3A_182, %convert_element_type3A_184 : vector<128x1280xf32>
    %convert_element_type3A_186 = arith.truncf %sub3A_185 : vector<128x1280xf32> to vector<128x1280xbf16>
    %get3A_187 = arith.constant 0 : index
    %get3A_188 = arith.constant 0 : index
    %get3A_189 = arith.constant 0 : index
    %get3A_190 = vector.load %arg8[%get3A_187, %get3A_188, %get3A_189] : memref<2x1280x1280xbf16, #tpu.memory_space<vmem>>, vector<1x1280x1280xbf16>
    %get3A_191 = vector.shape_cast %get3A_190 : vector<1x1280x1280xbf16> to vector<1280x1280xbf16>
    %get3A_192 = arith.constant 1 : index
    %get3A_193 = arith.constant 0 : index
    %get3A_194 = arith.constant 0 : index
    %get3A_195 = vector.load %arg8[%get3A_192, %get3A_193, %get3A_194] : memref<2x1280x1280xbf16, #tpu.memory_space<vmem>>, vector<1x1280x1280xbf16>
    %get3A_196 = vector.shape_cast %get3A_195 : vector<1x1280x1280xbf16> to vector<1280x1280xbf16>
    %dot_general3A_197 = arith.constant dense<0.000000e+00> : vector<128x1280xf32>
    %dot_general3A_198 = tpu.matmul %convert_element_type3A_186, %get3A_191, %dot_general3A_197 {dimension_numbers = #tpu.dot_dimension_numbers<[1], [0], [0], [1], [0, 0, 1, 1], [], []>, transpose_lhs_hint = false} : vector<128x1280xbf16>, vector<1280x1280xbf16>, vector<128x1280xf32> -> vector<128x1280xf32>
    %dot_general3A_199 = arith.constant dense<0.000000e+00> : vector<128x1280xf32>
    %dot_general3A_200 = tpu.matmul %convert_element_type3A_183, %get3A_196, %dot_general3A_199 {dimension_numbers = #tpu.dot_dimension_numbers<[1], [0], [0], [1], [0, 0, 1, 1], [], []>, transpose_lhs_hint = false} : vector<128x1280xbf16>, vector<1280x1280xbf16>, vector<128x1280xf32> -> vector<128x1280xf32>
    %add3A_201 = arith.addf %dot_general3A_198, %dot_general3A_200 : vector<128x1280xf32>
    %dot_general3A_202 = arith.constant dense<0.000000e+00> : vector<128x1280xf32>
    %dot_general3A_203 = tpu.matmul %convert_element_type3A_183, %get3A_191, %dot_general3A_202 {dimension_numbers = #tpu.dot_dimension_numbers<[1], [0], [0], [1], [0, 0, 1, 1], [], []>, transpose_lhs_hint = false} : vector<128x1280xbf16>, vector<1280x1280xbf16>, vector<128x1280xf32> -> vector<128x1280xf32>
    %add3A_204 = arith.addf %add3A_201, %dot_general3A_203 : vector<128x1280xf32>
    %get3A_205 = arith.constant 0 : index
    %get3A_206 = arith.constant 0 : index
    %get3A_207 = vector.load %arg9[%get3A_205, %get3A_206] : memref<1x1280xf32, #tpu.memory_space<vmem>>, vector<1x1280xf32>
    %add3A_208 = vector.broadcast %get3A_207 : vector<1x1280xf32> to vector<128x1280xf32>
    %add3A_209 = arith.addf %add3A_204, %add3A_208 : vector<128x1280xf32>
    %max3A_210 = arith.constant 0.000000e+00 : f32
    %max3A_211 = vector.broadcast %max3A_210 : f32 to vector<128x1280xf32>
    %max3A_212 = arith.maximumf %add3A_179, %max3A_211 : vector<128x1280xf32>
    %convert_element_type3A_213 = arith.truncf %max3A_212 : vector<128x1280xf32> to vector<128x1280xbf16>
    %convert_element_type3A_214 = arith.extf %convert_element_type3A_213 : vector<128x1280xbf16> to vector<128x1280xf32>
    %sub3A_215 = arith.subf %max3A_212, %convert_element_type3A_214 : vector<128x1280xf32>
    %convert_element_type3A_216 = arith.truncf %sub3A_215 : vector<128x1280xf32> to vector<128x1280xbf16>
    %get3A_217 = arith.constant 0 : index
    %get3A_218 = arith.constant 0 : index
    %get3A_219 = arith.constant 0 : index
    %get3A_220 = vector.load %arg8[%get3A_217, %get3A_218, %get3A_219] : memref<2x1280x1280xbf16, #tpu.memory_space<vmem>>, vector<1x1280x1280xbf16>
    %get3A_221 = vector.shape_cast %get3A_220 : vector<1x1280x1280xbf16> to vector<1280x1280xbf16>
    %get3A_222 = arith.constant 1 : index
    %get3A_223 = arith.constant 0 : index
    %get3A_224 = arith.constant 0 : index
    %get3A_225 = vector.load %arg8[%get3A_222, %get3A_223, %get3A_224] : memref<2x1280x1280xbf16, #tpu.memory_space<vmem>>, vector<1x1280x1280xbf16>
    %get3A_226 = vector.shape_cast %get3A_225 : vector<1x1280x1280xbf16> to vector<1280x1280xbf16>
    %dot_general3A_227 = arith.constant dense<0.000000e+00> : vector<128x1280xf32>
    %dot_general3A_228 = tpu.matmul %convert_element_type3A_216, %get3A_221, %dot_general3A_227 {dimension_numbers = #tpu.dot_dimension_numbers<[1], [0], [0], [1], [0, 0, 1, 1], [], []>, transpose_lhs_hint = false} : vector<128x1280xbf16>, vector<1280x1280xbf16>, vector<128x1280xf32> -> vector<128x1280xf32>
    %dot_general3A_229 = arith.constant dense<0.000000e+00> : vector<128x1280xf32>
    %dot_general3A_230 = tpu.matmul %convert_element_type3A_213, %get3A_226, %dot_general3A_229 {dimension_numbers = #tpu.dot_dimension_numbers<[1], [0], [0], [1], [0, 0, 1, 1], [], []>, transpose_lhs_hint = false} : vector<128x1280xbf16>, vector<1280x1280xbf16>, vector<128x1280xf32> -> vector<128x1280xf32>
    %add3A_231 = arith.addf %dot_general3A_228, %dot_general3A_230 : vector<128x1280xf32>
    %dot_general3A_232 = arith.constant dense<0.000000e+00> : vector<128x1280xf32>
    %dot_general3A_233 = tpu.matmul %convert_element_type3A_213, %get3A_221, %dot_general3A_232 {dimension_numbers = #tpu.dot_dimension_numbers<[1], [0], [0], [1], [0, 0, 1, 1], [], []>, transpose_lhs_hint = false} : vector<128x1280xbf16>, vector<1280x1280xbf16>, vector<128x1280xf32> -> vector<128x1280xf32>
    %add3A_234 = arith.addf %add3A_231, %dot_general3A_233 : vector<128x1280xf32>
    %get3A_235 = arith.constant 0 : index
    %get3A_236 = arith.constant 0 : index
    %get3A_237 = vector.load %arg9[%get3A_235, %get3A_236] : memref<1x1280xf32, #tpu.memory_space<vmem>>, vector<1x1280xf32>
    %add3A_238 = vector.broadcast %get3A_237 : vector<1x1280xf32> to vector<128x1280xf32>
    %add3A_239 = arith.addf %add3A_234, %add3A_238 : vector<128x1280xf32>
    %convert_element_type3A_240 = arith.truncf %add3A_209 : vector<128x1280xf32> to vector<128x1280xbf16>
    %convert_element_type3A_241 = arith.extf %convert_element_type3A_240 : vector<128x1280xbf16> to vector<128x1280xf32>
    %sub3A_242 = arith.subf %add3A_209, %convert_element_type3A_241 : vector<128x1280xf32>
    %convert_element_type3A_243 = arith.truncf %sub3A_242 : vector<128x1280xf32> to vector<128x1280xbf16>
    %get3A_244 = arith.constant 0 : index
    %get3A_245 = arith.constant 0 : index
    %get3A_246 = arith.constant 0 : index
    %get3A_247 = vector.load %arg10[%get3A_244, %get3A_245, %get3A_246] : memref<2x1280x1280xbf16, #tpu.memory_space<vmem>>, vector<1x1280x1280xbf16>
    %get3A_248 = vector.shape_cast %get3A_247 : vector<1x1280x1280xbf16> to vector<1280x1280xbf16>
    %get3A_249 = arith.constant 1 : index
    %get3A_250 = arith.constant 0 : index
    %get3A_251 = arith.constant 0 : index
    %get3A_252 = vector.load %arg10[%get3A_249, %get3A_250, %get3A_251] : memref<2x1280x1280xbf16, #tpu.memory_space<vmem>>, vector<1x1280x1280xbf16>
    %get3A_253 = vector.shape_cast %get3A_252 : vector<1x1280x1280xbf16> to vector<1280x1280xbf16>
    %dot_general3A_254 = arith.constant dense<0.000000e+00> : vector<128x1280xf32>
    %dot_general3A_255 = tpu.matmul %convert_element_type3A_243, %get3A_248, %dot_general3A_254 {dimension_numbers = #tpu.dot_dimension_numbers<[1], [0], [0], [1], [0, 0, 1, 1], [], []>, transpose_lhs_hint = false} : vector<128x1280xbf16>, vector<1280x1280xbf16>, vector<128x1280xf32> -> vector<128x1280xf32>
    %dot_general3A_256 = arith.constant dense<0.000000e+00> : vector<128x1280xf32>
    %dot_general3A_257 = tpu.matmul %convert_element_type3A_240, %get3A_253, %dot_general3A_256 {dimension_numbers = #tpu.dot_dimension_numbers<[1], [0], [0], [1], [0, 0, 1, 1], [], []>, transpose_lhs_hint = false} : vector<128x1280xbf16>, vector<1280x1280xbf16>, vector<128x1280xf32> -> vector<128x1280xf32>
    %add3A_258 = arith.addf %dot_general3A_255, %dot_general3A_257 : vector<128x1280xf32>
    %dot_general3A_259 = arith.constant dense<0.000000e+00> : vector<128x1280xf32>
    %dot_general3A_260 = tpu.matmul %convert_element_type3A_240, %get3A_248, %dot_general3A_259 {dimension_numbers = #tpu.dot_dimension_numbers<[1], [0], [0], [1], [0, 0, 1, 1], [], []>, transpose_lhs_hint = false} : vector<128x1280xbf16>, vector<1280x1280xbf16>, vector<128x1280xf32> -> vector<128x1280xf32>
    %add3A_261 = arith.addf %add3A_258, %dot_general3A_260 : vector<128x1280xf32>
    %get3A_262 = arith.constant 0 : index
    %get3A_263 = arith.constant 0 : index
    %get3A_264 = vector.load %arg11[%get3A_262, %get3A_263] : memref<1x1280xf32, #tpu.memory_space<vmem>>, vector<1x1280xf32>
    %add3A_265 = vector.broadcast %get3A_264 : vector<1x1280xf32> to vector<128x1280xf32>
    %add3A_266 = arith.addf %add3A_261, %add3A_265 : vector<128x1280xf32>
    %convert_element_type3A_267 = arith.truncf %add3A_239 : vector<128x1280xf32> to vector<128x1280xbf16>
    %convert_element_type3A_268 = arith.extf %convert_element_type3A_267 : vector<128x1280xbf16> to vector<128x1280xf32>
    %sub3A_269 = arith.subf %add3A_239, %convert_element_type3A_268 : vector<128x1280xf32>
    %convert_element_type3A_270 = arith.truncf %sub3A_269 : vector<128x1280xf32> to vector<128x1280xbf16>
    %get3A_271 = arith.constant 0 : index
    %get3A_272 = arith.constant 0 : index
    %get3A_273 = arith.constant 0 : index
    %get3A_274 = vector.load %arg10[%get3A_271, %get3A_272, %get3A_273] : memref<2x1280x1280xbf16, #tpu.memory_space<vmem>>, vector<1x1280x1280xbf16>
    %get3A_275 = vector.shape_cast %get3A_274 : vector<1x1280x1280xbf16> to vector<1280x1280xbf16>
    %get3A_276 = arith.constant 1 : index
    %get3A_277 = arith.constant 0 : index
    %get3A_278 = arith.constant 0 : index
    %get3A_279 = vector.load %arg10[%get3A_276, %get3A_277, %get3A_278] : memref<2x1280x1280xbf16, #tpu.memory_space<vmem>>, vector<1x1280x1280xbf16>
    %get3A_280 = vector.shape_cast %get3A_279 : vector<1x1280x1280xbf16> to vector<1280x1280xbf16>
    %dot_general3A_281 = arith.constant dense<0.000000e+00> : vector<128x1280xf32>
    %dot_general3A_282 = tpu.matmul %convert_element_type3A_270, %get3A_275, %dot_general3A_281 {dimension_numbers = #tpu.dot_dimension_numbers<[1], [0], [0], [1], [0, 0, 1, 1], [], []>, transpose_lhs_hint = false} : vector<128x1280xbf16>, vector<1280x1280xbf16>, vector<128x1280xf32> -> vector<128x1280xf32>
    %dot_general3A_283 = arith.constant dense<0.000000e+00> : vector<128x1280xf32>
    %dot_general3A_284 = tpu.matmul %convert_element_type3A_267, %get3A_280, %dot_general3A_283 {dimension_numbers = #tpu.dot_dimension_numbers<[1], [0], [0], [1], [0, 0, 1, 1], [], []>, transpose_lhs_hint = false} : vector<128x1280xbf16>, vector<1280x1280xbf16>, vector<128x1280xf32> -> vector<128x1280xf32>
    %add3A_285 = arith.addf %dot_general3A_282, %dot_general3A_284 : vector<128x1280xf32>
    %dot_general3A_286 = arith.constant dense<0.000000e+00> : vector<128x1280xf32>
    %dot_general3A_287 = tpu.matmul %convert_element_type3A_267, %get3A_275, %dot_general3A_286 {dimension_numbers = #tpu.dot_dimension_numbers<[1], [0], [0], [1], [0, 0, 1, 1], [], []>, transpose_lhs_hint = false} : vector<128x1280xbf16>, vector<1280x1280xbf16>, vector<128x1280xf32> -> vector<128x1280xf32>
    %add3A_288 = arith.addf %add3A_285, %dot_general3A_287 : vector<128x1280xf32>
    %get3A_289 = arith.constant 0 : index
    %get3A_290 = arith.constant 0 : index
    %get3A_291 = vector.load %arg11[%get3A_289, %get3A_290] : memref<1x1280xf32, #tpu.memory_space<vmem>>, vector<1x1280xf32>
    %add3A_292 = vector.broadcast %get3A_291 : vector<1x1280xf32> to vector<128x1280xf32>
    %add3A_293 = arith.addf %add3A_288, %add3A_292 : vector<128x1280xf32>
    %swap3A = arith.constant 0 : index
    %swap3A_294 = arith.constant 0 : index
    %swap3A_295 = vector.load %arg12[%swap3A, %swap3A_294] : memref<256x1280xf32, #tpu.memory_space<vmem>>, vector<128x1280xf32>
    tpu.vector_store %arg12[%swap3A, %swap3A_294], %add3A_266 {strides = array<i32>} : memref<256x1280xf32, #tpu.memory_space<vmem>>, vector<128x1280xf32>,
    %swap3A_296 = arith.constant 128 : index
    %swap3A_297 = arith.constant 0 : index
    %swap3A_298 = vector.load %arg12[%swap3A_296, %swap3A_297] : memref<256x1280xf32, #tpu.memory_space<vmem>>, vector<128x1280xf32>
    tpu.vector_store %arg12[%swap3A_296, %swap3A_297], %add3A_293 {strides = array<i32>} : memref<256x1280xf32, #tpu.memory_space<vmem>>, vector<128x1280xf32>,
    %concatenate3A = tpu.concatenate %add3A_266, %add3A_293 in 0 : vector<128x1280xf32>, vector<128x1280xf32> -> vector<256x1280xf32>
    %eq3A = arith.constant 0 : i32
    %eq3A_299 = arith.cmpi eq, %arg0, %eq3A : i32
    %convert_element_type3A_300 = arith.extui %eq3A_299 : i1 to i32
    %cond3A = arith.constant 0 : i32
    %cond3A_301 = arith.cmpi ne, %convert_element_type3A_300, %cond3A : i32
    scf.if %cond3A_301 {
      %broadcast_in_dim3A_320 = arith.constant 0.000000e+00 : f32
      %broadcast_in_dim3A_321 = vector.broadcast %broadcast_in_dim3A_320 : f32 to vector<8x1280xf32>
      %swap3A_322 = arith.constant 0 : index
      %swap3A_323 = arith.constant 0 : index
      %swap3A_324 = vector.load %arg13[%swap3A_322, %swap3A_323] : memref<8x1280xf32, #tpu.memory_space<vmem>>, vector<8x1280xf32>
      tpu.vector_store %arg13[%swap3A_322, %swap3A_323], %broadcast_in_dim3A_321 {strides = array<i32>} : memref<8x1280xf32, #tpu.memory_space<vmem>>, vector<8x1280xf32>,
    } else {
    }
    %get3A_302 = arith.constant 0 : index
    %get3A_303 = arith.constant 0 : index
    %get3A_304 = vector.load %arg13[%get3A_302, %get3A_303] : memref<8x1280xf32, #tpu.memory_space<vmem>>, vector<1x1280xf32>
    %reduce_sum3A = arith.constant dense<0.000000e+00> : vector<1280xf32>
    %reduce_sum3A_305 = vector.multi_reduction <add>, %concatenate3A, %reduce_sum3A [0] : vector<256x1280xf32> to vector<1280xf32>
    %broadcast_in_dim3A = vector.shape_cast %reduce_sum3A_305 : vector<1280xf32> to vector<1x1280xf32>
    %add3A_306 = arith.addf %get3A_304, %broadcast_in_dim3A : vector<1x1280xf32>
    %swap3A_307 = arith.constant 0 : index
    %swap3A_308 = arith.constant 0 : index
    %swap3A_309 = vector.load %arg13[%swap3A_307, %swap3A_308] : memref<8x1280xf32, #tpu.memory_space<vmem>>, vector<1x1280xf32>
    tpu.vector_store %arg13[%swap3A_307, %swap3A_308], %add3A_306 {strides = array<i32>} : memref<8x1280xf32, #tpu.memory_space<vmem>>, vector<1x1280xf32>,
    %get3A_310 = arith.constant 1 : index
    %get3A_311 = arith.constant 0 : index
    %get3A_312 = vector.load %arg13[%get3A_310, %get3A_311] : memref<8x1280xf32, #tpu.memory_space<vmem>>, vector<1x1280xf32>
    %mul3A = arith.mulf %concatenate3A, %concatenate3A : vector<256x1280xf32>
    %reduce_sum3A_313 = arith.constant dense<0.000000e+00> : vector<1280xf32>
    %reduce_sum3A_314 = vector.multi_reduction <add>, %mul3A, %reduce_sum3A_313 [0] : vector<256x1280xf32> to vector<1280xf32>
    %broadcast_in_dim3A_315 = vector.shape_cast %reduce_sum3A_314 : vector<1280xf32> to vector<1x1280xf32>
    %add3A_316 = arith.addf %get3A_312, %broadcast_in_dim3A_315 : vector<1x1280xf32>
    %swap3A_317 = arith.constant 1 : index
    %swap3A_318 = arith.constant 0 : index
    %swap3A_319 = vector.load %arg13[%swap3A_317, %swap3A_318] : memref<8x1280xf32, #tpu.memory_space<vmem>>, vector<1x1280xf32>
    tpu.vector_store %arg13[%swap3A_317, %swap3A_318], %add3A_316 {strides = array<i32>} : memref<8x1280xf32, #tpu.memory_space<vmem>>, vector<1x1280xf32>,
    return
  }
  func.func @transform_0(%arg0: i32) -> (i32, i32) {
    %c0_i32 = arith.constant 0 : i32
    %c0_i32_0 = arith.constant 0 : i32
    return %arg0, %c0_i32 : i32, i32
  }
  func.func @transform_1(%arg0: i32) -> (i32, i32, i32) {
    %c0_i32 = arith.constant 0 : i32
    %c0_i32_0 = arith.constant 0 : i32
    %c0_i32_1 = arith.constant 0 : i32
    %c0_i32_2 = arith.constant 0 : i32
    return %c0_i32, %c0_i32_0, %c0_i32_1 : i32, i32, i32
  }
  func.func @transform_2(%arg0: i32) -> (i32, i32) {
    %c0_i32 = arith.constant 0 : i32
    %c0_i32_0 = arith.constant 0 : i32
    %c0_i32_1 = arith.constant 0 : i32
    return %c0_i32, %c0_i32_0 : i32, i32
  }
  func.func @transform_3(%arg0: i32) -> (i32, i32, i32) {
    %c0_i32 = arith.constant 0 : i32
    %c0_i32_0 = arith.constant 0 : i32
    %c0_i32_1 = arith.constant 0 : i32
    %c0_i32_2 = arith.constant 0 : i32
    return %c0_i32, %c0_i32_0, %c0_i32_1 : i32, i32, i32
  }
  func.func @transform_4(%arg0: i32) -> (i32, i32) {
    %c0_i32 = arith.constant 0 : i32
    %c0_i32_0 = arith.constant 0 : i32
    %c0_i32_1 = arith.constant 0 : i32
    return %c0_i32, %c0_i32_0 : i32, i32
  }
  func.func @transform_5(%arg0: i32) -> (i32, i32, i32) {
    %c0_i32 = arith.constant 0 : i32
    %c0_i32_0 = arith.constant 0 : i32
    %c0_i32_1 = arith.constant 0 : i32
    %c0_i32_2 = arith.constant 0 : i32
    return %c0_i32, %c0_i32_0, %c0_i32_1 : i32, i32, i32
  }
  func.func @transform_6(%arg0: i32) -> (i32, i32) {
    %c0_i32 = arith.constant 0 : i32
    %c0_i32_0 = arith.constant 0 : i32
    %c0_i32_1 = arith.constant 0 : i32
    return %c0_i32, %c0_i32_0 : i32, i32
  }
  func.func @transform_7(%arg0: i32) -> (i32, i32, i32) {
    %c0_i32 = arith.constant 0 : i32
    %c0_i32_0 = arith.constant 0 : i32
    %c0_i32_1 = arith.constant 0 : i32
    %c0_i32_2 = arith.constant 0 : i32
    return %c0_i32, %c0_i32_0, %c0_i32_1 : i32, i32, i32
  }
  func.func @transform_8(%arg0: i32) -> (i32, i32) {
    %c0_i32 = arith.constant 0 : i32
    %c0_i32_0 = arith.constant 0 : i32
    %c0_i32_1 = arith.constant 0 : i32
    return %c0_i32, %c0_i32_0 : i32, i32
  }
  func.func @transform_9(%arg0: i32) -> (i32, i32, i32) {
    %c0_i32 = arith.constant 0 : i32
    %c0_i32_0 = arith.constant 0 : i32
    %c0_i32_1 = arith.constant 0 : i32
    %c0_i32_2 = arith.constant 0 : i32
    return %c0_i32, %c0_i32_0, %c0_i32_1 : i32, i32, i32
  }
  func.func @transform_10(%arg0: i32) -> (i32, i32) {
    %c0_i32 = arith.constant 0 : i32
    %c0_i32_0 = arith.constant 0 : i32
    %c0_i32_1 = arith.constant 0 : i32
    return %c0_i32, %c0_i32_0 : i32, i32
  }
  func.func @transform_11(%arg0: i32) -> (i32, i32) {
    %c0_i32 = arith.constant 0 : i32
    %c0_i32_0 = arith.constant 0 : i32
    return %arg0, %c0_i32 : i32, i32
  }
  func.func @transform_12(%arg0: i32) -> (i32, i32) {
    %c0_i32 = arith.constant 0 : i32
    %c0_i32_0 = arith.constant 0 : i32
    %c0_i32_1 = arith.constant 0 : i32
    return %c0_i32, %c0_i32_0 : i32, i32
  }
}

module attributes {stable_mosaic.version = 14 : i64} {
  func.func @_tc_head_kernel(%arg0: i32, %arg1: memref<256x1280xf32, #tpu.memory_space<vmem>>, %arg2: memref<8x1280xf32, #tpu.memory_space<vmem>>, %arg3: memref<1x1280xf32, #tpu.memory_space<vmem>>, %arg4: memref<1x1280xf32, #tpu.memory_space<vmem>>, %arg5: memref<256x1xi32, #tpu.memory_space<vmem>>, %arg6: memref<2x1280x640xbf16, #tpu.memory_space<vmem>>, %arg7: memref<1x640xf32, #tpu.memory_space<vmem>>, %arg8: memref<2x640x128xbf16, #tpu.memory_space<vmem>>, %arg9: memref<1x128xf32, #tpu.memory_space<vmem>>, %arg10: memref<2x128x128xbf16, #tpu.memory_space<vmem>>, %arg11: memref<1x128xf32, #tpu.memory_space<vmem>>, %arg12: memref<256x128xf32, #tpu.memory_space<vmem>>, %arg13: memref<64x1280xf32, #tpu.memory_space<vmem>>) attributes {dimension_semantics = [#tpu.dimension_semantics<arbitrary>], iteration_bounds = array<i64: 20>, scalar_prefetch = 0 : i64, scratch_operands = 0 : i64, tpu.core_type = #tpu.core_type<tc>, window_params = [{transform_indices = @transform_0, window_bounds = array<i64: 256, 1280>}, {pipeline_mode = #tpu.pipeline_mode<synchronous>, transform_indices = @transform_1, window_bounds = array<i64: 8, 1280>}, {pipeline_mode = #tpu.pipeline_mode<synchronous>, transform_indices = @transform_2, window_bounds = array<i64: 1, 1280>}, {pipeline_mode = #tpu.pipeline_mode<synchronous>, transform_indices = @transform_3, window_bounds = array<i64: 1, 1280>}, {transform_indices = @transform_4, window_bounds = array<i64: 256, 1>}, {pipeline_mode = #tpu.pipeline_mode<synchronous>, transform_indices = @transform_5, window_bounds = array<i64: 2, 1280, 640>}, {pipeline_mode = #tpu.pipeline_mode<synchronous>, transform_indices = @transform_6, window_bounds = array<i64: 1, 640>}, {pipeline_mode = #tpu.pipeline_mode<synchronous>, transform_indices = @transform_7, window_bounds = array<i64: 2, 640, 128>}, {pipeline_mode = #tpu.pipeline_mode<synchronous>, transform_indices = @transform_8, window_bounds = array<i64: 1, 128>}, {pipeline_mode = #tpu.pipeline_mode<synchronous>, transform_indices = @transform_9, window_bounds = array<i64: 2, 128, 128>}, {pipeline_mode = #tpu.pipeline_mode<synchronous>, transform_indices = @transform_10, window_bounds = array<i64: 1, 128>}, {transform_indices = @transform_11, window_bounds = array<i64: 256, 128>}, {pipeline_mode = #tpu.pipeline_mode<synchronous>, transform_indices = @transform_12, window_bounds = array<i64: 64, 1280>}]} {
    %get3A = arith.constant 0 : index
    %get3A_0 = arith.constant 0 : index
    %get3A_1 = vector.load %arg2[%get3A, %get3A_0] : memref<8x1280xf32, #tpu.memory_space<vmem>>, vector<8x1280xf32>
    %slice3A = vector.extract_strided_slice %get3A_1 {offsets = [0, 0], sizes = [1, 1280], strides = [1, 1]} : vector<8x1280xf32> to vector<1x1280xf32>
    %mul3A = arith.constant 1.95312503E-4 : f32
    %mul3A_2 = vector.broadcast %mul3A : f32 to vector<1x1280xf32>
    %mul3A_3 = arith.mulf %slice3A, %mul3A_2 : vector<1x1280xf32>
    %slice3A_4 = vector.extract_strided_slice %get3A_1 {offsets = [1, 0], sizes = [1, 1280], strides = [1, 1]} : vector<8x1280xf32> to vector<1x1280xf32>
    %mul3A_5 = arith.constant 1.95312503E-4 : f32
    %mul3A_6 = vector.broadcast %mul3A_5 : f32 to vector<1x1280xf32>
    %mul3A_7 = arith.mulf %slice3A_4, %mul3A_6 : vector<1x1280xf32>
    %mul3A_8 = arith.mulf %mul3A_3, %mul3A_3 : vector<1x1280xf32>
    %sub3A = arith.subf %mul3A_7, %mul3A_8 : vector<1x1280xf32>
    %add3A = arith.constant 9.99999974E-6 : f32
    %add3A_9 = vector.broadcast %add3A : f32 to vector<1x1280xf32>
    %add3A_10 = arith.addf %sub3A, %add3A_9 : vector<1x1280xf32>
    %rsqrt3A = math.rsqrt %add3A_10 : vector<1x1280xf32>
    %get3A_11 = arith.constant 0 : index
    %get3A_12 = arith.constant 0 : index
    %get3A_13 = vector.load %arg1[%get3A_11, %get3A_12] : memref<256x1280xf32, #tpu.memory_space<vmem>>, vector<256x1280xf32>
    %sub3A_14 = vector.broadcast %mul3A_3 : vector<1x1280xf32> to vector<256x1280xf32>
    %sub3A_15 = arith.subf %get3A_13, %sub3A_14 : vector<256x1280xf32>
    %mul3A_16 = vector.broadcast %rsqrt3A : vector<1x1280xf32> to vector<256x1280xf32>
    %mul3A_17 = arith.mulf %sub3A_15, %mul3A_16 : vector<256x1280xf32>
    %get3A_18 = arith.constant 0 : index
    %get3A_19 = arith.constant 0 : index
    %get3A_20 = vector.load %arg3[%get3A_18, %get3A_19] : memref<1x1280xf32, #tpu.memory_space<vmem>>, vector<1x1280xf32>
    %mul3A_21 = vector.broadcast %get3A_20 : vector<1x1280xf32> to vector<256x1280xf32>
    %mul3A_22 = arith.mulf %mul3A_17, %mul3A_21 : vector<256x1280xf32>
    %get3A_23 = arith.constant 0 : index
    %get3A_24 = arith.constant 0 : index
    %get3A_25 = vector.load %arg4[%get3A_23, %get3A_24] : memref<1x1280xf32, #tpu.memory_space<vmem>>, vector<1x1280xf32>
    %add3A_26 = vector.broadcast %get3A_25 : vector<1x1280xf32> to vector<256x1280xf32>
    %add3A_27 = arith.addf %mul3A_22, %add3A_26 : vector<256x1280xf32>
    %max3A = arith.constant 0.000000e+00 : f32
    %max3A_28 = vector.broadcast %max3A : f32 to vector<256x1280xf32>
    %max3A_29 = arith.maximumf %add3A_27, %max3A_28 : vector<256x1280xf32>
    %convert_element_type3A = arith.truncf %max3A_29 : vector<256x1280xf32> to vector<256x1280xbf16>
    %convert_element_type3A_30 = arith.extf %convert_element_type3A : vector<256x1280xbf16> to vector<256x1280xf32>
    %sub3A_31 = arith.subf %max3A_29, %convert_element_type3A_30 : vector<256x1280xf32>
    %convert_element_type3A_32 = arith.truncf %sub3A_31 : vector<256x1280xf32> to vector<256x1280xbf16>
    %get3A_33 = arith.constant 0 : index
    %get3A_34 = arith.constant 0 : index
    %get3A_35 = arith.constant 0 : index
    %get3A_36 = vector.load %arg6[%get3A_33, %get3A_34, %get3A_35] : memref<2x1280x640xbf16, #tpu.memory_space<vmem>>, vector<1x1280x640xbf16>
    %get3A_37 = vector.shape_cast %get3A_36 : vector<1x1280x640xbf16> to vector<1280x640xbf16>
    %get3A_38 = arith.constant 1 : index
    %get3A_39 = arith.constant 0 : index
    %get3A_40 = arith.constant 0 : index
    %get3A_41 = vector.load %arg6[%get3A_38, %get3A_39, %get3A_40] : memref<2x1280x640xbf16, #tpu.memory_space<vmem>>, vector<1x1280x640xbf16>
    %get3A_42 = vector.shape_cast %get3A_41 : vector<1x1280x640xbf16> to vector<1280x640xbf16>
    %dot_general3A = arith.constant dense<0.000000e+00> : vector<256x640xf32>
    %dot_general3A_43 = tpu.matmul %convert_element_type3A_32, %get3A_37, %dot_general3A {dimension_numbers = #tpu.dot_dimension_numbers<[1], [0], [0], [1], [0, 0, 1, 1], [], []>, transpose_lhs_hint = false} : vector<256x1280xbf16>, vector<1280x640xbf16>, vector<256x640xf32> -> vector<256x640xf32>
    %dot_general3A_44 = arith.constant dense<0.000000e+00> : vector<256x640xf32>
    %dot_general3A_45 = tpu.matmul %convert_element_type3A, %get3A_42, %dot_general3A_44 {dimension_numbers = #tpu.dot_dimension_numbers<[1], [0], [0], [1], [0, 0, 1, 1], [], []>, transpose_lhs_hint = false} : vector<256x1280xbf16>, vector<1280x640xbf16>, vector<256x640xf32> -> vector<256x640xf32>
    %add3A_46 = arith.addf %dot_general3A_43, %dot_general3A_45 : vector<256x640xf32>
    %dot_general3A_47 = arith.constant dense<0.000000e+00> : vector<256x640xf32>
    %dot_general3A_48 = tpu.matmul %convert_element_type3A, %get3A_37, %dot_general3A_47 {dimension_numbers = #tpu.dot_dimension_numbers<[1], [0], [0], [1], [0, 0, 1, 1], [], []>, transpose_lhs_hint = false} : vector<256x1280xbf16>, vector<1280x640xbf16>, vector<256x640xf32> -> vector<256x640xf32>
    %add3A_49 = arith.addf %add3A_46, %dot_general3A_48 : vector<256x640xf32>
    %get3A_50 = arith.constant 0 : index
    %get3A_51 = arith.constant 0 : index
    %get3A_52 = vector.load %arg7[%get3A_50, %get3A_51] : memref<1x640xf32, #tpu.memory_space<vmem>>, vector<1x640xf32>
    %add3A_53 = vector.broadcast %get3A_52 : vector<1x640xf32> to vector<256x640xf32>
    %add3A_54 = arith.addf %add3A_49, %add3A_53 : vector<256x640xf32>
    %max3A_55 = arith.constant 0.000000e+00 : f32
    %max3A_56 = vector.broadcast %max3A_55 : f32 to vector<256x640xf32>
    %max3A_57 = arith.maximumf %add3A_54, %max3A_56 : vector<256x640xf32>
    %convert_element_type3A_58 = arith.truncf %max3A_57 : vector<256x640xf32> to vector<256x640xbf16>
    %convert_element_type3A_59 = arith.extf %convert_element_type3A_58 : vector<256x640xbf16> to vector<256x640xf32>
    %sub3A_60 = arith.subf %max3A_57, %convert_element_type3A_59 : vector<256x640xf32>
    %convert_element_type3A_61 = arith.truncf %sub3A_60 : vector<256x640xf32> to vector<256x640xbf16>
    %get3A_62 = arith.constant 0 : index
    %get3A_63 = arith.constant 0 : index
    %get3A_64 = arith.constant 0 : index
    %get3A_65 = vector.load %arg8[%get3A_62, %get3A_63, %get3A_64] : memref<2x640x128xbf16, #tpu.memory_space<vmem>>, vector<1x640x128xbf16>
    %get3A_66 = vector.shape_cast %get3A_65 : vector<1x640x128xbf16> to vector<640x128xbf16>
    %get3A_67 = arith.constant 1 : index
    %get3A_68 = arith.constant 0 : index
    %get3A_69 = arith.constant 0 : index
    %get3A_70 = vector.load %arg8[%get3A_67, %get3A_68, %get3A_69] : memref<2x640x128xbf16, #tpu.memory_space<vmem>>, vector<1x640x128xbf16>
    %get3A_71 = vector.shape_cast %get3A_70 : vector<1x640x128xbf16> to vector<640x128xbf16>
    %dot_general3A_72 = arith.constant dense<0.000000e+00> : vector<256x128xf32>
    %dot_general3A_73 = tpu.matmul %convert_element_type3A_61, %get3A_66, %dot_general3A_72 {dimension_numbers = #tpu.dot_dimension_numbers<[1], [0], [0], [1], [0, 0, 1, 1], [], []>, transpose_lhs_hint = false} : vector<256x640xbf16>, vector<640x128xbf16>, vector<256x128xf32> -> vector<256x128xf32>
    %dot_general3A_74 = arith.constant dense<0.000000e+00> : vector<256x128xf32>
    %dot_general3A_75 = tpu.matmul %convert_element_type3A_58, %get3A_71, %dot_general3A_74 {dimension_numbers = #tpu.dot_dimension_numbers<[1], [0], [0], [1], [0, 0, 1, 1], [], []>, transpose_lhs_hint = false} : vector<256x640xbf16>, vector<640x128xbf16>, vector<256x128xf32> -> vector<256x128xf32>
    %add3A_76 = arith.addf %dot_general3A_73, %dot_general3A_75 : vector<256x128xf32>
    %dot_general3A_77 = arith.constant dense<0.000000e+00> : vector<256x128xf32>
    %dot_general3A_78 = tpu.matmul %convert_element_type3A_58, %get3A_66, %dot_general3A_77 {dimension_numbers = #tpu.dot_dimension_numbers<[1], [0], [0], [1], [0, 0, 1, 1], [], []>, transpose_lhs_hint = false} : vector<256x640xbf16>, vector<640x128xbf16>, vector<256x128xf32> -> vector<256x128xf32>
    %add3A_79 = arith.addf %add3A_76, %dot_general3A_78 : vector<256x128xf32>
    %get3A_80 = arith.constant 0 : index
    %get3A_81 = arith.constant 0 : index
    %get3A_82 = vector.load %arg9[%get3A_80, %get3A_81] : memref<1x128xf32, #tpu.memory_space<vmem>>, vector<1x128xf32>
    %add3A_83 = vector.broadcast %get3A_82 : vector<1x128xf32> to vector<256x128xf32>
    %add3A_84 = arith.addf %add3A_79, %add3A_83 : vector<256x128xf32>
    %max3A_85 = arith.constant 0.000000e+00 : f32
    %max3A_86 = vector.broadcast %max3A_85 : f32 to vector<256x128xf32>
    %max3A_87 = arith.maximumf %add3A_84, %max3A_86 : vector<256x128xf32>
    %convert_element_type3A_88 = arith.truncf %max3A_87 : vector<256x128xf32> to vector<256x128xbf16>
    %convert_element_type3A_89 = arith.extf %convert_element_type3A_88 : vector<256x128xbf16> to vector<256x128xf32>
    %sub3A_90 = arith.subf %max3A_87, %convert_element_type3A_89 : vector<256x128xf32>
    %convert_element_type3A_91 = arith.truncf %sub3A_90 : vector<256x128xf32> to vector<256x128xbf16>
    %get3A_92 = arith.constant 0 : index
    %get3A_93 = arith.constant 0 : index
    %get3A_94 = arith.constant 0 : index
    %get3A_95 = vector.load %arg10[%get3A_92, %get3A_93, %get3A_94] : memref<2x128x128xbf16, #tpu.memory_space<vmem>>, vector<1x128x128xbf16>
    %get3A_96 = vector.shape_cast %get3A_95 : vector<1x128x128xbf16> to vector<128x128xbf16>
    %get3A_97 = arith.constant 1 : index
    %get3A_98 = arith.constant 0 : index
    %get3A_99 = arith.constant 0 : index
    %get3A_100 = vector.load %arg10[%get3A_97, %get3A_98, %get3A_99] : memref<2x128x128xbf16, #tpu.memory_space<vmem>>, vector<1x128x128xbf16>
    %get3A_101 = vector.shape_cast %get3A_100 : vector<1x128x128xbf16> to vector<128x128xbf16>
    %dot_general3A_102 = arith.constant dense<0.000000e+00> : vector<256x128xf32>
    %dot_general3A_103 = tpu.matmul %convert_element_type3A_91, %get3A_96, %dot_general3A_102 {dimension_numbers = #tpu.dot_dimension_numbers<[1], [0], [0], [1], [0, 0, 1, 1], [], []>, transpose_lhs_hint = false} : vector<256x128xbf16>, vector<128x128xbf16>, vector<256x128xf32> -> vector<256x128xf32>
    %dot_general3A_104 = arith.constant dense<0.000000e+00> : vector<256x128xf32>
    %dot_general3A_105 = tpu.matmul %convert_element_type3A_88, %get3A_101, %dot_general3A_104 {dimension_numbers = #tpu.dot_dimension_numbers<[1], [0], [0], [1], [0, 0, 1, 1], [], []>, transpose_lhs_hint = false} : vector<256x128xbf16>, vector<128x128xbf16>, vector<256x128xf32> -> vector<256x128xf32>
    %add3A_106 = arith.addf %dot_general3A_103, %dot_general3A_105 : vector<256x128xf32>
    %dot_general3A_107 = arith.constant dense<0.000000e+00> : vector<256x128xf32>
    %dot_general3A_108 = tpu.matmul %convert_element_type3A_88, %get3A_96, %dot_general3A_107 {dimension_numbers = #tpu.dot_dimension_numbers<[1], [0], [0], [1], [0, 0, 1, 1], [], []>, transpose_lhs_hint = false} : vector<256x128xbf16>, vector<128x128xbf16>, vector<256x128xf32> -> vector<256x128xf32>
    %add3A_109 = arith.addf %add3A_106, %dot_general3A_108 : vector<256x128xf32>
    %get3A_110 = arith.constant 0 : index
    %get3A_111 = arith.constant 0 : index
    %get3A_112 = vector.load %arg11[%get3A_110, %get3A_111] : memref<1x128xf32, #tpu.memory_space<vmem>>, vector<1x128xf32>
    %add3A_113 = vector.broadcast %get3A_112 : vector<1x128xf32> to vector<256x128xf32>
    %add3A_114 = arith.addf %add3A_109, %add3A_113 : vector<256x128xf32>
    %swap3A = arith.constant 0 : index
    %swap3A_115 = arith.constant 0 : index
    %swap3A_116 = vector.load %arg12[%swap3A, %swap3A_115] : memref<256x128xf32, #tpu.memory_space<vmem>>, vector<256x128xf32>
    tpu.vector_store %arg12[%swap3A, %swap3A_115], %add3A_114 {strides = array<i32>} : memref<256x128xf32, #tpu.memory_space<vmem>>, vector<256x128xf32>,
    %get3A_117 = arith.constant 0 : index
    %get3A_118 = arith.constant 0 : index
    %get3A_119 = vector.load %arg5[%get3A_117, %get3A_118] : memref<256x1xi32, #tpu.memory_space<vmem>>, vector<256x1xi32>
    %iota3A = tpu.iota {dimensions = array<i32: 1>} : vector<1x64xi32>
    %eq3A = vector.broadcast %get3A_119 : vector<256x1xi32> to vector<256x64xi32>
    %eq3A_120 = vector.broadcast %iota3A : vector<1x64xi32> to vector<256x64xi32>
    %eq3A_121 = arith.cmpi eq, %eq3A, %eq3A_120 : vector<256x64xi32>
    %convert_element_type3A_122 = arith.extui %eq3A_121 : vector<256x64xi1> to vector<256x64xi32>
    %convert_element_type3A_123 = arith.sitofp %convert_element_type3A_122 : vector<256x64xi32> to vector<256x64xf32>
    %eq3A_124 = arith.constant 0 : i32
    %eq3A_125 = arith.cmpi eq, %arg0, %eq3A_124 : i32
    %convert_element_type3A_126 = arith.extui %eq3A_125 : i1 to i32
    %cond3A = arith.constant 0 : i32
    %cond3A_127 = arith.cmpi ne, %convert_element_type3A_126, %cond3A : i32
    scf.if %cond3A_127 {
      %broadcast_in_dim3A = arith.constant 0.000000e+00 : f32
      %broadcast_in_dim3A_151 = vector.broadcast %broadcast_in_dim3A : f32 to vector<64x1280xf32>
      %swap3A_152 = arith.constant 0 : index
      %swap3A_153 = arith.constant 0 : index
      %swap3A_154 = vector.load %arg13[%swap3A_152, %swap3A_153] : memref<64x1280xf32, #tpu.memory_space<vmem>>, vector<64x1280xf32>
      tpu.vector_store %arg13[%swap3A_152, %swap3A_153], %broadcast_in_dim3A_151 {strides = array<i32>} : memref<64x1280xf32, #tpu.memory_space<vmem>>, vector<64x1280xf32>,
    } else {
    }
    %get3A_128 = arith.constant 0 : index
    %get3A_129 = arith.constant 0 : index
    %get3A_130 = vector.load %arg13[%get3A_128, %get3A_129] : memref<64x1280xf32, #tpu.memory_space<vmem>>, vector<64x1280xf32>
    %transpose3A = tpu.transpose %convert_element_type3A_123, [1, 0] : vector<256x64xf32> -> vector<64x256xf32>
    %convert_element_type3A_131 = arith.truncf %transpose3A : vector<64x256xf32> to vector<64x256xbf16>
    %convert_element_type3A_132 = arith.extf %convert_element_type3A_131 : vector<64x256xbf16> to vector<64x256xf32>
    %sub3A_133 = arith.subf %transpose3A, %convert_element_type3A_132 : vector<64x256xf32>
    %convert_element_type3A_134 = arith.truncf %sub3A_133 : vector<64x256xf32> to vector<64x256xbf16>
    %convert_element_type3A_135 = arith.truncf %max3A_29 : vector<256x1280xf32> to vector<256x1280xbf16>
    %convert_element_type3A_136 = arith.extf %convert_element_type3A_135 : vector<256x1280xbf16> to vector<256x1280xf32>
    %sub3A_137 = arith.subf %max3A_29, %convert_element_type3A_136 : vector<256x1280xf32>
    %convert_element_type3A_138 = arith.truncf %sub3A_137 : vector<256x1280xf32> to vector<256x1280xbf16>
    %dot_general3A_139 = arith.constant dense<0.000000e+00> : vector<64x1280xf32>
    %dot_general3A_140 = tpu.matmul %convert_element_type3A_134, %convert_element_type3A_135, %dot_general3A_139 {dimension_numbers = #tpu.dot_dimension_numbers<[1], [0], [0], [1], [0, 0, 1, 1], [], []>, transpose_lhs_hint = false} : vector<64x256xbf16>, vector<256x1280xbf16>, vector<64x1280xf32> -> vector<64x1280xf32>
    %dot_general3A_141 = arith.constant dense<0.000000e+00> : vector<64x1280xf32>
    %dot_general3A_142 = tpu.matmul %convert_element_type3A_131, %convert_element_type3A_138, %dot_general3A_141 {dimension_numbers = #tpu.dot_dimension_numbers<[1], [0], [0], [1], [0, 0, 1, 1], [], []>, transpose_lhs_hint = false} : vector<64x256xbf16>, vector<256x1280xbf16>, vector<64x1280xf32> -> vector<64x1280xf32>
    %add3A_143 = arith.addf %dot_general3A_140, %dot_general3A_142 : vector<64x1280xf32>
    %dot_general3A_144 = arith.constant dense<0.000000e+00> : vector<64x1280xf32>
    %dot_general3A_145 = tpu.matmul %convert_element_type3A_131, %convert_element_type3A_135, %dot_general3A_144 {dimension_numbers = #tpu.dot_dimension_numbers<[1], [0], [0], [1], [0, 0, 1, 1], [], []>, transpose_lhs_hint = false} : vector<64x256xbf16>, vector<256x1280xbf16>, vector<64x1280xf32> -> vector<64x1280xf32>
    %add3A_146 = arith.addf %add3A_143, %dot_general3A_145 : vector<64x1280xf32>
    %add3A_147 = arith.addf %get3A_130, %add3A_146 : vector<64x1280xf32>
    %swap3A_148 = arith.constant 0 : index
    %swap3A_149 = arith.constant 0 : index
    %swap3A_150 = vector.load %arg13[%swap3A_148, %swap3A_149] : memref<64x1280xf32, #tpu.memory_space<vmem>>, vector<64x1280xf32>
    tpu.vector_store %arg13[%swap3A_148, %swap3A_149], %add3A_147 {strides = array<i32>} : memref<64x1280xf32, #tpu.memory_space<vmem>>, vector<64x1280xf32>,
    return
  }
  func.func @transform_0(%arg0: i32) -> (i32, i32) {
    %c0_i32 = arith.constant 0 : i32
    %c0_i32_0 = arith.constant 0 : i32
    return %arg0, %c0_i32 : i32, i32
  }
  func.func @transform_1(%arg0: i32) -> (i32, i32) {
    %c0_i32 = arith.constant 0 : i32
    %c0_i32_0 = arith.constant 0 : i32
    %c0_i32_1 = arith.constant 0 : i32
    return %c0_i32, %c0_i32_0 : i32, i32
  }
  func.func @transform_2(%arg0: i32) -> (i32, i32) {
    %c0_i32 = arith.constant 0 : i32
    %c0_i32_0 = arith.constant 0 : i32
    %c0_i32_1 = arith.constant 0 : i32
    return %c0_i32, %c0_i32_0 : i32, i32
  }
  func.func @transform_3(%arg0: i32) -> (i32, i32) {
    %c0_i32 = arith.constant 0 : i32
    %c0_i32_0 = arith.constant 0 : i32
    %c0_i32_1 = arith.constant 0 : i32
    return %c0_i32, %c0_i32_0 : i32, i32
  }
  func.func @transform_4(%arg0: i32) -> (i32, i32) {
    %c0_i32 = arith.constant 0 : i32
    %c0_i32_0 = arith.constant 0 : i32
    return %arg0, %c0_i32 : i32, i32
  }
  func.func @transform_5(%arg0: i32) -> (i32, i32, i32) {
    %c0_i32 = arith.constant 0 : i32
    %c0_i32_0 = arith.constant 0 : i32
    %c0_i32_1 = arith.constant 0 : i32
    %c0_i32_2 = arith.constant 0 : i32
    return %c0_i32, %c0_i32_0, %c0_i32_1 : i32, i32, i32
  }
  func.func @transform_6(%arg0: i32) -> (i32, i32) {
    %c0_i32 = arith.constant 0 : i32
    %c0_i32_0 = arith.constant 0 : i32
    %c0_i32_1 = arith.constant 0 : i32
    return %c0_i32, %c0_i32_0 : i32, i32
  }
  func.func @transform_7(%arg0: i32) -> (i32, i32, i32) {
    %c0_i32 = arith.constant 0 : i32
    %c0_i32_0 = arith.constant 0 : i32
    %c0_i32_1 = arith.constant 0 : i32
    %c0_i32_2 = arith.constant 0 : i32
    return %c0_i32, %c0_i32_0, %c0_i32_1 : i32, i32, i32
  }
  func.func @transform_8(%arg0: i32) -> (i32, i32) {
    %c0_i32 = arith.constant 0 : i32
    %c0_i32_0 = arith.constant 0 : i32
    %c0_i32_1 = arith.constant 0 : i32
    return %c0_i32, %c0_i32_0 : i32, i32
  }
  func.func @transform_9(%arg0: i32) -> (i32, i32, i32) {
    %c0_i32 = arith.constant 0 : i32
    %c0_i32_0 = arith.constant 0 : i32
    %c0_i32_1 = arith.constant 0 : i32
    %c0_i32_2 = arith.constant 0 : i32
    return %c0_i32, %c0_i32_0, %c0_i32_1 : i32, i32, i32
  }
  func.func @transform_10(%arg0: i32) -> (i32, i32) {
    %c0_i32 = arith.constant 0 : i32
    %c0_i32_0 = arith.constant 0 : i32
    %c0_i32_1 = arith.constant 0 : i32
    return %c0_i32, %c0_i32_0 : i32, i32
  }
  func.func @transform_11(%arg0: i32) -> (i32, i32) {
    %c0_i32 = arith.constant 0 : i32
    %c0_i32_0 = arith.constant 0 : i32
    return %arg0, %c0_i32 : i32, i32
  }
  func.func @transform_12(%arg0: i32) -> (i32, i32) {
    %c0_i32 = arith.constant 0 : i32
    %c0_i32_0 = arith.constant 0 : i32
    %c0_i32_1 = arith.constant 0 : i32
    return %c0_i32, %c0_i32_0 : i32, i32
  }
}

module attributes {stable_mosaic.version = 14 : i64} {
  func.func @_tc_energy_kernel(%arg0: memref<64x1280xf32, #tpu.memory_space<vmem>>, %arg1: memref<1280x640xf32, #tpu.memory_space<vmem>>, %arg2: memref<1x640xf32, #tpu.memory_space<vmem>>, %arg3: memref<640x128xf32, #tpu.memory_space<vmem>>, %arg4: memref<1x128xf32, #tpu.memory_space<vmem>>, %arg5: memref<128x128xf32, #tpu.memory_space<vmem>>, %arg6: memref<1x128xf32, #tpu.memory_space<vmem>>, %arg7: memref<64x128xf32, #tpu.memory_space<vmem>>) attributes {dimension_semantics = [], scalar_prefetch = 0 : i64, scratch_operands = 0 : i64, tpu.core_type = #tpu.core_type<tc>} {
    %get3A = arith.constant 0 : index
    %get3A_0 = arith.constant 0 : index
    %get3A_1 = vector.load %arg0[%get3A, %get3A_0] : memref<64x1280xf32, #tpu.memory_space<vmem>>, vector<64x1280xf32>
    %get3A_2 = arith.constant 0 : index
    %get3A_3 = arith.constant 0 : index
    %get3A_4 = vector.load %arg1[%get3A_2, %get3A_3] : memref<1280x640xf32, #tpu.memory_space<vmem>>, vector<1280x640xf32>
    %convert_element_type3A = arith.truncf %get3A_1 : vector<64x1280xf32> to vector<64x1280xbf16>
    %convert_element_type3A_5 = arith.extf %convert_element_type3A : vector<64x1280xbf16> to vector<64x1280xf32>
    %sub3A = arith.subf %get3A_1, %convert_element_type3A_5 : vector<64x1280xf32>
    %convert_element_type3A_6 = arith.truncf %sub3A : vector<64x1280xf32> to vector<64x1280xbf16>
    %convert_element_type3A_7 = arith.truncf %get3A_4 : vector<1280x640xf32> to vector<1280x640xbf16>
    %convert_element_type3A_8 = arith.extf %convert_element_type3A_7 : vector<1280x640xbf16> to vector<1280x640xf32>
    %sub3A_9 = arith.subf %get3A_4, %convert_element_type3A_8 : vector<1280x640xf32>
    %convert_element_type3A_10 = arith.truncf %sub3A_9 : vector<1280x640xf32> to vector<1280x640xbf16>
    %dot_general3A = arith.constant dense<0.000000e+00> : vector<64x640xf32>
    %dot_general3A_11 = tpu.matmul %convert_element_type3A_6, %convert_element_type3A_7, %dot_general3A {dimension_numbers = #tpu.dot_dimension_numbers<[1], [0], [0], [1], [0, 0, 1, 1], [], []>, transpose_lhs_hint = false} : vector<64x1280xbf16>, vector<1280x640xbf16>, vector<64x640xf32> -> vector<64x640xf32>
    %dot_general3A_12 = arith.constant dense<0.000000e+00> : vector<64x640xf32>
    %dot_general3A_13 = tpu.matmul %convert_element_type3A, %convert_element_type3A_10, %dot_general3A_12 {dimension_numbers = #tpu.dot_dimension_numbers<[1], [0], [0], [1], [0, 0, 1, 1], [], []>, transpose_lhs_hint = false} : vector<64x1280xbf16>, vector<1280x640xbf16>, vector<64x640xf32> -> vector<64x640xf32>
    %add3A = arith.addf %dot_general3A_11, %dot_general3A_13 : vector<64x640xf32>
    %dot_general3A_14 = arith.constant dense<0.000000e+00> : vector<64x640xf32>
    %dot_general3A_15 = tpu.matmul %convert_element_type3A, %convert_element_type3A_7, %dot_general3A_14 {dimension_numbers = #tpu.dot_dimension_numbers<[1], [0], [0], [1], [0, 0, 1, 1], [], []>, transpose_lhs_hint = false} : vector<64x1280xbf16>, vector<1280x640xbf16>, vector<64x640xf32> -> vector<64x640xf32>
    %add3A_16 = arith.addf %add3A, %dot_general3A_15 : vector<64x640xf32>
    %get3A_17 = arith.constant 0 : index
    %get3A_18 = arith.constant 0 : index
    %get3A_19 = vector.load %arg2[%get3A_17, %get3A_18] : memref<1x640xf32, #tpu.memory_space<vmem>>, vector<1x640xf32>
    %add3A_20 = vector.broadcast %get3A_19 : vector<1x640xf32> to vector<64x640xf32>
    %add3A_21 = arith.addf %add3A_16, %add3A_20 : vector<64x640xf32>
    %max3A = arith.constant 0.000000e+00 : f32
    %max3A_22 = vector.broadcast %max3A : f32 to vector<64x640xf32>
    %max3A_23 = arith.maximumf %add3A_21, %max3A_22 : vector<64x640xf32>
    %get3A_24 = arith.constant 0 : index
    %get3A_25 = arith.constant 0 : index
    %get3A_26 = vector.load %arg3[%get3A_24, %get3A_25] : memref<640x128xf32, #tpu.memory_space<vmem>>, vector<640x128xf32>
    %convert_element_type3A_27 = arith.truncf %max3A_23 : vector<64x640xf32> to vector<64x640xbf16>
    %convert_element_type3A_28 = arith.extf %convert_element_type3A_27 : vector<64x640xbf16> to vector<64x640xf32>
    %sub3A_29 = arith.subf %max3A_23, %convert_element_type3A_28 : vector<64x640xf32>
    %convert_element_type3A_30 = arith.truncf %sub3A_29 : vector<64x640xf32> to vector<64x640xbf16>
    %convert_element_type3A_31 = arith.truncf %get3A_26 : vector<640x128xf32> to vector<640x128xbf16>
    %convert_element_type3A_32 = arith.extf %convert_element_type3A_31 : vector<640x128xbf16> to vector<640x128xf32>
    %sub3A_33 = arith.subf %get3A_26, %convert_element_type3A_32 : vector<640x128xf32>
    %convert_element_type3A_34 = arith.truncf %sub3A_33 : vector<640x128xf32> to vector<640x128xbf16>
    %dot_general3A_35 = arith.constant dense<0.000000e+00> : vector<64x128xf32>
    %dot_general3A_36 = tpu.matmul %convert_element_type3A_30, %convert_element_type3A_31, %dot_general3A_35 {dimension_numbers = #tpu.dot_dimension_numbers<[1], [0], [0], [1], [0, 0, 1, 1], [], []>, transpose_lhs_hint = false} : vector<64x640xbf16>, vector<640x128xbf16>, vector<64x128xf32> -> vector<64x128xf32>
    %dot_general3A_37 = arith.constant dense<0.000000e+00> : vector<64x128xf32>
    %dot_general3A_38 = tpu.matmul %convert_element_type3A_27, %convert_element_type3A_34, %dot_general3A_37 {dimension_numbers = #tpu.dot_dimension_numbers<[1], [0], [0], [1], [0, 0, 1, 1], [], []>, transpose_lhs_hint = false} : vector<64x640xbf16>, vector<640x128xbf16>, vector<64x128xf32> -> vector<64x128xf32>
    %add3A_39 = arith.addf %dot_general3A_36, %dot_general3A_38 : vector<64x128xf32>
    %dot_general3A_40 = arith.constant dense<0.000000e+00> : vector<64x128xf32>
    %dot_general3A_41 = tpu.matmul %convert_element_type3A_27, %convert_element_type3A_31, %dot_general3A_40 {dimension_numbers = #tpu.dot_dimension_numbers<[1], [0], [0], [1], [0, 0, 1, 1], [], []>, transpose_lhs_hint = false} : vector<64x640xbf16>, vector<640x128xbf16>, vector<64x128xf32> -> vector<64x128xf32>
    %add3A_42 = arith.addf %add3A_39, %dot_general3A_41 : vector<64x128xf32>
    %get3A_43 = arith.constant 0 : index
    %get3A_44 = arith.constant 0 : index
    %get3A_45 = vector.load %arg4[%get3A_43, %get3A_44] : memref<1x128xf32, #tpu.memory_space<vmem>>, vector<1x128xf32>
    %add3A_46 = vector.broadcast %get3A_45 : vector<1x128xf32> to vector<64x128xf32>
    %add3A_47 = arith.addf %add3A_42, %add3A_46 : vector<64x128xf32>
    %max3A_48 = arith.constant 0.000000e+00 : f32
    %max3A_49 = vector.broadcast %max3A_48 : f32 to vector<64x128xf32>
    %max3A_50 = arith.maximumf %add3A_47, %max3A_49 : vector<64x128xf32>
    %get3A_51 = arith.constant 0 : index
    %get3A_52 = arith.constant 0 : index
    %get3A_53 = vector.load %arg5[%get3A_51, %get3A_52] : memref<128x128xf32, #tpu.memory_space<vmem>>, vector<128x128xf32>
    %convert_element_type3A_54 = arith.truncf %max3A_50 : vector<64x128xf32> to vector<64x128xbf16>
    %convert_element_type3A_55 = arith.extf %convert_element_type3A_54 : vector<64x128xbf16> to vector<64x128xf32>
    %sub3A_56 = arith.subf %max3A_50, %convert_element_type3A_55 : vector<64x128xf32>
    %convert_element_type3A_57 = arith.truncf %sub3A_56 : vector<64x128xf32> to vector<64x128xbf16>
    %convert_element_type3A_58 = arith.truncf %get3A_53 : vector<128x128xf32> to vector<128x128xbf16>
    %convert_element_type3A_59 = arith.extf %convert_element_type3A_58 : vector<128x128xbf16> to vector<128x128xf32>
    %sub3A_60 = arith.subf %get3A_53, %convert_element_type3A_59 : vector<128x128xf32>
    %convert_element_type3A_61 = arith.truncf %sub3A_60 : vector<128x128xf32> to vector<128x128xbf16>
    %dot_general3A_62 = arith.constant dense<0.000000e+00> : vector<64x128xf32>
    %dot_general3A_63 = tpu.matmul %convert_element_type3A_57, %convert_element_type3A_58, %dot_general3A_62 {dimension_numbers = #tpu.dot_dimension_numbers<[1], [0], [0], [1], [0, 0, 1, 1], [], []>, transpose_lhs_hint = false} : vector<64x128xbf16>, vector<128x128xbf16>, vector<64x128xf32> -> vector<64x128xf32>
    %dot_general3A_64 = arith.constant dense<0.000000e+00> : vector<64x128xf32>
    %dot_general3A_65 = tpu.matmul %convert_element_type3A_54, %convert_element_type3A_61, %dot_general3A_64 {dimension_numbers = #tpu.dot_dimension_numbers<[1], [0], [0], [1], [0, 0, 1, 1], [], []>, transpose_lhs_hint = false} : vector<64x128xbf16>, vector<128x128xbf16>, vector<64x128xf32> -> vector<64x128xf32>
    %add3A_66 = arith.addf %dot_general3A_63, %dot_general3A_65 : vector<64x128xf32>
    %dot_general3A_67 = arith.constant dense<0.000000e+00> : vector<64x128xf32>
    %dot_general3A_68 = tpu.matmul %convert_element_type3A_54, %convert_element_type3A_58, %dot_general3A_67 {dimension_numbers = #tpu.dot_dimension_numbers<[1], [0], [0], [1], [0, 0, 1, 1], [], []>, transpose_lhs_hint = false} : vector<64x128xbf16>, vector<128x128xbf16>, vector<64x128xf32> -> vector<64x128xf32>
    %add3A_69 = arith.addf %add3A_66, %dot_general3A_68 : vector<64x128xf32>
    %get3A_70 = arith.constant 0 : index
    %get3A_71 = arith.constant 0 : index
    %get3A_72 = vector.load %arg6[%get3A_70, %get3A_71] : memref<1x128xf32, #tpu.memory_space<vmem>>, vector<1x128xf32>
    %add3A_73 = vector.broadcast %get3A_72 : vector<1x128xf32> to vector<64x128xf32>
    %add3A_74 = arith.addf %add3A_69, %add3A_73 : vector<64x128xf32>
    %swap3A = arith.constant 0 : index
    %swap3A_75 = arith.constant 0 : index
    %swap3A_76 = vector.load %arg7[%swap3A, %swap3A_75] : memref<64x128xf32, #tpu.memory_space<vmem>>, vector<64x128xf32>
    tpu.vector_store %arg7[%swap3A, %swap3A_75], %add3A_74 {strides = array<i32>} : memref<64x128xf32, #tpu.memory_space<vmem>>, vector<64x128xf32>,
    return
  }
}

</mosaic_0001>

<sc_bundles>
// kernel: kernel.11.cloned.1.call-start
scs
__scs_entry_jumppad:
0x0: {  	(pc) =	sbr.rel $0x88, $3  }
0x1: {  	(tag) =	ssettag $0x0;
	lr =	simm.s32 $0x1  }
0x2: {  	[smem:$0x3F73] =	sst lr;
	_ =	strace $0xD0000000  }
0x3: {  	_ = 	snop  }
0x4: {  	_ = 	snop  }
0x5: {  	_ = 	snop  }
0x6: {  	_ = 	snop  }
0x7: {  	_ = 	snop  }
__scs_overlays_trampoline_lowered:
0x8: {  	[smem:$0x3F82] =	sst s0  }
0x9: {  	[smem:$0x3F83] =	sst s1  }
0xa: {  	[smem:$0x3F84] =	sst s2  }
0xb: {  	[smem:$0x3F85] =	sst s3  }
0xc: {  	[smem:$0x3F86] =	sst s4  }
0xd: {  	[smem:$0x3F87] =	sst s5  }
0xe: {  	[smem:$0x3F88] =	sst s6  }
0xf: {  	[smem:$0x3F89] =	sst s7  }
0x10: {  	[smem:$0x3F8A] =	sst s8  }
0x11: {  	[smem:$0x3F8B] =	sst s9;
	s0 =	simm.s32 @!p0 $0x0  }
0x12: {  	s1 =	sld [smem:$0x3F71];
	s0 =	simm.s32 @p0 $0x1  }
0x13: {  	[smem:$0x3F8C] =	sst s0;
	s0 =	simm.s32 @!p1 $0x0  }
0x14: {  	s2 =	sld [smem:$0x3F70];
	s0 =	simm.s32 @p1 $0x1  }
0x15: {  	[smem:$0x3F8D] =	sst s0;
	s0 =	simm.s32 @!p2 $0x0  }
0x16: {  	s3 =	sld [smem:$0x3FDB];
	s0 =	simm.s32 @p2 $0x1  }
0x17: {  	s4 =	simm.s32 $0x1BF5;
	[smem:$0x3F8F] =	sst s0  }
0x18: {  	s0 =	sld [smem:$0x3F72];
	_ =	swait.ge [sflag:s4], $0x0  }
0x19: {  	s7 =	sld [smem:$0x3F73]  }
0x1a: {  	s8 =	sadd.s32 $0xFFFFE003, lr  }
0x1b: {  	s9 =	sadd.s32 $0xFFFFFEF7, lr;
	s5 =	simm.s32 $0xFFFFFFFF;
	p2 =	slt.u32 s8, $0xFFFFF086  }
0x1c: {  	p1 =	slt.u32 s9, $0xF7A;
	s5 =	simm.s32 @!p2 $0x0  }
0x1d: {  	s5 =	simm.s32 @p1 $0x1;
	p0 =	seq.s32 s7, s2  }
0x1e: {  	s7 =	smul.u32 @!p0 $0xF7A, s2;
	p2 =	seq.s32 @!p0 s5, $0x0  }
0x1f: {  	s9 =	smul.u32 $0xF7A, s1;
	s8 =	simm.s32 @!p0 $0x1BF5;
	p2 =	por !p2, p0  }
0x20: {  	[sflag:s8] =	ssyncset.s32 @!p0 $0xFFFFF086;
	s6 =	sadd.s32 @!p0 s3, s7;
	s7 =	simm.s32 @!p0 $0x108  }
0x21: {  	s3 =	sadd.s32 s3, s9;
	s6 =	sadd.s32 @!p0 $0x88, s6;
	s7 =	simm.s32 @p2 $0x1082  }
0x22: {  	[simem:s7], [sflag:s8] =	dma.local @!p0 [hbm:s6], $0xF7A  }
0x23: {  	s9 =	sor.u32 $0xD0000000, s2;
	s6 =	simm.s32 $0x108;
	_ =	swait.ge @!p0 [sflag:s8], $0x0  }
0x24: {  	s3 =	sadd.s32 $0x88, s3;
	s6 =	simm.s32 @!p1 $0x1082;
	[sflag:s4] =	ssyncset.s32 $0xFFFFF086  }
0x25: {  	[simem:s6], [sflag:s4] =	dma.local [hbm:s3], $0xF7A  }
0x26: {  	[smem:$0x3F73] =	sst s1;
	(tag) =	ssettag s2;
	_ =	strace s9  }
0x27: {  	s1 =	sld [smem:$0x3F83]  }
0x28: {  	s2 =	sld [smem:$0x3F84]  }
0x29: {  	s4 =	sld [smem:$0x3F86]  }
0x2a: {  	p0 =	seq.s32 s5, $0x0;
	s5 =	sld [smem:$0x3F87]  }
0x2b: {  	s6 =	sld [smem:$0x3F88]  }
0x2c: {  	s7 =	sld [smem:$0x3F89]  }
0x2d: {  	s3 =	simm.s32 $0x108;
	s8 =	sld [smem:$0x3F8A]  }
0x2e: {  	s3 =	simm.s32 @!p0 $0x1082;
	s9 =	sld [smem:$0x3F8B]  }
0x2f: {  	lr =	sadd.s32 s0, s3;
	s0 =	sld [smem:$0x3F82]  }
0x30: {  	s3 =	sld [smem:$0x3F85]  }
0x31: {  	[smem:$0x3F8E] =	sst s10  }
0x32: {  	s10 =	sld [smem:$0x3F8C];
	_ =	sdelay $0x3  }
0x33: {  	p0 =	seq.s32 s10, $0x1;
	s10 =	sld [smem:$0x3F8E];
	_ =	sdelay $0x3  }
0x34: {  	[smem:$0x3F8E] =	sst s10  }
0x35: {  	s10 =	sld [smem:$0x3F8D];
	_ =	sdelay $0x3  }
0x36: {  	p1 =	seq.s32 s10, $0x1;
	s10 =	sld [smem:$0x3F8E];
	_ =	sdelay $0x3  }
0x37: {  	[smem:$0x3F8E] =	sst s10  }
0x38: {  	s10 =	sld [smem:$0x3F8F]  }
0x39: {  	_ = 	snop;
	(pc) =	sbr.ind lr, $3  }
0x3a: {  	_ = 	snop  }
0x3b: {  	_ = 	snop  }
0x3c: {  	p2 =	seq.s32 s10, $0x1;
	s10 =	sld [smem:$0x3F8E]  }
0x3d: {  	_ =	shalt  }
0x3e: {  	_ =	shalt  }
0x3f: {  	_ =	shalt  }
0x40: {  	_ =	shalt  }
0x41: {  	_ =	shalt  }
0x42: {  	_ =	shalt  }
0x43: {  	_ =	shalt  }
0x44: {  	_ =	shalt  }
0x45: {  	_ =	shalt  }
0x46: {  	_ =	shalt  }
0x47: {  	_ =	shalt  }
0x48: {  	_ =	shalt  }
0x49: {  	_ =	shalt  }
0x4a: {  	_ =	shalt  }
0x4b: {  	_ =	shalt  }
0x4c: {  	_ =	shalt  }
0x4d: {  	_ =	shalt  }
0x4e: {  	_ =	shalt  }
0x4f: {  	_ =	shalt  }
0x50: {  	_ =	shalt  }
0x51: {  	_ =	shalt  }
0x52: {  	_ =	shalt  }
0x53: {  	_ =	shalt  }
0x54: {  	_ =	shalt  }
0x55: {  	_ =	shalt  }
0x56: {  	_ =	shalt  }
0x57: {  	_ =	shalt  }
0x58: {  	_ =	shalt  }
0x59: {  	_ =	shalt  }
0x5a: {  	_ =	shalt  }
0x5b: {  	_ =	shalt  }
0x5c: {  	_ =	shalt  }
0x5d: {  	_ =	shalt  }
0x5e: {  	_ =	shalt  }
0x5f: {  	_ =	shalt  }
0x60: {  	_ =	shalt  }
0x61: {  	_ =	shalt  }
0x62: {  	_ =	shalt  }
0x63: {  	_ =	shalt  }
0x64: {  	_ =	shalt  }
0x65: {  	_ =	shalt  }
0x66: {  	_ =	shalt  }
0x67: {  	_ =	shalt  }
0x68: {  	_ =	shalt  }
0x69: {  	_ =	shalt  }
0x6a: {  	_ =	shalt  }
0x6b: {  	_ =	shalt  }
0x6c: {  	_ =	shalt  }
0x6d: {  	_ =	shalt  }
0x6e: {  	_ =	shalt  }
0x6f: {  	_ =	shalt  }
0x70: {  	_ =	shalt  }
0x71: {  	_ =	shalt  }
0x72: {  	_ =	shalt  }
0x73: {  	_ =	shalt  }
0x74: {  	_ =	shalt  }
0x75: {  	_ =	shalt  }
0x76: {  	_ =	shalt  }
0x77: {  	_ =	shalt  }
0x78: {  	_ =	shalt  }
0x79: {  	_ =	shalt  }
0x7a: {  	_ =	shalt  }
0x7b: {  	_ =	shalt  }
0x7c: {  	_ =	shalt  }
0x7d: {  	_ =	shalt  }
0x7e: {  	_ =	shalt  }
0x7f: {  	_ =	shalt  }
0x80: {  	_ =	shalt  }
0x81: {  	_ =	shalt  }
0x82: {  	_ =	shalt  }
0x83: {  	_ =	shalt  }
0x84: {  	_ =	shalt  }
0x85: {  	_ =	shalt  }
0x86: {  	_ =	shalt  }
0x87: {  	_ =	shalt  }
.Lfunc_end0:
.L_simem_size_0:
called_computation_lowered:
.L_overlay_start_0:
0x88: {  	s2 =	sld [smem:$0x3FD9]  }
0x89: {  	s3 =	sld [smem:$0x3FFE];
	_ =	sdelay $0x1  }
0x8a: {  	s1 =	srdreg.scid  }
0x8b: {  	s0 =	sand.u32 $0x1, s1  }
0x8c: {  	s14 =	sshll.u32 s0, $0xA;
	s2 =	sadd.s32 s3, s2  }
0x8d: {  	s2 =	sadd.s32 s2, s14  }
0x8e: {  	[smem:$0x3F9A] =	sst s2  }
0x8f: {  	_ = 	snop  }
0x90: {  	s2 =	sld [smem:$0x3FD0];
	_ =	sdelay $0x2  }
0x91: {  	s15 =	simm.s32 $0xA;
	s4 =	simm.s32 $0x10  }
0x92: {  	[smem:s4], [sflag:s15] =	dma.local [hbm:s2], $0x1  }
0x93: {  	_ =	swait.eq [sflag:s15], $0x1  }
0x94: {  	[sflag:s15] =	ssyncset.done $0x0  }
0x95: {  	[sflag:s15] =	ssyncadd.s32 $0xFFFFFFFF  }
0x96: {  	s16 =	sld [smem:$0x10];
	(tm) =	ssettm $0x1  }
0x97: {  	s17 =	sld [smem:$0x3FFB];
	_ =	sdelay $0x3  }
0x98: {  	_ =	strace s17  }
0x99: {  	s3 =	sld [smem:$0x3FFC];
	_ =	sdelay $0x3  }
0x9a: {  	_ =	strace s3  }
0x9b: {  	s3 =	sld [smem:$0x3FFD];
	_ =	sdelay $0x3  }
0x9c: {  	_ =	strace s3  }
0x9d: {  	_ =	strace $0x8FFFFFFF  }
0x9e: {  	s18 =	sld [smem:$0x3FDB];
	_ =	sdelay $0x1  }
0x9f: {  	s19 =	simm.s32 $_scs_section_size  }
0xa0: {  	s5 =	simm.s32 $_size__tile_overlayer_lowered;
	s6 =	simm.s32 $_tile_overlayer_lowered  }
0xa1: {  	s22 =	simm.s32 $0x1BFF;
	s21 =	sshll.u32 s6, $0x1;
	s3 =	sadd.s32 s19, s18  }
0xa2: {  	s7 =	simm.s32 $0x0;
	s20 =	sshll.u32 s5, $0x1;
	s5 =	sadd.s32 s21, s3  }
0xa3: {  	[timem:s7], [sflag:s22] =	dma.local [hbm:s5], s20  }
0xa4: {  	_ =	swait.ge [sflag:s22], s20  }
0xa5: {  	s4 =	ssub.s32 $0x0, s20;
	[sflag:s22] =	ssyncset.done $0x0  }
0xa6: {  	[sflag:s22] =	ssyncadd.s32 s4;
	_ =	sdelay $0x1  }
0xa7: {  	s23 =	simm.s32 $0x1B8B  }
0xa8: {  	_ =	swait.ge [sflag:s23], $0x1  }
0xa9: {  	[sflag:s23] =	ssyncset.done $0x0  }
0xaa: {  	s25 =	simm.s32 $0x1B8E;
	s24 =	sld [smem:$0x3FFE];
	[sflag:s23] =	ssyncadd.s32 $0xFFFFFFFF  }
0xab: {  	s26 =	simm.s32 $execute0_lowered;
	[smem:$0x3FD2] =	sst s25  }
0xac: {  	s5 =	sshll.u32 s26, $0x1;
	_ =	strace $0x80000046;
	[dreg:$0x1] =	wrdreg $0xFFFFFFFF  }
0xad: {  	s28 =	simm.s32 $_size_execute0_lowered;
	s3 =	sadd.s32 s3, s5;
	[dreg:$0x0] =	wrdreg $0x0  }
0xae: {  	s5 =	sshll.u32 s28, $0x1;
	[dreg:$0x2] =	wrdreg s3  }
0xaf: {  	[dreg:$0x3] =	wrdreg s5  }
0xb0: {  	[dreg:$0x4] =	wrdreg $0xC0  }
0xb1: {  	_ =	task [dreg:s7], $0x5FFFF  }
0xb2: {  	[dreg:$0x1] =	wrdreg $0xFFFFFFFF  }
0xb3: {  	[dreg:$0x0] =	wrdreg $0x60  }
0xb4: {  	[dreg:$0x2] =	wrdreg s24  }
0xb5: {  	[dreg:$0x3] =	wrdreg s16  }
0xb6: {  	[dreg:$0x4] =	wrdreg $0x9  }
0xb7: {  	_ =	task.clear_ibuf [dreg:s7], $0x5FFFF;
	_ =	strace $0x90000046  }
0xb8: {  	s29 =	simm.s32 $0x9;
	_ =	strace $0x80000048  }
0xb9: {  	_ =	swait.ge [sflag:s29], $0x1  }
0xba: {  	[sflag:s29] =	ssyncadd.s32 $0xFFFFFFFF  }
0xbb: {  	_ =	strace $0x90000048  }
0xbc: {  	_ =	sfence  }
0xbd: {  	s30 =	sld [smem:$0x0];
	_ =	sdelay $0x2  }
0xbe: {  	s31 =	sshll.u32 s1, $0xD;
	s1 =	sshrl.u32 s1, $0x2  }
0xbf: {  	s3 =	sand.u32 $0x4000, s31;
	s1 =	sadd.s32 s1, s30  }
0xc0: {  	s0 =	sor.u32 s3, s0;
	s1 =	sshll.u32 s1, $0x11  }
0xc1: {  	s0 =	sor.u32 s1, s0  }
0xc2: {  	s0 =	sadd.s32 $0x8F2B, s0  }
0xc3: {  	[sflag:s0] =	ssyncadd.remote.s32 $0x1  }
0xc4: {  	_ =	sfence.sel $0xFFFF  }
0xc5: {  	[dreg:$0x0] =	wrdreg $0xFFFFFFFF;
	(pc) =	sbr.abs _section_cstart, $3  }
0xc6: {  	[dreg:$0x1] =	wrdreg $0xFFFFFFFF  }
0xc7: {  	_ =	task.clear_ibuf [dreg:s7], $0x2FFFF;
	_ =	strace $0x9FFFFFFF  }
0xc8: {  	(tm) =	ssettm $0x7FFFFFFF  }
0xc9: {  	_ =	shalt  }
tec
execute0_lowered:
.L_overlay_start_1:
0x0: {  	(tag) =	ssettag $0x1  }
0x1: {  	s0 =	rddreg [dreg:$0x0];
	s1 =	simm.s32 $0x0;
	s24 =	srdreg.scid  }
0x2: {  	s2 =	stileid.u32;
	s18 =	simm.s32 $0x3;
	s20 =	simm.s32 $0x100  }
0x3: {  	s21 =	simm.s32 $0x10900;
	s22 =	simm.s32 $0x11100;
	s23 =	simm.s32 $0x11900  }
0x4: {  	s28 =	simm.s32 $0x13900;
	[smem:$0x7FF] =	sst s1;
	s4 =	sadd.s32 $0x2CBE00, s0  }
0x5: {  	s29 =	simm.s32 $0x1;
	s5 =	sadd.s32 $0x393E00, s0;
	s6 =	sadd.s32 $0x299600, s0  }
0x6: {  	s30 =	simm.s32 $0x2;
	s7 =	sadd.s32 $0x523E00, s0;
	s9 =	sadd.s32 $0x2CBF00, s0  }
0x7: {  	s1 =	sand.u32 $0x1, s24;
	s10 =	sadd.s32 $0x2CC100, s0;
	s11 =	sadd.s32 $0x2CC200, s0  }
0x8: {  	s2 =	sshll.u32 s2, $0x1;
	s12 =	sadd.s32 $0x2CC000, s0;
	s13 =	sadd.s32 $0x393F00, s0  }
0x9: {  	v0 =	vlaneseq.u32;
	s14 =	sadd.s32 $0x394000, s0;
	s15 =	sadd.s32 $0x394100, s0;
	s3 =	ssub.s32 $0x2, s1  }
0xa: {  	s16 =	sadd.s32 $0x394200, s0;
	s24 =	simm.s32 $0x12100;
	v1 =	vand.u32 $0x7, v0;
	v63 =	vshrl.u32 v0, $0x3;
	s25 =	sshrl.u32 s3, $0x1  }
0xb: {  	v0 =	vor.u32 $0x8, v0;
	_ =	strace $0x80000047;
	s1 =	sor.u32 s1, s2;
	[tilespmem:$0x1FFD0] =	vst v1;
	v1 =	vmul.u32 $0x8, v63;
	s26 =	ssub.s32 s3, s25  }
0xc: {  	[tilespmem:$0x1FFF0] =	vst v0;
	s8 =	smul.u32 $0x1E0, s1;
	s1 =	simm.s32 $0x0;
	s31 =	smax.u32 s26, $0x1  }
0xd: {  	vm0 =	vmmov $0xffff;
	s25 =	simm.s32 $0x12900;
	[tilespmem:$0x1FFE0] =	vst v1;
	s26 =	simm.s32 $0x13100;
	[dreg:$0x3] =	wrdreg s31  }
.LBB2_1:
0xe: {  	[dreg:$0x4] =	wrdreg s1;
	s31 =	simm.s32 $0x0  }
.LBB2_2:
0xf: {  	s0 =	sshll.u32 s31, $0x5  }
0x10: {  	s0 =	sadd.s32 s8, s0  }
0x11: {  	s0 =	sshrl.u32 s0, $0x3  }
0x12: {  	s3 =	simm.s32 $0x0;
	s1 =	sadd.s32 s6, s0  }
0x13: {  	[tilespmem:s3], [sflag:$0x3] =	stream.linear.gather [hbm4b:s1+s3], $0x20, $0x38;
	[tilespmem:$0x14100] =	vst v63  }
0x14: {  	_ =	swait.ge [sflag:s18], $0x20  }
0x15: {  	[sflag:s18] =	ssyncset.done $0x0  }
0x16: {  	[sflag:s18] =	ssyncadd.s32 $0xFFFFFFE0  }
0x17: {  	s19 =	rddreg [dreg:$0x1]  }
0x18: {  	s2 =	simm.s32 $0x80;
	s1 =	sadd.s32 s19, s0  }
0x19: {  	[tilespmem:s2], [sflag:$0x3] =	stream.linear.gather [hbm4b:s1+s3], $0x20, $0x38;
	[tilespmem:$0x14100] =	vst v63  }
0x1a: {  	_ =	swait.ge [sflag:s18], $0x20  }
0x1b: {  	[sflag:s18] =	ssyncset.done $0x0  }
0x1c: {  	[sflag:s18] =	ssyncadd.s32 $0xFFFFFFE0  }
0x1d: {  	v0 =	vld [tilespmem:$0x0];
	_ =	sdelay $0x3  }
0x1e: {  	v2 =	vld [tilespmem:$0x1FFD0]  }
0x1f: {  	v1 =	vshrl.u32 v0, $0x3  }
0x20: {  	v3 =	vld [tilespmem:$0x1FFE0];
	v1 =	vmul.u32 $0x50, v1  }
0x21: {  	v0 =	vand.u32 $0x7, v0  }
0x22: {  	v0 =	vor.u32 v0, v1  }
0x23: {  	v1 =	vperm.xlane v0, v2;
	_ =	sdelay $0x1  }
0x24: {  	v1 =	vadd.s32 v3, v1;
	_ =	sdelay $0x2  }
0x25: {  	v4 =	vld [tilespmem:$0x1FFF0];
	_ =	sdelay $0x1  }
0x26: {  	[tilespmem:s20], [sflag:$0x1] =	stream.indirect_vreg.gather [hbm4b:s4+s3], $0x80, v1, vm0, $0xb8;
	[tilespmem:$0x14100] =	vst v63  }
0x27: {  	s2 =	simm.s32 $0x900  }
0x28: {  	[tilespmem:s2], [sflag:$0x1] =	stream.indirect_vreg.gather [hbm4b:s9+s3], $0x80, v1, vm0, $0xb8;
	[tilespmem:$0x14100] =	vst v63  }
0x29: {  	s17 =	simm.s32 $0x1100;
	v0 =	vperm.xlane v0, v4  }
0x2a: {  	[tilespmem:s17], [sflag:$0x1] =	stream.indirect_vreg.gather [hbm4b:s12+s3], $0x80, v1, vm0, $0xb8;
	[tilespmem:$0x14100] =	vst v63  }
0x2b: {  	s19 =	simm.s32 $0x1900;
	v0 =	vadd.s32 v3, v0  }
0x2c: {  	[tilespmem:s19], [sflag:$0x1] =	stream.indirect_vreg.gather [hbm4b:s10+s3], $0x80, v1, vm0, $0xb8;
	[tilespmem:$0x14100] =	vst v63  }
0x2d: {  	s2 =	simm.s32 $0x2100  }
0x2e: {  	[tilespmem:s2], [sflag:$0x1] =	stream.indirect_vreg.gather [hbm4b:s11+s3], $0x80, v1, vm0, $0xb8;
	[tilespmem:$0x14100] =	vst v63  }
0x2f: {  	s17 =	simm.s32 $0x2900  }
0x30: {  	[tilespmem:s17], [sflag:$0x1] =	stream.indirect_vreg.gather [hbm4b:s4+s3], $0x80, v0, vm0, $0xb8;
	[tilespmem:$0x14100] =	vst v63  }
0x31: {  	s19 =	simm.s32 $0x3100  }
0x32: {  	[tilespmem:s19], [sflag:$0x1] =	stream.indirect_vreg.gather [hbm4b:s9+s3], $0x80, v0, vm0, $0xb8;
	[tilespmem:$0x14100] =	vst v63  }
0x33: {  	s2 =	simm.s32 $0x3900  }
0x34: {  	[tilespmem:s2], [sflag:$0x1] =	stream.indirect_vreg.gather [hbm4b:s12+s3], $0x80, v0, vm0, $0xb8;
	[tilespmem:$0x14100] =	vst v63  }
0x35: {  	s17 =	simm.s32 $0x4100  }
0x36: {  	[tilespmem:s17], [sflag:$0x1] =	stream.indirect_vreg.gather [hbm4b:s10+s3], $0x80, v0, vm0, $0xb8;
	[tilespmem:$0x14100] =	vst v63  }
0x37: {  	s19 =	simm.s32 $0x4900  }
0x38: {  	[tilespmem:s19], [sflag:$0x1] =	stream.indirect_vreg.gather [hbm4b:s11+s3], $0x80, v0, vm0, $0xb8;
	[tilespmem:$0x14100] =	vst v63  }
0x39: {  	v0 =	vld [tilespmem:$0x10];
	_ =	sdelay $0x4  }
0x3a: {  	v1 =	vshrl.u32 v0, $0x3  }
0x3b: {  	v1 =	vmul.u32 $0x50, v1  }
0x3c: {  	v0 =	vand.u32 $0x7, v0  }
0x3d: {  	v0 =	vor.u32 v0, v1  }
0x3e: {  	v1 =	vperm.xlane v0, v2;
	_ =	sdelay $0x1  }
0x3f: {  	v1 =	vadd.s32 v3, v1;
	_ =	sdelay $0x3  }
0x40: {  	s2 =	simm.s32 $0x5100  }
0x41: {  	[tilespmem:s2], [sflag:$0x1] =	stream.indirect_vreg.gather [hbm4b:s4+s3], $0x80, v1, vm0, $0xb8;
	[tilespmem:$0x14100] =	vst v63  }
0x42: {  	s17 =	simm.s32 $0x5900  }
0x43: {  	[tilespmem:s17], [sflag:$0x1] =	stream.indirect_vreg.gather [hbm4b:s9+s3], $0x80, v1, vm0, $0xb8;
	[tilespmem:$0x14100] =	vst v63  }
0x44: {  	s19 =	simm.s32 $0x6100;
	v0 =	vperm.xlane v0, v4  }
0x45: {  	[tilespmem:s19], [sflag:$0x1] =	stream.indirect_vreg.gather [hbm4b:s12+s3], $0x80, v1, vm0, $0xb8;
	[tilespmem:$0x14100] =	vst v63  }
0x46: {  	v0 =	vadd.s32 v3, v0;
	s2 =	simm.s32 $0x6900  }
0x47: {  	[tilespmem:s2], [sflag:$0x1] =	stream.indirect_vreg.gather [hbm4b:s10+s3], $0x80, v1, vm0, $0xb8;
	[tilespmem:$0x14100] =	vst v63  }
0x48: {  	s17 =	simm.s32 $0x7100  }
0x49: {  	[tilespmem:s17], [sflag:$0x1] =	stream.indirect_vreg.gather [hbm4b:s11+s3], $0x80, v1, vm0, $0xb8;
	[tilespmem:$0x14100] =	vst v63  }
0x4a: {  	s19 =	simm.s32 $0x7900  }
0x4b: {  	[tilespmem:s19], [sflag:$0x1] =	stream.indirect_vreg.gather [hbm4b:s4+s3], $0x80, v0, vm0, $0xb8;
	[tilespmem:$0x14100] =	vst v63  }
0x4c: {  	s2 =	simm.s32 $0x8100  }
0x4d: {  	[tilespmem:s2], [sflag:$0x1] =	stream.indirect_vreg.gather [hbm4b:s9+s3], $0x80, v0, vm0, $0xb8;
	[tilespmem:$0x14100] =	vst v63  }
0x4e: {  	s17 =	simm.s32 $0x8900  }
0x4f: {  	[tilespmem:s17], [sflag:$0x1] =	stream.indirect_vreg.gather [hbm4b:s12+s3], $0x80, v0, vm0, $0xb8;
	[tilespmem:$0x14100] =	vst v63  }
0x50: {  	s19 =	simm.s32 $0x9100  }
0x51: {  	[tilespmem:s19], [sflag:$0x1] =	stream.indirect_vreg.gather [hbm4b:s10+s3], $0x80, v0, vm0, $0xb8;
	[tilespmem:$0x14100] =	vst v63  }
0x52: {  	s2 =	simm.s32 $0x9900  }
0x53: {  	[tilespmem:s2], [sflag:$0x1] =	stream.indirect_vreg.gather [hbm4b:s11+s3], $0x80, v0, vm0, $0xb8;
	[tilespmem:$0x14100] =	vst v63  }
0x54: {  	v0 =	vld [tilespmem:$0x80];
	_ =	sdelay $0x4  }
0x55: {  	v1 =	vshrl.u32 v0, $0x3  }
0x56: {  	v1 =	vmul.u32 $0x50, v1  }
0x57: {  	v0 =	vand.u32 $0x7, v0  }
0x58: {  	v0 =	vor.u32 v0, v1  }
0x59: {  	v1 =	vperm.xlane v0, v2;
	_ =	sdelay $0x1  }
0x5a: {  	v1 =	vadd.s32 v3, v1;
	_ =	sdelay $0x3  }
0x5b: {  	s17 =	simm.s32 $0xA100  }
0x5c: {  	[tilespmem:s17], [sflag:$0x2] =	stream.indirect_vreg.gather [hbm4b:s5+s3], $0x80, v1, vm0, $0xb8;
	[tilespmem:$0x14100] =	vst v63  }
0x5d: {  	s19 =	simm.s32 $0xA900  }
0x5e: {  	[tilespmem:s19], [sflag:$0x2] =	stream.indirect_vreg.gather [hbm4b:s13+s3], $0x80, v1, vm0, $0xb8;
	[tilespmem:$0x14100] =	vst v63  }
0x5f: {  	s2 =	simm.s32 $0xB100;
	v0 =	vperm.xlane v0, v4  }
0x60: {  	[tilespmem:s2], [sflag:$0x2] =	stream.indirect_vreg.gather [hbm4b:s14+s3], $0x80, v1, vm0, $0xb8;
	[tilespmem:$0x14100] =	vst v63  }
0x61: {  	v0 =	vadd.s32 v3, v0;
	s17 =	simm.s32 $0xB900  }
0x62: {  	[tilespmem:s17], [sflag:$0x2] =	stream.indirect_vreg.gather [hbm4b:s15+s3], $0x80, v1, vm0, $0xb8;
	[tilespmem:$0x14100] =	vst v63  }
0x63: {  	s19 =	simm.s32 $0xC100  }
0x64: {  	[tilespmem:s19], [sflag:$0x2] =	stream.indirect_vreg.gather [hbm4b:s16+s3], $0x80, v1, vm0, $0xb8;
	[tilespmem:$0x14100] =	vst v63  }
0x65: {  	s2 =	simm.s32 $0xC900  }
0x66: {  	[tilespmem:s2], [sflag:$0x2] =	stream.indirect_vreg.gather [hbm4b:s5+s3], $0x80, v0, vm0, $0xb8;
	[tilespmem:$0x14100] =	vst v63  }
0x67: {  	s17 =	simm.s32 $0xD100  }
0x68: {  	[tilespmem:s17], [sflag:$0x2] =	stream.indirect_vreg.gather [hbm4b:s13+s3], $0x80, v0, vm0, $0xb8;
	[tilespmem:$0x14100] =	vst v63  }
0x69: {  	s19 =	simm.s32 $0xD900  }
0x6a: {  	[tilespmem:s19], [sflag:$0x2] =	stream.indirect_vreg.gather [hbm4b:s14+s3], $0x80, v0, vm0, $0xb8;
	[tilespmem:$0x14100] =	vst v63  }
0x6b: {  	s2 =	simm.s32 $0xE100  }
0x6c: {  	[tilespmem:s2], [sflag:$0x2] =	stream.indirect_vreg.gather [hbm4b:s15+s3], $0x80, v0, vm0, $0xb8;
	[tilespmem:$0x14100] =	vst v63  }
0x6d: {  	s17 =	simm.s32 $0xE900  }
0x6e: {  	[tilespmem:s17], [sflag:$0x2] =	stream.indirect_vreg.gather [hbm4b:s16+s3], $0x80, v0, vm0, $0xb8;
	[tilespmem:$0x14100] =	vst v63  }
0x6f: {  	v0 =	vld [tilespmem:$0x90];
	_ =	sdelay $0x4  }
0x70: {  	v1 =	vshrl.u32 v0, $0x3  }
0x71: {  	v1 =	vmul.u32 $0x50, v1  }
0x72: {  	v0 =	vand.u32 $0x7, v0  }
0x73: {  	v0 =	vor.u32 v0, v1  }
0x74: {  	v1 =	vperm.xlane v0, v2;
	_ =	sdelay $0x1  }
0x75: {  	v1 =	vadd.s32 v3, v1;
	_ =	sdelay $0x3  }
0x76: {  	s19 =	simm.s32 $0xF100  }
0x77: {  	[tilespmem:s19], [sflag:$0x2] =	stream.indirect_vreg.gather [hbm4b:s5+s3], $0x80, v1, vm0, $0xb8;
	[tilespmem:$0x14100] =	vst v63  }
0x78: {  	s2 =	simm.s32 $0xF900  }
0x79: {  	[tilespmem:s2], [sflag:$0x2] =	stream.indirect_vreg.gather [hbm4b:s13+s3], $0x80, v1, vm0, $0xb8;
	[tilespmem:$0x14100] =	vst v63  }
0x7a: {  	s17 =	simm.s32 $0x10100;
	v0 =	vperm.xlane v0, v4  }
0x7b: {  	[tilespmem:s17], [sflag:$0x2] =	stream.indirect_vreg.gather [hbm4b:s14+s3], $0x80, v1, vm0, $0xb8;
	[tilespmem:$0x14100] =	vst v63  }
0x7c: {  	v0 =	vadd.s32 v3, v0  }
0x7d: {  	[tilespmem:s21], [sflag:$0x2] =	stream.indirect_vreg.gather [hbm4b:s15+s3], $0x80, v1, vm0, $0xb8;
	[tilespmem:$0x14100] =	vst v63  }
0x7e: {  	_ = 	snop  }
0x7f: {  	[tilespmem:s22], [sflag:$0x2] =	stream.indirect_vreg.gather [hbm4b:s16+s3], $0x80, v1, vm0, $0xb8;
	[tilespmem:$0x14100] =	vst v63  }
0x80: {  	_ = 	snop  }
0x81: {  	[tilespmem:s23], [sflag:$0x2] =	stream.indirect_vreg.gather [hbm4b:s5+s3], $0x80, v0, vm0, $0xb8;
	[tilespmem:$0x14100] =	vst v63  }
0x82: {  	_ = 	snop  }
0x83: {  	[tilespmem:s24], [sflag:$0x2] =	stream.indirect_vreg.gather [hbm4b:s13+s3], $0x80, v0, vm0, $0xb8;
	[tilespmem:$0x14100] =	vst v63  }
0x84: {  	_ = 	snop  }
0x85: {  	[tilespmem:s25], [sflag:$0x2] =	stream.indirect_vreg.gather [hbm4b:s14+s3], $0x80, v0, vm0, $0xb8;
	[tilespmem:$0x14100] =	vst v63  }
0x86: {  	_ = 	snop  }
0x87: {  	[tilespmem:s26], [sflag:$0x2] =	stream.indirect_vreg.gather [hbm4b:s15+s3], $0x80, v0, vm0, $0xb8;
	[tilespmem:$0x14100] =	vst v63  }
0x88: {  	_ = 	snop  }
0x89: {  	[tilespmem:s28], [sflag:$0x2] =	stream.indirect_vreg.gather [hbm4b:s16+s3], $0x80, v0, vm0, $0xb8;
	[tilespmem:$0x14100] =	vst v63  }
0x8a: {  	_ =	swait.ge [sflag:s29], $0xA000  }
0x8b: {  	[sflag:s29] =	ssyncset.done $0x0  }
0x8c: {  	s19 =	simm.s32 $0x0;
	[sflag:s29] =	ssyncadd.s32 $0xFFFF6000  }
0x8d: {  	s1 =	smul.u32 $0x2800, s19;
	_ =	swait.ge [sflag:s30], $0xA000  }
0x8e: {  	s17 =	sand.u32 $0x380, s3;
	[sflag:s30] =	ssyncset.done $0x0  }
0x8f: {  	s17 =	sor.u32 s17, s1;
	[sflag:s30] =	ssyncadd.s32 $0xFFFF6000  }
0x90: {  	v0 =	vld [tilespmem:s17+$0xB920];
	_ =	sdelay $0x4  }
0x91: {  	[tilespmem:$0x1FE80] =	vst v0;
	v0 =	vld [tilespmem:s17+$0xB930];
	_ =	sdelay $0x4  }
0x92: {  	[tilespmem:$0x1FE90] =	vst v0;
	v0 =	vld [tilespmem:s17+$0xB940];
	_ =	sdelay $0x4  }
0x93: {  	[tilespmem:$0x1FEA0] =	vst v0;
	v0 =	vld [tilespmem:s17+$0xB950];
	_ =	sdelay $0x4  }
0x94: {  	[tilespmem:$0x1FEB0] =	vst v0;
	v0 =	vld [tilespmem:s17+$0xB960];
	_ =	sdelay $0x4  }
0x95: {  	[tilespmem:$0x1FEC0] =	vst v0;
	v0 =	vld [tilespmem:s17+$0xB970];
	_ =	sdelay $0x4  }
0x96: {  	[tilespmem:$0x1FED0] =	vst v0;
	v0 =	vld [tilespmem:s17+$0xBD00];
	_ =	sdelay $0x4  }
0x97: {  	[tilespmem:$0x1FEE0] =	vst v0;
	v0 =	vld [tilespmem:s17+$0xBD10];
	_ =	sdelay $0x4  }
0x98: {  	[tilespmem:$0x1FEF0] =	vst v0;
	v0 =	vld [tilespmem:s17+$0xBD20];
	_ =	sdelay $0x4  }
0x99: {  	[tilespmem:$0x1FF00] =	vst v0;
	v0 =	vld [tilespmem:s17+$0xBD30];
	_ =	sdelay $0x4  }
0x9a: {  	[tilespmem:$0x1FF10] =	vst v0;
	v0 =	vld [tilespmem:s17+$0xBD40];
	_ =	sdelay $0x4  }
0x9b: {  	[tilespmem:$0x1FF20] =	vst v0;
	v0 =	vld [tilespmem:s17+$0xBD50];
	_ =	sdelay $0x2  }
0x9c: {  	v58 =	vld [tilespmem:s17+$0xA100]  }
0x9d: {  	v59 =	vld [tilespmem:s17+$0xA110]  }
0x9e: {  	[tilespmem:$0x1FF30] =	vst v0;
	v0 =	vld [tilespmem:s17+$0xBD60]  }
0x9f: {  	v60 =	vld [tilespmem:s17+$0xA120]  }
0xa0: {  	v61 =	vld [tilespmem:s17+$0xA130]  }
0xa1: {  	v62 =	vld [tilespmem:s17+$0xA140]  }
0xa2: {  	v63 =	vld [tilespmem:s17+$0xA150]  }
0xa3: {  	[tilespmem:$0x1FF40] =	vst v0;
	v0 =	vld [tilespmem:s17+$0xBD70]  }
0xa4: {  	v13 =	vld [tilespmem:s17+$0xA160]  }
0xa5: {  	v14 =	vld [tilespmem:s17+$0xA170]  }
0xa6: {  	v15 =	vld [tilespmem:s17+$0xA500]  }
0xa7: {  	v16 =	vld [tilespmem:s17+$0xA510]  }
0xa8: {  	[tilespmem:$0x1FF50] =	vst v0;
	v0 =	vld [tilespmem:s17+$0xC100]  }
0xa9: {  	v17 =	vld [tilespmem:s17+$0xA520]  }
0xaa: {  	v18 =	vld [tilespmem:s17+$0xA530]  }
0xab: {  	v19 =	vld [tilespmem:s17+$0xA540]  }
0xac: {  	v20 =	vld [tilespmem:s17+$0xA550]  }
0xad: {  	[tilespmem:$0x1FF60] =	vst v0;
	v0 =	vld [tilespmem:s17+$0xC110]  }
0xae: {  	v21 =	vld [tilespmem:s17+$0xA560]  }
0xaf: {  	v22 =	vld [tilespmem:s17+$0xA570]  }
0xb0: {  	v23 =	vld [tilespmem:s17+$0xA900]  }
0xb1: {  	v24 =	vld [tilespmem:s17+$0xA910]  }
0xb2: {  	[tilespmem:$0x1FF70] =	vst v0;
	v0 =	vld [tilespmem:s17+$0xC120]  }
0xb3: {  	v25 =	vld [tilespmem:s17+$0xA920]  }
0xb4: {  	v26 =	vld [tilespmem:s17+$0xA930]  }
0xb5: {  	v27 =	vld [tilespmem:s17+$0xA940]  }
0xb6: {  	v4 =	vld [tilespmem:s17+$0xA950]  }
0xb7: {  	[tilespmem:$0x1FF80] =	vst v0;
	v0 =	vld [tilespmem:s17+$0xC130]  }
0xb8: {  	v57 =	vld [tilespmem:s17+$0xA960]  }
0xb9: {  	v56 =	vld [tilespmem:s17+$0xA970]  }
0xba: {  	v55 =	vld [tilespmem:s17+$0xAD00]  }
0xbb: {  	v54 =	vld [tilespmem:s17+$0xAD10]  }
0xbc: {  	[tilespmem:$0x1FF90] =	vst v0;
	v0 =	vld [tilespmem:s17+$0xC140]  }
0xbd: {  	v53 =	vld [tilespmem:s17+$0xAD20]  }
0xbe: {  	v52 =	vld [tilespmem:s17+$0xAD30]  }
0xbf: {  	v51 =	vld [tilespmem:s17+$0xAD40]  }
0xc0: {  	v50 =	vld [tilespmem:s17+$0xAD50]  }
0xc1: {  	[tilespmem:$0x1FFA0] =	vst v0;
	v0 =	vld [tilespmem:s17+$0xC150]  }
0xc2: {  	v49 =	vld [tilespmem:s17+$0xAD60]  }
0xc3: {  	v48 =	vld [tilespmem:s17+$0xAD70]  }
0xc4: {  	v47 =	vld [tilespmem:s17+$0xB100]  }
0xc5: {  	v46 =	vld [tilespmem:s17+$0xB110]  }
0xc6: {  	[tilespmem:$0x1FFB0] =	vst v0;
	v0 =	vld [tilespmem:s17+$0xC160]  }
0xc7: {  	v45 =	vld [tilespmem:s17+$0xB120]  }
0xc8: {  	v44 =	vld [tilespmem:s17+$0xB130]  }
0xc9: {  	v43 =	vld [tilespmem:s17+$0xB140]  }
0xca: {  	v42 =	vld [tilespmem:s17+$0xB150]  }
0xcb: {  	[tilespmem:$0x1FFC0] =	vst v0;
	v0 =	vld [tilespmem:s17+$0x100]  }
0xcc: {  	v1 =	vld [tilespmem:s17+$0x110]  }
0xcd: {  	v2 =	vld [tilespmem:s17+$0x120]  }
0xce: {  	v3 =	vld [tilespmem:s17+$0x130]  }
0xcf: {  	v12 =	vld [tilespmem:s17+$0x140]  }
0xd0: {  	v0 =	vadd.f32 v58, v0;
	v58 =	vld [tilespmem:s17+$0x150]  }
0xd1: {  	v1 =	vadd.f32 v59, v1;
	v59 =	vld [tilespmem:s17+$0x160]  }
0xd2: {  	[tilespmem:s17+$0x100] =	vst v0;
	v0 =	vadd.f32 v60, v2;
	v2 =	vld [tilespmem:s17+$0x170]  }
0xd3: {  	[tilespmem:s17+$0x110] =	vst v1;
	v1 =	vadd.f32 v61, v3;
	v3 =	vld [tilespmem:s17+$0x500]  }
0xd4: {  	v41 =	vld [tilespmem:s17+$0xB160];
	[tilespmem:s17+$0x120] =	vst v0;
	v0 =	vadd.f32 v62, v12  }
0xd5: {  	[tilespmem:s17+$0x130] =	vst v1;
	v12 =	vld [tilespmem:s17+$0x510];
	v1 =	vadd.f32 v63, v58  }
0xd6: {  	[tilespmem:s17+$0x140] =	vst v0;
	v0 =	vadd.f32 v13, v59;
	v13 =	vld [tilespmem:s17+$0x520]  }
0xd7: {  	[tilespmem:s17+$0x150] =	vst v1;
	v1 =	vadd.f32 v14, v2;
	v2 =	vld [tilespmem:s17+$0x530]  }
0xd8: {  	v40 =	vld [tilespmem:s17+$0xB170];
	[tilespmem:s17+$0x160] =	vst v0;
	v0 =	vadd.f32 v15, v3  }
0xd9: {  	v39 =	vld [tilespmem:s17+$0xB500];
	[tilespmem:s17+$0x170] =	vst v1  }
0xda: {  	v1 =	vadd.f32 v16, v12;
	[tilespmem:s17+$0x500] =	vst v0;
	v0 =	vld [tilespmem:s17+$0x540]  }
0xdb: {  	v38 =	vld [tilespmem:s17+$0xB510];
	v3 =	vadd.f32 v17, v13  }
0xdc: {  	[tilespmem:s17+$0x510] =	vst v1;
	v1 =	vld [tilespmem:s17+$0x550];
	v2 =	vadd.f32 v18, v2  }
0xdd: {  	[tilespmem:s17+$0x520] =	vst v3;
	v3 =	vld [tilespmem:s17+$0x560]  }
0xde: {  	[tilespmem:s17+$0x530] =	vst v2;
	v2 =	vld [tilespmem:s17+$0x570]  }
0xdf: {  	v12 =	vld [tilespmem:s17+$0x900];
	v0 =	vadd.f32 v19, v0  }
0xe0: {  	v13 =	vld [tilespmem:s17+$0x910]  }
0xe1: {  	v1 =	vadd.f32 v20, v1;
	[tilespmem:s17+$0x540] =	vst v0;
	v0 =	vld [tilespmem:s17+$0x930]  }
0xe2: {  	v14 =	vld [tilespmem:s17+$0x920];
	v3 =	vadd.f32 v21, v3  }
0xe3: {  	v37 =	vld [tilespmem:s17+$0xB520];
	[tilespmem:s17+$0x550] =	vst v1;
	v2 =	vadd.f32 v22, v2  }
0xe4: {  	v36 =	vld [tilespmem:s17+$0xB530];
	[tilespmem:s17+$0x560] =	vst v3;
	v3 =	vadd.f32 v23, v12  }
0xe5: {  	v1 =	vld [tilespmem:s17+$0x940];
	[tilespmem:s17+$0x570] =	vst v2;
	v2 =	vadd.f32 v24, v13  }
0xe6: {  	v12 =	vld [tilespmem:s17+$0x950];
	[tilespmem:s17+$0x900] =	vst v3;
	v0 =	vadd.f32 v26, v0  }
0xe7: {  	v3 =	vadd.f32 v25, v14;
	[tilespmem:s17+$0x910] =	vst v2;
	v2 =	vld [tilespmem:s17+$0xD00]  }
0xe8: {  	[tilespmem:s17+$0x930] =	vst v0;
	v0 =	vld [tilespmem:s17+$0x970]  }
0xe9: {  	[tilespmem:s17+$0x920] =	vst v3;
	v3 =	vld [tilespmem:s17+$0x960]  }
0xea: {  	v13 =	vld [tilespmem:s17+$0xD10];
	v1 =	vadd.f32 v27, v1  }
0xeb: {  	v14 =	vld [tilespmem:s17+$0xD20];
	v12 =	vadd.f32 v4, v12  }
0xec: {  	[tilespmem:s17+$0x940] =	vst v1;
	v1 =	vld [tilespmem:s17+$0xD30];
	v2 =	vadd.f32 v55, v2  }
0xed: {  	[tilespmem:s17+$0x950] =	vst v12;
	v12 =	vld [tilespmem:s17+$0xD40];
	v0 =	vadd.f32 v56, v0  }
0xee: {  	v35 =	vld [tilespmem:s17+$0xB540];
	v3 =	vadd.f32 v57, v3;
	[tilespmem:s17+$0xD00] =	vst v2  }
0xef: {  	v34 =	vld [tilespmem:s17+$0xB550];
	[tilespmem:s17+$0x970] =	vst v0;
	v0 =	vadd.f32 v54, v13  }
0xf0: {  	v2 =	vadd.f32 v53, v14;
	[tilespmem:s17+$0x960] =	vst v3;
	v3 =	vld [tilespmem:s17+$0xD50]  }
0xf1: {  	v1 =	vadd.f32 v52, v1;
	[tilespmem:s17+$0xD10] =	vst v0;
	v0 =	vld [tilespmem:s17+$0x1100]  }
0xf2: {  	[tilespmem:s17+$0xD20] =	vst v2;
	v2 =	vld [tilespmem:s17+$0x1110];
	v12 =	vadd.f32 v51, v12  }
0xf3: {  	[tilespmem:s17+$0xD30] =	vst v1;
	v1 =	vld [tilespmem:s17+$0x1120]  }
0xf4: {  	[tilespmem:s17+$0xD40] =	vst v12;
	v12 =	vld [tilespmem:s17+$0x1130]  }
0xf5: {  	v13 =	vld [tilespmem:s17+$0xD60];
	v3 =	vadd.f32 v50, v3  }
0xf6: {  	v33 =	vld [tilespmem:s17+$0xB560];
	v0 =	vadd.f32 v47, v0  }
0xf7: {  	v7 =	vld [tilespmem:s17+$0xB900];
	v2 =	vadd.f32 v46, v2;
	[tilespmem:s17+$0xD50] =	vst v3  }
0xf8: {  	v3 =	vld [tilespmem:s17+$0x1140];
	[tilespmem:s17+$0x1100] =	vst v0;
	v0 =	vadd.f32 v45, v1  }
0xf9: {  	[tilespmem:s17+$0x1110] =	vst v2;
	v2 =	vadd.f32 v44, v12;
	v12 =	vld [tilespmem:s17+$0x1160]  }
0xfa: {  	v13 =	vadd.f32 v49, v13;
	[tilespmem:s17+$0x1120] =	vst v0;
	v0 =	vld [tilespmem:s17+$0x1510]  }
0xfb: {  	v14 =	vld [tilespmem:s17+$0xD70]  }
0xfc: {  	[tilespmem:s17+$0xD60] =	vst v13;
	v13 =	vld [tilespmem:s17+$0x1150]  }
0xfd: {  	v1 =	vld [tilespmem:s17+$0x1500];
	v3 =	vadd.f32 v43, v3  }
0xfe: {  	[tilespmem:s17+$0x1130] =	vst v2;
	v2 =	vld [tilespmem:s17+$0x1520];
	v12 =	vadd.f32 v41, v12  }
0xff: {  	[tilespmem:s17+$0x1140] =	vst v3;
	v3 =	vld [tilespmem:s17+$0x1530];
	v0 =	vadd.f32 v38, v0  }
0x100: {  	[tilespmem:s17+$0x1160] =	vst v12;
	v12 =	vld [tilespmem:s17+$0x1550]  }
0x101: {  	v13 =	vadd.f32 v42, v13;
	[tilespmem:s17+$0x1510] =	vst v0;
	v0 =	vld [tilespmem:s17+$0x1900]  }
0x102: {  	v4 =	vld [tilespmem:$0x1FEA0];
	v1 =	vadd.f32 v39, v1  }
0x103: {  	v14 =	vadd.f32 v48, v14;
	[tilespmem:s17+$0x1150] =	vst v13;
	v13 =	vld [tilespmem:s17+$0x1540]  }
0x104: {  	[tilespmem:s17+$0x1500] =	vst v1;
	v1 =	vadd.f32 v37, v2;
	v2 =	vadd.f32 v36, v3;
	v3 =	vld [tilespmem:s17+$0x1560]  }
0x105: {  	[tilespmem:s17+$0xD70] =	vst v14;
	v14 =	vld [tilespmem:s17+$0x1170];
	v12 =	vadd.f32 v34, v12  }
0x106: {  	[tilespmem:s17+$0x1530] =	vst v2;
	v2 =	vld [tilespmem:s17+$0x1920];
	v0 =	vadd.f32 v7, v0  }
0x107: {  	[tilespmem:s17+$0x1550] =	vst v12;
	v12 =	vld [tilespmem:s17+$0x1940]  }
0x108: {  	v13 =	vadd.f32 v35, v13;
	[tilespmem:s17+$0x1900] =	vst v0;
	v0 =	vld [tilespmem:$0x1FE80]  }
0x109: {  	v3 =	vadd.f32 v33, v3  }
0x10a: {  	[tilespmem:s17+$0x1540] =	vst v13;
	v13 =	vld [tilespmem:s17+$0x1930]  }
0x10b: {  	[tilespmem:s17+$0x1560] =	vst v3;
	v3 =	vld [tilespmem:s17+$0x1950]  }
0x10c: {  	v12 =	vadd.f32 v4, v12;
	v4 =	vld [tilespmem:$0x1FEB0]  }
0x10d: {  	v14 =	vadd.f32 v40, v14;
	v0 =	vadd.f32 v0, v2;
	v2 =	vld [tilespmem:$0x1FE90]  }
0x10e: {  	v8 =	vld [tilespmem:s17+$0xB570]  }
0x10f: {  	[tilespmem:s17+$0x1170] =	vst v14;
	v14 =	vld [tilespmem:s17+$0x1570];
	_ =	sdelay $0x1  }
0x110: {  	v3 =	vadd.f32 v4, v3;
	v4 =	vld [tilespmem:$0x1FEC0]  }
0x111: {  	v2 =	vadd.f32 v2, v13;
	v13 =	vld [tilespmem:s17+$0x1960]  }
0x112: {  	v5 =	vld [tilespmem:s17+$0xB910]  }
0x113: {  	[tilespmem:s17+$0x1520] =	vst v1;
	v1 =	vld [tilespmem:s17+$0x1910];
	v14 =	vadd.f32 v8, v14;
	_ =	sdelay $0x1  }
0x114: {  	[tilespmem:s17+$0x1570] =	vst v14;
	v14 =	vld [tilespmem:s17+$0x1970]  }
0x115: {  	v13 =	vadd.f32 v4, v13;
	v4 =	vld [tilespmem:$0x1FED0];
	_ =	sdelay $0x1  }
0x116: {  	v1 =	vadd.f32 v5, v1;
	_ =	sdelay $0x1  }
0x117: {  	[tilespmem:s17+$0x1910] =	vst v1;
	v1 =	vld [tilespmem:s17+$0x1D00]  }
0x118: {  	v14 =	vadd.f32 v4, v14;
	v4 =	vld [tilespmem:$0x1FEE0];
	_ =	sdelay $0x3  }
0x119: {  	[tilespmem:s17+$0x1920] =	vst v0;
	v0 =	vld [tilespmem:s17+$0x1D10]  }
0x11a: {  	v1 =	vadd.f32 v4, v1;
	v4 =	vld [tilespmem:$0x1FEF0];
	_ =	sdelay $0x1  }
0x11b: {  	[tilespmem:s17+$0x1950] =	vst v3;
	v3 =	vld [tilespmem:s17+$0x1D40]  }
0x11c: {  	[tilespmem:s17+$0x1930] =	vst v2;
	v2 =	vld [tilespmem:s17+$0x1D20]  }
0x11d: {  	[tilespmem:s17+$0x1D00] =	vst v1;
	v1 =	vld [tilespmem:$0x1FF00]  }
0x11e: {  	v0 =	vadd.f32 v4, v0;
	v4 =	vld [tilespmem:$0x1FF20];
	_ =	sdelay $0x1  }
0x11f: {  	[tilespmem:s17+$0x1940] =	vst v12;
	v12 =	vld [tilespmem:s17+$0x1D30]  }
0x120: {  	[tilespmem:s17+$0x1960] =	vst v13;
	v13 =	vld [tilespmem:s17+$0x1D50]  }
0x121: {  	v1 =	vadd.f32 v1, v2;
	v2 =	vld [tilespmem:$0x1FF10]  }
0x122: {  	v3 =	vadd.f32 v4, v3;
	v4 =	vld [tilespmem:$0x1FF30];
	_ =	sdelay $0x3  }
0x123: {  	v2 =	vadd.f32 v2, v12;
	v12 =	vld [tilespmem:s17+$0x1D60]  }
0x124: {  	v13 =	vadd.f32 v4, v13;
	v4 =	vld [tilespmem:$0x1FF40];
	_ =	sdelay $0x3  }
0x125: {  	[tilespmem:s17+$0x1970] =	vst v14;
	v14 =	vld [tilespmem:s17+$0x1D70]  }
0x126: {  	v12 =	vadd.f32 v4, v12;
	v4 =	vld [tilespmem:$0x1FF50];
	_ =	sdelay $0x3  }
0x127: {  	[tilespmem:s17+$0x1D10] =	vst v0;
	v0 =	vld [tilespmem:s17+$0x2100]  }
0x128: {  	v14 =	vadd.f32 v4, v14;
	v4 =	vld [tilespmem:$0x1FF60];
	_ =	sdelay $0x4  }
0x129: {  	v0 =	vadd.f32 v4, v0  }
0x12a: {  	[tilespmem:s17+$0x1D30] =	vst v2;
	v2 =	vld [tilespmem:s17+$0x2120]  }
0x12b: {  	[tilespmem:s17+$0x2100] =	vst v0;
	v0 =	vld [tilespmem:$0x1FF80]  }
0x12c: {  	v11 =	vld [tilespmem:s17+$0xC170]  }
0x12d: {  	v10 =	vld [tilespmem:s17+$0xC500]  }
0x12e: {  	v9 =	vld [tilespmem:s17+$0xC510]  }
0x12f: {  	v32 =	vld [tilespmem:s17+$0xC520]  }
0x130: {  	v31 =	vld [tilespmem:s17+$0xC530];
	v2 =	vadd.f32 v0, v2  }
0x131: {  	[tilespmem:s17+$0x1D50] =	vst v13;
	v13 =	vld [tilespmem:s17+$0x2140]  }
0x132: {  	[tilespmem:s17+$0x2120] =	vst v2;
	v2 =	vld [tilespmem:$0x1FFA0]  }
0x133: {  	[tilespmem:s17+$0x1D20] =	vst v1;
	v1 =	vld [tilespmem:s17+$0x2110]  }
0x134: {  	v4 =	vld [tilespmem:$0x1FF70]  }
0x135: {  	v30 =	vld [tilespmem:s17+$0xC540]  }
0x136: {  	v29 =	vld [tilespmem:s17+$0xC550]  }
0x137: {  	v6 =	vld [tilespmem:s17+$0xC560];
	v2 =	vadd.f32 v2, v13  }
0x138: {  	[tilespmem:s17+$0x1D60] =	vst v12;
	v12 =	vld [tilespmem:s17+$0x2150]  }
0x139: {  	v1 =	vadd.f32 v4, v1;
	[tilespmem:s17+$0x2140] =	vst v2;
	v2 =	vld [tilespmem:$0x1FFB0]  }
0x13a: {  	[tilespmem:s17+$0x1D40] =	vst v3;
	v3 =	vld [tilespmem:s17+$0x2130]  }
0x13b: {  	[tilespmem:s17+$0x2110] =	vst v1;
	v1 =	vld [tilespmem:$0x1FF90]  }
0x13c: {  	v28 =	vld [tilespmem:s17+$0xC570]  }
0x13d: {  	v15 =	vld [tilespmem:s17+$0x2160]  }
0x13e: {  	[tilespmem:s17+$0x1D70] =	vst v14;
	v14 =	vadd.f32 v2, v12;
	v2 =	vld [tilespmem:$0x1FFC0]  }
0x13f: {  	v0 =	vld [tilespmem:s17+$0x2500]  }
0x140: {  	v3 =	vadd.f32 v1, v3;
	v13 =	vld [tilespmem:s17+$0x2170]  }
0x141: {  	v1 =	vld [tilespmem:s17+$0x2510]  }
0x142: {  	[tilespmem:s17+$0x2130] =	vst v3;
	v3 =	vld [tilespmem:s17+$0x2520]  }
0x143: {  	s1 =	simm.s32 $0x1;
	v12 =	vadd.f32 v2, v15;
	v2 =	vld [tilespmem:s17+$0x2530]  }
.LBB2_3:
0x144: {  	_ = 	snop  }
0x145: {  	s2 =	sshrl.u32 s1, $0x3;
	[tilespmem:s17+$0x2150] =	vst v14;
	v11 =	vadd.f32 v11, v13;
	v13 =	vld [tilespmem:s17+$0x2540]  }
0x146: {  	s3 =	sadd.s32 $0x80, s3;
	s2 =	smul.u32 $0x2800, s2;
	[tilespmem:s17+$0x2160] =	vst v12;
	v0 =	vadd.f32 v10, v0;
	v10 =	vld [tilespmem:s17+$0x2550]  }
0x147: {  	s19 =	sand.u32 $0x380, s3;
	v1 =	vadd.f32 v9, v1;
	v9 =	vld [tilespmem:s17+$0x2560];
	[tilespmem:s17+$0x2170] =	vst v11  }
0x148: {  	s2 =	sor.u32 s19, s2;
	[tilespmem:s17+$0x2500] =	vst v0;
	v0 =	vadd.f32 v32, v3;
	v3 =	vld [tilespmem:s17+$0x2570]  }
0x149: {  	v19 =	vld [tilespmem:s2+$0xA100];
	[tilespmem:s17+$0x2510] =	vst v1;
	v1 =	vadd.f32 v31, v2  }
0x14a: {  	v22 =	vld [tilespmem:s2+$0xA110];
	[tilespmem:s17+$0x2520] =	vst v0;
	v0 =	vadd.f32 v30, v13  }
0x14b: {  	v23 =	vld [tilespmem:s2+$0xA120];
	[tilespmem:s17+$0x2530] =	vst v1;
	v1 =	vadd.f32 v29, v10  }
0x14c: {  	v24 =	vld [tilespmem:s2+$0xA130];
	[tilespmem:s17+$0x2540] =	vst v0;
	v0 =	vadd.f32 v6, v9  }
0x14d: {  	v25 =	vld [tilespmem:s2+$0xA140];
	[tilespmem:s17+$0x2550] =	vst v1;
	v1 =	vadd.f32 v28, v3  }
0x14e: {  	v26 =	vld [tilespmem:s2+$0xA150];
	[tilespmem:s17+$0x2560] =	vst v0  }
0x14f: {  	v20 =	vld [tilespmem:s2+$0xA160];
	[tilespmem:s17+$0x2570] =	vst v1;
	s17 =	smov.u32 s2  }
0x150: {  	v4 =	vld [tilespmem:s17+$0xB920];
	_ =	sdelay $0x4  }
0x151: {  	[tilespmem:$0x1FD30] =	vst v4;
	v4 =	vld [tilespmem:s17+$0xB930];
	_ =	sdelay $0x4  }
0x152: {  	[tilespmem:$0x1FD40] =	vst v4;
	v4 =	vld [tilespmem:s17+$0xB940];
	_ =	sdelay $0x4  }
0x153: {  	[tilespmem:$0x1FD50] =	vst v4;
	v4 =	vld [tilespmem:s17+$0xB950];
	_ =	sdelay $0x4  }
0x154: {  	[tilespmem:$0x1FD60] =	vst v4;
	v4 =	vld [tilespmem:s17+$0xB960];
	_ =	sdelay $0x4  }
0x155: {  	[tilespmem:$0x1FD70] =	vst v4;
	v4 =	vld [tilespmem:s17+$0xB970];
	_ =	sdelay $0x4  }
0x156: {  	[tilespmem:$0x1FD80] =	vst v4;
	v4 =	vld [tilespmem:s17+$0xBD00];
	_ =	sdelay $0x4  }
0x157: {  	[tilespmem:$0x1FD90] =	vst v4;
	v4 =	vld [tilespmem:s17+$0xBD10];
	_ =	sdelay $0x4  }
0x158: {  	[tilespmem:$0x1FDA0] =	vst v4;
	v4 =	vld [tilespmem:s17+$0xBD20];
	_ =	sdelay $0x4  }
0x159: {  	[tilespmem:$0x1FDB0] =	vst v4;
	v4 =	vld [tilespmem:s17+$0xBD30];
	_ =	sdelay $0x4  }
0x15a: {  	[tilespmem:$0x1FDC0] =	vst v4;
	v4 =	vld [tilespmem:s17+$0xBD40];
	_ =	sdelay $0x3  }
0x15b: {  	v21 =	vld [tilespmem:s17+$0xA170]  }
0x15c: {  	[tilespmem:$0x1FDD0] =	vst v4;
	v4 =	vld [tilespmem:s17+$0xBD50]  }
0x15d: {  	v18 =	vld [tilespmem:s17+$0xA500]  }
0x15e: {  	v17 =	vld [tilespmem:s17+$0xA510]  }
0x15f: {  	v16 =	vld [tilespmem:s17+$0xA520]  }
0x160: {  	v15 =	vld [tilespmem:s17+$0xA530]  }
0x161: {  	[tilespmem:$0x1FDE0] =	vst v4;
	v4 =	vld [tilespmem:s17+$0xBD60]  }
0x162: {  	v14 =	vld [tilespmem:s17+$0xA540]  }
0x163: {  	v13 =	vld [tilespmem:s17+$0xA550]  }
0x164: {  	v12 =	vld [tilespmem:s17+$0xA560]  }
0x165: {  	v3 =	vld [tilespmem:s17+$0xA570]  }
0x166: {  	[tilespmem:$0x1FDF0] =	vst v4;
	v4 =	vld [tilespmem:s17+$0xBD70]  }
0x167: {  	v1 =	vld [tilespmem:s17+$0xA900]  }
0x168: {  	v2 =	vld [tilespmem:s17+$0xA910]  }
0x169: {  	v0 =	vld [tilespmem:s17+$0xA920]  }
0x16a: {  	v63 =	vld [tilespmem:s17+$0xA930]  }
0x16b: {  	[tilespmem:$0x1FE00] =	vst v4;
	v4 =	vld [tilespmem:s17+$0xC100]  }
0x16c: {  	v62 =	vld [tilespmem:s17+$0xA940]  }
0x16d: {  	v61 =	vld [tilespmem:s17+$0xA950]  }
0x16e: {  	v60 =	vld [tilespmem:s17+$0xA960]  }
0x16f: {  	v59 =	vld [tilespmem:s17+$0xA970]  }
0x170: {  	[tilespmem:$0x1FE10] =	vst v4;
	v4 =	vld [tilespmem:s17+$0xC110]  }
0x171: {  	v58 =	vld [tilespmem:s17+$0xAD00]  }
0x172: {  	v57 =	vld [tilespmem:s17+$0xAD10]  }
0x173: {  	v56 =	vld [tilespmem:s17+$0xAD20]  }
0x174: {  	v55 =	vld [tilespmem:s17+$0xAD30]  }
0x175: {  	[tilespmem:$0x1FE20] =	vst v4;
	v4 =	vld [tilespmem:s17+$0xC120]  }
0x176: {  	v54 =	vld [tilespmem:s17+$0xAD40]  }
0x177: {  	v53 =	vld [tilespmem:s17+$0xAD50]  }
0x178: {  	v52 =	vld [tilespmem:s17+$0xAD60]  }
0x179: {  	v51 =	vld [tilespmem:s17+$0xAD70]  }
0x17a: {  	[tilespmem:$0x1FE30] =	vst v4;
	v4 =	vld [tilespmem:s17+$0xC130]  }
0x17b: {  	v50 =	vld [tilespmem:s17+$0xB100]  }
0x17c: {  	v49 =	vld [tilespmem:s17+$0xB110]  }
0x17d: {  	v48 =	vld [tilespmem:s17+$0xB120]  }
0x17e: {  	v47 =	vld [tilespmem:s17+$0xB130]  }
0x17f: {  	[tilespmem:$0x1FE40] =	vst v4;
	v4 =	vld [tilespmem:s17+$0xC140]  }
0x180: {  	v46 =	vld [tilespmem:s17+$0xB140]  }
0x181: {  	v45 =	vld [tilespmem:s17+$0xB150]  }
0x182: {  	v44 =	vld [tilespmem:s17+$0xB160]  }
0x183: {  	v43 =	vld [tilespmem:s17+$0xB170]  }
0x184: {  	[tilespmem:$0x1FE50] =	vst v4;
	v4 =	vld [tilespmem:s17+$0xC150]  }
0x185: {  	v42 =	vld [tilespmem:s17+$0xB500]  }
0x186: {  	v41 =	vld [tilespmem:s17+$0xB510]  }
0x187: {  	v40 =	vld [tilespmem:s17+$0xB520]  }
0x188: {  	v39 =	vld [tilespmem:s17+$0xB530]  }
0x189: {  	[tilespmem:$0x1FE60] =	vst v4;
	v4 =	vld [tilespmem:s17+$0xC160]  }
0x18a: {  	v38 =	vld [tilespmem:s17+$0xB540]  }
0x18b: {  	v37 =	vld [tilespmem:s17+$0xB550]  }
0x18c: {  	v27 =	vld [tilespmem:s17+$0x100]  }
0x18d: {  	v28 =	vld [tilespmem:s17+$0x110]  }
0x18e: {  	[tilespmem:$0x1FE70] =	vst v4;
	v4 =	vld [tilespmem:s17+$0x120]  }
0x18f: {  	v29 =	vld [tilespmem:s17+$0x130]  }
0x190: {  	v5 =	vld [tilespmem:s17+$0x140]  }
0x191: {  	v19 =	vadd.f32 v19, v27;
	v27 =	vld [tilespmem:s17+$0x150]  }
0x192: {  	v22 =	vadd.f32 v22, v28;
	v28 =	vld [tilespmem:s17+$0x160]  }
0x193: {  	[tilespmem:s17+$0x100] =	vst v19;
	v19 =	vld [tilespmem:s17+$0x170];
	v4 =	vadd.f32 v23, v4  }
0x194: {  	v24 =	vadd.f32 v24, v29;
	v23 =	vld [tilespmem:s17+$0x500]  }
0x195: {  	[tilespmem:s17+$0x120] =	vst v4;
	v4 =	vadd.f32 v25, v5;
	v5 =	vld [tilespmem:s17+$0x510]  }
0x196: {  	[tilespmem:s17+$0x130] =	vst v24;
	v24 =	vld [tilespmem:s17+$0x520]  }
0x197: {  	[tilespmem:s17+$0x140] =	vst v4;
	v4 =	vadd.f32 v20, v28;
	v20 =	vld [tilespmem:s17+$0x530]  }
0x198: {  	v19 =	vadd.f32 v21, v19;
	v21 =	vld [tilespmem:s17+$0x540]  }
0x199: {  	[tilespmem:s17+$0x160] =	vst v4;
	v4 =	vadd.f32 v18, v23;
	v23 =	vld [tilespmem:s17+$0x550]  }
0x19a: {  	[tilespmem:s17+$0x110] =	vst v22;
	v25 =	vld [tilespmem:s17+$0x560];
	v5 =	vadd.f32 v17, v5  }
0x19b: {  	v22 =	vadd.f32 v26, v27;
	v26 =	vld [tilespmem:s17+$0x570];
	[tilespmem:s17+$0x500] =	vst v4;
	v4 =	vadd.f32 v16, v24  }
0x19c: {  	[tilespmem:s17+$0x510] =	vst v5;
	v5 =	vadd.f32 v15, v20;
	v15 =	vld [tilespmem:s17+$0x900]  }
0x19d: {  	[tilespmem:s17+$0x520] =	vst v4;
	v4 =	vadd.f32 v14, v21;
	v14 =	vld [tilespmem:s17+$0x910]  }
0x19e: {  	[tilespmem:s17+$0x530] =	vst v5;
	v5 =	vadd.f32 v13, v23;
	v13 =	vld [tilespmem:s17+$0x920]  }
0x19f: {  	[tilespmem:s17+$0x540] =	vst v4;
	v4 =	vadd.f32 v12, v25;
	v12 =	vld [tilespmem:s17+$0x930]  }
0x1a0: {  	v3 =	vadd.f32 v3, v26;
	[tilespmem:s17+$0x550] =	vst v5;
	v5 =	vld [tilespmem:s17+$0x940]  }
0x1a1: {  	[tilespmem:s17+$0x560] =	vst v4;
	v1 =	vadd.f32 v1, v15;
	v4 =	vld [tilespmem:s17+$0x950]  }
0x1a2: {  	[tilespmem:s17+$0x570] =	vst v3;
	v3 =	vld [tilespmem:s17+$0x960];
	v2 =	vadd.f32 v2, v14  }
0x1a3: {  	[tilespmem:s17+$0x900] =	vst v1;
	v0 =	vadd.f32 v0, v13;
	v1 =	vld [tilespmem:s17+$0x970]  }
0x1a4: {  	[tilespmem:s17+$0x910] =	vst v2;
	v2 =	vadd.f32 v63, v12;
	v12 =	vld [tilespmem:s17+$0xD00]  }
0x1a5: {  	[tilespmem:s17+$0x920] =	vst v0;
	v0 =	vadd.f32 v62, v5;
	v5 =	vld [tilespmem:s17+$0xD10]  }
0x1a6: {  	[tilespmem:s17+$0x930] =	vst v2;
	v2 =	vadd.f32 v61, v4;
	v4 =	vld [tilespmem:s17+$0xD20]  }
0x1a7: {  	[tilespmem:s17+$0x940] =	vst v0;
	v0 =	vadd.f32 v60, v3;
	v3 =	vld [tilespmem:s17+$0xD30]  }
0x1a8: {  	[tilespmem:s17+$0x950] =	vst v2;
	v1 =	vadd.f32 v59, v1;
	v2 =	vld [tilespmem:s17+$0xD40]  }
0x1a9: {  	[tilespmem:s17+$0x960] =	vst v0;
	v0 =	vadd.f32 v58, v12;
	v12 =	vld [tilespmem:s17+$0xD50]  }
0x1aa: {  	[tilespmem:s17+$0x970] =	vst v1;
	v1 =	vadd.f32 v57, v5;
	v5 =	vld [tilespmem:s17+$0xD60]  }
0x1ab: {  	[tilespmem:s17+$0xD00] =	vst v0;
	v0 =	vadd.f32 v56, v4;
	v4 =	vld [tilespmem:s17+$0xD70]  }
0x1ac: {  	[tilespmem:s17+$0xD10] =	vst v1;
	v1 =	vadd.f32 v55, v3;
	v3 =	vld [tilespmem:s17+$0x1100]  }
0x1ad: {  	[tilespmem:s17+$0xD20] =	vst v0;
	v0 =	vadd.f32 v54, v2;
	v2 =	vld [tilespmem:s17+$0x1110]  }
0x1ae: {  	[tilespmem:s17+$0xD30] =	vst v1;
	v1 =	vadd.f32 v53, v12;
	v12 =	vld [tilespmem:s17+$0x1120]  }
0x1af: {  	[tilespmem:s17+$0xD40] =	vst v0;
	v0 =	vadd.f32 v52, v5;
	v5 =	vld [tilespmem:s17+$0x1130]  }
0x1b0: {  	[tilespmem:s17+$0xD50] =	vst v1;
	v1 =	vadd.f32 v51, v4;
	v4 =	vld [tilespmem:s17+$0x1140]  }
0x1b1: {  	[tilespmem:s17+$0xD60] =	vst v0;
	v0 =	vadd.f32 v50, v3;
	v3 =	vld [tilespmem:s17+$0x1150]  }
0x1b2: {  	[tilespmem:s17+$0xD70] =	vst v1;
	v1 =	vadd.f32 v49, v2;
	v2 =	vld [tilespmem:s17+$0x1160]  }
0x1b3: {  	[tilespmem:s17+$0x1100] =	vst v0;
	v0 =	vadd.f32 v48, v12;
	v12 =	vld [tilespmem:s17+$0x1170]  }
0x1b4: {  	[tilespmem:s17+$0x1110] =	vst v1;
	v1 =	vadd.f32 v47, v5;
	v5 =	vld [tilespmem:s17+$0x1500]  }
0x1b5: {  	[tilespmem:s17+$0x1120] =	vst v0;
	v0 =	vadd.f32 v46, v4;
	v4 =	vld [tilespmem:s17+$0x1510]  }
0x1b6: {  	[tilespmem:s17+$0x1130] =	vst v1;
	v1 =	vadd.f32 v45, v3;
	v3 =	vld [tilespmem:s17+$0x1520]  }
0x1b7: {  	[tilespmem:s17+$0x1140] =	vst v0;
	v0 =	vadd.f32 v44, v2;
	v2 =	vld [tilespmem:s17+$0x1530]  }
0x1b8: {  	[tilespmem:s17+$0x1150] =	vst v1;
	v1 =	vadd.f32 v43, v12;
	v12 =	vld [tilespmem:s17+$0x1540]  }
0x1b9: {  	v36 =	vld [tilespmem:s17+$0xB560];
	[tilespmem:s17+$0x1160] =	vst v0;
	v0 =	vadd.f32 v42, v5  }
0x1ba: {  	[tilespmem:s17+$0x1170] =	vst v1;
	v1 =	vadd.f32 v41, v4;
	v4 =	vld [tilespmem:s17+$0x1560]  }
0x1bb: {  	v34 =	vld [tilespmem:s17+$0xB900];
	[tilespmem:s17+$0x1500] =	vst v0;
	v0 =	vadd.f32 v40, v3  }
0x1bc: {  	[tilespmem:s17+$0x1510] =	vst v1;
	v1 =	vadd.f32 v39, v2;
	v2 =	vld [tilespmem:s17+$0x1900]  }
0x1bd: {  	v5 =	vld [tilespmem:s17+$0x1550];
	[tilespmem:s17+$0x1520] =	vst v0;
	v0 =	vadd.f32 v38, v12  }
0x1be: {  	v35 =	vld [tilespmem:s17+$0xB570]  }
0x1bf: {  	v33 =	vld [tilespmem:s17+$0xB910];
	[tilespmem:s17+$0x1540] =	vst v0;
	v0 =	vadd.f32 v36, v4  }
0x1c0: {  	v3 =	vld [tilespmem:s17+$0x1570]  }
0x1c1: {  	v12 =	vld [tilespmem:s17+$0x1910];
	[tilespmem:s17+$0x1560] =	vst v0;
	v0 =	vadd.f32 v34, v2  }
0x1c2: {  	[tilespmem:s17+$0x1530] =	vst v1;
	v1 =	vadd.f32 v37, v5;
	v5 =	vld [tilespmem:s17+$0x1920]  }
0x1c3: {  	[tilespmem:s17+$0x1900] =	vst v0;
	v0 =	vld [tilespmem:$0x1FD30];
	_ =	sdelay $0x1  }
0x1c4: {  	[tilespmem:s17+$0x1550] =	vst v1;
	v1 =	vadd.f32 v35, v3;
	_ =	sdelay $0x1  }
0x1c5: {  	v4 =	vld [tilespmem:s17+$0x1930];
	[tilespmem:s17+$0x1570] =	vst v1;
	v1 =	vadd.f32 v33, v12  }
0x1c6: {  	v3 =	vld [tilespmem:s17+$0x1940];
	v0 =	vadd.f32 v0, v5  }
0x1c7: {  	[tilespmem:s17+$0x1910] =	vst v1;
	v1 =	vld [tilespmem:$0x1FD40]  }
0x1c8: {  	[tilespmem:s17+$0x1920] =	vst v0;
	v0 =	vld [tilespmem:$0x1FD50];
	_ =	sdelay $0x3  }
0x1c9: {  	v2 =	vld [tilespmem:s17+$0x1950];
	v1 =	vadd.f32 v1, v4  }
0x1ca: {  	v12 =	vld [tilespmem:s17+$0x1960];
	v0 =	vadd.f32 v0, v3  }
0x1cb: {  	[tilespmem:s17+$0x1930] =	vst v1;
	v1 =	vld [tilespmem:$0x1FD60]  }
0x1cc: {  	[tilespmem:s17+$0x1940] =	vst v0;
	v0 =	vld [tilespmem:$0x1FD70];
	_ =	sdelay $0x3  }
0x1cd: {  	v5 =	vld [tilespmem:s17+$0x1970];
	v1 =	vadd.f32 v1, v2  }
0x1ce: {  	v4 =	vld [tilespmem:s17+$0x1D00];
	v0 =	vadd.f32 v0, v12  }
0x1cf: {  	[tilespmem:s17+$0x1950] =	vst v1;
	v1 =	vld [tilespmem:$0x1FD80]  }
0x1d0: {  	[tilespmem:s17+$0x1960] =	vst v0;
	v0 =	vld [tilespmem:$0x1FD90];
	_ =	sdelay $0x3  }
0x1d1: {  	v3 =	vld [tilespmem:s17+$0x1D10];
	v1 =	vadd.f32 v1, v5  }
0x1d2: {  	v2 =	vld [tilespmem:s17+$0x1D20];
	v0 =	vadd.f32 v0, v4  }
0x1d3: {  	[tilespmem:s17+$0x1970] =	vst v1;
	v1 =	vld [tilespmem:$0x1FDA0]  }
0x1d4: {  	[tilespmem:s17+$0x1D00] =	vst v0;
	v0 =	vld [tilespmem:$0x1FDB0];
	_ =	sdelay $0x3  }
0x1d5: {  	v12 =	vld [tilespmem:s17+$0x1D30];
	v1 =	vadd.f32 v1, v3  }
0x1d6: {  	v5 =	vld [tilespmem:s17+$0x1D40];
	v0 =	vadd.f32 v0, v2  }
0x1d7: {  	[tilespmem:s17+$0x1D10] =	vst v1;
	v1 =	vld [tilespmem:$0x1FDC0]  }
0x1d8: {  	[tilespmem:s17+$0x1D20] =	vst v0;
	v0 =	vld [tilespmem:$0x1FDD0];
	_ =	sdelay $0x3  }
0x1d9: {  	v4 =	vld [tilespmem:s17+$0x1D50];
	v1 =	vadd.f32 v1, v12  }
0x1da: {  	v3 =	vld [tilespmem:s17+$0x1D60];
	v0 =	vadd.f32 v0, v5  }
0x1db: {  	[tilespmem:s17+$0x1D30] =	vst v1;
	v1 =	vld [tilespmem:$0x1FDE0]  }
0x1dc: {  	[tilespmem:s17+$0x1D40] =	vst v0;
	v0 =	vld [tilespmem:$0x1FDF0];
	_ =	sdelay $0x2  }
0x1dd: {  	v11 =	vld [tilespmem:s17+$0xC170]  }
0x1de: {  	v2 =	vld [tilespmem:s17+$0x1D70];
	v1 =	vadd.f32 v1, v4  }
0x1df: {  	v12 =	vld [tilespmem:s17+$0x2100];
	v0 =	vadd.f32 v0, v3  }
0x1e0: {  	[tilespmem:s17+$0x1D50] =	vst v1;
	v1 =	vld [tilespmem:$0x1FE00]  }
0x1e1: {  	[tilespmem:s17+$0x1D60] =	vst v0;
	v0 =	vld [tilespmem:$0x1FE10]  }
0x1e2: {  	v10 =	vld [tilespmem:s17+$0xC500]  }
0x1e3: {  	v9 =	vld [tilespmem:s17+$0xC510]  }
0x1e4: {  	v32 =	vld [tilespmem:s17+$0xC520]  }
0x1e5: {  	v5 =	vld [tilespmem:s17+$0x2110];
	v1 =	vadd.f32 v1, v2  }
0x1e6: {  	v4 =	vld [tilespmem:s17+$0x2120];
	v0 =	vadd.f32 v0, v12  }
0x1e7: {  	[tilespmem:s17+$0x1D70] =	vst v1;
	v1 =	vld [tilespmem:$0x1FE20]  }
0x1e8: {  	[tilespmem:s17+$0x2100] =	vst v0;
	v0 =	vld [tilespmem:$0x1FE30]  }
0x1e9: {  	v8 =	vld [tilespmem:s17+$0xC530]  }
0x1ea: {  	v31 =	vld [tilespmem:s17+$0xC540]  }
0x1eb: {  	v3 =	vld [tilespmem:s17+$0x2130]  }
0x1ec: {  	v2 =	vld [tilespmem:s17+$0x2140];
	v1 =	vadd.f32 v1, v5  }
0x1ed: {  	v4 =	vadd.f32 v0, v4;
	v0 =	vld [tilespmem:$0x1FE40]  }
0x1ee: {  	[tilespmem:s17+$0x2110] =	vst v1;
	v1 =	vld [tilespmem:$0x1FE50]  }
0x1ef: {  	v7 =	vld [tilespmem:s17+$0xC550]  }
0x1f0: {  	v30 =	vld [tilespmem:s17+$0xC560]  }
0x1f1: {  	v6 =	vld [tilespmem:s17+$0xC570]  }
0x1f2: {  	v12 =	vld [tilespmem:s17+$0x2150];
	v3 =	vadd.f32 v0, v3  }
0x1f3: {  	v5 =	vld [tilespmem:s17+$0x2160];
	v2 =	vadd.f32 v1, v2  }
0x1f4: {  	[tilespmem:s17+$0x2130] =	vst v3;
	v3 =	vld [tilespmem:$0x1FE60]  }
0x1f5: {  	p0 =	sne.s32 s1, $0x1F;
	[tilespmem:s17+$0x2140] =	vst v2;
	v2 =	vld [tilespmem:$0x1FE70]  }
.Ltmp0:
0x1f6: {  	v13 =	vld [tilespmem:s17+$0x2170];
	(pc) =	sbr.rel @p0 .LBB2_3-.Ltmp0, $4  }
0x1f7: {  	v1 =	vld [tilespmem:s17+$0x2510]  }
0x1f8: {  	[tilespmem:s17+$0x150] =	vst v22;
	v0 =	vld [tilespmem:s17+$0x2500]  }
0x1f9: {  	v29 =	vmov v7;
	[tilespmem:s17+$0x170] =	vst v19;
	v14 =	vadd.f32 v3, v12;
	v3 =	vld [tilespmem:s17+$0x2520]  }
0x1fa: {  	s1 =	sadd.s32 $0x1, s1;
	v28 =	vmovc v6;
	v6 =	vmovc v30;
	v30 =	vmov v31;
	v31 =	vmov v8;
	[tilespmem:s17+$0x2120] =	vst v4;
	v12 =	vadd.f32 v2, v5;
	v2 =	vld [tilespmem:s17+$0x2530]  }
0x1fb: {  	[tilespmem:s17+$0x2150] =	vst v14;
	v4 =	vld [tilespmem:s17+$0x2540];
	v5 =	vadd.f32 v11, v13  }
0x1fc: {  	v55 =	vld [tilespmem:s17+$0x2550];
	[tilespmem:s17+$0x2160] =	vst v12;
	v1 =	vadd.f32 v9, v1  }
0x1fd: {  	v56 =	vld [tilespmem:s17+$0x2560];
	v0 =	vadd.f32 v10, v0;
	[tilespmem:s17+$0x2170] =	vst v5  }
0x1fe: {  	v58 =	vld [tilespmem:s17+$0x2570];
	v57 =	vadd.f32 v32, v3;
	[tilespmem:s17+$0x2510] =	vst v1  }
0x1ff: {  	[tilespmem:s17+$0x2500] =	vst v0;
	v59 =	vadd.f32 v31, v2  }
0x200: {  	[tilespmem:s17+$0x2520] =	vst v57;
	v60 =	vadd.f32 v30, v4  }
0x201: {  	v61 =	vadd.f32 v29, v55;
	[tilespmem:s17+$0x2530] =	vst v59  }
0x202: {  	v62 =	vadd.f32 v6, v56;
	[tilespmem:s17+$0x2540] =	vst v60  }
0x203: {  	s0 =	smul.u32 $0x500, s0;
	s31 =	sadd.s32 $0x1, s31;
	v63 =	vadd.f32 v28, v58;
	[tilespmem:s17+$0x2550] =	vst v61  }
0x204: {  	p0 =	sne.s32 s31, $0xF;
	[tilespmem:s17+$0x2560] =	vst v62  }
.Ltmp1:
0x205: {  	s1 =	simm.s32 $0x0;
	s0 =	sadd.s32 s7, s0;
	[tilespmem:s17+$0x2570] =	vst v63;
	(pc) =	sbr.rel @p0 .LBB2_2-.Ltmp1, $4  }
0x206: {  	[hbm4b:s0+s1] =	stream.linear.scatter [tilespmem:s20], [sflag:$0x3], $0xA000, $0x38;
	[tilespmem:$0x14100] =	vst v63  }
0x207: {  	_ =	swait.ge [sflag:s18], $0xA000  }
0x208: {  	[sflag:s18] =	ssyncset.done $0x0  }
0x209: {  	[sflag:s18] =	ssyncadd.s32 $0xFFFF6000  }
0x20a: {  	s1 =	rddreg [dreg:$0x4]  }
0x20b: {  	s0 =	rddreg [dreg:$0x3];
	s1 =	sadd.s32 $0x1, s1  }
0x20c: {  	p0 =	sne.s32 s1, s0  }
.Ltmp2:
0x20d: {  	_ = 	snop;
	(pc) =	sbr.rel @p0 .LBB2_1-.Ltmp2, $1  }
0x20e: {  	_ =	sdelay $0x3  }
0x20f: {  	_ =	sfence.sel $0x180000  }
0x210: {  	[bflag:$0x0] =	sbarrier.arrive $0xFFFF  }
0x211: {  	_ =	strace $0x90000047  }
0x212: {  	s0 =	stileid.u32;
	[bflag:$0x2] =	sbarrier.arrive $0xFFFF  }
0x213: {  	p0 =	sne.s32 s0, $0x0;
	s0 =	rddreg [dreg:$0x2]  }
0x214: {  	s0 =	sadd.s32 @!p0 $0x100000, s0  }
0x215: {  	[sflag:s0] =	ssyncadd.tile.s32 @!p0 $0x1;
	_ =	shalt  }
.Lfunc_end2:
_tile_overlayer_lowered:
.L_overlay_start_2:
0x216: {  	(tag) =	ssettag $0x2  }
0x217: {  	s0 =	rddreg [dreg:$0x0];
	s2 =	stileid.u32  }
0x218: {  	s1 =	rddreg [dreg:$0x1];
	p0 =	sne.s32 s2, $0x0  }
0x219: {  	s3 =	rddreg [dreg:$0x2];
	[bflag:$0x3] =	sbarrier.arrive $0xFFFF;
	s2 =	simm.s32 @!p0 $0x1C03  }
0x21a: {  	[timem:s3], [sflag:s2] =	dma.local @!p0 [hbm:s0], s1  }
0x21b: {  	s0 =	simm.s32 @!p0 $0x3  }
0x21c: {  	_ =	swait.ge @!p0 [sflag:s0], s1  }
0x21d: {  	s1 =	ssub.s32 @!p0 $0x0, s1;
	[sflag:s0] =	ssyncset.done @!p0 $0x0  }
0x21e: {  	[sflag:s0] =	ssyncadd.s32 @!p0 s1  }
0x21f: {  	[bflag:$0x3] =	sbarrier.arrive $0xFFFF  }
0x220: {  	_ =	shalt  }

// kernel: kernel.14.cloned.1.call-start
scs
__scs_entry_jumppad:
0x0: {  	(pc) =	sbr.rel $0x88, $3  }
0x1: {  	(tag) =	ssettag $0x0;
	lr =	simm.s32 $0x1  }
0x2: {  	[smem:$0x3F73] =	sst lr;
	_ =	strace $0xD0000000  }
0x3: {  	_ = 	snop  }
0x4: {  	_ = 	snop  }
0x5: {  	_ = 	snop  }
0x6: {  	_ = 	snop  }
0x7: {  	_ = 	snop  }
__scs_overlays_trampoline_lowered:
0x8: {  	[smem:$0x3F82] =	sst s0  }
0x9: {  	[smem:$0x3F83] =	sst s1  }
0xa: {  	[smem:$0x3F84] =	sst s2  }
0xb: {  	[smem:$0x3F85] =	sst s3  }
0xc: {  	[smem:$0x3F86] =	sst s4  }
0xd: {  	[smem:$0x3F87] =	sst s5  }
0xe: {  	[smem:$0x3F88] =	sst s6  }
0xf: {  	[smem:$0x3F89] =	sst s7  }
0x10: {  	[smem:$0x3F8A] =	sst s8  }
0x11: {  	[smem:$0x3F8B] =	sst s9;
	s0 =	simm.s32 @!p0 $0x0  }
0x12: {  	s1 =	sld [smem:$0x3F71];
	s0 =	simm.s32 @p0 $0x1  }
0x13: {  	[smem:$0x3F8C] =	sst s0;
	s0 =	simm.s32 @!p1 $0x0  }
0x14: {  	s2 =	sld [smem:$0x3F70];
	s0 =	simm.s32 @p1 $0x1  }
0x15: {  	[smem:$0x3F8D] =	sst s0;
	s0 =	simm.s32 @!p2 $0x0  }
0x16: {  	s3 =	sld [smem:$0x3FDB];
	s0 =	simm.s32 @p2 $0x1  }
0x17: {  	s4 =	simm.s32 $0x1BF5;
	[smem:$0x3F8F] =	sst s0  }
0x18: {  	s0 =	sld [smem:$0x3F72];
	_ =	swait.ge [sflag:s4], $0x0  }
0x19: {  	s7 =	sld [smem:$0x3F73]  }
0x1a: {  	s8 =	sadd.s32 $0xFFFFE003, lr  }
0x1b: {  	s9 =	sadd.s32 $0xFFFFFEF7, lr;
	s5 =	simm.s32 $0xFFFFFFFF;
	p2 =	slt.u32 s8, $0xFFFFF086  }
0x1c: {  	p1 =	slt.u32 s9, $0xF7A;
	s5 =	simm.s32 @!p2 $0x0  }
0x1d: {  	s5 =	simm.s32 @p1 $0x1;
	p0 =	seq.s32 s7, s2  }
0x1e: {  	s7 =	smul.u32 @!p0 $0xF7A, s2;
	p2 =	seq.s32 @!p0 s5, $0x0  }
0x1f: {  	s9 =	smul.u32 $0xF7A, s1;
	s8 =	simm.s32 @!p0 $0x1BF5;
	p2 =	por !p2, p0  }
0x20: {  	[sflag:s8] =	ssyncset.s32 @!p0 $0xFFFFF086;
	s6 =	sadd.s32 @!p0 s3, s7;
	s7 =	simm.s32 @!p0 $0x108  }
0x21: {  	s3 =	sadd.s32 s3, s9;
	s6 =	sadd.s32 @!p0 $0x88, s6;
	s7 =	simm.s32 @p2 $0x1082  }
0x22: {  	[simem:s7], [sflag:s8] =	dma.local @!p0 [hbm:s6], $0xF7A  }
0x23: {  	s9 =	sor.u32 $0xD0000000, s2;
	s6 =	simm.s32 $0x108;
	_ =	swait.ge @!p0 [sflag:s8], $0x0  }
0x24: {  	s3 =	sadd.s32 $0x88, s3;
	s6 =	simm.s32 @!p1 $0x1082;
	[sflag:s4] =	ssyncset.s32 $0xFFFFF086  }
0x25: {  	[simem:s6], [sflag:s4] =	dma.local [hbm:s3], $0xF7A  }
0x26: {  	[smem:$0x3F73] =	sst s1;
	(tag) =	ssettag s2;
	_ =	strace s9  }
0x27: {  	s1 =	sld [smem:$0x3F83]  }
0x28: {  	s2 =	sld [smem:$0x3F84]  }
0x29: {  	s4 =	sld [smem:$0x3F86]  }
0x2a: {  	p0 =	seq.s32 s5, $0x0;
	s5 =	sld [smem:$0x3F87]  }
0x2b: {  	s6 =	sld [smem:$0x3F88]  }
0x2c: {  	s7 =	sld [smem:$0x3F89]  }
0x2d: {  	s3 =	simm.s32 $0x108;
	s8 =	sld [smem:$0x3F8A]  }
0x2e: {  	s3 =	simm.s32 @!p0 $0x1082;
	s9 =	sld [smem:$0x3F8B]  }
0x2f: {  	lr =	sadd.s32 s0, s3;
	s0 =	sld [smem:$0x3F82]  }
0x30: {  	s3 =	sld [smem:$0x3F85]  }
0x31: {  	[smem:$0x3F8E] =	sst s10  }
0x32: {  	s10 =	sld [smem:$0x3F8C];
	_ =	sdelay $0x3  }
0x33: {  	p0 =	seq.s32 s10, $0x1;
	s10 =	sld [smem:$0x3F8E];
	_ =	sdelay $0x3  }
0x34: {  	[smem:$0x3F8E] =	sst s10  }
0x35: {  	s10 =	sld [smem:$0x3F8D];
	_ =	sdelay $0x3  }
0x36: {  	p1 =	seq.s32 s10, $0x1;
	s10 =	sld [smem:$0x3F8E];
	_ =	sdelay $0x3  }
0x37: {  	[smem:$0x3F8E] =	sst s10  }
0x38: {  	s10 =	sld [smem:$0x3F8F]  }
0x39: {  	_ = 	snop;
	(pc) =	sbr.ind lr, $3  }
0x3a: {  	_ = 	snop  }
0x3b: {  	_ = 	snop  }
0x3c: {  	p2 =	seq.s32 s10, $0x1;
	s10 =	sld [smem:$0x3F8E]  }
0x3d: {  	_ =	shalt  }
0x3e: {  	_ =	shalt  }
0x3f: {  	_ =	shalt  }
0x40: {  	_ =	shalt  }
0x41: {  	_ =	shalt  }
0x42: {  	_ =	shalt  }
0x43: {  	_ =	shalt  }
0x44: {  	_ =	shalt  }
0x45: {  	_ =	shalt  }
0x46: {  	_ =	shalt  }
0x47: {  	_ =	shalt  }
0x48: {  	_ =	shalt  }
0x49: {  	_ =	shalt  }
0x4a: {  	_ =	shalt  }
0x4b: {  	_ =	shalt  }
0x4c: {  	_ =	shalt  }
0x4d: {  	_ =	shalt  }
0x4e: {  	_ =	shalt  }
0x4f: {  	_ =	shalt  }
0x50: {  	_ =	shalt  }
0x51: {  	_ =	shalt  }
0x52: {  	_ =	shalt  }
0x53: {  	_ =	shalt  }
0x54: {  	_ =	shalt  }
0x55: {  	_ =	shalt  }
0x56: {  	_ =	shalt  }
0x57: {  	_ =	shalt  }
0x58: {  	_ =	shalt  }
0x59: {  	_ =	shalt  }
0x5a: {  	_ =	shalt  }
0x5b: {  	_ =	shalt  }
0x5c: {  	_ =	shalt  }
0x5d: {  	_ =	shalt  }
0x5e: {  	_ =	shalt  }
0x5f: {  	_ =	shalt  }
0x60: {  	_ =	shalt  }
0x61: {  	_ =	shalt  }
0x62: {  	_ =	shalt  }
0x63: {  	_ =	shalt  }
0x64: {  	_ =	shalt  }
0x65: {  	_ =	shalt  }
0x66: {  	_ =	shalt  }
0x67: {  	_ =	shalt  }
0x68: {  	_ =	shalt  }
0x69: {  	_ =	shalt  }
0x6a: {  	_ =	shalt  }
0x6b: {  	_ =	shalt  }
0x6c: {  	_ =	shalt  }
0x6d: {  	_ =	shalt  }
0x6e: {  	_ =	shalt  }
0x6f: {  	_ =	shalt  }
0x70: {  	_ =	shalt  }
0x71: {  	_ =	shalt  }
0x72: {  	_ =	shalt  }
0x73: {  	_ =	shalt  }
0x74: {  	_ =	shalt  }
0x75: {  	_ =	shalt  }
0x76: {  	_ =	shalt  }
0x77: {  	_ =	shalt  }
0x78: {  	_ =	shalt  }
0x79: {  	_ =	shalt  }
0x7a: {  	_ =	shalt  }
0x7b: {  	_ =	shalt  }
0x7c: {  	_ =	shalt  }
0x7d: {  	_ =	shalt  }
0x7e: {  	_ =	shalt  }
0x7f: {  	_ =	shalt  }
0x80: {  	_ =	shalt  }
0x81: {  	_ =	shalt  }
0x82: {  	_ =	shalt  }
0x83: {  	_ =	shalt  }
0x84: {  	_ =	shalt  }
0x85: {  	_ =	shalt  }
0x86: {  	_ =	shalt  }
0x87: {  	_ =	shalt  }
.Lfunc_end0:
.L_simem_size_0:
called_computation.1_lowered:
.L_overlay_start_0:
0x88: {  	s2 =	sld [smem:$0x3FD9]  }
0x89: {  	s3 =	sld [smem:$0x3FFE];
	_ =	sdelay $0x1  }
0x8a: {  	s1 =	srdreg.scid  }
0x8b: {  	s0 =	sand.u32 $0x1, s1  }
0x8c: {  	s16 =	sshll.u32 s0, $0xA;
	s2 =	sadd.s32 s3, s2  }
0x8d: {  	s2 =	sadd.s32 s2, s16  }
0x8e: {  	[smem:$0x3F9A] =	sst s2  }
0x8f: {  	_ = 	snop  }
0x90: {  	(tm) =	ssettm $0x1  }
0x91: {  	s17 =	sld [smem:$0x3FFB];
	_ =	sdelay $0x3  }
0x92: {  	_ =	strace s17  }
0x93: {  	s2 =	sld [smem:$0x3FFC];
	_ =	sdelay $0x3  }
0x94: {  	_ =	strace s2  }
0x95: {  	s2 =	sld [smem:$0x3FFD];
	_ =	sdelay $0x3  }
0x96: {  	_ =	strace s2  }
0x97: {  	_ =	strace $0x8FFFFFFF  }
0x98: {  	s18 =	sld [smem:$0x3FDB];
	_ =	sdelay $0x1  }
0x99: {  	s19 =	simm.s32 $_scs_section_size  }
0x9a: {  	s4 =	simm.s32 $_size__tile_overlayer_lowered;
	s5 =	simm.s32 $_tile_overlayer_lowered  }
0x9b: {  	s22 =	simm.s32 $0x1BFF;
	s21 =	sshll.u32 s5, $0x1;
	s2 =	sadd.s32 s19, s18  }
0x9c: {  	s6 =	simm.s32 $0x0;
	s20 =	sshll.u32 s4, $0x1;
	s4 =	sadd.s32 s21, s2  }
0x9d: {  	[timem:s6], [sflag:s22] =	dma.local [hbm:s4], s20  }
0x9e: {  	_ =	swait.ge [sflag:s22], s20  }
0x9f: {  	s3 =	ssub.s32 $0x0, s20;
	[sflag:s22] =	ssyncset.done $0x0  }
0xa0: {  	[sflag:s22] =	ssyncadd.s32 s3;
	_ =	sdelay $0x1  }
0xa1: {  	s23 =	simm.s32 $0x1B8B  }
0xa2: {  	_ =	swait.ge [sflag:s23], $0x1  }
0xa3: {  	[sflag:s23] =	ssyncset.done $0x0  }
0xa4: {  	s25 =	simm.s32 $0x1B8E;
	s24 =	sld [smem:$0x3FFE];
	[sflag:s23] =	ssyncadd.s32 $0xFFFFFFFF  }
0xa5: {  	s26 =	simm.s32 $execute0_lowered;
	[smem:$0x3FD2] =	sst s25  }
0xa6: {  	s4 =	sshll.u32 s26, $0x1;
	_ =	strace $0x80000049;
	[dreg:$0x1] =	wrdreg $0xFFFFFFFF  }
0xa7: {  	s28 =	simm.s32 $_size_execute0_lowered;
	s2 =	sadd.s32 s2, s4;
	[dreg:$0x0] =	wrdreg $0x0  }
0xa8: {  	s4 =	sshll.u32 s28, $0x1;
	[dreg:$0x2] =	wrdreg s2  }
0xa9: {  	[dreg:$0x3] =	wrdreg s4  }
0xaa: {  	[dreg:$0x4] =	wrdreg $0xC0  }
0xab: {  	_ =	task [dreg:s6], $0x5FFFF  }
0xac: {  	[dreg:$0x1] =	wrdreg $0xFFFFFFFF  }
0xad: {  	[dreg:$0x0] =	wrdreg $0x60  }
0xae: {  	[dreg:$0x2] =	wrdreg s24  }
0xaf: {  	[dreg:$0x3] =	wrdreg $0x9  }
0xb0: {  	_ =	task.clear_ibuf [dreg:s6], $0x4FFFF;
	_ =	strace $0x90000049  }
0xb1: {  	s29 =	simm.s32 $0x9;
	_ =	strace $0x8000004B  }
0xb2: {  	_ =	swait.ge [sflag:s29], $0x1  }
0xb3: {  	[sflag:s29] =	ssyncadd.s32 $0xFFFFFFFF  }
0xb4: {  	_ =	strace $0x9000004B  }
0xb5: {  	_ =	sfence  }
0xb6: {  	s30 =	sld [smem:$0x0];
	_ =	sdelay $0x2  }
0xb7: {  	s31 =	sshll.u32 s1, $0xD;
	s1 =	sshrl.u32 s1, $0x2  }
0xb8: {  	s3 =	sand.u32 $0x4000, s31;
	s1 =	sadd.s32 s1, s30  }
0xb9: {  	s0 =	sor.u32 s3, s0;
	s1 =	sshll.u32 s1, $0x11  }
0xba: {  	s0 =	sor.u32 s1, s0  }
0xbb: {  	s0 =	sadd.s32 $0x8F2B, s0  }
0xbc: {  	[sflag:s0] =	ssyncadd.remote.s32 $0x1  }
0xbd: {  	_ =	sfence.sel $0xFFFF  }
0xbe: {  	[dreg:$0x0] =	wrdreg $0xFFFFFFFF;
	(pc) =	sbr.abs _section_cstart, $3  }
0xbf: {  	[dreg:$0x1] =	wrdreg $0xFFFFFFFF  }
0xc0: {  	_ =	task.clear_ibuf [dreg:s6], $0x2FFFF;
	_ =	strace $0x9FFFFFFF  }
0xc1: {  	(tm) =	ssettm $0x7FFFFFFF  }
tec
execute0_lowered:
.L_overlay_start_1:
0x0: {  	(tag) =	ssettag $0x1  }
0x1: {  	s0 =	rddreg [dreg:$0x0]  }
0x2: {  	s2 =	simm.s32 $0x0;
	s1 =	srdreg.scid;
	s4 =	stileid.u32  }
0x3: {  	s12 =	simm.s32 $0x2;
	s13 =	simm.s32 $0x400;
	s14 =	simm.s32 $0xC80  }
0x4: {  	s16 =	simm.s32 $0x1;
	s17 =	simm.s32 $0x80;
	s18 =	simm.s32 $0x1500  }
0x5: {  	s19 =	simm.s32 $0x1580;
	s20 =	simm.s32 $0x2800;
	s21 =	simm.s32 $0x5580  }
0x6: {  	s22 =	simm.s32 $0xA580;
	s23 =	simm.s32 $0xF580;
	s24 =	simm.s32 $0x14580  }
0x7: {  	s3 =	sadd.s32 $0x523E00, s0;
	s1 =	sand.u32 $0x1, s1;
	s6 =	sshll.u32 s4, $0x1  }
0x8: {  	s4 =	sadd.s32 $0x299600, s0;
	s5 =	sadd.s32 $0x13BE00, s0;
	s8 =	sor.u32 s1, s6  }
0x9: {  	[smem:$0x7FF] =	sst s2;
	s7 =	sadd.s32 $0x361E00, s0;
	s9 =	smul.u32 $0xA00, s8  }
.Ltmp0:
0xa: {  	_ =	strace $0x8000004A;
	s1 =	ssub.s32 $0x2, s1;
	(pc) =	sbr.rel .LBB2_1-.Ltmp0, $4  }
0xb: {  	s6 =	sadd.s32 $0x299E00, s0;
	s10 =	sshrl.u32 s1, $0x1;
	s15 =	smul.u32 $0xA0, s8  }
0xc: {  	v2 =	vimm.s32 $0x0;
	v3 =	vlaneseq.u32;
	s8 =	sadd.s32 $0x77BE00, s0;
	s1 =	ssub.s32 s1, s10;
	s0 =	sadd.s32 s9, s0  }
0xd: {  	v4 =	vimm.f32 $3.000000010e+38;
	v6 =	vimm.f32 $0.0e+00;
	v7 =	vimm.f32 $-3.000000010e+38;
	s30 =	sadd.s32 $0xA0, s15;
	s31 =	sshrl.u32 s15, $0x3;
	s0 =	sadd.s32 $0x13000, s0  }
0xe: {  	v5 =	vor.u32 $0x800, v3;
	s11 =	smax.u32 s1, $0x1;
	v0 =	vmov s15;
	s10 =	smul.u32 $0x2800, s31;
	v1 =	vmov s30;
	[dreg:$0x2] =	wrdreg s0  }
.LBB2_24:
0xf: {  	s2 =	sadd.s32 $0x1, s2  }
0x10: {  	p0 =	sne.s32 s2, s11  }
.Ltmp1:
0x11: {  	_ = 	snop;
	(pc) =	sbr.rel @!p0 .LBB2_25-.Ltmp1, $1  }
0x12: {  	_ =	sdelay $0x3  }
.LBB2_1:
0x13: {  	s0 =	simm.s32 $0x40;
	s1 =	simm.s32 $0x0  }
.LBB2_2:
0x14: {  	p0 =	sne.s32 s0, $0x1FC0;
	[tilespmem:s1+$0x400] =	vst v2;
	s9 =	smov.u32 s0;
	s0 =	sadd.s32 $0x40, s0  }
.Ltmp2:
0x15: {  	[tilespmem:s1+$0xC80] =	vst v2;
	(pc) =	sbr.rel @p0 .LBB2_2-.Ltmp2, $2  }
0x16: {  	_ =	sdelay $0x2  }
0x17: {  	s1 =	sshra.s32 s9, $0x2  }
0x18: {  	[tilespmem:s1+$0x400] =	vst v2;
	s0 =	simm.s32 $0x0  }
0x19: {  	[tilespmem:s1+$0xC80] =	vst v2;
	s1 =	simm.s32 $0x0;
	s25 =	simm.s32 $0x0;
	s9 =	simm.s32 $0x0  }
.LBB2_4:
0x1a: {  	s15 =	sshll.u32 s9, $0x7  }
0x1b: {  	s15 =	sadd.s32 s4, s15  }
0x1c: {  	[tilespmem:s0], [sflag:$0x2] =	stream.linear.gather [hbm4b:s15+s0], $0x400, $0x38;
	[tilespmem:$0x1E580] =	vst v63  }
0x1d: {  	_ =	swait.ge [sflag:s12], $0x400  }
0x1e: {  	[sflag:s12] =	ssyncset.done $0x0  }
0x1f: {  	s31 =	simm.s32 $0x0;
	[sflag:s12] =	ssyncadd.s32 $0xFFFFFC00  }
0x20: {  	v8 =	vld [tilespmem:s31+$0x0];
	_ =	sdelay $0x4  }
0x21: {  	vm0 =	vge.s32 v8, v0;
	vm1 =	vlt.s32 v8, v1  }
0x22: {  	vm0 =	vmand vm0, vm1  }
0x23: {  	v9 =	vsel vm0, $0x1, v2  }
0x24: {  	(xrf0) =	vadd.scan.msk.s32 $0xffff, v9;
	_ =	sdelay $0x4  }
0x25: {  	v63 =	vsel vm0, $0xFFFFFFFF, v2  }
0x26: {  	v9 =	vadd.s32 s25, v63;
	v10, _, _ =	vpop (xrf0)  }
0x27: {  	v9 =	vadd.s32 v10, v9;
	(v2sf) =	vpush v10, $0xF  }
0x28: {  	v9 =	vsel vm0, v9, v5;
	_ =	sdelay $0x3  }
0x29: {  	v11 =	vor.u32 s1, v3  }
0x2a: {  	v8 =	vsub.s32 v8, v0;
	[tilespmem:v9+s13+$0x0] =	vst.idx.msk $0xffff, v11  }
0x2b: {  	s28 =	simm.s32 $0x10;
	s26 =	simm.s32 $0x80;
	s15 =	smov.u32 s1;
	[tilespmem:v9+s14+$0x0] =	vst.idx.msk $0xffff, v8  }
.LBB2_5:
0x2c: {  	p0 =	sne.s32 s26, $0xFC0;
	v8 =	vld [tilespmem:s28+$0x0];
	_ =	sdelay $0x4  }
0x2d: {  	vm0 =	vge.s32 v8, v0;
	vm1 =	vlt.s32 v8, v1;
	v8 =	vsub.s32 v8, v0  }
0x2e: {  	vm0 =	vmand vm0, vm1  }
0x2f: {  	v9 =	vsel vm0, $0xFFFFFFFF, v2;
	v10 =	vsel vm0, $0x1, v2;
	s28 =	spop (v2sf)  }
0x30: {  	(xrf0) =	vadd.scan.msk.s32 $0xffff, v10;
	s25 =	sadd.s32 s25, s28  }
0x31: {  	v9 =	vadd.s32 s25, v9;
	_ =	sdelay $0x4  }
0x32: {  	v10, _, _ =	vpop (xrf0)  }
0x33: {  	v9 =	vadd.s32 v10, v9;
	(v2sf) =	vpush v10, $0xF  }
0x34: {  	v9 =	vsel vm0, v9, v5;
	_ =	sdelay $0x1  }
.Ltmp3:
0x35: {  	(pc) =	sbr.rel @p0 .LBB2_5-.Ltmp3, $4  }
0x36: {  	s15 =	sadd.s32 $0x10, s15  }
0x37: {  	v10 =	vor.u32 s15, v3  }
0x38: {  	[tilespmem:v9+s13+$0x0] =	vst.idx.msk $0xffff, v10  }
0x39: {  	s28 =	sshra.s32 s26, $0x2;
	s26 =	sadd.s32 $0x40, s26;
	[tilespmem:v9+s14+$0x0] =	vst.idx.msk $0xffff, v8  }
0x3a: {  	v8 =	vld [tilespmem:s28+$0x0];
	_ =	sdelay $0x4  }
0x3b: {  	vm0 =	vge.s32 v8, v0;
	vm1 =	vlt.s32 v8, v1  }
0x3c: {  	vm0 =	vmand vm0, vm1  }
0x3d: {  	v9 =	vsel vm0, $0x1, v2  }
0x3e: {  	(xrf0) =	vadd.scan.msk.s32 $0xffff, v9;
	_ =	sdelay $0x5  }
0x3f: {  	v9, _, _ =	vpop (xrf0)  }
0x40: {  	(v2sf) =	vpush v9, $0xF;
	_ =	sdelay $0x5  }
0x41: {  	s26 =	spop (v2sf)  }
0x42: {  	v10 =	vsel vm0, $0xFFFFFFFF, v2;
	s26 =	sadd.s32 s25, s26  }
0x43: {  	v10 =	vadd.s32 s26, v10  }
0x44: {  	v9 =	vadd.s32 v9, v10  }
0x45: {  	s9 =	sadd.s32 $0x1, s9;
	v9 =	vsel vm0, v9, v5  }
0x46: {  	p0 =	seq.s32 s9, $0xF  }
.Ltmp4:
0x47: {  	_ = 	snop;
	(pc) =	sbr.rel @!p0 .LBB2_4-.Ltmp4, $4  }
0x48: {  	s15 =	sadd.s32 $0x10, s15  }
0x49: {  	v63 =	vor.u32 s15, v3  }
0x4a: {  	v8 =	vsub.s32 v8, v0;
	[tilespmem:v9+s13+$0x0] =	vst.idx.msk $0xffff, v63;
	s15 =	spop (v2sf)  }
0x4b: {  	s1 =	sadd.s32 $0x400, s1;
	[tilespmem:v9+s14+$0x0] =	vst.idx.msk $0xffff, v8;
	s25 =	sadd.s32 s26, s15  }
0x4c: {  	s0 =	simm.s32 $0x200;
	s1 =	simm.s32 $0x0  }
.LBB2_8:
0x4d: {  	p0 =	seq.s32 s0, $0x13E00;
	[tilespmem:s1+$0x19580] =	vst v6;
	s1 =	smov.u32 s0;
	s0 =	sadd.s32 $0x200, s0  }
.Ltmp5:
0x4e: {  	(pc) =	sbr.rel @!p0 .LBB2_8-.Ltmp5, $2  }
0x4f: {  	_ =	sdelay $0x2  }
0x50: {  	s1 =	sshra.s32 s1, $0x2  }
0x51: {  	p0 =	slt.s32 s25, $0x1  }
.Ltmp6:
0x52: {  	_ = 	snop;
	(pc) =	sbr.rel @p0 .LBB2_13-.Ltmp6, $2  }
0x53: {  	_ =	sdelay $0x2  }
0x54: {  	[tilespmem:s1+$0x19580] =	vst v6  }
0x55: {  	s1 =	sadd.s32 s26, s15  }
0x56: {  	p0 =	sne.s32 s1, $0x1  }
.Ltmp7:
0x57: {  	_ = 	snop;
	(pc) =	sbr.rel @!p0 .LBB2_12-.Ltmp7, $3  }
0x58: {  	_ =	sdelay $0x1  }
0x59: {  	s0 =	simm.s32 $0xC80  }
0x5a: {  	v8 =	vld [tilespmem:s0+$0x0];
	s1 =	sadd.s32 $0xFFFFFFFF, s1  }
.LBB2_11:
0x5b: {  	p0 =	sne.s32 s1, $0x1;
	_ =	sdelay $0x3  }
0x5c: {  	(v2sf) =	vpush v8, $0x0;
	_ =	sdelay $0xe  }
0x5d: {  	s9 =	spop (v2sf)  }
0x5e: {  	s9 =	sshll.u32 s9, $0x9  }
0x5f: {  	s9 =	sshra.s32 s9, $0x2  }
0x60: {  	v8 =	vld [tilespmem:s9+$0x19580];
	_ =	sdelay $0x3  }
.Ltmp8:
0x61: {  	(pc) =	sbr.rel @p0 .LBB2_11-.Ltmp8, $3  }
0x62: {  	v8 =	vadd.f32 $1.000000000e+00, v8;
	_ =	sdelay $0x1  }
0x63: {  	s0 =	sadd.s32 $0x1, s0;
	[tilespmem:s9+$0x19580] =	vst v8  }
0x64: {  	s1 =	sadd.s32 $0xFFFFFFFF, s1;
	v8 =	vld [tilespmem:s0+$0x0]  }
.LBB2_12:
0x65: {  	_ =	sdelay $0x3  }
0x66: {  	(v2sf) =	vpush v8, $0x0;
	_ =	sdelay $0xe  }
0x67: {  	s0 =	spop (v2sf)  }
0x68: {  	s0 =	sshll.u32 s0, $0x9  }
0x69: {  	s0 =	sshra.s32 s0, $0x2  }
0x6a: {  	v8 =	vld [tilespmem:s0+$0x19580];
	_ =	sdelay $0x4  }
0x6b: {  	v8 =	vadd.f32 $1.000000000e+00, v8;
	_ =	sdelay $0x1  }
0x6c: {  	[tilespmem:s0+$0x19580] =	vst v8  }
.LBB2_13:
0x6d: {  	s26 =	simm.s32 $0x0  }
0x6e: {  	s0 =	rddreg [dreg:$0x2];
	s1 =	simm.s32 $0x19580;
	s29 =	sadd.s32 $0x7F, s25  }
0x6f: {  	[hbm4b:s0+s26] =	stream.linear.scatter [tilespmem:s1], [sflag:$0x2], $0x5000, $0x38;
	[tilespmem:$0x1E580] =	vst v63  }
0x70: {  	s30 =	sand.u32 $0x7F, s29  }
0x71: {  	s31 =	sshra.s32 s29, $0x1F;
	p1 =	slt.s32 s29, $0x1;
	p0 =	sne.s32 s30, $0x0  }
.Ltmp9:
0x72: {  	s1 =	sshrl.u32 s31, $0x19;
	p0 =	por !p1, !p0;
	(pc) =	sbr.rel .LBB2_14-.Ltmp9, $4  }
0x73: {  	s0 =	sadd.s32 s1, s29;
	s1 =	simm.s32 $0x1;
	p0 =	por !p0, !p0  }
0x74: {  	_ =	swait.ge [sflag:s12], $0x5000;
	s0 =	sshra.s32 s0, $0x7;
	s1 =	simm.s32 @!p0 $0x0  }
0x75: {  	[sflag:s12] =	ssyncset.done $0x0;
	s28 =	ssub.s32 s0, s1  }
0x76: {  	[sflag:s12] =	ssyncadd.s32 $0xFFFFB000;
	p0 =	slt.s32 s28, $0x1  }
.LBB2_23:
0x77: {  	s0 =	sshll.u32 s26, $0xA  }
0x78: {  	s0 =	sadd.s32 s10, s0  }
0x79: {  	s0 =	sshrl.u32 s0, $0x3  }
0x7a: {  	s1 =	sadd.s32 s5, s0  }
0x7b: {  	[hbm4b:s1+s13] =	stream.strided.scatter [tilespmem:s21], [sflag:$0x2], $0x5000, s20, s13, $0x38;
	[tilespmem:$0x1E580] =	vst v63  }
0x7c: {  	_ =	swait.ge [sflag:s12], $0x5000  }
0x7d: {  	[sflag:s12] =	ssyncset.done $0x0  }
0x7e: {  	s30 =	sadd.s32 s6, s0;
	[sflag:s12] =	ssyncadd.s32 $0xFFFFB000  }
0x7f: {  	[hbm4b:s30+s13] =	stream.strided.scatter [tilespmem:s22], [sflag:$0x2], $0x5000, s20, s13, $0x38;
	[tilespmem:$0x1E580] =	vst v63  }
0x80: {  	_ =	swait.ge [sflag:s12], $0x5000  }
0x81: {  	[sflag:s12] =	ssyncset.done $0x0  }
0x82: {  	s31 =	sadd.s32 s7, s0;
	[sflag:s12] =	ssyncadd.s32 $0xFFFFB000  }
0x83: {  	[hbm4b:s31+s13] =	stream.strided.scatter [tilespmem:s23], [sflag:$0x2], $0x5000, s20, s13, $0x38;
	[tilespmem:$0x1E580] =	vst v63  }
0x84: {  	s26 =	sadd.s32 $0x1, s26;
	_ =	swait.ge [sflag:s12], $0x5000  }
0x85: {  	p1 =	sne.s32 s26, $0xA;
	[sflag:s12] =	ssyncset.done $0x0  }
.Ltmp10:
0x86: {  	s0 =	sadd.s32 s8, s0;
	[sflag:s12] =	ssyncadd.s32 $0xFFFFB000;
	(pc) =	sbr.rel @!p1 .LBB2_24-.Ltmp10, $4  }
0x87: {  	[hbm4b:s0+s13] =	stream.strided.scatter [tilespmem:s24], [sflag:$0x2], $0x5000, s20, s13, $0x38;
	[tilespmem:$0x1E580] =	vst v63  }
0x88: {  	_ =	swait.ge [sflag:s12], $0x5000  }
0x89: {  	[sflag:s12] =	ssyncset.done $0x0  }
0x8a: {  	[sflag:s12] =	ssyncadd.s32 $0xFFFFB000  }
.LBB2_14:
0x8b: {  	s0 =	simm.s32 $0x0;
	s1 =	simm.s32 $0x200  }
.LBB2_15:
0x8c: {  	p1 =	seq.s32 s1, $0x13E00;
	[tilespmem:s0+$0x145F0] =	vst v7  }
0x8d: {  	[tilespmem:s0+$0x5580] =	vst v6  }
0x8e: {  	[tilespmem:s0+$0xA580] =	vst v6  }
0x8f: {  	[tilespmem:s0+$0xF580] =	vst v4  }
0x90: {  	[tilespmem:s0+$0x14580] =	vst v7  }
0x91: {  	[tilespmem:s0+$0x5590] =	vst v6  }
0x92: {  	[tilespmem:s0+$0xA590] =	vst v6  }
0x93: {  	[tilespmem:s0+$0xF590] =	vst v4  }
0x94: {  	[tilespmem:s0+$0x14590] =	vst v7  }
0x95: {  	[tilespmem:s0+$0x55A0] =	vst v6  }
0x96: {  	[tilespmem:s0+$0xA5A0] =	vst v6  }
0x97: {  	[tilespmem:s0+$0xF5A0] =	vst v4  }
0x98: {  	[tilespmem:s0+$0x145A0] =	vst v7  }
0x99: {  	[tilespmem:s0+$0x55B0] =	vst v6  }
0x9a: {  	[tilespmem:s0+$0xA5B0] =	vst v6  }
0x9b: {  	[tilespmem:s0+$0xF5B0] =	vst v4  }
0x9c: {  	[tilespmem:s0+$0x145B0] =	vst v7  }
0x9d: {  	[tilespmem:s0+$0x55C0] =	vst v6  }
0x9e: {  	[tilespmem:s0+$0xA5C0] =	vst v6  }
0x9f: {  	[tilespmem:s0+$0xF5C0] =	vst v4  }
0xa0: {  	[tilespmem:s0+$0x145C0] =	vst v7  }
0xa1: {  	[tilespmem:s0+$0x55D0] =	vst v6  }
0xa2: {  	[tilespmem:s0+$0xA5D0] =	vst v6  }
0xa3: {  	[tilespmem:s0+$0xF5D0] =	vst v4  }
0xa4: {  	[tilespmem:s0+$0x145D0] =	vst v7  }
0xa5: {  	[tilespmem:s0+$0x55E0] =	vst v6  }
0xa6: {  	[tilespmem:s0+$0xA5E0] =	vst v6  }
.Ltmp11:
0xa7: {  	[tilespmem:s0+$0xF5E0] =	vst v4;
	(pc) =	sbr.rel @!p1 .LBB2_15-.Ltmp11, $4  }
0xa8: {  	[tilespmem:s0+$0x145E0] =	vst v7  }
0xa9: {  	[tilespmem:s0+$0x55F0] =	vst v6  }
0xaa: {  	[tilespmem:s0+$0xA5F0] =	vst v6  }
0xab: {  	[tilespmem:s0+$0xF5F0] =	vst v4;
	s0 =	sshra.s32 s1, $0x2;
	s1 =	sadd.s32 $0x200, s1  }
0xac: {  	[tilespmem:s0+$0x145F0] =	vst v7  }
0xad: {  	[tilespmem:s0+$0x5580] =	vst v6  }
0xae: {  	[tilespmem:s0+$0xA580] =	vst v6  }
0xaf: {  	[tilespmem:s0+$0xF580] =	vst v4  }
0xb0: {  	[tilespmem:s0+$0x14580] =	vst v7  }
0xb1: {  	[tilespmem:s0+$0x5590] =	vst v6  }
0xb2: {  	[tilespmem:s0+$0xA590] =	vst v6  }
0xb3: {  	[tilespmem:s0+$0xF590] =	vst v4  }
0xb4: {  	[tilespmem:s0+$0x14590] =	vst v7  }
0xb5: {  	[tilespmem:s0+$0x55A0] =	vst v6  }
0xb6: {  	[tilespmem:s0+$0xA5A0] =	vst v6  }
0xb7: {  	[tilespmem:s0+$0xF5A0] =	vst v4  }
0xb8: {  	[tilespmem:s0+$0x145A0] =	vst v7  }
0xb9: {  	[tilespmem:s0+$0x55B0] =	vst v6  }
0xba: {  	[tilespmem:s0+$0xA5B0] =	vst v6  }
0xbb: {  	[tilespmem:s0+$0xF5B0] =	vst v4  }
0xbc: {  	[tilespmem:s0+$0x145B0] =	vst v7  }
0xbd: {  	[tilespmem:s0+$0x55C0] =	vst v6  }
0xbe: {  	[tilespmem:s0+$0xA5C0] =	vst v6  }
0xbf: {  	[tilespmem:s0+$0xF5C0] =	vst v4  }
0xc0: {  	[tilespmem:s0+$0x145C0] =	vst v7  }
0xc1: {  	[tilespmem:s0+$0x55D0] =	vst v6  }
0xc2: {  	[tilespmem:s0+$0xA5D0] =	vst v6  }
0xc3: {  	[tilespmem:s0+$0xF5D0] =	vst v4  }
0xc4: {  	[tilespmem:s0+$0x145D0] =	vst v7  }
0xc5: {  	[tilespmem:s0+$0x55E0] =	vst v6  }
0xc6: {  	[tilespmem:s0+$0xA5E0] =	vst v6  }
.Ltmp12:
0xc7: {  	[tilespmem:s0+$0xF5E0] =	vst v4;
	(pc) =	sbr.rel @p0 .LBB2_23-.Ltmp12, $4  }
0xc8: {  	[tilespmem:s0+$0x145E0] =	vst v7  }
0xc9: {  	[tilespmem:s0+$0x55F0] =	vst v6  }
0xca: {  	[tilespmem:s0+$0xA5F0] =	vst v6  }
0xcb: {  	[tilespmem:s0+$0xF5F0] =	vst v4  }
.Ltmp13:
0xcc: {  	(pc) =	sbr.rel .LBB2_18-.Ltmp13, $2  }
0xcd: {  	_ =	sdelay $0x2  }
0xce: {  	v8 =	vmov s26;
	s29 =	simm.s32 $0x0;
	s9 =	simm.s32 $0xC80;
	s31 =	smov.u32 s25  }
.LBB2_21:
0xcf: {  	v23 =	vld [tilespmem:s0+$0x145A0]  }
0xd0: {  	v24 =	vld [tilespmem:s0+$0x14580];
	[tilespmem:s0+$0x14590] =	vst v22;
	v20 =	vmax.f32 v20, v10  }
0xd1: {  	v28 =	vld [tilespmem:s0+$0xF5D0];
	v29 =	vmax.f32 v21, v11;
	v30 =	vmul.f32 v13, v13;
	[tilespmem:s0+$0x145C0] =	vst v20  }
0xd2: {  	v19 =	vmin.f32 v19, v12;
	v25 =	vld [tilespmem:s0+$0xF5C0];
	[tilespmem:s0+$0x145E0] =	vst v29  }
0xd3: {  	v18 =	vmax.f32 v18, v16;
	v31 =	vld [tilespmem:s0+$0xF5A0];
	[tilespmem:s0+$0xF5F0] =	vst v19;
	v17 =	vadd.f32 v17, v30  }
0xd4: {  	v32 =	vld [tilespmem:s0+$0xF580];
	[tilespmem:s0+$0x145D0] =	vst v18  }
0xd5: {  	v34 =	vld [tilespmem:s0+$0xF5E0];
	[tilespmem:s0+$0xA580] =	vst v17;
	v33 =	vmax.f32 v24, v13  }
0xd6: {  	v36 =	vld [tilespmem:s0+$0x55D0];
	v35 =	vmin.f32 v28, v16;
	[tilespmem:s0+$0x14580] =	vst v33  }
0xd7: {  	v37 =	vld [tilespmem:s0+$0xF590];
	v23 =	vmax.f32 v23, v15;
	[tilespmem:s0+$0xF5D0] =	vst v35  }
0xd8: {  	v45 =	vld [tilespmem:s0+$0xA5D0];
	v38 =	vmin.f32 v25, v10;
	[tilespmem:s0+$0x145A0] =	vst v23  }
0xd9: {  	v26 =	vld [tilespmem:s0+$0x55B0];
	v19 =	vmin.f32 v31, v15;
	[tilespmem:s0+$0xF5C0] =	vst v38  }
0xda: {  	v44 =	vld [tilespmem:s0+$0x145B0];
	v18 =	vmin.f32 v32, v13;
	[tilespmem:s0+$0xF5A0] =	vst v19  }
0xdb: {  	v27 =	vld [tilespmem:s0+$0x5590];
	v52 =	vmul.f32 v16, v16;
	v42 =	vmin.f32 v34, v11;
	[tilespmem:s0+$0xF580] =	vst v18  }
0xdc: {  	v47 =	vld [tilespmem:s0+$0x55A0];
	v17 =	vmin.f32 v37, v14;
	v22 =	vadd.f32 v36, v16;
	[tilespmem:s0+$0xF5E0] =	vst v42  }
0xdd: {  	v51 =	vld [tilespmem:s0+$0xA5A0];
	v16 =	vadd.f32 v45, v52;
	[tilespmem:s0+$0xF590] =	vst v17  }
0xde: {  	v50 =	vld [tilespmem:s0+$0x5580];
	v55 =	vadd.f32 v26, v9;
	[tilespmem:s0+$0x55D0] =	vst v22  }
0xdf: {  	v54 =	vld [tilespmem:s0+$0x55C0];
	[tilespmem:s0+$0xA5D0] =	vst v16  }
0xe0: {  	v21 =	vld [tilespmem:s0+$0xF5B0];
	v57 =	vmul.f32 v15, v15;
	v58 =	vadd.f32 v27, v14;
	v18 =	vmax.f32 v44, v9;
	[tilespmem:s0+$0x55B0] =	vst v55  }
0xe1: {  	v39 =	vld [tilespmem:s0+$0xA5F0];
	v60 =	vadd.f32 v47, v15;
	[tilespmem:s0+$0x145B0] =	vst v18  }
0xe2: {  	v41 =	vld [tilespmem:s0+$0x55E0];
	v61 =	vadd.f32 v51, v57;
	[tilespmem:s0+$0x5590] =	vst v58  }
0xe3: {  	v40 =	vld [tilespmem:s0+$0xA590];
	v62 =	vadd.f32 v50, v13;
	[tilespmem:s0+$0x55A0] =	vst v60  }
0xe4: {  	v46 =	vmul.f32 v12, v12;
	v59 =	vld [tilespmem:s0+$0xA5C0];
	v63 =	vadd.f32 v54, v10;
	[tilespmem:s0+$0xA5A0] =	vst v61  }
0xe5: {  	v48 =	vmul.f32 v14, v14;
	v53 =	vld [tilespmem:s0+$0x55F0];
	[tilespmem:s0+$0x5580] =	vst v62  }
0xe6: {  	v43 =	vld [tilespmem:s0+$0xA5B0];
	v49 =	vmul.f32 v9, v9;
	v17 =	vadd.f32 v39, v46;
	v9 =	vmin.f32 v21, v9;
	[tilespmem:s0+$0x55C0] =	vst v63  }
0xe7: {  	v56 =	vld [tilespmem:s0+$0xA5E0];
	v10 =	vmul.f32 v10, v10;
	v19 =	vadd.f32 v41, v11;
	[tilespmem:s0+$0xF5B0] =	vst v9  }
0xe8: {  	v23 =	vadd.f32 v40, v48;
	[tilespmem:s0+$0xA5F0] =	vst v17  }
0xe9: {  	v10 =	vadd.f32 v59, v10;
	[tilespmem:s0+$0x55E0] =	vst v19  }
0xea: {  	v11 =	vmul.f32 v11, v11;
	v9 =	vadd.f32 v53, v12;
	[tilespmem:s0+$0xA590] =	vst v23  }
0xeb: {  	v17 =	vadd.f32 v43, v49;
	[tilespmem:s0+$0xA5C0] =	vst v10  }
0xec: {  	v11 =	vadd.f32 v56, v11;
	[tilespmem:s0+$0x55F0] =	vst v9  }
0xed: {  	[tilespmem:s0+$0xA5B0] =	vst v17  }
0xee: {  	[tilespmem:s0+$0xA5E0] =	vst v11  }
.LBB2_22:
0xef: {  	s29 =	sadd.s32 $0x1, s29  }
0xf0: {  	p1 =	sne.s32 s29, s28  }
.Ltmp14:
0xf1: {  	_ = 	snop;
	(pc) =	sbr.rel @!p1 .LBB2_23-.Ltmp14, $2  }
0xf2: {  	_ =	sdelay $0x2  }
0xf3: {  	s31 =	sadd.s32 $0xFFFFFF80, s31;
	s9 =	sadd.s32 $0x80, s9  }
.LBB2_18:
0xf4: {  	s0 =	sshll.u32 s29, $0x7  }
0xf5: {  	v9 =	vld [tilespmem:s0+$0x400];
	_ =	sdelay $0x4  }
0xf6: {  	v9 =	vmul.u32 $0xA, v9;
	_ =	sdelay $0x1  }
0xf7: {  	v9 =	vadd.s32 v8, v9  }
0xf8: {  	[tilespmem:$0x1500] =	vst v9  }
0xf9: {  	v9 =	vld [tilespmem:s0+$0x410];
	_ =	sdelay $0x4  }
0xfa: {  	v9 =	vmul.u32 $0xA, v9;
	_ =	sdelay $0x1  }
0xfb: {  	v9 =	vadd.s32 v8, v9  }
0xfc: {  	[tilespmem:$0x1510] =	vst v9  }
0xfd: {  	v9 =	vld [tilespmem:s0+$0x420];
	_ =	sdelay $0x4  }
0xfe: {  	v9 =	vmul.u32 $0xA, v9;
	_ =	sdelay $0x1  }
0xff: {  	v9 =	vadd.s32 v8, v9  }
0x100: {  	[tilespmem:$0x1520] =	vst v9  }
0x101: {  	v9 =	vld [tilespmem:s0+$0x430];
	_ =	sdelay $0x4  }
0x102: {  	v9 =	vmul.u32 $0xA, v9;
	_ =	sdelay $0x1  }
0x103: {  	v9 =	vadd.s32 v8, v9  }
0x104: {  	[tilespmem:$0x1530] =	vst v9  }
0x105: {  	v9 =	vld [tilespmem:s0+$0x440];
	_ =	sdelay $0x4  }
0x106: {  	v9 =	vmul.u32 $0xA, v9;
	_ =	sdelay $0x1  }
0x107: {  	v9 =	vadd.s32 v8, v9  }
0x108: {  	[tilespmem:$0x1540] =	vst v9  }
0x109: {  	v9 =	vld [tilespmem:s0+$0x450];
	_ =	sdelay $0x4  }
0x10a: {  	v9 =	vmul.u32 $0xA, v9;
	_ =	sdelay $0x1  }
0x10b: {  	v9 =	vadd.s32 v8, v9  }
0x10c: {  	[tilespmem:$0x1550] =	vst v9  }
0x10d: {  	v9 =	vld [tilespmem:s0+$0x460];
	_ =	sdelay $0x4  }
0x10e: {  	v9 =	vmul.u32 $0xA, v9;
	_ =	sdelay $0x1  }
0x10f: {  	v9 =	vadd.s32 v8, v9  }
0x110: {  	[tilespmem:$0x1560] =	vst v9  }
0x111: {  	v9 =	vld [tilespmem:s0+$0x470];
	_ =	sdelay $0x4  }
0x112: {  	v9 =	vmul.u32 $0xA, v9  }
0x113: {  	s0 =	ssub.s32 s25, s0  }
0x114: {  	p1 =	slt.s32 s0, $0x1;
	v9 =	vadd.s32 v8, v9  }
.Ltmp15:
0x115: {  	[tilespmem:$0x1570] =	vst v9;
	(pc) =	sbr.rel @p1 .LBB2_22-.Ltmp15, $4  }
0x116: {  	[tilespmem:s19], [sflag:$0x1] =	stream.indirect.gather [hbm4b:s3+s17], $0x80, s18, s17, $0xb8;
	[tilespmem:$0x1E580] =	vst v63  }
0x117: {  	_ =	swait.ge [sflag:s16], $0x4000  }
0x118: {  	[sflag:s16] =	ssyncset.done $0x0  }
0x119: {  	[sflag:s16] =	ssyncadd.s32 $0xFFFFC000  }
0x11a: {  	v9 =	vld [tilespmem:s9+$0x0];
	_ =	sdelay $0x4  }
0x11b: {  	(v2sf) =	vpush v9, $0x0;
	_ =	sdelay $0x7  }
0x11c: {  	s1 =	simm.s32 $0x15C0  }
0x11d: {  	v16 =	vld [tilespmem:s1+$0x10]  }
0x11e: {  	v11 =	vld [tilespmem:s1+$0x20]  }
0x11f: {  	v13 =	vld [tilespmem:s1+$0xFFFFFFC0]  }
0x120: {  	v10 =	vld [tilespmem:s1+$0x0]  }
0x121: {  	v14 =	vld [tilespmem:s1+$0xFFFFFFD0]  }
0x122: {  	v15 =	vld [tilespmem:s1+$0xFFFFFFE0]  }
0x123: {  	p1 =	sgt.s32 s31, $0x1;
	s15 =	smov.u32 s31;
	v12 =	vld [tilespmem:s1+$0x30];
	s0 =	spop (v2sf)  }
0x124: {  	s15 =	simm.s32 @!p1 $0x1;
	v9 =	vld [tilespmem:s1+$0xFFFFFFF0];
	s0 =	sshll.u32 s0, $0x7  }
0x125: {  	s15 =	smin.u32 s15, $0x80;
	v17 =	vld [tilespmem:s0+$0x145F0]  }
0x126: {  	p1 =	sne.s32 s15, $0x1;
	v22 =	vld [tilespmem:s0+$0x14590]  }
.Ltmp16:
0x127: {  	v20 =	vld [tilespmem:s0+$0x145C0];
	(pc) =	sbr.rel @!p1 .LBB2_21-.Ltmp16, $4  }
0x128: {  	v19 =	vld [tilespmem:s0+$0xF5F0]  }
0x129: {  	v21 =	vld [tilespmem:s0+$0x145E0]  }
0x12a: {  	v18 =	vld [tilespmem:s0+$0x145D0];
	v23 =	vmax.f32 v17, v12  }
0x12b: {  	s30 =	smov.u32 s9;
	s15 =	sadd.s32 $0xFFFFFFFF, s15;
	v17 =	vld [tilespmem:s0+$0xA580];
	v22 =	vmax.f32 v22, v14;
	[tilespmem:s0+$0x145F0] =	vst v23  }
.LBB2_20:
0x12c: {  	p1 =	sne.s32 s15, $0x1;
	v23 =	vld [tilespmem:s0+$0x145A0];
	s30 =	sadd.s32 $0x1, s30;
	s1 =	sadd.s32 $0x80, s1  }
0x12d: {  	s15 =	sadd.s32 $0xFFFFFFFF, s15;
	v19 =	vmin.f32 v19, v12;
	v20 =	vmax.f32 v20, v10;
	v24 =	vld [tilespmem:s0+$0x14580];
	[tilespmem:s0+$0x14590] =	vst v22  }
0x12e: {  	v25 =	vmul.f32 v13, v13;
	v21 =	vmax.f32 v21, v11;
	v22 =	vld [tilespmem:s0+$0xF5D0];
	[tilespmem:s0+$0x145C0] =	vst v20  }
0x12f: {  	v18 =	vmax.f32 v18, v16;
	v20 =	vld [tilespmem:s0+$0xF5B0];
	[tilespmem:s0+$0x145E0] =	vst v21  }
0x130: {  	v17 =	vadd.f32 v17, v25;
	v21 =	vld [tilespmem:s0+$0xF5C0];
	[tilespmem:s0+$0xF5F0] =	vst v19  }
0x131: {  	v19 =	vld [tilespmem:s0+$0xF5A0];
	v23 =	vmax.f32 v23, v15;
	[tilespmem:s0+$0x145D0] =	vst v18  }
0x132: {  	v18 =	vld [tilespmem:s0+$0xF580];
	v24 =	vmax.f32 v24, v13;
	[tilespmem:s0+$0xA580] =	vst v17  }
0x133: {  	v17 =	vld [tilespmem:s0+$0xF5E0];
	v22 =	vmin.f32 v22, v16;
	[tilespmem:s0+$0x14580] =	vst v24  }
0x134: {  	v24 =	vld [tilespmem:s0+$0x55D0];
	[tilespmem:s0+$0xF5D0] =	vst v22  }
0x135: {  	v25 =	vmul.f32 v12, v12;
	v22 =	vld [tilespmem:s0+$0xF590];
	v21 =	vmin.f32 v21, v10;
	[tilespmem:s0+$0x145A0] =	vst v23  }
0x136: {  	v23 =	vld [tilespmem:s0+$0xA5F0];
	v19 =	vmin.f32 v19, v15;
	[tilespmem:s0+$0xF5C0] =	vst v21  }
0x137: {  	v26 =	vmul.f32 v14, v14;
	v21 =	vld [tilespmem:s0+$0xA590];
	v18 =	vmin.f32 v18, v13;
	[tilespmem:s0+$0xF5A0] =	vst v19  }
0x138: {  	v19 =	vld [tilespmem:s0+$0x55E0];
	v17 =	vmin.f32 v17, v11;
	[tilespmem:s0+$0xF580] =	vst v18  }
0x139: {  	v18 =	vld [tilespmem:s0+$0xA5B0];
	v24 =	vadd.f32 v24, v16;
	[tilespmem:s0+$0xF5E0] =	vst v17  }
0x13a: {  	v27 =	vmul.f32 v9, v9;
	v17 =	vld [tilespmem:s0+$0x145B0];
	v22 =	vmin.f32 v22, v14  }
0x13b: {  	v28 =	vld [tilespmem:s0+$0xA5D0];
	v23 =	vadd.f32 v23, v25;
	[tilespmem:s0+$0xF590] =	vst v22  }
0x13c: {  	v16 =	vmul.f32 v16, v16;
	v22 =	vld [tilespmem:s0+$0x55B0];
	v21 =	vadd.f32 v21, v26;
	[tilespmem:s0+$0x55D0] =	vst v24  }
0x13d: {  	v24 =	vld [tilespmem:s0+$0x55A0];
	v19 =	vadd.f32 v19, v11  }
0x13e: {  	v25 =	vld [tilespmem:s0+$0x5590];
	v18 =	vadd.f32 v18, v27;
	[tilespmem:s0+$0xA5F0] =	vst v23  }
0x13f: {  	v23 =	vld [tilespmem:s0+$0x5580];
	v17 =	vmax.f32 v17, v9;
	[tilespmem:s0+$0x55E0] =	vst v19  }
0x140: {  	v19 =	vld [tilespmem:s0+$0xA5A0];
	v16 =	vadd.f32 v28, v16;
	[tilespmem:s0+$0xA590] =	vst v21  }
0x141: {  	v26 =	vmul.f32 v15, v15;
	v21 =	vld [tilespmem:s0+$0x55F0];
	v22 =	vadd.f32 v22, v9;
	[tilespmem:s0+$0xA5B0] =	vst v18  }
0x142: {  	v18 =	vld [tilespmem:s0+$0x55C0];
	v15 =	vadd.f32 v24, v15;
	[tilespmem:s0+$0xA5D0] =	vst v16  }
0x143: {  	v16 =	vld [tilespmem:s0+$0xA5E0];
	v14 =	vadd.f32 v25, v14;
	[tilespmem:s0+$0x55B0] =	vst v22  }
0x144: {  	v22 =	vld [tilespmem:s0+$0xA5C0];
	v13 =	vadd.f32 v23, v13;
	[tilespmem:s0+$0x145B0] =	vst v17  }
0x145: {  	v17 =	vadd.f32 v19, v26;
	[tilespmem:s0+$0x5590] =	vst v14  }
0x146: {  	v11 =	vmul.f32 v11, v11;
	v12 =	vadd.f32 v21, v12;
	[tilespmem:s0+$0x55A0] =	vst v15  }
0x147: {  	v9 =	vmin.f32 v20, v9;
	v14 =	vadd.f32 v18, v10;
	v10 =	vmul.f32 v10, v10;
	[tilespmem:s0+$0xA5A0] =	vst v17  }
0x148: {  	v11 =	vadd.f32 v16, v11;
	[tilespmem:s0+$0x5580] =	vst v13  }
0x149: {  	v10 =	vadd.f32 v22, v10;
	[tilespmem:s0+$0x55C0] =	vst v14  }
0x14a: {  	[tilespmem:s0+$0xF5B0] =	vst v9  }
0x14b: {  	[tilespmem:s0+$0xA5E0] =	vst v11  }
0x14c: {  	[tilespmem:s0+$0xA5C0] =	vst v10  }
0x14d: {  	[tilespmem:s0+$0x55F0] =	vst v12  }
0x14e: {  	v9 =	vld [tilespmem:s30+$0x0];
	_ =	sdelay $0x4  }
0x14f: {  	(v2sf) =	vpush v9, $0x0;
	_ =	sdelay $0x8  }
0x150: {  	v16 =	vld [tilespmem:s1+$0x10]  }
0x151: {  	v9 =	vld [tilespmem:s1+$0xFFFFFFF0]  }
0x152: {  	v11 =	vld [tilespmem:s1+$0x20]  }
0x153: {  	v13 =	vld [tilespmem:s1+$0xFFFFFFC0]  }
0x154: {  	v10 =	vld [tilespmem:s1+$0x0]  }
0x155: {  	v14 =	vld [tilespmem:s1+$0xFFFFFFD0]  }
0x156: {  	v15 =	vld [tilespmem:s1+$0xFFFFFFE0];
	s0 =	spop (v2sf)  }
0x157: {  	v12 =	vld [tilespmem:s1+$0x30];
	s0 =	sshll.u32 s0, $0x7  }
0x158: {  	v17 =	vld [tilespmem:s0+$0x145F0]  }
0x159: {  	v22 =	vld [tilespmem:s0+$0x14590]  }
.Ltmp17:
0x15a: {  	v20 =	vld [tilespmem:s0+$0x145C0];
	(pc) =	sbr.rel @p1 .LBB2_20-.Ltmp17, $4  }
0x15b: {  	v19 =	vld [tilespmem:s0+$0xF5F0]  }
0x15c: {  	v21 =	vld [tilespmem:s0+$0x145E0]  }
0x15d: {  	v18 =	vld [tilespmem:s0+$0x145D0];
	v23 =	vmax.f32 v17, v12  }
0x15e: {  	v17 =	vld [tilespmem:s0+$0xA580];
	v22 =	vmax.f32 v22, v14;
	[tilespmem:s0+$0x145F0] =	vst v23  }
.Ltmp18:
0x15f: {  	_ = 	snop;
	(pc) =	sbr.rel .LBB2_21-.Ltmp18, $1  }
0x160: {  	_ =	sdelay $0x3  }
.LBB2_25:
0x161: {  	_ =	sfence.sel $0x180000  }
0x162: {  	[bflag:$0x0] =	sbarrier.arrive $0xFFFF  }
0x163: {  	_ =	strace $0x9000004A  }
0x164: {  	s0 =	stileid.u32;
	[bflag:$0x2] =	sbarrier.arrive $0xFFFF  }
0x165: {  	p0 =	sne.s32 s0, $0x0;
	s0 =	rddreg [dreg:$0x1]  }
0x166: {  	s0 =	sadd.s32 @!p0 $0x100000, s0  }
0x167: {  	[sflag:s0] =	ssyncadd.tile.s32 @!p0 $0x1;
	_ =	shalt  }
.Lfunc_end2:
_tile_overlayer_lowered:
.L_overlay_start_2:
0x168: {  	(tag) =	ssettag $0x2  }
0x169: {  	s0 =	rddreg [dreg:$0x0];
	s2 =	stileid.u32  }
0x16a: {  	s1 =	rddreg [dreg:$0x1];
	p0 =	sne.s32 s2, $0x0  }
0x16b: {  	s3 =	rddreg [dreg:$0x2];
	[bflag:$0x3] =	sbarrier.arrive $0xFFFF;
	s2 =	simm.s32 @!p0 $0x1C02  }
0x16c: {  	[timem:s3], [sflag:s2] =	dma.local @!p0 [hbm:s0], s1  }
0x16d: {  	s0 =	simm.s32 @!p0 $0x2  }
0x16e: {  	_ =	swait.ge @!p0 [sflag:s0], s1  }
0x16f: {  	s1 =	ssub.s32 @!p0 $0x0, s1;
	[sflag:s0] =	ssyncset.done @!p0 $0x0  }
0x170: {  	[sflag:s0] =	ssyncadd.s32 @!p0 s1  }
0x171: {  	[bflag:$0x3] =	sbarrier.arrive $0xFFFF  }
0x172: {  	_ =	shalt  }

</sc_bundles>
